<compile_context>
chip_gen: v7x
topology: tpu7x:2x2x1
jax: 0.10.2.dev20260603
libtpu: 0.0.44.dev20260713+nightly
codegen_flags: <defaults>
</compile_context>

<pallas_src>
import jax
import jax.numpy as jnp
from jax import lax
from jax.experimental import pallas as pl
from jax.experimental.pallas import tpu as pltpu
from jax.experimental.pallas import tpu_sc as plsc

B = 16384
H = 50
E = 32
NUM_CORES = 2
NUM_SUBCORES = 16
NW = NUM_CORES * NUM_SUBCORES
B_PER_W = B // NW
CH = 256
DT = E // 8
CBTL = CH // 128


def _emb_body(ids_hbm, table_hbm, out_hbm, idx_v, idx2_a, idx2_b,
              rows_a, rows_b, trans_a, trans_b,
              sem_a, sem_b, sem_wa, sem_wb):
    wid = lax.axis_index("s") * NUM_CORES + lax.axis_index("c")
    b0 = wid * B_PER_W
    pltpu.sync_copy(ids_hbm.at[:, pl.ds(b0, B_PER_W)], idx_v)
    iota = lax.iota(jnp.int32, 16)
    s_v = iota % 8
    dt0_v = iota // 8

    def shift_idx(h, c, idx2):
        def sh(i, _):
            idx2[pl.ds(i * 16, 16)] = \
                jax.lax.shift_right_logical(idx_v[h, pl.ds(c * CH + i * 16, 16)], 2)
            return 0
        lax.fori_loop(0, CH // 16, sh, 0)

    def transpose(h, c, rows, trans):
        for btl in range(CBTL):
            btl_v = jnp.full((16,), btl, jnp.int32)

            def tr_l(li0, _, btl=btl, btl_v=btl_v):
                ivec = idx_v[h, pl.ds(c * CH + btl * 128 + li0 * 16, 16)]
                qvec = (ivec & 3) * E
                for dl in range(16):
                    li = li0 * 16 + dl
                    l_v = jnp.full((16,), li, jnp.int32)
                    row = btl * 128 + li
                    qoff = qvec[dl]
                    for k in range(2):
                        v = rows[row, pl.ds(qoff + k * 16, 16)]
                        plsc.store_scatter(
                            trans, [dt0_v + 2 * k, btl_v, s_v, l_v], v)
                return 0
            lax.fori_loop(0, 128 // 16, tr_l, 0, unroll=2)

    def out_copy(trans, h, c, sem):
        return pltpu.make_async_copy(
            trans.at[:, :, pl.ds(0, 8), pl.ds(0, 128)],
            out_hbm.at[h, :, pl.ds(b0 // 128 + c * CBTL, CBTL)], sem)

    def gather(h, c, idx2, rows, sem):
        shift_idx(h, c, idx2)
        return pltpu.async_copy(table_hbm.at[idx2], rows, sem)

    gather(0, 0, idx2_a, rows_a, sem_a)
    gather(0, 1, idx2_b, rows_b, sem_b)

    def step(h, _):
        pltpu.make_async_copy(table_hbm.at[idx2_a], rows_a, sem_a).wait()

        @pl.when(h > 0)
        def _():
            out_copy(trans_a, h - 1, 0, sem_wa).wait()

        transpose(h, 0, rows_a, trans_a)
        out_copy(trans_a, h, 0, sem_wa).start()

        @pl.when(h + 1 < H)
        def _():
            gather(h + 1, 0, idx2_a, rows_a, sem_a)

        pltpu.make_async_copy(table_hbm.at[idx2_b], rows_b, sem_b).wait()

        @pl.when(h > 0)
        def _():
            out_copy(trans_b, h - 1, 1, sem_wb).wait()

        transpose(h, 1, rows_b, trans_b)
        out_copy(trans_b, h, 1, sem_wb).start()

        @pl.when(h + 1 < H)
        def _():
            gather(h + 1, 1, idx2_b, rows_b, sem_b)

        return 0

    lax.fori_loop(0, H, step, 0)
    out_copy(trans_a, H - 1, 0, sem_wa).wait()
    out_copy(trans_b, H - 1, 1, sem_wb).wait()


def kernel(input_ids, weight):
    ids_t = input_ids.T
    table4 = weight.reshape(weight.shape[0] * E // 128, 128)
    mesh = plsc.VectorSubcoreMesh(core_axis_name="c", subcore_axis_name="s")
    out5 = pl.kernel(
        _emb_body,
        out_type=jax.ShapeDtypeStruct((H, DT, B // 128, 8, 128), jnp.float32),
        mesh=mesh,
        scratch_types=[
            pltpu.VMEM((H, B_PER_W), jnp.int32),
            pltpu.VMEM((CH,), jnp.int32),
            pltpu.VMEM((CH,), jnp.int32),
            pltpu.VMEM((CH, 128), jnp.float32),
            pltpu.VMEM((CH, 128), jnp.float32),
            pltpu.VMEM((DT, CBTL, 10, 129), jnp.float32),
            pltpu.VMEM((DT, CBTL, 10, 129), jnp.float32),
            pltpu.SemaphoreType.DMA,
            pltpu.SemaphoreType.DMA,
            pltpu.SemaphoreType.DMA,
            pltpu.SemaphoreType.DMA,
        ],
        compiler_params=pltpu.CompilerParams(use_tc_tiling_on_sc=False,
                                             needs_layout_passes=False),
    )(ids_t, table4)
    return out5.transpose(2, 4, 0, 1, 3).reshape(B, H, E)

# --- scband reference (transcript-rebuilt; emitter-appended) ---
"""Pipeline reference for scband-my-embedding-17609365913619 (READ-ONLY COPY).

The authoritative reference and input builder live on the scoring server;
editing this copy changes nothing except your own understanding.
"""

import jax, jax.numpy as jnp
import numpy as np

VOCAB = 1000000
EMBED = 32
BATCH = 16384
HIST = 50

def setup_inputs(seed: int = 0) -> dict:
    key = jax.random.key(seed)
    k1, k2 = jax.random.split(key)
    input_ids = jax.random.randint(k1, (BATCH, HIST), 0, VOCAB, dtype=jnp.int64 if jax.config.jax_enable_x64 else jnp.int32).astype(jnp.int32)
    weight = jax.random.normal(k2, (VOCAB, EMBED), dtype=jnp.float32)
    return {"input_ids": input_ids, "weight": weight}

def reference(input_ids, weight):
    # Engineering-real embedding lookup: weight[input_ids]
    # (mathematically equivalent to one_hot(input_ids) @ weight)
    return jnp.take(weight, input_ids, axis=0)

if __name__ == "__main__":
    import jax
    _d = setup_inputs()
    print(jax.jit(kernel)(*tuple(_d.values())))

</pallas_src>

<mosaic_0001>
#map = affine_map<(d0, d1) -> (0, 0)>
#map1 = affine_map<(d0, d1) -> (0, 0, 0, 0, 0)>
module attributes {stable_mosaic.version = 14 : i64} {
  func.func @_emb_body(%arg0: i32, %arg1: i32, %arg2: memref<50x16384xi32, #tpu.memory_space<hbm>>, %arg3: memref<250000x128xf32, #tpu.memory_space<hbm>>, %arg4: memref<50x4x128x8x128xf32, #tpu.memory_space<hbm>>, %arg5: memref<50x512xi32, #tpu.memory_space<vmem>>, %arg6: memref<256xi32, #tpu.memory_space<vmem>>, %arg7: memref<256xi32, #tpu.memory_space<vmem>>, %arg8: memref<256x128xf32, #tpu.memory_space<vmem>>, %arg9: memref<256x128xf32, #tpu.memory_space<vmem>>, %arg10: memref<4x2x10x129xf32, #tpu.memory_space<vmem>>, %arg11: memref<4x2x10x129xf32, #tpu.memory_space<vmem>>, %arg12: memref<!tpu.dma_semaphore, #tpu.memory_space<semaphore_mem>>, %arg13: memref<!tpu.dma_semaphore, #tpu.memory_space<semaphore_mem>>, %arg14: memref<!tpu.dma_semaphore, #tpu.memory_space<semaphore_mem>>, %arg15: memref<!tpu.dma_semaphore, #tpu.memory_space<semaphore_mem>>) attributes {dimension_semantics = [#tpu.dimension_semantics<core_parallel>, #tpu.dimension_semantics<subcore_parallel>], iteration_bounds = array<i64: 2, 16>, scalar_prefetch = 0 : i64, scratch_operands = 11 : i64, tpu.core_type = #tpu.core_type<sc_vector_subcore>, window_params = [{transform_indices = #map}, {transform_indices = #map}, {transform_indices = #map1}]} {
    %mul3A = arith.constant 2 : i32
    %mul3A_0 = arith.muli %arg1, %mul3A : i32
    %add3A = arith.addi %mul3A_0, %arg0 : i32
    %mul3A_1 = arith.constant 512 : i32
    %mul3A_2 = arith.muli %add3A, %mul3A_1 : i32
    "tpu.region"() ({
      %run_scoped3A = tpu.sem_alloc : memref<!tpu.dma_semaphore, #tpu.memory_space<semaphore_mem>>
      %dma_start3A_164 = arith.constant 0 : i32
      %dma_start3A_165 = tpu.memref_slice %arg2[%dma_start3A_164, %mul3A_2] : memref<50x16384xi32, #tpu.memory_space<hbm>> -> memref<50x512xi32, #tpu.memory_space<hbm>>
      %dma_start3A_166 = arith.constant 0 : i32
      %dma_start3A_167 = tpu.memref_slice %arg2[%dma_start3A_166, %mul3A_2] : memref<50x16384xi32, #tpu.memory_space<hbm>> -> memref<50x512xi32, #tpu.memory_space<hbm>>
      tpu.enqueue_dma source(%dma_start3A_167 : memref<50x512xi32, #tpu.memory_space<hbm>>) target(%arg5 : memref<50x512xi32, #tpu.memory_space<vmem>>) target_semaphore(%run_scoped3A : memref<!tpu.dma_semaphore, #tpu.memory_space<semaphore_mem>>)
      %dma_wait3A_168 = arith.constant 0 : i32
      %dma_wait3A_169 = tpu.memref_slice %arg2[%dma_wait3A_168, %mul3A_2] : memref<50x16384xi32, #tpu.memory_space<hbm>> -> memref<50x512xi32, #tpu.memory_space<hbm>>
      %dma_wait3A_170 = arith.constant 0 : i32
      %dma_wait3A_171 = tpu.memref_slice %arg2[%dma_wait3A_170, %mul3A_2] : memref<50x16384xi32, #tpu.memory_space<hbm>> -> memref<50x512xi32, #tpu.memory_space<hbm>>
      tpu.wait_dma2 semaphore(%run_scoped3A : memref<!tpu.dma_semaphore, #tpu.memory_space<semaphore_mem>>) src(%dma_wait3A_171 : memref<50x512xi32, #tpu.memory_space<hbm>>) dst(%arg5 : memref<50x512xi32, #tpu.memory_space<vmem>>)
      tpu.yield
    }) : () -> ()
    %iota3A = tpu.iota {dimensions = array<i32: 0>} : vector<16xi32>
    %jit3A = arith.constant 8 : i32
    %eq3A = arith.constant 0 : i32
    %eq3A_3 = arith.cmpi eq, %jit3A, %eq3A : i32
    %jit3A_4 = arith.constant 1 : i32
    %select_n3A = arith.select %eq3A_3, %jit3A_4, %jit3A : i32
    %rem3A = vector.broadcast %select_n3A : i32 to vector<16xi32>
    %rem3A_5 = arith.remsi %iota3A, %rem3A : vector<16xi32>
    %ne3A = arith.constant 0 : i32
    %ne3A_6 = vector.broadcast %ne3A : i32 to vector<16xi32>
    %ne3A_7 = arith.cmpi ne, %rem3A_5, %ne3A_6 : vector<16xi32>
    %lt3A = arith.constant 0 : i32
    %lt3A_8 = vector.broadcast %lt3A : i32 to vector<16xi32>
    %lt3A_9 = arith.cmpi slt, %rem3A_5, %lt3A_8 : vector<16xi32>
    %lt3A_10 = arith.constant 0 : i32
    %lt3A_11 = arith.cmpi slt, %select_n3A, %lt3A_10 : i32
    %ne3A_12 = vector.broadcast %lt3A_11 : i1 to vector<16xi1>
    %ne3A_13 = vector.broadcast %ne3A_12 : vector<16xi1> to vector<16xi1>
    %ne3A_14 = arith.xori %lt3A_9, %ne3A_13 : vector<16xi1>
    %and3A = arith.andi %ne3A_14, %ne3A_7 : vector<16xi1>
    %add3A_15 = vector.broadcast %select_n3A : i32 to vector<16xi32>
    %add3A_16 = arith.addi %rem3A_5, %add3A_15 : vector<16xi32>
    %select_n3A_17 = arith.select %and3A, %add3A_16, %rem3A_5 : vector<16xi1>, vector<16xi32>
    %jit3A_18 = arith.constant 8 : i32
    %div3A = vector.broadcast %jit3A_18 : i32 to vector<16xi32>
    %div3A_19 = arith.divsi %iota3A, %div3A : vector<16xi32>
    %sign3A = arith.constant 0 : i32
    %sign3A_20 = vector.broadcast %sign3A : i32 to vector<16xi32>
    %sign3A_21 = arith.cmpi sgt, %iota3A, %sign3A_20 : vector<16xi32>
    %sign3A_22 = arith.extui %sign3A_21 : vector<16xi1> to vector<16xi32>
    %sign3A_23 = arith.constant 0 : i32
    %sign3A_24 = vector.broadcast %sign3A_23 : i32 to vector<16xi32>
    %sign3A_25 = arith.cmpi slt, %iota3A, %sign3A_24 : vector<16xi32>
    %sign3A_26 = arith.extui %sign3A_25 : vector<16xi1> to vector<16xi32>
    %sign3A_27 = arith.subi %sign3A_22, %sign3A_26 : vector<16xi32>
    %sign3A_28 = arith.constant 0 : i32
    %sign3A_29 = arith.cmpi sgt, %jit3A_18, %sign3A_28 : i32
    %sign3A_30 = arith.extui %sign3A_29 : i1 to i32
    %sign3A_31 = arith.constant 0 : i32
    %sign3A_32 = arith.cmpi slt, %jit3A_18, %sign3A_31 : i32
    %sign3A_33 = arith.extui %sign3A_32 : i1 to i32
    %sign3A_34 = arith.subi %sign3A_30, %sign3A_33 : i32
    %ne3A_35 = vector.broadcast %sign3A_34 : i32 to vector<16xi32>
    %ne3A_36 = arith.cmpi ne, %sign3A_27, %ne3A_35 : vector<16xi32>
    %rem3A_37 = vector.broadcast %jit3A_18 : i32 to vector<16xi32>
    %rem3A_38 = arith.remsi %iota3A, %rem3A_37 : vector<16xi32>
    %ne3A_39 = arith.constant 0 : i32
    %ne3A_40 = vector.broadcast %ne3A_39 : i32 to vector<16xi32>
    %ne3A_41 = arith.cmpi ne, %rem3A_38, %ne3A_40 : vector<16xi32>
    %and3A_42 = arith.andi %ne3A_36, %ne3A_41 : vector<16xi1>
    %sub3A = arith.constant 1 : i32
    %sub3A_43 = vector.broadcast %sub3A : i32 to vector<16xi32>
    %sub3A_44 = arith.subi %div3A_19, %sub3A_43 : vector<16xi32>
    %select_n3A_45 = arith.select %and3A_42, %sub3A_44, %div3A_19 : vector<16xi1>, vector<16xi32>
    %scan3A = arith.constant 0 : i32
    %scan3A_46 = arith.constant 0 : i32
    %scan3A_47 = arith.constant 16 : i32
    %scan3A_48 = arith.addi %scan3A_46, %scan3A_47 : i32
    %scan3A_49 = arith.constant 1 : i32
    %scan3A_50 = scf.for %scan3A_164 = %scan3A_46 to %scan3A_48 step %scan3A_49 iter_args(%scan3A_165 = %scan3A) -> (i32)  : i32 {
      %mul3A_166 = arith.constant 16 : i32
      %mul3A_167 = arith.muli %scan3A_164, %mul3A_166 : i32
      %add3A_168 = arith.constant 0 : i32
      %add3A_169 = arith.addi %add3A_168, %mul3A_167 : i32
      %get3A = arith.constant 0 : i32
      %get3A_170 = arith.index_cast %get3A : i32 to index
      %get3A_171 = arith.index_cast %add3A_169 : i32 to index
      %get3A_172 = tpu.vector_load %arg5[%get3A_170, %get3A_171] {strides = array<i32>} : memref<50x512xi32, #tpu.memory_space<vmem>>, vector<16xi32>,
      %shift_right_logical3A = arith.constant 2 : i32
      %shift_right_logical3A_173 = vector.broadcast %shift_right_logical3A : i32 to vector<16xi32>
      %shift_right_logical3A_174 = arith.shrui %get3A_172, %shift_right_logical3A_173 : vector<16xi32>
      %mul3A_175 = arith.constant 16 : i32
      %mul3A_176 = arith.muli %scan3A_164, %mul3A_175 : i32
      %swap3A = arith.index_cast %mul3A_176 : i32 to index
      %swap3A_177 = tpu.vector_load %arg6[%swap3A] {strides = array<i32>} : memref<256xi32, #tpu.memory_space<vmem>>, vector<16xi32>,
      tpu.vector_store %arg6[%swap3A], %shift_right_logical3A_174 {strides = array<i32>} : memref<256xi32, #tpu.memory_space<vmem>>, vector<16xi32>,
      %scan3A_178 = arith.constant 0 : i32
      scf.yield %scan3A_178 : i32
    }
    %scan3A_51 = arith.constant 16 : i32
    %dma_start3A = arith.constant 0 : i32
    %dma_start3A_52 = arith.constant 0 : i32
    %dma_start3A_53 = tpu.memref_slice %arg3[%dma_start3A, %dma_start3A_52] : memref<250000x128xf32, #tpu.memory_space<hbm>> -> memref<250000x128xf32, #tpu.memory_space<hbm>>
    tpu.enqueue_indirect_dma source(%dma_start3A_53 : memref<250000x128xf32, #tpu.memory_space<hbm>>) target(%arg8 : memref<256x128xf32, #tpu.memory_space<vmem>>) offsets(%arg6 : memref<256xi32, #tpu.memory_space<vmem>>) semaphore(%arg12 : memref<!tpu.dma_semaphore, #tpu.memory_space<semaphore_mem>>)
    %scan3A_54 = arith.constant 0 : i32
    %scan3A_55 = arith.constant 0 : i32
    %scan3A_56 = arith.constant 16 : i32
    %scan3A_57 = arith.addi %scan3A_55, %scan3A_56 : i32
    %scan3A_58 = arith.constant 1 : i32
    %scan3A_59 = scf.for %scan3A_164 = %scan3A_55 to %scan3A_57 step %scan3A_58 iter_args(%scan3A_165 = %scan3A_54) -> (i32)  : i32 {
      %mul3A_166 = arith.constant 16 : i32
      %mul3A_167 = arith.muli %scan3A_164, %mul3A_166 : i32
      %add3A_168 = arith.constant 256 : i32
      %add3A_169 = arith.addi %add3A_168, %mul3A_167 : i32
      %get3A = arith.constant 0 : i32
      %get3A_170 = arith.index_cast %get3A : i32 to index
      %get3A_171 = arith.index_cast %add3A_169 : i32 to index
      %get3A_172 = tpu.vector_load %arg5[%get3A_170, %get3A_171] {strides = array<i32>} : memref<50x512xi32, #tpu.memory_space<vmem>>, vector<16xi32>,
      %shift_right_logical3A = arith.constant 2 : i32
      %shift_right_logical3A_173 = vector.broadcast %shift_right_logical3A : i32 to vector<16xi32>
      %shift_right_logical3A_174 = arith.shrui %get3A_172, %shift_right_logical3A_173 : vector<16xi32>
      %mul3A_175 = arith.constant 16 : i32
      %mul3A_176 = arith.muli %scan3A_164, %mul3A_175 : i32
      %swap3A = arith.index_cast %mul3A_176 : i32 to index
      %swap3A_177 = tpu.vector_load %arg7[%swap3A] {strides = array<i32>} : memref<256xi32, #tpu.memory_space<vmem>>, vector<16xi32>,
      tpu.vector_store %arg7[%swap3A], %shift_right_logical3A_174 {strides = array<i32>} : memref<256xi32, #tpu.memory_space<vmem>>, vector<16xi32>,
      %scan3A_178 = arith.constant 0 : i32
      scf.yield %scan3A_178 : i32
    }
    %scan3A_60 = arith.constant 16 : i32
    %dma_start3A_61 = arith.constant 0 : i32
    %dma_start3A_62 = arith.constant 0 : i32
    %dma_start3A_63 = tpu.memref_slice %arg3[%dma_start3A_61, %dma_start3A_62] : memref<250000x128xf32, #tpu.memory_space<hbm>> -> memref<250000x128xf32, #tpu.memory_space<hbm>>
    tpu.enqueue_indirect_dma source(%dma_start3A_63 : memref<250000x128xf32, #tpu.memory_space<hbm>>) target(%arg9 : memref<256x128xf32, #tpu.memory_space<vmem>>) offsets(%arg7 : memref<256xi32, #tpu.memory_space<vmem>>) semaphore(%arg13 : memref<!tpu.dma_semaphore, #tpu.memory_space<semaphore_mem>>)
    %scan3A_64 = arith.constant 0 : i32
    %scan3A_65 = arith.constant 0 : i32
    %scan3A_66 = arith.constant 50 : i32
    %scan3A_67 = arith.addi %scan3A_65, %scan3A_66 : i32
    %scan3A_68 = arith.constant 1 : i32
    %scan3A_69 = scf.for %scan3A_164 = %scan3A_65 to %scan3A_67 step %scan3A_68 iter_args(%scan3A_165 = %scan3A_64) -> (i32)  : i32 {
      %dma_wait3A_166 = arith.constant 0 : i32
      %dma_wait3A_167 = arith.constant 0 : i32
      %dma_wait3A_168 = tpu.memref_slice %arg3[%dma_wait3A_166, %dma_wait3A_167] : memref<250000x128xf32, #tpu.memory_space<hbm>> -> memref<250000x128xf32, #tpu.memory_space<hbm>>
      tpu.wait_indirect_dma semaphore(%arg12 : memref<!tpu.dma_semaphore, #tpu.memory_space<semaphore_mem>>) src(%dma_wait3A_168 : memref<250000x128xf32, #tpu.memory_space<hbm>>) dst(%arg8 : memref<256x128xf32, #tpu.memory_space<vmem>>)
      %gt3A = arith.constant 0 : i32
      %gt3A_169 = arith.cmpi sgt, %scan3A_164, %gt3A : i32
      %convert_element_type3A = arith.extui %gt3A_169 : i1 to i32
      %cond3A = arith.constant 0 : i32
      %cond3A_170 = arith.cmpi ne, %convert_element_type3A, %cond3A : i32
      scf.if %cond3A_170 {
        %sub3A_321 = arith.constant 1 : i32
        %sub3A_322 = arith.subi %scan3A_164, %sub3A_321 : i32
        %jit3A_323 = arith.constant 128 : i32
        %div3A_324 = arith.divsi %mul3A_2, %jit3A_323 : i32
        %sign3A_325 = arith.constant 0 : i32
        %sign3A_326 = arith.cmpi sgt, %mul3A_2, %sign3A_325 : i32
        %sign3A_327 = arith.extui %sign3A_326 : i1 to i32
        %sign3A_328 = arith.constant 0 : i32
        %sign3A_329 = arith.cmpi slt, %mul3A_2, %sign3A_328 : i32
        %sign3A_330 = arith.extui %sign3A_329 : i1 to i32
        %sign3A_331 = arith.subi %sign3A_327, %sign3A_330 : i32
        %sign3A_332 = arith.constant 0 : i32
        %sign3A_333 = arith.cmpi sgt, %jit3A_323, %sign3A_332 : i32
        %sign3A_334 = arith.extui %sign3A_333 : i1 to i32
        %sign3A_335 = arith.constant 0 : i32
        %sign3A_336 = arith.cmpi slt, %jit3A_323, %sign3A_335 : i32
        %sign3A_337 = arith.extui %sign3A_336 : i1 to i32
        %sign3A_338 = arith.subi %sign3A_334, %sign3A_337 : i32
        %ne3A_339 = arith.cmpi ne, %sign3A_331, %sign3A_338 : i32
        %rem3A_340 = arith.remsi %mul3A_2, %jit3A_323 : i32
        %ne3A_341 = arith.constant 0 : i32
        %ne3A_342 = arith.cmpi ne, %rem3A_340, %ne3A_341 : i32
        %and3A_343 = arith.andi %ne3A_339, %ne3A_342 : i1
        %sub3A_344 = arith.constant 1 : i32
        %sub3A_345 = arith.subi %div3A_324, %sub3A_344 : i32
        %select_n3A_346 = arith.select %and3A_343, %sub3A_345, %div3A_324 : i32
        %add3A_347 = arith.constant 0 : i32
        %add3A_348 = arith.addi %select_n3A_346, %add3A_347 : i32
        %dma_wait3A_349 = arith.constant 0 : i32
        %dma_wait3A_350 = arith.constant 0 : i32
        %dma_wait3A_351 = arith.constant 0 : i32
        %dma_wait3A_352 = arith.constant 0 : i32
        %dma_wait3A_353 = tpu.memref_slice %arg10[%dma_wait3A_349, %dma_wait3A_350, %dma_wait3A_351, %dma_wait3A_352] : memref<4x2x10x129xf32, #tpu.memory_space<vmem>> -> memref<4x2x8x128xf32, #tpu.memory_space<vmem>>
        %dma_wait3A_354 = arith.constant 0 : i32
        %dma_wait3A_355 = arith.constant 0 : i32
        %dma_wait3A_356 = arith.constant 0 : i32
        %dma_wait3A_357 = tpu.memref_slice %arg4[%sub3A_322, %dma_wait3A_354, %add3A_348, %dma_wait3A_355, %dma_wait3A_356] : memref<50x4x128x8x128xf32, #tpu.memory_space<hbm>> -> memref<1x4x2x8x128xf32, #tpu.memory_space<hbm>>
        %dma_wait3A_358 = tpu.memref_squeeze %dma_wait3A_357 : memref<1x4x2x8x128xf32, #tpu.memory_space<hbm>> -> memref<4x2x8x128xf32, #tpu.memory_space<hbm>>
        %dma_wait3A_359 = arith.constant 0 : i32
        %dma_wait3A_360 = arith.constant 0 : i32
        %dma_wait3A_361 = arith.constant 0 : i32
        %dma_wait3A_362 = tpu.memref_slice %arg4[%sub3A_322, %dma_wait3A_359, %add3A_348, %dma_wait3A_360, %dma_wait3A_361] : memref<50x4x128x8x128xf32, #tpu.memory_space<hbm>> -> memref<1x4x2x8x128xf32, #tpu.memory_space<hbm>>
        %dma_wait3A_363 = tpu.memref_squeeze %dma_wait3A_362 : memref<1x4x2x8x128xf32, #tpu.memory_space<hbm>> -> memref<4x2x8x128xf32, #tpu.memory_space<hbm>>
        %dma_wait3A_364 = arith.constant 0 : i32
        %dma_wait3A_365 = arith.constant 0 : i32
        %dma_wait3A_366 = arith.constant 0 : i32
        %dma_wait3A_367 = arith.constant 0 : i32
        %dma_wait3A_368 = tpu.memref_slice %arg10[%dma_wait3A_364, %dma_wait3A_365, %dma_wait3A_366, %dma_wait3A_367] : memref<4x2x10x129xf32, #tpu.memory_space<vmem>> -> memref<4x2x8x128xf32, #tpu.memory_space<vmem>>
        tpu.wait_dma2 semaphore(%arg14 : memref<!tpu.dma_semaphore, #tpu.memory_space<semaphore_mem>>) src(%dma_wait3A_368 : memref<4x2x8x128xf32, #tpu.memory_space<vmem>>) dst(%dma_wait3A_363 : memref<4x2x8x128xf32, #tpu.memory_space<hbm>>)
      } else {
      }
      %broadcast_in_dim3A = arith.constant 0 : i32
      %broadcast_in_dim3A_171 = vector.broadcast %broadcast_in_dim3A : i32 to vector<16xi32>
      %scan3A_172 = arith.constant 0 : i32
      %scan3A_173 = arith.constant 0 : i32
      %scan3A_174 = arith.constant 8 : i32
      %scan3A_175 = arith.addi %scan3A_173, %scan3A_174 : i32
      %scan3A_176 = arith.constant 2 : i32
      %scan3A_177 = scf.for %scan3A_321 = %scan3A_173 to %scan3A_175 step %scan3A_176 iter_args(%scan3A_322 = %scan3A_172) -> (i32)  : i32 {
        %mul3A_323 = arith.constant 16 : i32
        %mul3A_324 = arith.muli %scan3A_321, %mul3A_323 : i32
        %add3A_325 = arith.constant 0 : i32
        %add3A_326 = arith.addi %add3A_325, %mul3A_324 : i32
        %get3A = arith.index_cast %scan3A_164 : i32 to index
        %get3A_327 = arith.index_cast %add3A_326 : i32 to index
        %get3A_328 = tpu.vector_load %arg5[%get3A, %get3A_327] {strides = array<i32>} : memref<50x512xi32, #tpu.memory_space<vmem>>, vector<16xi32>,
        %and3A_329 = arith.constant 3 : i32
        %and3A_330 = vector.broadcast %and3A_329 : i32 to vector<16xi32>
        %and3A_331 = arith.andi %get3A_328, %and3A_330 : vector<16xi32>
        %mul3A_332 = arith.constant 32 : i32
        %mul3A_333 = vector.broadcast %mul3A_332 : i32 to vector<16xi32>
        %mul3A_334 = arith.muli %and3A_331, %mul3A_333 : vector<16xi32>
        %mul3A_335 = arith.constant 16 : i32
        %mul3A_336 = arith.muli %scan3A_321, %mul3A_335 : i32
        %add3A_337 = arith.constant 0 : i32
        %add3A_338 = arith.addi %mul3A_336, %add3A_337 : i32
        %broadcast_in_dim3A_339 = vector.broadcast %add3A_338 : i32 to vector<16xi32>
        %add3A_340 = arith.constant 0 : i32
        %add3A_341 = arith.addi %add3A_340, %add3A_338 : i32
        %slice3A = vector.extract_strided_slice %mul3A_334 {offsets = [0], sizes = [1], strides = [1]} : vector<16xi32> to vector<1xi32>
        %squeeze3A = vector.extract %slice3A[0] : i32 from vector<1xi32>
        %add3A_342 = arith.constant 0 : i32
        %add3A_343 = arith.addi %squeeze3A, %add3A_342 : i32
        %get3A_344 = arith.index_cast %add3A_341 : i32 to index
        %get3A_345 = arith.index_cast %add3A_343 : i32 to index
        %get3A_346 = tpu.vector_load %arg8[%get3A_344, %get3A_345] {strides = array<i32>} : memref<256x128xf32, #tpu.memory_space<vmem>>, vector<16xf32>,
        %add3A_347 = arith.constant 0 : i32
        %add3A_348 = vector.broadcast %add3A_347 : i32 to vector<16xi32>
        %add3A_349 = arith.addi %select_n3A_45, %add3A_348 : vector<16xi32>
        tpu.vector_store_idx %arg10[%add3A_349, %broadcast_in_dim3A_171, %select_n3A_17, %broadcast_in_dim3A_339], %get3A_346 : memref<4x2x10x129xf32, #tpu.memory_space<vmem>>[vector<16xi32>, vector<16xi32>, vector<16xi32>, vector<16xi32>], vector<16xf32>,
        %add3A_350 = arith.constant 16 : i32
        %add3A_351 = arith.addi %squeeze3A, %add3A_350 : i32
        %get3A_352 = arith.index_cast %add3A_341 : i32 to index
        %get3A_353 = arith.index_cast %add3A_351 : i32 to index
        %get3A_354 = tpu.vector_load %arg8[%get3A_352, %get3A_353] {strides = array<i32>} : memref<256x128xf32, #tpu.memory_space<vmem>>, vector<16xf32>,
        %add3A_355 = arith.constant 2 : i32
        %add3A_356 = vector.broadcast %add3A_355 : i32 to vector<16xi32>
        %add3A_357 = arith.addi %select_n3A_45, %add3A_356 : vector<16xi32>
        tpu.vector_store_idx %arg10[%add3A_357, %broadcast_in_dim3A_171, %select_n3A_17, %broadcast_in_dim3A_339], %get3A_354 : memref<4x2x10x129xf32, #tpu.memory_space<vmem>>[vector<16xi32>, vector<16xi32>, vector<16xi32>, vector<16xi32>], vector<16xf32>,
        %mul3A_358 = arith.constant 16 : i32
        %mul3A_359 = arith.muli %scan3A_321, %mul3A_358 : i32
        %add3A_360 = arith.constant 1 : i32
        %add3A_361 = arith.addi %mul3A_359, %add3A_360 : i32
        %broadcast_in_dim3A_362 = vector.broadcast %add3A_361 : i32 to vector<16xi32>
        %add3A_363 = arith.constant 0 : i32
        %add3A_364 = arith.addi %add3A_363, %add3A_361 : i32
        %slice3A_365 = vector.extract_strided_slice %mul3A_334 {offsets = [1], sizes = [1], strides = [1]} : vector<16xi32> to vector<1xi32>
        %squeeze3A_366 = vector.extract %slice3A_365[0] : i32 from vector<1xi32>
        %add3A_367 = arith.constant 0 : i32
        %add3A_368 = arith.addi %squeeze3A_366, %add3A_367 : i32
        %get3A_369 = arith.index_cast %add3A_364 : i32 to index
        %get3A_370 = arith.index_cast %add3A_368 : i32 to index
        %get3A_371 = tpu.vector_load %arg8[%get3A_369, %get3A_370] {strides = array<i32>} : memref<256x128xf32, #tpu.memory_space<vmem>>, vector<16xf32>,
        %add3A_372 = arith.constant 0 : i32
        %add3A_373 = vector.broadcast %add3A_372 : i32 to vector<16xi32>
        %add3A_374 = arith.addi %select_n3A_45, %add3A_373 : vector<16xi32>
        tpu.vector_store_idx %arg10[%add3A_374, %broadcast_in_dim3A_171, %select_n3A_17, %broadcast_in_dim3A_362], %get3A_371 : memref<4x2x10x129xf32, #tpu.memory_space<vmem>>[vector<16xi32>, vector<16xi32>, vector<16xi32>, vector<16xi32>], vector<16xf32>,
        %add3A_375 = arith.constant 16 : i32
        %add3A_376 = arith.addi %squeeze3A_366, %add3A_375 : i32
        %get3A_377 = arith.index_cast %add3A_364 : i32 to index
        %get3A_378 = arith.index_cast %add3A_376 : i32 to index
        %get3A_379 = tpu.vector_load %arg8[%get3A_377, %get3A_378] {strides = array<i32>} : memref<256x128xf32, #tpu.memory_space<vmem>>, vector<16xf32>,
        %add3A_380 = arith.constant 2 : i32
        %add3A_381 = vector.broadcast %add3A_380 : i32 to vector<16xi32>
        %add3A_382 = arith.addi %select_n3A_45, %add3A_381 : vector<16xi32>
        tpu.vector_store_idx %arg10[%add3A_382, %broadcast_in_dim3A_171, %select_n3A_17, %broadcast_in_dim3A_362], %get3A_379 : memref<4x2x10x129xf32, #tpu.memory_space<vmem>>[vector<16xi32>, vector<16xi32>, vector<16xi32>, vector<16xi32>], vector<16xf32>,
        %mul3A_383 = arith.constant 16 : i32
        %mul3A_384 = arith.muli %scan3A_321, %mul3A_383 : i32
        %add3A_385 = arith.constant 2 : i32
        %add3A_386 = arith.addi %mul3A_384, %add3A_385 : i32
        %broadcast_in_dim3A_387 = vector.broadcast %add3A_386 : i32 to vector<16xi32>
        %add3A_388 = arith.constant 0 : i32
        %add3A_389 = arith.addi %add3A_388, %add3A_386 : i32
        %slice3A_390 = vector.extract_strided_slice %mul3A_334 {offsets = [2], sizes = [1], strides = [1]} : vector<16xi32> to vector<1xi32>
        %squeeze3A_391 = vector.extract %slice3A_390[0] : i32 from vector<1xi32>
        %add3A_392 = arith.constant 0 : i32
        %add3A_393 = arith.addi %squeeze3A_391, %add3A_392 : i32
        %get3A_394 = arith.index_cast %add3A_389 : i32 to index
        %get3A_395 = arith.index_cast %add3A_393 : i32 to index
        %get3A_396 = tpu.vector_load %arg8[%get3A_394, %get3A_395] {strides = array<i32>} : memref<256x128xf32, #tpu.memory_space<vmem>>, vector<16xf32>,
        %add3A_397 = arith.constant 0 : i32
        %add3A_398 = vector.broadcast %add3A_397 : i32 to vector<16xi32>
        %add3A_399 = arith.addi %select_n3A_45, %add3A_398 : vector<16xi32>
        tpu.vector_store_idx %arg10[%add3A_399, %broadcast_in_dim3A_171, %select_n3A_17, %broadcast_in_dim3A_387], %get3A_396 : memref<4x2x10x129xf32, #tpu.memory_space<vmem>>[vector<16xi32>, vector<16xi32>, vector<16xi32>, vector<16xi32>], vector<16xf32>,
        %add3A_400 = arith.constant 16 : i32
        %add3A_401 = arith.addi %squeeze3A_391, %add3A_400 : i32
        %get3A_402 = arith.index_cast %add3A_389 : i32 to index
        %get3A_403 = arith.index_cast %add3A_401 : i32 to index
        %get3A_404 = tpu.vector_load %arg8[%get3A_402, %get3A_403] {strides = array<i32>} : memref<256x128xf32, #tpu.memory_space<vmem>>, vector<16xf32>,
        %add3A_405 = arith.constant 2 : i32
        %add3A_406 = vector.broadcast %add3A_405 : i32 to vector<16xi32>
        %add3A_407 = arith.addi %select_n3A_45, %add3A_406 : vector<16xi32>
        tpu.vector_store_idx %arg10[%add3A_407, %broadcast_in_dim3A_171, %select_n3A_17, %broadcast_in_dim3A_387], %get3A_404 : memref<4x2x10x129xf32, #tpu.memory_space<vmem>>[vector<16xi32>, vector<16xi32>, vector<16xi32>, vector<16xi32>], vector<16xf32>,
        %mul3A_408 = arith.constant 16 : i32
        %mul3A_409 = arith.muli %scan3A_321, %mul3A_408 : i32
        %add3A_410 = arith.constant 3 : i32
        %add3A_411 = arith.addi %mul3A_409, %add3A_410 : i32
        %broadcast_in_dim3A_412 = vector.broadcast %add3A_411 : i32 to vector<16xi32>
        %add3A_413 = arith.constant 0 : i32
        %add3A_414 = arith.addi %add3A_413, %add3A_411 : i32
        %slice3A_415 = vector.extract_strided_slice %mul3A_334 {offsets = [3], sizes = [1], strides = [1]} : vector<16xi32> to vector<1xi32>
        %squeeze3A_416 = vector.extract %slice3A_415[0] : i32 from vector<1xi32>
        %add3A_417 = arith.constant 0 : i32
        %add3A_418 = arith.addi %squeeze3A_416, %add3A_417 : i32
        %get3A_419 = arith.index_cast %add3A_414 : i32 to index
        %get3A_420 = arith.index_cast %add3A_418 : i32 to index
        %get3A_421 = tpu.vector_load %arg8[%get3A_419, %get3A_420] {strides = array<i32>} : memref<256x128xf32, #tpu.memory_space<vmem>>, vector<16xf32>,
        %add3A_422 = arith.constant 0 : i32
        %add3A_423 = vector.broadcast %add3A_422 : i32 to vector<16xi32>
        %add3A_424 = arith.addi %select_n3A_45, %add3A_423 : vector<16xi32>
        tpu.vector_store_idx %arg10[%add3A_424, %broadcast_in_dim3A_171, %select_n3A_17, %broadcast_in_dim3A_412], %get3A_421 : memref<4x2x10x129xf32, #tpu.memory_space<vmem>>[vector<16xi32>, vector<16xi32>, vector<16xi32>, vector<16xi32>], vector<16xf32>,
        %add3A_425 = arith.constant 16 : i32
        %add3A_426 = arith.addi %squeeze3A_416, %add3A_425 : i32
        %get3A_427 = arith.index_cast %add3A_414 : i32 to index
        %get3A_428 = arith.index_cast %add3A_426 : i32 to index
        %get3A_429 = tpu.vector_load %arg8[%get3A_427, %get3A_428] {strides = array<i32>} : memref<256x128xf32, #tpu.memory_space<vmem>>, vector<16xf32>,
        %add3A_430 = arith.constant 2 : i32
        %add3A_431 = vector.broadcast %add3A_430 : i32 to vector<16xi32>
        %add3A_432 = arith.addi %select_n3A_45, %add3A_431 : vector<16xi32>
        tpu.vector_store_idx %arg10[%add3A_432, %broadcast_in_dim3A_171, %select_n3A_17, %broadcast_in_dim3A_412], %get3A_429 : memref<4x2x10x129xf32, #tpu.memory_space<vmem>>[vector<16xi32>, vector<16xi32>, vector<16xi32>, vector<16xi32>], vector<16xf32>,
        %mul3A_433 = arith.constant 16 : i32
        %mul3A_434 = arith.muli %scan3A_321, %mul3A_433 : i32
        %add3A_435 = arith.constant 4 : i32
        %add3A_436 = arith.addi %mul3A_434, %add3A_435 : i32
        %broadcast_in_dim3A_437 = vector.broadcast %add3A_436 : i32 to vector<16xi32>
        %add3A_438 = arith.constant 0 : i32
        %add3A_439 = arith.addi %add3A_438, %add3A_436 : i32
        %slice3A_440 = vector.extract_strided_slice %mul3A_334 {offsets = [4], sizes = [1], strides = [1]} : vector<16xi32> to vector<1xi32>
        %squeeze3A_441 = vector.extract %slice3A_440[0] : i32 from vector<1xi32>
        %add3A_442 = arith.constant 0 : i32
        %add3A_443 = arith.addi %squeeze3A_441, %add3A_442 : i32
        %get3A_444 = arith.index_cast %add3A_439 : i32 to index
        %get3A_445 = arith.index_cast %add3A_443 : i32 to index
        %get3A_446 = tpu.vector_load %arg8[%get3A_444, %get3A_445] {strides = array<i32>} : memref<256x128xf32, #tpu.memory_space<vmem>>, vector<16xf32>,
        %add3A_447 = arith.constant 0 : i32
        %add3A_448 = vector.broadcast %add3A_447 : i32 to vector<16xi32>
        %add3A_449 = arith.addi %select_n3A_45, %add3A_448 : vector<16xi32>
        tpu.vector_store_idx %arg10[%add3A_449, %broadcast_in_dim3A_171, %select_n3A_17, %broadcast_in_dim3A_437], %get3A_446 : memref<4x2x10x129xf32, #tpu.memory_space<vmem>>[vector<16xi32>, vector<16xi32>, vector<16xi32>, vector<16xi32>], vector<16xf32>,
        %add3A_450 = arith.constant 16 : i32
        %add3A_451 = arith.addi %squeeze3A_441, %add3A_450 : i32
        %get3A_452 = arith.index_cast %add3A_439 : i32 to index
        %get3A_453 = arith.index_cast %add3A_451 : i32 to index
        %get3A_454 = tpu.vector_load %arg8[%get3A_452, %get3A_453] {strides = array<i32>} : memref<256x128xf32, #tpu.memory_space<vmem>>, vector<16xf32>,
        %add3A_455 = arith.constant 2 : i32
        %add3A_456 = vector.broadcast %add3A_455 : i32 to vector<16xi32>
        %add3A_457 = arith.addi %select_n3A_45, %add3A_456 : vector<16xi32>
        tpu.vector_store_idx %arg10[%add3A_457, %broadcast_in_dim3A_171, %select_n3A_17, %broadcast_in_dim3A_437], %get3A_454 : memref<4x2x10x129xf32, #tpu.memory_space<vmem>>[vector<16xi32>, vector<16xi32>, vector<16xi32>, vector<16xi32>], vector<16xf32>,
        %mul3A_458 = arith.constant 16 : i32
        %mul3A_459 = arith.muli %scan3A_321, %mul3A_458 : i32
        %add3A_460 = arith.constant 5 : i32
        %add3A_461 = arith.addi %mul3A_459, %add3A_460 : i32
        %broadcast_in_dim3A_462 = vector.broadcast %add3A_461 : i32 to vector<16xi32>
        %add3A_463 = arith.constant 0 : i32
        %add3A_464 = arith.addi %add3A_463, %add3A_461 : i32
        %slice3A_465 = vector.extract_strided_slice %mul3A_334 {offsets = [5], sizes = [1], strides = [1]} : vector<16xi32> to vector<1xi32>
        %squeeze3A_466 = vector.extract %slice3A_465[0] : i32 from vector<1xi32>
        %add3A_467 = arith.constant 0 : i32
        %add3A_468 = arith.addi %squeeze3A_466, %add3A_467 : i32
        %get3A_469 = arith.index_cast %add3A_464 : i32 to index
        %get3A_470 = arith.index_cast %add3A_468 : i32 to index
        %get3A_471 = tpu.vector_load %arg8[%get3A_469, %get3A_470] {strides = array<i32>} : memref<256x128xf32, #tpu.memory_space<vmem>>, vector<16xf32>,
        %add3A_472 = arith.constant 0 : i32
        %add3A_473 = vector.broadcast %add3A_472 : i32 to vector<16xi32>
        %add3A_474 = arith.addi %select_n3A_45, %add3A_473 : vector<16xi32>
        tpu.vector_store_idx %arg10[%add3A_474, %broadcast_in_dim3A_171, %select_n3A_17, %broadcast_in_dim3A_462], %get3A_471 : memref<4x2x10x129xf32, #tpu.memory_space<vmem>>[vector<16xi32>, vector<16xi32>, vector<16xi32>, vector<16xi32>], vector<16xf32>,
        %add3A_475 = arith.constant 16 : i32
        %add3A_476 = arith.addi %squeeze3A_466, %add3A_475 : i32
        %get3A_477 = arith.index_cast %add3A_464 : i32 to index
        %get3A_478 = arith.index_cast %add3A_476 : i32 to index
        %get3A_479 = tpu.vector_load %arg8[%get3A_477, %get3A_478] {strides = array<i32>} : memref<256x128xf32, #tpu.memory_space<vmem>>, vector<16xf32>,
        %add3A_480 = arith.constant 2 : i32
        %add3A_481 = vector.broadcast %add3A_480 : i32 to vector<16xi32>
        %add3A_482 = arith.addi %select_n3A_45, %add3A_481 : vector<16xi32>
        tpu.vector_store_idx %arg10[%add3A_482, %broadcast_in_dim3A_171, %select_n3A_17, %broadcast_in_dim3A_462], %get3A_479 : memref<4x2x10x129xf32, #tpu.memory_space<vmem>>[vector<16xi32>, vector<16xi32>, vector<16xi32>, vector<16xi32>], vector<16xf32>,
        %mul3A_483 = arith.constant 16 : i32
        %mul3A_484 = arith.muli %scan3A_321, %mul3A_483 : i32
        %add3A_485 = arith.constant 6 : i32
        %add3A_486 = arith.addi %mul3A_484, %add3A_485 : i32
        %broadcast_in_dim3A_487 = vector.broadcast %add3A_486 : i32 to vector<16xi32>
        %add3A_488 = arith.constant 0 : i32
        %add3A_489 = arith.addi %add3A_488, %add3A_486 : i32
        %slice3A_490 = vector.extract_strided_slice %mul3A_334 {offsets = [6], sizes = [1], strides = [1]} : vector<16xi32> to vector<1xi32>
        %squeeze3A_491 = vector.extract %slice3A_490[0] : i32 from vector<1xi32>
        %add3A_492 = arith.constant 0 : i32
        %add3A_493 = arith.addi %squeeze3A_491, %add3A_492 : i32
        %get3A_494 = arith.index_cast %add3A_489 : i32 to index
        %get3A_495 = arith.index_cast %add3A_493 : i32 to index
        %get3A_496 = tpu.vector_load %arg8[%get3A_494, %get3A_495] {strides = array<i32>} : memref<256x128xf32, #tpu.memory_space<vmem>>, vector<16xf32>,
        %add3A_497 = arith.constant 0 : i32
        %add3A_498 = vector.broadcast %add3A_497 : i32 to vector<16xi32>
        %add3A_499 = arith.addi %select_n3A_45, %add3A_498 : vector<16xi32>
        tpu.vector_store_idx %arg10[%add3A_499, %broadcast_in_dim3A_171, %select_n3A_17, %broadcast_in_dim3A_487], %get3A_496 : memref<4x2x10x129xf32, #tpu.memory_space<vmem>>[vector<16xi32>, vector<16xi32>, vector<16xi32>, vector<16xi32>], vector<16xf32>,
        %add3A_500 = arith.constant 16 : i32
        %add3A_501 = arith.addi %squeeze3A_491, %add3A_500 : i32
        %get3A_502 = arith.index_cast %add3A_489 : i32 to index
        %get3A_503 = arith.index_cast %add3A_501 : i32 to index
        %get3A_504 = tpu.vector_load %arg8[%get3A_502, %get3A_503] {strides = array<i32>} : memref<256x128xf32, #tpu.memory_space<vmem>>, vector<16xf32>,
        %add3A_505 = arith.constant 2 : i32
        %add3A_506 = vector.broadcast %add3A_505 : i32 to vector<16xi32>
        %add3A_507 = arith.addi %select_n3A_45, %add3A_506 : vector<16xi32>
        tpu.vector_store_idx %arg10[%add3A_507, %broadcast_in_dim3A_171, %select_n3A_17, %broadcast_in_dim3A_487], %get3A_504 : memref<4x2x10x129xf32, #tpu.memory_space<vmem>>[vector<16xi32>, vector<16xi32>, vector<16xi32>, vector<16xi32>], vector<16xf32>,
        %mul3A_508 = arith.constant 16 : i32
        %mul3A_509 = arith.muli %scan3A_321, %mul3A_508 : i32
        %add3A_510 = arith.constant 7 : i32
        %add3A_511 = arith.addi %mul3A_509, %add3A_510 : i32
        %broadcast_in_dim3A_512 = vector.broadcast %add3A_511 : i32 to vector<16xi32>
        %add3A_513 = arith.constant 0 : i32
        %add3A_514 = arith.addi %add3A_513, %add3A_511 : i32
        %slice3A_515 = vector.extract_strided_slice %mul3A_334 {offsets = [7], sizes = [1], strides = [1]} : vector<16xi32> to vector<1xi32>
        %squeeze3A_516 = vector.extract %slice3A_515[0] : i32 from vector<1xi32>
        %add3A_517 = arith.constant 0 : i32
        %add3A_518 = arith.addi %squeeze3A_516, %add3A_517 : i32
        %get3A_519 = arith.index_cast %add3A_514 : i32 to index
        %get3A_520 = arith.index_cast %add3A_518 : i32 to index
        %get3A_521 = tpu.vector_load %arg8[%get3A_519, %get3A_520] {strides = array<i32>} : memref<256x128xf32, #tpu.memory_space<vmem>>, vector<16xf32>,
        %add3A_522 = arith.constant 0 : i32
        %add3A_523 = vector.broadcast %add3A_522 : i32 to vector<16xi32>
        %add3A_524 = arith.addi %select_n3A_45, %add3A_523 : vector<16xi32>
        tpu.vector_store_idx %arg10[%add3A_524, %broadcast_in_dim3A_171, %select_n3A_17, %broadcast_in_dim3A_512], %get3A_521 : memref<4x2x10x129xf32, #tpu.memory_space<vmem>>[vector<16xi32>, vector<16xi32>, vector<16xi32>, vector<16xi32>], vector<16xf32>,
        %add3A_525 = arith.constant 16 : i32
        %add3A_526 = arith.addi %squeeze3A_516, %add3A_525 : i32
        %get3A_527 = arith.index_cast %add3A_514 : i32 to index
        %get3A_528 = arith.index_cast %add3A_526 : i32 to index
        %get3A_529 = tpu.vector_load %arg8[%get3A_527, %get3A_528] {strides = array<i32>} : memref<256x128xf32, #tpu.memory_space<vmem>>, vector<16xf32>,
        %add3A_530 = arith.constant 2 : i32
        %add3A_531 = vector.broadcast %add3A_530 : i32 to vector<16xi32>
        %add3A_532 = arith.addi %select_n3A_45, %add3A_531 : vector<16xi32>
        tpu.vector_store_idx %arg10[%add3A_532, %broadcast_in_dim3A_171, %select_n3A_17, %broadcast_in_dim3A_512], %get3A_529 : memref<4x2x10x129xf32, #tpu.memory_space<vmem>>[vector<16xi32>, vector<16xi32>, vector<16xi32>, vector<16xi32>], vector<16xf32>,
        %mul3A_533 = arith.constant 16 : i32
        %mul3A_534 = arith.muli %scan3A_321, %mul3A_533 : i32
        %add3A_535 = arith.constant 8 : i32
        %add3A_536 = arith.addi %mul3A_534, %add3A_535 : i32
        %broadcast_in_dim3A_537 = vector.broadcast %add3A_536 : i32 to vector<16xi32>
        %add3A_538 = arith.constant 0 : i32
        %add3A_539 = arith.addi %add3A_538, %add3A_536 : i32
        %slice3A_540 = vector.extract_strided_slice %mul3A_334 {offsets = [8], sizes = [1], strides = [1]} : vector<16xi32> to vector<1xi32>
        %squeeze3A_541 = vector.extract %slice3A_540[0] : i32 from vector<1xi32>
        %add3A_542 = arith.constant 0 : i32
        %add3A_543 = arith.addi %squeeze3A_541, %add3A_542 : i32
        %get3A_544 = arith.index_cast %add3A_539 : i32 to index
        %get3A_545 = arith.index_cast %add3A_543 : i32 to index
        %get3A_546 = tpu.vector_load %arg8[%get3A_544, %get3A_545] {strides = array<i32>} : memref<256x128xf32, #tpu.memory_space<vmem>>, vector<16xf32>,
        %add3A_547 = arith.constant 0 : i32
        %add3A_548 = vector.broadcast %add3A_547 : i32 to vector<16xi32>
        %add3A_549 = arith.addi %select_n3A_45, %add3A_548 : vector<16xi32>
        tpu.vector_store_idx %arg10[%add3A_549, %broadcast_in_dim3A_171, %select_n3A_17, %broadcast_in_dim3A_537], %get3A_546 : memref<4x2x10x129xf32, #tpu.memory_space<vmem>>[vector<16xi32>, vector<16xi32>, vector<16xi32>, vector<16xi32>], vector<16xf32>,
        %add3A_550 = arith.constant 16 : i32
        %add3A_551 = arith.addi %squeeze3A_541, %add3A_550 : i32
        %get3A_552 = arith.index_cast %add3A_539 : i32 to index
        %get3A_553 = arith.index_cast %add3A_551 : i32 to index
        %get3A_554 = tpu.vector_load %arg8[%get3A_552, %get3A_553] {strides = array<i32>} : memref<256x128xf32, #tpu.memory_space<vmem>>, vector<16xf32>,
        %add3A_555 = arith.constant 2 : i32
        %add3A_556 = vector.broadcast %add3A_555 : i32 to vector<16xi32>
        %add3A_557 = arith.addi %select_n3A_45, %add3A_556 : vector<16xi32>
        tpu.vector_store_idx %arg10[%add3A_557, %broadcast_in_dim3A_171, %select_n3A_17, %broadcast_in_dim3A_537], %get3A_554 : memref<4x2x10x129xf32, #tpu.memory_space<vmem>>[vector<16xi32>, vector<16xi32>, vector<16xi32>, vector<16xi32>], vector<16xf32>,
        %mul3A_558 = arith.constant 16 : i32
        %mul3A_559 = arith.muli %scan3A_321, %mul3A_558 : i32
        %add3A_560 = arith.constant 9 : i32
        %add3A_561 = arith.addi %mul3A_559, %add3A_560 : i32
        %broadcast_in_dim3A_562 = vector.broadcast %add3A_561 : i32 to vector<16xi32>
        %add3A_563 = arith.constant 0 : i32
        %add3A_564 = arith.addi %add3A_563, %add3A_561 : i32
        %slice3A_565 = vector.extract_strided_slice %mul3A_334 {offsets = [9], sizes = [1], strides = [1]} : vector<16xi32> to vector<1xi32>
        %squeeze3A_566 = vector.extract %slice3A_565[0] : i32 from vector<1xi32>
        %add3A_567 = arith.constant 0 : i32
        %add3A_568 = arith.addi %squeeze3A_566, %add3A_567 : i32
        %get3A_569 = arith.index_cast %add3A_564 : i32 to index
        %get3A_570 = arith.index_cast %add3A_568 : i32 to index
        %get3A_571 = tpu.vector_load %arg8[%get3A_569, %get3A_570] {strides = array<i32>} : memref<256x128xf32, #tpu.memory_space<vmem>>, vector<16xf32>,
        %add3A_572 = arith.constant 0 : i32
        %add3A_573 = vector.broadcast %add3A_572 : i32 to vector<16xi32>
        %add3A_574 = arith.addi %select_n3A_45, %add3A_573 : vector<16xi32>
        tpu.vector_store_idx %arg10[%add3A_574, %broadcast_in_dim3A_171, %select_n3A_17, %broadcast_in_dim3A_562], %get3A_571 : memref<4x2x10x129xf32, #tpu.memory_space<vmem>>[vector<16xi32>, vector<16xi32>, vector<16xi32>, vector<16xi32>], vector<16xf32>,
        %add3A_575 = arith.constant 16 : i32
        %add3A_576 = arith.addi %squeeze3A_566, %add3A_575 : i32
        %get3A_577 = arith.index_cast %add3A_564 : i32 to index
        %get3A_578 = arith.index_cast %add3A_576 : i32 to index
        %get3A_579 = tpu.vector_load %arg8[%get3A_577, %get3A_578] {strides = array<i32>} : memref<256x128xf32, #tpu.memory_space<vmem>>, vector<16xf32>,
        %add3A_580 = arith.constant 2 : i32
        %add3A_581 = vector.broadcast %add3A_580 : i32 to vector<16xi32>
        %add3A_582 = arith.addi %select_n3A_45, %add3A_581 : vector<16xi32>
        tpu.vector_store_idx %arg10[%add3A_582, %broadcast_in_dim3A_171, %select_n3A_17, %broadcast_in_dim3A_562], %get3A_579 : memref<4x2x10x129xf32, #tpu.memory_space<vmem>>[vector<16xi32>, vector<16xi32>, vector<16xi32>, vector<16xi32>], vector<16xf32>,
        %mul3A_583 = arith.constant 16 : i32
        %mul3A_584 = arith.muli %scan3A_321, %mul3A_583 : i32
        %add3A_585 = arith.constant 10 : i32
        %add3A_586 = arith.addi %mul3A_584, %add3A_585 : i32
        %broadcast_in_dim3A_587 = vector.broadcast %add3A_586 : i32 to vector<16xi32>
        %add3A_588 = arith.constant 0 : i32
        %add3A_589 = arith.addi %add3A_588, %add3A_586 : i32
        %slice3A_590 = vector.extract_strided_slice %mul3A_334 {offsets = [10], sizes = [1], strides = [1]} : vector<16xi32> to vector<1xi32>
        %squeeze3A_591 = vector.extract %slice3A_590[0] : i32 from vector<1xi32>
        %add3A_592 = arith.constant 0 : i32
        %add3A_593 = arith.addi %squeeze3A_591, %add3A_592 : i32
        %get3A_594 = arith.index_cast %add3A_589 : i32 to index
        %get3A_595 = arith.index_cast %add3A_593 : i32 to index
        %get3A_596 = tpu.vector_load %arg8[%get3A_594, %get3A_595] {strides = array<i32>} : memref<256x128xf32, #tpu.memory_space<vmem>>, vector<16xf32>,
        %add3A_597 = arith.constant 0 : i32
        %add3A_598 = vector.broadcast %add3A_597 : i32 to vector<16xi32>
        %add3A_599 = arith.addi %select_n3A_45, %add3A_598 : vector<16xi32>
        tpu.vector_store_idx %arg10[%add3A_599, %broadcast_in_dim3A_171, %select_n3A_17, %broadcast_in_dim3A_587], %get3A_596 : memref<4x2x10x129xf32, #tpu.memory_space<vmem>>[vector<16xi32>, vector<16xi32>, vector<16xi32>, vector<16xi32>], vector<16xf32>,
        %add3A_600 = arith.constant 16 : i32
        %add3A_601 = arith.addi %squeeze3A_591, %add3A_600 : i32
        %get3A_602 = arith.index_cast %add3A_589 : i32 to index
        %get3A_603 = arith.index_cast %add3A_601 : i32 to index
        %get3A_604 = tpu.vector_load %arg8[%get3A_602, %get3A_603] {strides = array<i32>} : memref<256x128xf32, #tpu.memory_space<vmem>>, vector<16xf32>,
        %add3A_605 = arith.constant 2 : i32
        %add3A_606 = vector.broadcast %add3A_605 : i32 to vector<16xi32>
        %add3A_607 = arith.addi %select_n3A_45, %add3A_606 : vector<16xi32>
        tpu.vector_store_idx %arg10[%add3A_607, %broadcast_in_dim3A_171, %select_n3A_17, %broadcast_in_dim3A_587], %get3A_604 : memref<4x2x10x129xf32, #tpu.memory_space<vmem>>[vector<16xi32>, vector<16xi32>, vector<16xi32>, vector<16xi32>], vector<16xf32>,
        %mul3A_608 = arith.constant 16 : i32
        %mul3A_609 = arith.muli %scan3A_321, %mul3A_608 : i32
        %add3A_610 = arith.constant 11 : i32
        %add3A_611 = arith.addi %mul3A_609, %add3A_610 : i32
        %broadcast_in_dim3A_612 = vector.broadcast %add3A_611 : i32 to vector<16xi32>
        %add3A_613 = arith.constant 0 : i32
        %add3A_614 = arith.addi %add3A_613, %add3A_611 : i32
        %slice3A_615 = vector.extract_strided_slice %mul3A_334 {offsets = [11], sizes = [1], strides = [1]} : vector<16xi32> to vector<1xi32>
        %squeeze3A_616 = vector.extract %slice3A_615[0] : i32 from vector<1xi32>
        %add3A_617 = arith.constant 0 : i32
        %add3A_618 = arith.addi %squeeze3A_616, %add3A_617 : i32
        %get3A_619 = arith.index_cast %add3A_614 : i32 to index
        %get3A_620 = arith.index_cast %add3A_618 : i32 to index
        %get3A_621 = tpu.vector_load %arg8[%get3A_619, %get3A_620] {strides = array<i32>} : memref<256x128xf32, #tpu.memory_space<vmem>>, vector<16xf32>,
        %add3A_622 = arith.constant 0 : i32
        %add3A_623 = vector.broadcast %add3A_622 : i32 to vector<16xi32>
        %add3A_624 = arith.addi %select_n3A_45, %add3A_623 : vector<16xi32>
        tpu.vector_store_idx %arg10[%add3A_624, %broadcast_in_dim3A_171, %select_n3A_17, %broadcast_in_dim3A_612], %get3A_621 : memref<4x2x10x129xf32, #tpu.memory_space<vmem>>[vector<16xi32>, vector<16xi32>, vector<16xi32>, vector<16xi32>], vector<16xf32>,
        %add3A_625 = arith.constant 16 : i32
        %add3A_626 = arith.addi %squeeze3A_616, %add3A_625 : i32
        %get3A_627 = arith.index_cast %add3A_614 : i32 to index
        %get3A_628 = arith.index_cast %add3A_626 : i32 to index
        %get3A_629 = tpu.vector_load %arg8[%get3A_627, %get3A_628] {strides = array<i32>} : memref<256x128xf32, #tpu.memory_space<vmem>>, vector<16xf32>,
        %add3A_630 = arith.constant 2 : i32
        %add3A_631 = vector.broadcast %add3A_630 : i32 to vector<16xi32>
        %add3A_632 = arith.addi %select_n3A_45, %add3A_631 : vector<16xi32>
        tpu.vector_store_idx %arg10[%add3A_632, %broadcast_in_dim3A_171, %select_n3A_17, %broadcast_in_dim3A_612], %get3A_629 : memref<4x2x10x129xf32, #tpu.memory_space<vmem>>[vector<16xi32>, vector<16xi32>, vector<16xi32>, vector<16xi32>], vector<16xf32>,
        %mul3A_633 = arith.constant 16 : i32
        %mul3A_634 = arith.muli %scan3A_321, %mul3A_633 : i32
        %add3A_635 = arith.constant 12 : i32
        %add3A_636 = arith.addi %mul3A_634, %add3A_635 : i32
        %broadcast_in_dim3A_637 = vector.broadcast %add3A_636 : i32 to vector<16xi32>
        %add3A_638 = arith.constant 0 : i32
        %add3A_639 = arith.addi %add3A_638, %add3A_636 : i32
        %slice3A_640 = vector.extract_strided_slice %mul3A_334 {offsets = [12], sizes = [1], strides = [1]} : vector<16xi32> to vector<1xi32>
        %squeeze3A_641 = vector.extract %slice3A_640[0] : i32 from vector<1xi32>
        %add3A_642 = arith.constant 0 : i32
        %add3A_643 = arith.addi %squeeze3A_641, %add3A_642 : i32
        %get3A_644 = arith.index_cast %add3A_639 : i32 to index
        %get3A_645 = arith.index_cast %add3A_643 : i32 to index
        %get3A_646 = tpu.vector_load %arg8[%get3A_644, %get3A_645] {strides = array<i32>} : memref<256x128xf32, #tpu.memory_space<vmem>>, vector<16xf32>,
        %add3A_647 = arith.constant 0 : i32
        %add3A_648 = vector.broadcast %add3A_647 : i32 to vector<16xi32>
        %add3A_649 = arith.addi %select_n3A_45, %add3A_648 : vector<16xi32>
        tpu.vector_store_idx %arg10[%add3A_649, %broadcast_in_dim3A_171, %select_n3A_17, %broadcast_in_dim3A_637], %get3A_646 : memref<4x2x10x129xf32, #tpu.memory_space<vmem>>[vector<16xi32>, vector<16xi32>, vector<16xi32>, vector<16xi32>], vector<16xf32>,
        %add3A_650 = arith.constant 16 : i32
        %add3A_651 = arith.addi %squeeze3A_641, %add3A_650 : i32
        %get3A_652 = arith.index_cast %add3A_639 : i32 to index
        %get3A_653 = arith.index_cast %add3A_651 : i32 to index
        %get3A_654 = tpu.vector_load %arg8[%get3A_652, %get3A_653] {strides = array<i32>} : memref<256x128xf32, #tpu.memory_space<vmem>>, vector<16xf32>,
        %add3A_655 = arith.constant 2 : i32
        %add3A_656 = vector.broadcast %add3A_655 : i32 to vector<16xi32>
        %add3A_657 = arith.addi %select_n3A_45, %add3A_656 : vector<16xi32>
        tpu.vector_store_idx %arg10[%add3A_657, %broadcast_in_dim3A_171, %select_n3A_17, %broadcast_in_dim3A_637], %get3A_654 : memref<4x2x10x129xf32, #tpu.memory_space<vmem>>[vector<16xi32>, vector<16xi32>, vector<16xi32>, vector<16xi32>], vector<16xf32>,
        %mul3A_658 = arith.constant 16 : i32
        %mul3A_659 = arith.muli %scan3A_321, %mul3A_658 : i32
        %add3A_660 = arith.constant 13 : i32
        %add3A_661 = arith.addi %mul3A_659, %add3A_660 : i32
        %broadcast_in_dim3A_662 = vector.broadcast %add3A_661 : i32 to vector<16xi32>
        %add3A_663 = arith.constant 0 : i32
        %add3A_664 = arith.addi %add3A_663, %add3A_661 : i32
        %slice3A_665 = vector.extract_strided_slice %mul3A_334 {offsets = [13], sizes = [1], strides = [1]} : vector<16xi32> to vector<1xi32>
        %squeeze3A_666 = vector.extract %slice3A_665[0] : i32 from vector<1xi32>
        %add3A_667 = arith.constant 0 : i32
        %add3A_668 = arith.addi %squeeze3A_666, %add3A_667 : i32
        %get3A_669 = arith.index_cast %add3A_664 : i32 to index
        %get3A_670 = arith.index_cast %add3A_668 : i32 to index
        %get3A_671 = tpu.vector_load %arg8[%get3A_669, %get3A_670] {strides = array<i32>} : memref<256x128xf32, #tpu.memory_space<vmem>>, vector<16xf32>,
        %add3A_672 = arith.constant 0 : i32
        %add3A_673 = vector.broadcast %add3A_672 : i32 to vector<16xi32>
        %add3A_674 = arith.addi %select_n3A_45, %add3A_673 : vector<16xi32>
        tpu.vector_store_idx %arg10[%add3A_674, %broadcast_in_dim3A_171, %select_n3A_17, %broadcast_in_dim3A_662], %get3A_671 : memref<4x2x10x129xf32, #tpu.memory_space<vmem>>[vector<16xi32>, vector<16xi32>, vector<16xi32>, vector<16xi32>], vector<16xf32>,
        %add3A_675 = arith.constant 16 : i32
        %add3A_676 = arith.addi %squeeze3A_666, %add3A_675 : i32
        %get3A_677 = arith.index_cast %add3A_664 : i32 to index
        %get3A_678 = arith.index_cast %add3A_676 : i32 to index
        %get3A_679 = tpu.vector_load %arg8[%get3A_677, %get3A_678] {strides = array<i32>} : memref<256x128xf32, #tpu.memory_space<vmem>>, vector<16xf32>,
        %add3A_680 = arith.constant 2 : i32
        %add3A_681 = vector.broadcast %add3A_680 : i32 to vector<16xi32>
        %add3A_682 = arith.addi %select_n3A_45, %add3A_681 : vector<16xi32>
        tpu.vector_store_idx %arg10[%add3A_682, %broadcast_in_dim3A_171, %select_n3A_17, %broadcast_in_dim3A_662], %get3A_679 : memref<4x2x10x129xf32, #tpu.memory_space<vmem>>[vector<16xi32>, vector<16xi32>, vector<16xi32>, vector<16xi32>], vector<16xf32>,
        %mul3A_683 = arith.constant 16 : i32
        %mul3A_684 = arith.muli %scan3A_321, %mul3A_683 : i32
        %add3A_685 = arith.constant 14 : i32
        %add3A_686 = arith.addi %mul3A_684, %add3A_685 : i32
        %broadcast_in_dim3A_687 = vector.broadcast %add3A_686 : i32 to vector<16xi32>
        %add3A_688 = arith.constant 0 : i32
        %add3A_689 = arith.addi %add3A_688, %add3A_686 : i32
        %slice3A_690 = vector.extract_strided_slice %mul3A_334 {offsets = [14], sizes = [1], strides = [1]} : vector<16xi32> to vector<1xi32>
        %squeeze3A_691 = vector.extract %slice3A_690[0] : i32 from vector<1xi32>
        %add3A_692 = arith.constant 0 : i32
        %add3A_693 = arith.addi %squeeze3A_691, %add3A_692 : i32
        %get3A_694 = arith.index_cast %add3A_689 : i32 to index
        %get3A_695 = arith.index_cast %add3A_693 : i32 to index
        %get3A_696 = tpu.vector_load %arg8[%get3A_694, %get3A_695] {strides = array<i32>} : memref<256x128xf32, #tpu.memory_space<vmem>>, vector<16xf32>,
        %add3A_697 = arith.constant 0 : i32
        %add3A_698 = vector.broadcast %add3A_697 : i32 to vector<16xi32>
        %add3A_699 = arith.addi %select_n3A_45, %add3A_698 : vector<16xi32>
        tpu.vector_store_idx %arg10[%add3A_699, %broadcast_in_dim3A_171, %select_n3A_17, %broadcast_in_dim3A_687], %get3A_696 : memref<4x2x10x129xf32, #tpu.memory_space<vmem>>[vector<16xi32>, vector<16xi32>, vector<16xi32>, vector<16xi32>], vector<16xf32>,
        %add3A_700 = arith.constant 16 : i32
        %add3A_701 = arith.addi %squeeze3A_691, %add3A_700 : i32
        %get3A_702 = arith.index_cast %add3A_689 : i32 to index
        %get3A_703 = arith.index_cast %add3A_701 : i32 to index
        %get3A_704 = tpu.vector_load %arg8[%get3A_702, %get3A_703] {strides = array<i32>} : memref<256x128xf32, #tpu.memory_space<vmem>>, vector<16xf32>,
        %add3A_705 = arith.constant 2 : i32
        %add3A_706 = vector.broadcast %add3A_705 : i32 to vector<16xi32>
        %add3A_707 = arith.addi %select_n3A_45, %add3A_706 : vector<16xi32>
        tpu.vector_store_idx %arg10[%add3A_707, %broadcast_in_dim3A_171, %select_n3A_17, %broadcast_in_dim3A_687], %get3A_704 : memref<4x2x10x129xf32, #tpu.memory_space<vmem>>[vector<16xi32>, vector<16xi32>, vector<16xi32>, vector<16xi32>], vector<16xf32>,
        %mul3A_708 = arith.constant 16 : i32
        %mul3A_709 = arith.muli %scan3A_321, %mul3A_708 : i32
        %add3A_710 = arith.constant 15 : i32
        %add3A_711 = arith.addi %mul3A_709, %add3A_710 : i32
        %broadcast_in_dim3A_712 = vector.broadcast %add3A_711 : i32 to vector<16xi32>
        %add3A_713 = arith.constant 0 : i32
        %add3A_714 = arith.addi %add3A_713, %add3A_711 : i32
        %slice3A_715 = vector.extract_strided_slice %mul3A_334 {offsets = [15], sizes = [1], strides = [1]} : vector<16xi32> to vector<1xi32>
        %squeeze3A_716 = vector.extract %slice3A_715[0] : i32 from vector<1xi32>
        %add3A_717 = arith.constant 0 : i32
        %add3A_718 = arith.addi %squeeze3A_716, %add3A_717 : i32
        %get3A_719 = arith.index_cast %add3A_714 : i32 to index
        %get3A_720 = arith.index_cast %add3A_718 : i32 to index
        %get3A_721 = tpu.vector_load %arg8[%get3A_719, %get3A_720] {strides = array<i32>} : memref<256x128xf32, #tpu.memory_space<vmem>>, vector<16xf32>,
        %add3A_722 = arith.constant 0 : i32
        %add3A_723 = vector.broadcast %add3A_722 : i32 to vector<16xi32>
        %add3A_724 = arith.addi %select_n3A_45, %add3A_723 : vector<16xi32>
        tpu.vector_store_idx %arg10[%add3A_724, %broadcast_in_dim3A_171, %select_n3A_17, %broadcast_in_dim3A_712], %get3A_721 : memref<4x2x10x129xf32, #tpu.memory_space<vmem>>[vector<16xi32>, vector<16xi32>, vector<16xi32>, vector<16xi32>], vector<16xf32>,
        %add3A_725 = arith.constant 16 : i32
        %add3A_726 = arith.addi %squeeze3A_716, %add3A_725 : i32
        %get3A_727 = arith.index_cast %add3A_714 : i32 to index
        %get3A_728 = arith.index_cast %add3A_726 : i32 to index
        %get3A_729 = tpu.vector_load %arg8[%get3A_727, %get3A_728] {strides = array<i32>} : memref<256x128xf32, #tpu.memory_space<vmem>>, vector<16xf32>,
        %add3A_730 = arith.constant 2 : i32
        %add3A_731 = vector.broadcast %add3A_730 : i32 to vector<16xi32>
        %add3A_732 = arith.addi %select_n3A_45, %add3A_731 : vector<16xi32>
        tpu.vector_store_idx %arg10[%add3A_732, %broadcast_in_dim3A_171, %select_n3A_17, %broadcast_in_dim3A_712], %get3A_729 : memref<4x2x10x129xf32, #tpu.memory_space<vmem>>[vector<16xi32>, vector<16xi32>, vector<16xi32>, vector<16xi32>], vector<16xf32>,
        %scan3A_733 = arith.constant 0 : i32
        %scan3A_734 = arith.constant 1 : i32
        %scan3A_735 = arith.addi %scan3A_321, %scan3A_734 : i32
        %mul3A_736 = arith.constant 16 : i32
        %mul3A_737 = arith.muli %scan3A_735, %mul3A_736 : i32
        %add3A_738 = arith.constant 0 : i32
        %add3A_739 = arith.addi %add3A_738, %mul3A_737 : i32
        %get3A_740 = arith.index_cast %scan3A_164 : i32 to index
        %get3A_741 = arith.index_cast %add3A_739 : i32 to index
        %get3A_742 = tpu.vector_load %arg5[%get3A_740, %get3A_741] {strides = array<i32>} : memref<50x512xi32, #tpu.memory_space<vmem>>, vector<16xi32>,
        %and3A_743 = arith.constant 3 : i32
        %and3A_744 = vector.broadcast %and3A_743 : i32 to vector<16xi32>
        %and3A_745 = arith.andi %get3A_742, %and3A_744 : vector<16xi32>
        %mul3A_746 = arith.constant 32 : i32
        %mul3A_747 = vector.broadcast %mul3A_746 : i32 to vector<16xi32>
        %mul3A_748 = arith.muli %and3A_745, %mul3A_747 : vector<16xi32>
        %mul3A_749 = arith.constant 16 : i32
        %mul3A_750 = arith.muli %scan3A_735, %mul3A_749 : i32
        %add3A_751 = arith.constant 0 : i32
        %add3A_752 = arith.addi %mul3A_750, %add3A_751 : i32
        %broadcast_in_dim3A_753 = vector.broadcast %add3A_752 : i32 to vector<16xi32>
        %add3A_754 = arith.constant 0 : i32
        %add3A_755 = arith.addi %add3A_754, %add3A_752 : i32
        %slice3A_756 = vector.extract_strided_slice %mul3A_748 {offsets = [0], sizes = [1], strides = [1]} : vector<16xi32> to vector<1xi32>
        %squeeze3A_757 = vector.extract %slice3A_756[0] : i32 from vector<1xi32>
        %add3A_758 = arith.constant 0 : i32
        %add3A_759 = arith.addi %squeeze3A_757, %add3A_758 : i32
        %get3A_760 = arith.index_cast %add3A_755 : i32 to index
        %get3A_761 = arith.index_cast %add3A_759 : i32 to index
        %get3A_762 = tpu.vector_load %arg8[%get3A_760, %get3A_761] {strides = array<i32>} : memref<256x128xf32, #tpu.memory_space<vmem>>, vector<16xf32>,
        %add3A_763 = arith.constant 0 : i32
        %add3A_764 = vector.broadcast %add3A_763 : i32 to vector<16xi32>
        %add3A_765 = arith.addi %select_n3A_45, %add3A_764 : vector<16xi32>
        tpu.vector_store_idx %arg10[%add3A_765, %broadcast_in_dim3A_171, %select_n3A_17, %broadcast_in_dim3A_753], %get3A_762 : memref<4x2x10x129xf32, #tpu.memory_space<vmem>>[vector<16xi32>, vector<16xi32>, vector<16xi32>, vector<16xi32>], vector<16xf32>,
        %add3A_766 = arith.constant 16 : i32
        %add3A_767 = arith.addi %squeeze3A_757, %add3A_766 : i32
        %get3A_768 = arith.index_cast %add3A_755 : i32 to index
        %get3A_769 = arith.index_cast %add3A_767 : i32 to index
        %get3A_770 = tpu.vector_load %arg8[%get3A_768, %get3A_769] {strides = array<i32>} : memref<256x128xf32, #tpu.memory_space<vmem>>, vector<16xf32>,
        %add3A_771 = arith.constant 2 : i32
        %add3A_772 = vector.broadcast %add3A_771 : i32 to vector<16xi32>
        %add3A_773 = arith.addi %select_n3A_45, %add3A_772 : vector<16xi32>
        tpu.vector_store_idx %arg10[%add3A_773, %broadcast_in_dim3A_171, %select_n3A_17, %broadcast_in_dim3A_753], %get3A_770 : memref<4x2x10x129xf32, #tpu.memory_space<vmem>>[vector<16xi32>, vector<16xi32>, vector<16xi32>, vector<16xi32>], vector<16xf32>,
        %mul3A_774 = arith.constant 16 : i32
        %mul3A_775 = arith.muli %scan3A_735, %mul3A_774 : i32
        %add3A_776 = arith.constant 1 : i32
        %add3A_777 = arith.addi %mul3A_775, %add3A_776 : i32
        %broadcast_in_dim3A_778 = vector.broadcast %add3A_777 : i32 to vector<16xi32>
        %add3A_779 = arith.constant 0 : i32
        %add3A_780 = arith.addi %add3A_779, %add3A_777 : i32
        %slice3A_781 = vector.extract_strided_slice %mul3A_748 {offsets = [1], sizes = [1], strides = [1]} : vector<16xi32> to vector<1xi32>
        %squeeze3A_782 = vector.extract %slice3A_781[0] : i32 from vector<1xi32>
        %add3A_783 = arith.constant 0 : i32
        %add3A_784 = arith.addi %squeeze3A_782, %add3A_783 : i32
        %get3A_785 = arith.index_cast %add3A_780 : i32 to index
        %get3A_786 = arith.index_cast %add3A_784 : i32 to index
        %get3A_787 = tpu.vector_load %arg8[%get3A_785, %get3A_786] {strides = array<i32>} : memref<256x128xf32, #tpu.memory_space<vmem>>, vector<16xf32>,
        %add3A_788 = arith.constant 0 : i32
        %add3A_789 = vector.broadcast %add3A_788 : i32 to vector<16xi32>
        %add3A_790 = arith.addi %select_n3A_45, %add3A_789 : vector<16xi32>
        tpu.vector_store_idx %arg10[%add3A_790, %broadcast_in_dim3A_171, %select_n3A_17, %broadcast_in_dim3A_778], %get3A_787 : memref<4x2x10x129xf32, #tpu.memory_space<vmem>>[vector<16xi32>, vector<16xi32>, vector<16xi32>, vector<16xi32>], vector<16xf32>,
        %add3A_791 = arith.constant 16 : i32
        %add3A_792 = arith.addi %squeeze3A_782, %add3A_791 : i32
        %get3A_793 = arith.index_cast %add3A_780 : i32 to index
        %get3A_794 = arith.index_cast %add3A_792 : i32 to index
        %get3A_795 = tpu.vector_load %arg8[%get3A_793, %get3A_794] {strides = array<i32>} : memref<256x128xf32, #tpu.memory_space<vmem>>, vector<16xf32>,
        %add3A_796 = arith.constant 2 : i32
        %add3A_797 = vector.broadcast %add3A_796 : i32 to vector<16xi32>
        %add3A_798 = arith.addi %select_n3A_45, %add3A_797 : vector<16xi32>
        tpu.vector_store_idx %arg10[%add3A_798, %broadcast_in_dim3A_171, %select_n3A_17, %broadcast_in_dim3A_778], %get3A_795 : memref<4x2x10x129xf32, #tpu.memory_space<vmem>>[vector<16xi32>, vector<16xi32>, vector<16xi32>, vector<16xi32>], vector<16xf32>,
        %mul3A_799 = arith.constant 16 : i32
        %mul3A_800 = arith.muli %scan3A_735, %mul3A_799 : i32
        %add3A_801 = arith.constant 2 : i32
        %add3A_802 = arith.addi %mul3A_800, %add3A_801 : i32
        %broadcast_in_dim3A_803 = vector.broadcast %add3A_802 : i32 to vector<16xi32>
        %add3A_804 = arith.constant 0 : i32
        %add3A_805 = arith.addi %add3A_804, %add3A_802 : i32
        %slice3A_806 = vector.extract_strided_slice %mul3A_748 {offsets = [2], sizes = [1], strides = [1]} : vector<16xi32> to vector<1xi32>
        %squeeze3A_807 = vector.extract %slice3A_806[0] : i32 from vector<1xi32>
        %add3A_808 = arith.constant 0 : i32
        %add3A_809 = arith.addi %squeeze3A_807, %add3A_808 : i32
        %get3A_810 = arith.index_cast %add3A_805 : i32 to index
        %get3A_811 = arith.index_cast %add3A_809 : i32 to index
        %get3A_812 = tpu.vector_load %arg8[%get3A_810, %get3A_811] {strides = array<i32>} : memref<256x128xf32, #tpu.memory_space<vmem>>, vector<16xf32>,
        %add3A_813 = arith.constant 0 : i32
        %add3A_814 = vector.broadcast %add3A_813 : i32 to vector<16xi32>
        %add3A_815 = arith.addi %select_n3A_45, %add3A_814 : vector<16xi32>
        tpu.vector_store_idx %arg10[%add3A_815, %broadcast_in_dim3A_171, %select_n3A_17, %broadcast_in_dim3A_803], %get3A_812 : memref<4x2x10x129xf32, #tpu.memory_space<vmem>>[vector<16xi32>, vector<16xi32>, vector<16xi32>, vector<16xi32>], vector<16xf32>,
        %add3A_816 = arith.constant 16 : i32
        %add3A_817 = arith.addi %squeeze3A_807, %add3A_816 : i32
        %get3A_818 = arith.index_cast %add3A_805 : i32 to index
        %get3A_819 = arith.index_cast %add3A_817 : i32 to index
        %get3A_820 = tpu.vector_load %arg8[%get3A_818, %get3A_819] {strides = array<i32>} : memref<256x128xf32, #tpu.memory_space<vmem>>, vector<16xf32>,
        %add3A_821 = arith.constant 2 : i32
        %add3A_822 = vector.broadcast %add3A_821 : i32 to vector<16xi32>
        %add3A_823 = arith.addi %select_n3A_45, %add3A_822 : vector<16xi32>
        tpu.vector_store_idx %arg10[%add3A_823, %broadcast_in_dim3A_171, %select_n3A_17, %broadcast_in_dim3A_803], %get3A_820 : memref<4x2x10x129xf32, #tpu.memory_space<vmem>>[vector<16xi32>, vector<16xi32>, vector<16xi32>, vector<16xi32>], vector<16xf32>,
        %mul3A_824 = arith.constant 16 : i32
        %mul3A_825 = arith.muli %scan3A_735, %mul3A_824 : i32
        %add3A_826 = arith.constant 3 : i32
        %add3A_827 = arith.addi %mul3A_825, %add3A_826 : i32
        %broadcast_in_dim3A_828 = vector.broadcast %add3A_827 : i32 to vector<16xi32>
        %add3A_829 = arith.constant 0 : i32
        %add3A_830 = arith.addi %add3A_829, %add3A_827 : i32
        %slice3A_831 = vector.extract_strided_slice %mul3A_748 {offsets = [3], sizes = [1], strides = [1]} : vector<16xi32> to vector<1xi32>
        %squeeze3A_832 = vector.extract %slice3A_831[0] : i32 from vector<1xi32>
        %add3A_833 = arith.constant 0 : i32
        %add3A_834 = arith.addi %squeeze3A_832, %add3A_833 : i32
        %get3A_835 = arith.index_cast %add3A_830 : i32 to index
        %get3A_836 = arith.index_cast %add3A_834 : i32 to index
        %get3A_837 = tpu.vector_load %arg8[%get3A_835, %get3A_836] {strides = array<i32>} : memref<256x128xf32, #tpu.memory_space<vmem>>, vector<16xf32>,
        %add3A_838 = arith.constant 0 : i32
        %add3A_839 = vector.broadcast %add3A_838 : i32 to vector<16xi32>
        %add3A_840 = arith.addi %select_n3A_45, %add3A_839 : vector<16xi32>
        tpu.vector_store_idx %arg10[%add3A_840, %broadcast_in_dim3A_171, %select_n3A_17, %broadcast_in_dim3A_828], %get3A_837 : memref<4x2x10x129xf32, #tpu.memory_space<vmem>>[vector<16xi32>, vector<16xi32>, vector<16xi32>, vector<16xi32>], vector<16xf32>,
        %add3A_841 = arith.constant 16 : i32
        %add3A_842 = arith.addi %squeeze3A_832, %add3A_841 : i32
        %get3A_843 = arith.index_cast %add3A_830 : i32 to index
        %get3A_844 = arith.index_cast %add3A_842 : i32 to index
        %get3A_845 = tpu.vector_load %arg8[%get3A_843, %get3A_844] {strides = array<i32>} : memref<256x128xf32, #tpu.memory_space<vmem>>, vector<16xf32>,
        %add3A_846 = arith.constant 2 : i32
        %add3A_847 = vector.broadcast %add3A_846 : i32 to vector<16xi32>
        %add3A_848 = arith.addi %select_n3A_45, %add3A_847 : vector<16xi32>
        tpu.vector_store_idx %arg10[%add3A_848, %broadcast_in_dim3A_171, %select_n3A_17, %broadcast_in_dim3A_828], %get3A_845 : memref<4x2x10x129xf32, #tpu.memory_space<vmem>>[vector<16xi32>, vector<16xi32>, vector<16xi32>, vector<16xi32>], vector<16xf32>,
        %mul3A_849 = arith.constant 16 : i32
        %mul3A_850 = arith.muli %scan3A_735, %mul3A_849 : i32
        %add3A_851 = arith.constant 4 : i32
        %add3A_852 = arith.addi %mul3A_850, %add3A_851 : i32
        %broadcast_in_dim3A_853 = vector.broadcast %add3A_852 : i32 to vector<16xi32>
        %add3A_854 = arith.constant 0 : i32
        %add3A_855 = arith.addi %add3A_854, %add3A_852 : i32
        %slice3A_856 = vector.extract_strided_slice %mul3A_748 {offsets = [4], sizes = [1], strides = [1]} : vector<16xi32> to vector<1xi32>
        %squeeze3A_857 = vector.extract %slice3A_856[0] : i32 from vector<1xi32>
        %add3A_858 = arith.constant 0 : i32
        %add3A_859 = arith.addi %squeeze3A_857, %add3A_858 : i32
        %get3A_860 = arith.index_cast %add3A_855 : i32 to index
        %get3A_861 = arith.index_cast %add3A_859 : i32 to index
        %get3A_862 = tpu.vector_load %arg8[%get3A_860, %get3A_861] {strides = array<i32>} : memref<256x128xf32, #tpu.memory_space<vmem>>, vector<16xf32>,
        %add3A_863 = arith.constant 0 : i32
        %add3A_864 = vector.broadcast %add3A_863 : i32 to vector<16xi32>
        %add3A_865 = arith.addi %select_n3A_45, %add3A_864 : vector<16xi32>
        tpu.vector_store_idx %arg10[%add3A_865, %broadcast_in_dim3A_171, %select_n3A_17, %broadcast_in_dim3A_853], %get3A_862 : memref<4x2x10x129xf32, #tpu.memory_space<vmem>>[vector<16xi32>, vector<16xi32>, vector<16xi32>, vector<16xi32>], vector<16xf32>,
        %add3A_866 = arith.constant 16 : i32
        %add3A_867 = arith.addi %squeeze3A_857, %add3A_866 : i32
        %get3A_868 = arith.index_cast %add3A_855 : i32 to index
        %get3A_869 = arith.index_cast %add3A_867 : i32 to index
        %get3A_870 = tpu.vector_load %arg8[%get3A_868, %get3A_869] {strides = array<i32>} : memref<256x128xf32, #tpu.memory_space<vmem>>, vector<16xf32>,
        %add3A_871 = arith.constant 2 : i32
        %add3A_872 = vector.broadcast %add3A_871 : i32 to vector<16xi32>
        %add3A_873 = arith.addi %select_n3A_45, %add3A_872 : vector<16xi32>
        tpu.vector_store_idx %arg10[%add3A_873, %broadcast_in_dim3A_171, %select_n3A_17, %broadcast_in_dim3A_853], %get3A_870 : memref<4x2x10x129xf32, #tpu.memory_space<vmem>>[vector<16xi32>, vector<16xi32>, vector<16xi32>, vector<16xi32>], vector<16xf32>,
        %mul3A_874 = arith.constant 16 : i32
        %mul3A_875 = arith.muli %scan3A_735, %mul3A_874 : i32
        %add3A_876 = arith.constant 5 : i32
        %add3A_877 = arith.addi %mul3A_875, %add3A_876 : i32
        %broadcast_in_dim3A_878 = vector.broadcast %add3A_877 : i32 to vector<16xi32>
        %add3A_879 = arith.constant 0 : i32
        %add3A_880 = arith.addi %add3A_879, %add3A_877 : i32
        %slice3A_881 = vector.extract_strided_slice %mul3A_748 {offsets = [5], sizes = [1], strides = [1]} : vector<16xi32> to vector<1xi32>
        %squeeze3A_882 = vector.extract %slice3A_881[0] : i32 from vector<1xi32>
        %add3A_883 = arith.constant 0 : i32
        %add3A_884 = arith.addi %squeeze3A_882, %add3A_883 : i32
        %get3A_885 = arith.index_cast %add3A_880 : i32 to index
        %get3A_886 = arith.index_cast %add3A_884 : i32 to index
        %get3A_887 = tpu.vector_load %arg8[%get3A_885, %get3A_886] {strides = array<i32>} : memref<256x128xf32, #tpu.memory_space<vmem>>, vector<16xf32>,
        %add3A_888 = arith.constant 0 : i32
        %add3A_889 = vector.broadcast %add3A_888 : i32 to vector<16xi32>
        %add3A_890 = arith.addi %select_n3A_45, %add3A_889 : vector<16xi32>
        tpu.vector_store_idx %arg10[%add3A_890, %broadcast_in_dim3A_171, %select_n3A_17, %broadcast_in_dim3A_878], %get3A_887 : memref<4x2x10x129xf32, #tpu.memory_space<vmem>>[vector<16xi32>, vector<16xi32>, vector<16xi32>, vector<16xi32>], vector<16xf32>,
        %add3A_891 = arith.constant 16 : i32
        %add3A_892 = arith.addi %squeeze3A_882, %add3A_891 : i32
        %get3A_893 = arith.index_cast %add3A_880 : i32 to index
        %get3A_894 = arith.index_cast %add3A_892 : i32 to index
        %get3A_895 = tpu.vector_load %arg8[%get3A_893, %get3A_894] {strides = array<i32>} : memref<256x128xf32, #tpu.memory_space<vmem>>, vector<16xf32>,
        %add3A_896 = arith.constant 2 : i32
        %add3A_897 = vector.broadcast %add3A_896 : i32 to vector<16xi32>
        %add3A_898 = arith.addi %select_n3A_45, %add3A_897 : vector<16xi32>
        tpu.vector_store_idx %arg10[%add3A_898, %broadcast_in_dim3A_171, %select_n3A_17, %broadcast_in_dim3A_878], %get3A_895 : memref<4x2x10x129xf32, #tpu.memory_space<vmem>>[vector<16xi32>, vector<16xi32>, vector<16xi32>, vector<16xi32>], vector<16xf32>,
        %mul3A_899 = arith.constant 16 : i32
        %mul3A_900 = arith.muli %scan3A_735, %mul3A_899 : i32
        %add3A_901 = arith.constant 6 : i32
        %add3A_902 = arith.addi %mul3A_900, %add3A_901 : i32
        %broadcast_in_dim3A_903 = vector.broadcast %add3A_902 : i32 to vector<16xi32>
        %add3A_904 = arith.constant 0 : i32
        %add3A_905 = arith.addi %add3A_904, %add3A_902 : i32
        %slice3A_906 = vector.extract_strided_slice %mul3A_748 {offsets = [6], sizes = [1], strides = [1]} : vector<16xi32> to vector<1xi32>
        %squeeze3A_907 = vector.extract %slice3A_906[0] : i32 from vector<1xi32>
        %add3A_908 = arith.constant 0 : i32
        %add3A_909 = arith.addi %squeeze3A_907, %add3A_908 : i32
        %get3A_910 = arith.index_cast %add3A_905 : i32 to index
        %get3A_911 = arith.index_cast %add3A_909 : i32 to index
        %get3A_912 = tpu.vector_load %arg8[%get3A_910, %get3A_911] {strides = array<i32>} : memref<256x128xf32, #tpu.memory_space<vmem>>, vector<16xf32>,
        %add3A_913 = arith.constant 0 : i32
        %add3A_914 = vector.broadcast %add3A_913 : i32 to vector<16xi32>
        %add3A_915 = arith.addi %select_n3A_45, %add3A_914 : vector<16xi32>
        tpu.vector_store_idx %arg10[%add3A_915, %broadcast_in_dim3A_171, %select_n3A_17, %broadcast_in_dim3A_903], %get3A_912 : memref<4x2x10x129xf32, #tpu.memory_space<vmem>>[vector<16xi32>, vector<16xi32>, vector<16xi32>, vector<16xi32>], vector<16xf32>,
        %add3A_916 = arith.constant 16 : i32
        %add3A_917 = arith.addi %squeeze3A_907, %add3A_916 : i32
        %get3A_918 = arith.index_cast %add3A_905 : i32 to index
        %get3A_919 = arith.index_cast %add3A_917 : i32 to index
        %get3A_920 = tpu.vector_load %arg8[%get3A_918, %get3A_919] {strides = array<i32>} : memref<256x128xf32, #tpu.memory_space<vmem>>, vector<16xf32>,
        %add3A_921 = arith.constant 2 : i32
        %add3A_922 = vector.broadcast %add3A_921 : i32 to vector<16xi32>
        %add3A_923 = arith.addi %select_n3A_45, %add3A_922 : vector<16xi32>
        tpu.vector_store_idx %arg10[%add3A_923, %broadcast_in_dim3A_171, %select_n3A_17, %broadcast_in_dim3A_903], %get3A_920 : memref<4x2x10x129xf32, #tpu.memory_space<vmem>>[vector<16xi32>, vector<16xi32>, vector<16xi32>, vector<16xi32>], vector<16xf32>,
        %mul3A_924 = arith.constant 16 : i32
        %mul3A_925 = arith.muli %scan3A_735, %mul3A_924 : i32
        %add3A_926 = arith.constant 7 : i32
        %add3A_927 = arith.addi %mul3A_925, %add3A_926 : i32
        %broadcast_in_dim3A_928 = vector.broadcast %add3A_927 : i32 to vector<16xi32>
        %add3A_929 = arith.constant 0 : i32
        %add3A_930 = arith.addi %add3A_929, %add3A_927 : i32
        %slice3A_931 = vector.extract_strided_slice %mul3A_748 {offsets = [7], sizes = [1], strides = [1]} : vector<16xi32> to vector<1xi32>
        %squeeze3A_932 = vector.extract %slice3A_931[0] : i32 from vector<1xi32>
        %add3A_933 = arith.constant 0 : i32
        %add3A_934 = arith.addi %squeeze3A_932, %add3A_933 : i32
        %get3A_935 = arith.index_cast %add3A_930 : i32 to index
        %get3A_936 = arith.index_cast %add3A_934 : i32 to index
        %get3A_937 = tpu.vector_load %arg8[%get3A_935, %get3A_936] {strides = array<i32>} : memref<256x128xf32, #tpu.memory_space<vmem>>, vector<16xf32>,
        %add3A_938 = arith.constant 0 : i32
        %add3A_939 = vector.broadcast %add3A_938 : i32 to vector<16xi32>
        %add3A_940 = arith.addi %select_n3A_45, %add3A_939 : vector<16xi32>
        tpu.vector_store_idx %arg10[%add3A_940, %broadcast_in_dim3A_171, %select_n3A_17, %broadcast_in_dim3A_928], %get3A_937 : memref<4x2x10x129xf32, #tpu.memory_space<vmem>>[vector<16xi32>, vector<16xi32>, vector<16xi32>, vector<16xi32>], vector<16xf32>,
        %add3A_941 = arith.constant 16 : i32
        %add3A_942 = arith.addi %squeeze3A_932, %add3A_941 : i32
        %get3A_943 = arith.index_cast %add3A_930 : i32 to index
        %get3A_944 = arith.index_cast %add3A_942 : i32 to index
        %get3A_945 = tpu.vector_load %arg8[%get3A_943, %get3A_944] {strides = array<i32>} : memref<256x128xf32, #tpu.memory_space<vmem>>, vector<16xf32>,
        %add3A_946 = arith.constant 2 : i32
        %add3A_947 = vector.broadcast %add3A_946 : i32 to vector<16xi32>
        %add3A_948 = arith.addi %select_n3A_45, %add3A_947 : vector<16xi32>
        tpu.vector_store_idx %arg10[%add3A_948, %broadcast_in_dim3A_171, %select_n3A_17, %broadcast_in_dim3A_928], %get3A_945 : memref<4x2x10x129xf32, #tpu.memory_space<vmem>>[vector<16xi32>, vector<16xi32>, vector<16xi32>, vector<16xi32>], vector<16xf32>,
        %mul3A_949 = arith.constant 16 : i32
        %mul3A_950 = arith.muli %scan3A_735, %mul3A_949 : i32
        %add3A_951 = arith.constant 8 : i32
        %add3A_952 = arith.addi %mul3A_950, %add3A_951 : i32
        %broadcast_in_dim3A_953 = vector.broadcast %add3A_952 : i32 to vector<16xi32>
        %add3A_954 = arith.constant 0 : i32
        %add3A_955 = arith.addi %add3A_954, %add3A_952 : i32
        %slice3A_956 = vector.extract_strided_slice %mul3A_748 {offsets = [8], sizes = [1], strides = [1]} : vector<16xi32> to vector<1xi32>
        %squeeze3A_957 = vector.extract %slice3A_956[0] : i32 from vector<1xi32>
        %add3A_958 = arith.constant 0 : i32
        %add3A_959 = arith.addi %squeeze3A_957, %add3A_958 : i32
        %get3A_960 = arith.index_cast %add3A_955 : i32 to index
        %get3A_961 = arith.index_cast %add3A_959 : i32 to index
        %get3A_962 = tpu.vector_load %arg8[%get3A_960, %get3A_961] {strides = array<i32>} : memref<256x128xf32, #tpu.memory_space<vmem>>, vector<16xf32>,
        %add3A_963 = arith.constant 0 : i32
        %add3A_964 = vector.broadcast %add3A_963 : i32 to vector<16xi32>
        %add3A_965 = arith.addi %select_n3A_45, %add3A_964 : vector<16xi32>
        tpu.vector_store_idx %arg10[%add3A_965, %broadcast_in_dim3A_171, %select_n3A_17, %broadcast_in_dim3A_953], %get3A_962 : memref<4x2x10x129xf32, #tpu.memory_space<vmem>>[vector<16xi32>, vector<16xi32>, vector<16xi32>, vector<16xi32>], vector<16xf32>,
        %add3A_966 = arith.constant 16 : i32
        %add3A_967 = arith.addi %squeeze3A_957, %add3A_966 : i32
        %get3A_968 = arith.index_cast %add3A_955 : i32 to index
        %get3A_969 = arith.index_cast %add3A_967 : i32 to index
        %get3A_970 = tpu.vector_load %arg8[%get3A_968, %get3A_969] {strides = array<i32>} : memref<256x128xf32, #tpu.memory_space<vmem>>, vector<16xf32>,
        %add3A_971 = arith.constant 2 : i32
        %add3A_972 = vector.broadcast %add3A_971 : i32 to vector<16xi32>
        %add3A_973 = arith.addi %select_n3A_45, %add3A_972 : vector<16xi32>
        tpu.vector_store_idx %arg10[%add3A_973, %broadcast_in_dim3A_171, %select_n3A_17, %broadcast_in_dim3A_953], %get3A_970 : memref<4x2x10x129xf32, #tpu.memory_space<vmem>>[vector<16xi32>, vector<16xi32>, vector<16xi32>, vector<16xi32>], vector<16xf32>,
        %mul3A_974 = arith.constant 16 : i32
        %mul3A_975 = arith.muli %scan3A_735, %mul3A_974 : i32
        %add3A_976 = arith.constant 9 : i32
        %add3A_977 = arith.addi %mul3A_975, %add3A_976 : i32
        %broadcast_in_dim3A_978 = vector.broadcast %add3A_977 : i32 to vector<16xi32>
        %add3A_979 = arith.constant 0 : i32
        %add3A_980 = arith.addi %add3A_979, %add3A_977 : i32
        %slice3A_981 = vector.extract_strided_slice %mul3A_748 {offsets = [9], sizes = [1], strides = [1]} : vector<16xi32> to vector<1xi32>
        %squeeze3A_982 = vector.extract %slice3A_981[0] : i32 from vector<1xi32>
        %add3A_983 = arith.constant 0 : i32
        %add3A_984 = arith.addi %squeeze3A_982, %add3A_983 : i32
        %get3A_985 = arith.index_cast %add3A_980 : i32 to index
        %get3A_986 = arith.index_cast %add3A_984 : i32 to index
        %get3A_987 = tpu.vector_load %arg8[%get3A_985, %get3A_986] {strides = array<i32>} : memref<256x128xf32, #tpu.memory_space<vmem>>, vector<16xf32>,
        %add3A_988 = arith.constant 0 : i32
        %add3A_989 = vector.broadcast %add3A_988 : i32 to vector<16xi32>
        %add3A_990 = arith.addi %select_n3A_45, %add3A_989 : vector<16xi32>
        tpu.vector_store_idx %arg10[%add3A_990, %broadcast_in_dim3A_171, %select_n3A_17, %broadcast_in_dim3A_978], %get3A_987 : memref<4x2x10x129xf32, #tpu.memory_space<vmem>>[vector<16xi32>, vector<16xi32>, vector<16xi32>, vector<16xi32>], vector<16xf32>,
        %add3A_991 = arith.constant 16 : i32
        %add3A_992 = arith.addi %squeeze3A_982, %add3A_991 : i32
        %get3A_993 = arith.index_cast %add3A_980 : i32 to index
        %get3A_994 = arith.index_cast %add3A_992 : i32 to index
        %get3A_995 = tpu.vector_load %arg8[%get3A_993, %get3A_994] {strides = array<i32>} : memref<256x128xf32, #tpu.memory_space<vmem>>, vector<16xf32>,
        %add3A_996 = arith.constant 2 : i32
        %add3A_997 = vector.broadcast %add3A_996 : i32 to vector<16xi32>
        %add3A_998 = arith.addi %select_n3A_45, %add3A_997 : vector<16xi32>
        tpu.vector_store_idx %arg10[%add3A_998, %broadcast_in_dim3A_171, %select_n3A_17, %broadcast_in_dim3A_978], %get3A_995 : memref<4x2x10x129xf32, #tpu.memory_space<vmem>>[vector<16xi32>, vector<16xi32>, vector<16xi32>, vector<16xi32>], vector<16xf32>,
        %mul3A_999 = arith.constant 16 : i32
        %mul3A_1000 = arith.muli %scan3A_735, %mul3A_999 : i32
        %add3A_1001 = arith.constant 10 : i32
        %add3A_1002 = arith.addi %mul3A_1000, %add3A_1001 : i32
        %broadcast_in_dim3A_1003 = vector.broadcast %add3A_1002 : i32 to vector<16xi32>
        %add3A_1004 = arith.constant 0 : i32
        %add3A_1005 = arith.addi %add3A_1004, %add3A_1002 : i32
        %slice3A_1006 = vector.extract_strided_slice %mul3A_748 {offsets = [10], sizes = [1], strides = [1]} : vector<16xi32> to vector<1xi32>
        %squeeze3A_1007 = vector.extract %slice3A_1006[0] : i32 from vector<1xi32>
        %add3A_1008 = arith.constant 0 : i32
        %add3A_1009 = arith.addi %squeeze3A_1007, %add3A_1008 : i32
        %get3A_1010 = arith.index_cast %add3A_1005 : i32 to index
        %get3A_1011 = arith.index_cast %add3A_1009 : i32 to index
        %get3A_1012 = tpu.vector_load %arg8[%get3A_1010, %get3A_1011] {strides = array<i32>} : memref<256x128xf32, #tpu.memory_space<vmem>>, vector<16xf32>,
        %add3A_1013 = arith.constant 0 : i32
        %add3A_1014 = vector.broadcast %add3A_1013 : i32 to vector<16xi32>
        %add3A_1015 = arith.addi %select_n3A_45, %add3A_1014 : vector<16xi32>
        tpu.vector_store_idx %arg10[%add3A_1015, %broadcast_in_dim3A_171, %select_n3A_17, %broadcast_in_dim3A_1003], %get3A_1012 : memref<4x2x10x129xf32, #tpu.memory_space<vmem>>[vector<16xi32>, vector<16xi32>, vector<16xi32>, vector<16xi32>], vector<16xf32>,
        %add3A_1016 = arith.constant 16 : i32
        %add3A_1017 = arith.addi %squeeze3A_1007, %add3A_1016 : i32
        %get3A_1018 = arith.index_cast %add3A_1005 : i32 to index
        %get3A_1019 = arith.index_cast %add3A_1017 : i32 to index
        %get3A_1020 = tpu.vector_load %arg8[%get3A_1018, %get3A_1019] {strides = array<i32>} : memref<256x128xf32, #tpu.memory_space<vmem>>, vector<16xf32>,
        %add3A_1021 = arith.constant 2 : i32
        %add3A_1022 = vector.broadcast %add3A_1021 : i32 to vector<16xi32>
        %add3A_1023 = arith.addi %select_n3A_45, %add3A_1022 : vector<16xi32>
        tpu.vector_store_idx %arg10[%add3A_1023, %broadcast_in_dim3A_171, %select_n3A_17, %broadcast_in_dim3A_1003], %get3A_1020 : memref<4x2x10x129xf32, #tpu.memory_space<vmem>>[vector<16xi32>, vector<16xi32>, vector<16xi32>, vector<16xi32>], vector<16xf32>,
        %mul3A_1024 = arith.constant 16 : i32
        %mul3A_1025 = arith.muli %scan3A_735, %mul3A_1024 : i32
        %add3A_1026 = arith.constant 11 : i32
        %add3A_1027 = arith.addi %mul3A_1025, %add3A_1026 : i32
        %broadcast_in_dim3A_1028 = vector.broadcast %add3A_1027 : i32 to vector<16xi32>
        %add3A_1029 = arith.constant 0 : i32
        %add3A_1030 = arith.addi %add3A_1029, %add3A_1027 : i32
        %slice3A_1031 = vector.extract_strided_slice %mul3A_748 {offsets = [11], sizes = [1], strides = [1]} : vector<16xi32> to vector<1xi32>
        %squeeze3A_1032 = vector.extract %slice3A_1031[0] : i32 from vector<1xi32>
        %add3A_1033 = arith.constant 0 : i32
        %add3A_1034 = arith.addi %squeeze3A_1032, %add3A_1033 : i32
        %get3A_1035 = arith.index_cast %add3A_1030 : i32 to index
        %get3A_1036 = arith.index_cast %add3A_1034 : i32 to index
        %get3A_1037 = tpu.vector_load %arg8[%get3A_1035, %get3A_1036] {strides = array<i32>} : memref<256x128xf32, #tpu.memory_space<vmem>>, vector<16xf32>,
        %add3A_1038 = arith.constant 0 : i32
        %add3A_1039 = vector.broadcast %add3A_1038 : i32 to vector<16xi32>
        %add3A_1040 = arith.addi %select_n3A_45, %add3A_1039 : vector<16xi32>
        tpu.vector_store_idx %arg10[%add3A_1040, %broadcast_in_dim3A_171, %select_n3A_17, %broadcast_in_dim3A_1028], %get3A_1037 : memref<4x2x10x129xf32, #tpu.memory_space<vmem>>[vector<16xi32>, vector<16xi32>, vector<16xi32>, vector<16xi32>], vector<16xf32>,
        %add3A_1041 = arith.constant 16 : i32
        %add3A_1042 = arith.addi %squeeze3A_1032, %add3A_1041 : i32
        %get3A_1043 = arith.index_cast %add3A_1030 : i32 to index
        %get3A_1044 = arith.index_cast %add3A_1042 : i32 to index
        %get3A_1045 = tpu.vector_load %arg8[%get3A_1043, %get3A_1044] {strides = array<i32>} : memref<256x128xf32, #tpu.memory_space<vmem>>, vector<16xf32>,
        %add3A_1046 = arith.constant 2 : i32
        %add3A_1047 = vector.broadcast %add3A_1046 : i32 to vector<16xi32>
        %add3A_1048 = arith.addi %select_n3A_45, %add3A_1047 : vector<16xi32>
        tpu.vector_store_idx %arg10[%add3A_1048, %broadcast_in_dim3A_171, %select_n3A_17, %broadcast_in_dim3A_1028], %get3A_1045 : memref<4x2x10x129xf32, #tpu.memory_space<vmem>>[vector<16xi32>, vector<16xi32>, vector<16xi32>, vector<16xi32>], vector<16xf32>,
        %mul3A_1049 = arith.constant 16 : i32
        %mul3A_1050 = arith.muli %scan3A_735, %mul3A_1049 : i32
        %add3A_1051 = arith.constant 12 : i32
        %add3A_1052 = arith.addi %mul3A_1050, %add3A_1051 : i32
        %broadcast_in_dim3A_1053 = vector.broadcast %add3A_1052 : i32 to vector<16xi32>
        %add3A_1054 = arith.constant 0 : i32
        %add3A_1055 = arith.addi %add3A_1054, %add3A_1052 : i32
        %slice3A_1056 = vector.extract_strided_slice %mul3A_748 {offsets = [12], sizes = [1], strides = [1]} : vector<16xi32> to vector<1xi32>
        %squeeze3A_1057 = vector.extract %slice3A_1056[0] : i32 from vector<1xi32>
        %add3A_1058 = arith.constant 0 : i32
        %add3A_1059 = arith.addi %squeeze3A_1057, %add3A_1058 : i32
        %get3A_1060 = arith.index_cast %add3A_1055 : i32 to index
        %get3A_1061 = arith.index_cast %add3A_1059 : i32 to index
        %get3A_1062 = tpu.vector_load %arg8[%get3A_1060, %get3A_1061] {strides = array<i32>} : memref<256x128xf32, #tpu.memory_space<vmem>>, vector<16xf32>,
        %add3A_1063 = arith.constant 0 : i32
        %add3A_1064 = vector.broadcast %add3A_1063 : i32 to vector<16xi32>
        %add3A_1065 = arith.addi %select_n3A_45, %add3A_1064 : vector<16xi32>
        tpu.vector_store_idx %arg10[%add3A_1065, %broadcast_in_dim3A_171, %select_n3A_17, %broadcast_in_dim3A_1053], %get3A_1062 : memref<4x2x10x129xf32, #tpu.memory_space<vmem>>[vector<16xi32>, vector<16xi32>, vector<16xi32>, vector<16xi32>], vector<16xf32>,
        %add3A_1066 = arith.constant 16 : i32
        %add3A_1067 = arith.addi %squeeze3A_1057, %add3A_1066 : i32
        %get3A_1068 = arith.index_cast %add3A_1055 : i32 to index
        %get3A_1069 = arith.index_cast %add3A_1067 : i32 to index
        %get3A_1070 = tpu.vector_load %arg8[%get3A_1068, %get3A_1069] {strides = array<i32>} : memref<256x128xf32, #tpu.memory_space<vmem>>, vector<16xf32>,
        %add3A_1071 = arith.constant 2 : i32
        %add3A_1072 = vector.broadcast %add3A_1071 : i32 to vector<16xi32>
        %add3A_1073 = arith.addi %select_n3A_45, %add3A_1072 : vector<16xi32>
        tpu.vector_store_idx %arg10[%add3A_1073, %broadcast_in_dim3A_171, %select_n3A_17, %broadcast_in_dim3A_1053], %get3A_1070 : memref<4x2x10x129xf32, #tpu.memory_space<vmem>>[vector<16xi32>, vector<16xi32>, vector<16xi32>, vector<16xi32>], vector<16xf32>,
        %mul3A_1074 = arith.constant 16 : i32
        %mul3A_1075 = arith.muli %scan3A_735, %mul3A_1074 : i32
        %add3A_1076 = arith.constant 13 : i32
        %add3A_1077 = arith.addi %mul3A_1075, %add3A_1076 : i32
        %broadcast_in_dim3A_1078 = vector.broadcast %add3A_1077 : i32 to vector<16xi32>
        %add3A_1079 = arith.constant 0 : i32
        %add3A_1080 = arith.addi %add3A_1079, %add3A_1077 : i32
        %slice3A_1081 = vector.extract_strided_slice %mul3A_748 {offsets = [13], sizes = [1], strides = [1]} : vector<16xi32> to vector<1xi32>
        %squeeze3A_1082 = vector.extract %slice3A_1081[0] : i32 from vector<1xi32>
        %add3A_1083 = arith.constant 0 : i32
        %add3A_1084 = arith.addi %squeeze3A_1082, %add3A_1083 : i32
        %get3A_1085 = arith.index_cast %add3A_1080 : i32 to index
        %get3A_1086 = arith.index_cast %add3A_1084 : i32 to index
        %get3A_1087 = tpu.vector_load %arg8[%get3A_1085, %get3A_1086] {strides = array<i32>} : memref<256x128xf32, #tpu.memory_space<vmem>>, vector<16xf32>,
        %add3A_1088 = arith.constant 0 : i32
        %add3A_1089 = vector.broadcast %add3A_1088 : i32 to vector<16xi32>
        %add3A_1090 = arith.addi %select_n3A_45, %add3A_1089 : vector<16xi32>
        tpu.vector_store_idx %arg10[%add3A_1090, %broadcast_in_dim3A_171, %select_n3A_17, %broadcast_in_dim3A_1078], %get3A_1087 : memref<4x2x10x129xf32, #tpu.memory_space<vmem>>[vector<16xi32>, vector<16xi32>, vector<16xi32>, vector<16xi32>], vector<16xf32>,
        %add3A_1091 = arith.constant 16 : i32
        %add3A_1092 = arith.addi %squeeze3A_1082, %add3A_1091 : i32
        %get3A_1093 = arith.index_cast %add3A_1080 : i32 to index
        %get3A_1094 = arith.index_cast %add3A_1092 : i32 to index
        %get3A_1095 = tpu.vector_load %arg8[%get3A_1093, %get3A_1094] {strides = array<i32>} : memref<256x128xf32, #tpu.memory_space<vmem>>, vector<16xf32>,
        %add3A_1096 = arith.constant 2 : i32
        %add3A_1097 = vector.broadcast %add3A_1096 : i32 to vector<16xi32>
        %add3A_1098 = arith.addi %select_n3A_45, %add3A_1097 : vector<16xi32>
        tpu.vector_store_idx %arg10[%add3A_1098, %broadcast_in_dim3A_171, %select_n3A_17, %broadcast_in_dim3A_1078], %get3A_1095 : memref<4x2x10x129xf32, #tpu.memory_space<vmem>>[vector<16xi32>, vector<16xi32>, vector<16xi32>, vector<16xi32>], vector<16xf32>,
        %mul3A_1099 = arith.constant 16 : i32
        %mul3A_1100 = arith.muli %scan3A_735, %mul3A_1099 : i32
        %add3A_1101 = arith.constant 14 : i32
        %add3A_1102 = arith.addi %mul3A_1100, %add3A_1101 : i32
        %broadcast_in_dim3A_1103 = vector.broadcast %add3A_1102 : i32 to vector<16xi32>
        %add3A_1104 = arith.constant 0 : i32
        %add3A_1105 = arith.addi %add3A_1104, %add3A_1102 : i32
        %slice3A_1106 = vector.extract_strided_slice %mul3A_748 {offsets = [14], sizes = [1], strides = [1]} : vector<16xi32> to vector<1xi32>
        %squeeze3A_1107 = vector.extract %slice3A_1106[0] : i32 from vector<1xi32>
        %add3A_1108 = arith.constant 0 : i32
        %add3A_1109 = arith.addi %squeeze3A_1107, %add3A_1108 : i32
        %get3A_1110 = arith.index_cast %add3A_1105 : i32 to index
        %get3A_1111 = arith.index_cast %add3A_1109 : i32 to index
        %get3A_1112 = tpu.vector_load %arg8[%get3A_1110, %get3A_1111] {strides = array<i32>} : memref<256x128xf32, #tpu.memory_space<vmem>>, vector<16xf32>,
        %add3A_1113 = arith.constant 0 : i32
        %add3A_1114 = vector.broadcast %add3A_1113 : i32 to vector<16xi32>
        %add3A_1115 = arith.addi %select_n3A_45, %add3A_1114 : vector<16xi32>
        tpu.vector_store_idx %arg10[%add3A_1115, %broadcast_in_dim3A_171, %select_n3A_17, %broadcast_in_dim3A_1103], %get3A_1112 : memref<4x2x10x129xf32, #tpu.memory_space<vmem>>[vector<16xi32>, vector<16xi32>, vector<16xi32>, vector<16xi32>], vector<16xf32>,
        %add3A_1116 = arith.constant 16 : i32
        %add3A_1117 = arith.addi %squeeze3A_1107, %add3A_1116 : i32
        %get3A_1118 = arith.index_cast %add3A_1105 : i32 to index
        %get3A_1119 = arith.index_cast %add3A_1117 : i32 to index
        %get3A_1120 = tpu.vector_load %arg8[%get3A_1118, %get3A_1119] {strides = array<i32>} : memref<256x128xf32, #tpu.memory_space<vmem>>, vector<16xf32>,
        %add3A_1121 = arith.constant 2 : i32
        %add3A_1122 = vector.broadcast %add3A_1121 : i32 to vector<16xi32>
        %add3A_1123 = arith.addi %select_n3A_45, %add3A_1122 : vector<16xi32>
        tpu.vector_store_idx %arg10[%add3A_1123, %broadcast_in_dim3A_171, %select_n3A_17, %broadcast_in_dim3A_1103], %get3A_1120 : memref<4x2x10x129xf32, #tpu.memory_space<vmem>>[vector<16xi32>, vector<16xi32>, vector<16xi32>, vector<16xi32>], vector<16xf32>,
        %mul3A_1124 = arith.constant 16 : i32
        %mul3A_1125 = arith.muli %scan3A_735, %mul3A_1124 : i32
        %add3A_1126 = arith.constant 15 : i32
        %add3A_1127 = arith.addi %mul3A_1125, %add3A_1126 : i32
        %broadcast_in_dim3A_1128 = vector.broadcast %add3A_1127 : i32 to vector<16xi32>
        %add3A_1129 = arith.constant 0 : i32
        %add3A_1130 = arith.addi %add3A_1129, %add3A_1127 : i32
        %slice3A_1131 = vector.extract_strided_slice %mul3A_748 {offsets = [15], sizes = [1], strides = [1]} : vector<16xi32> to vector<1xi32>
        %squeeze3A_1132 = vector.extract %slice3A_1131[0] : i32 from vector<1xi32>
        %add3A_1133 = arith.constant 0 : i32
        %add3A_1134 = arith.addi %squeeze3A_1132, %add3A_1133 : i32
        %get3A_1135 = arith.index_cast %add3A_1130 : i32 to index
        %get3A_1136 = arith.index_cast %add3A_1134 : i32 to index
        %get3A_1137 = tpu.vector_load %arg8[%get3A_1135, %get3A_1136] {strides = array<i32>} : memref<256x128xf32, #tpu.memory_space<vmem>>, vector<16xf32>,
        %add3A_1138 = arith.constant 0 : i32
        %add3A_1139 = vector.broadcast %add3A_1138 : i32 to vector<16xi32>
        %add3A_1140 = arith.addi %select_n3A_45, %add3A_1139 : vector<16xi32>
        tpu.vector_store_idx %arg10[%add3A_1140, %broadcast_in_dim3A_171, %select_n3A_17, %broadcast_in_dim3A_1128], %get3A_1137 : memref<4x2x10x129xf32, #tpu.memory_space<vmem>>[vector<16xi32>, vector<16xi32>, vector<16xi32>, vector<16xi32>], vector<16xf32>,
        %add3A_1141 = arith.constant 16 : i32
        %add3A_1142 = arith.addi %squeeze3A_1132, %add3A_1141 : i32
        %get3A_1143 = arith.index_cast %add3A_1130 : i32 to index
        %get3A_1144 = arith.index_cast %add3A_1142 : i32 to index
        %get3A_1145 = tpu.vector_load %arg8[%get3A_1143, %get3A_1144] {strides = array<i32>} : memref<256x128xf32, #tpu.memory_space<vmem>>, vector<16xf32>,
        %add3A_1146 = arith.constant 2 : i32
        %add3A_1147 = vector.broadcast %add3A_1146 : i32 to vector<16xi32>
        %add3A_1148 = arith.addi %select_n3A_45, %add3A_1147 : vector<16xi32>
        tpu.vector_store_idx %arg10[%add3A_1148, %broadcast_in_dim3A_171, %select_n3A_17, %broadcast_in_dim3A_1128], %get3A_1145 : memref<4x2x10x129xf32, #tpu.memory_space<vmem>>[vector<16xi32>, vector<16xi32>, vector<16xi32>, vector<16xi32>], vector<16xf32>,
        %scan3A_1149 = arith.constant 0 : i32
        scf.yield %scan3A_1149 : i32
      }
      %scan3A_178 = arith.constant 8 : i32
      %broadcast_in_dim3A_179 = arith.constant 1 : i32
      %broadcast_in_dim3A_180 = vector.broadcast %broadcast_in_dim3A_179 : i32 to vector<16xi32>
      %scan3A_181 = arith.constant 0 : i32
      %scan3A_182 = arith.constant 0 : i32
      %scan3A_183 = arith.constant 8 : i32
      %scan3A_184 = arith.addi %scan3A_182, %scan3A_183 : i32
      %scan3A_185 = arith.constant 2 : i32
      %scan3A_186 = scf.for %scan3A_321 = %scan3A_182 to %scan3A_184 step %scan3A_185 iter_args(%scan3A_322 = %scan3A_181) -> (i32)  : i32 {
        %mul3A_323 = arith.constant 16 : i32
        %mul3A_324 = arith.muli %scan3A_321, %mul3A_323 : i32
        %add3A_325 = arith.constant 128 : i32
        %add3A_326 = arith.addi %add3A_325, %mul3A_324 : i32
        %get3A = arith.index_cast %scan3A_164 : i32 to index
        %get3A_327 = arith.index_cast %add3A_326 : i32 to index
        %get3A_328 = tpu.vector_load %arg5[%get3A, %get3A_327] {strides = array<i32>} : memref<50x512xi32, #tpu.memory_space<vmem>>, vector<16xi32>,
        %and3A_329 = arith.constant 3 : i32
        %and3A_330 = vector.broadcast %and3A_329 : i32 to vector<16xi32>
        %and3A_331 = arith.andi %get3A_328, %and3A_330 : vector<16xi32>
        %mul3A_332 = arith.constant 32 : i32
        %mul3A_333 = vector.broadcast %mul3A_332 : i32 to vector<16xi32>
        %mul3A_334 = arith.muli %and3A_331, %mul3A_333 : vector<16xi32>
        %mul3A_335 = arith.constant 16 : i32
        %mul3A_336 = arith.muli %scan3A_321, %mul3A_335 : i32
        %add3A_337 = arith.constant 0 : i32
        %add3A_338 = arith.addi %mul3A_336, %add3A_337 : i32
        %broadcast_in_dim3A_339 = vector.broadcast %add3A_338 : i32 to vector<16xi32>
        %add3A_340 = arith.constant 128 : i32
        %add3A_341 = arith.addi %add3A_340, %add3A_338 : i32
        %slice3A = vector.extract_strided_slice %mul3A_334 {offsets = [0], sizes = [1], strides = [1]} : vector<16xi32> to vector<1xi32>
        %squeeze3A = vector.extract %slice3A[0] : i32 from vector<1xi32>
        %add3A_342 = arith.constant 0 : i32
        %add3A_343 = arith.addi %squeeze3A, %add3A_342 : i32
        %get3A_344 = arith.index_cast %add3A_341 : i32 to index
        %get3A_345 = arith.index_cast %add3A_343 : i32 to index
        %get3A_346 = tpu.vector_load %arg8[%get3A_344, %get3A_345] {strides = array<i32>} : memref<256x128xf32, #tpu.memory_space<vmem>>, vector<16xf32>,
        %add3A_347 = arith.constant 0 : i32
        %add3A_348 = vector.broadcast %add3A_347 : i32 to vector<16xi32>
        %add3A_349 = arith.addi %select_n3A_45, %add3A_348 : vector<16xi32>
        tpu.vector_store_idx %arg10[%add3A_349, %broadcast_in_dim3A_180, %select_n3A_17, %broadcast_in_dim3A_339], %get3A_346 : memref<4x2x10x129xf32, #tpu.memory_space<vmem>>[vector<16xi32>, vector<16xi32>, vector<16xi32>, vector<16xi32>], vector<16xf32>,
        %add3A_350 = arith.constant 16 : i32
        %add3A_351 = arith.addi %squeeze3A, %add3A_350 : i32
        %get3A_352 = arith.index_cast %add3A_341 : i32 to index
        %get3A_353 = arith.index_cast %add3A_351 : i32 to index
        %get3A_354 = tpu.vector_load %arg8[%get3A_352, %get3A_353] {strides = array<i32>} : memref<256x128xf32, #tpu.memory_space<vmem>>, vector<16xf32>,
        %add3A_355 = arith.constant 2 : i32
        %add3A_356 = vector.broadcast %add3A_355 : i32 to vector<16xi32>
        %add3A_357 = arith.addi %select_n3A_45, %add3A_356 : vector<16xi32>
        tpu.vector_store_idx %arg10[%add3A_357, %broadcast_in_dim3A_180, %select_n3A_17, %broadcast_in_dim3A_339], %get3A_354 : memref<4x2x10x129xf32, #tpu.memory_space<vmem>>[vector<16xi32>, vector<16xi32>, vector<16xi32>, vector<16xi32>], vector<16xf32>,
        %mul3A_358 = arith.constant 16 : i32
        %mul3A_359 = arith.muli %scan3A_321, %mul3A_358 : i32
        %add3A_360 = arith.constant 1 : i32
        %add3A_361 = arith.addi %mul3A_359, %add3A_360 : i32
        %broadcast_in_dim3A_362 = vector.broadcast %add3A_361 : i32 to vector<16xi32>
        %add3A_363 = arith.constant 128 : i32
        %add3A_364 = arith.addi %add3A_363, %add3A_361 : i32
        %slice3A_365 = vector.extract_strided_slice %mul3A_334 {offsets = [1], sizes = [1], strides = [1]} : vector<16xi32> to vector<1xi32>
        %squeeze3A_366 = vector.extract %slice3A_365[0] : i32 from vector<1xi32>
        %add3A_367 = arith.constant 0 : i32
        %add3A_368 = arith.addi %squeeze3A_366, %add3A_367 : i32
        %get3A_369 = arith.index_cast %add3A_364 : i32 to index
        %get3A_370 = arith.index_cast %add3A_368 : i32 to index
        %get3A_371 = tpu.vector_load %arg8[%get3A_369, %get3A_370] {strides = array<i32>} : memref<256x128xf32, #tpu.memory_space<vmem>>, vector<16xf32>,
        %add3A_372 = arith.constant 0 : i32
        %add3A_373 = vector.broadcast %add3A_372 : i32 to vector<16xi32>
        %add3A_374 = arith.addi %select_n3A_45, %add3A_373 : vector<16xi32>
        tpu.vector_store_idx %arg10[%add3A_374, %broadcast_in_dim3A_180, %select_n3A_17, %broadcast_in_dim3A_362], %get3A_371 : memref<4x2x10x129xf32, #tpu.memory_space<vmem>>[vector<16xi32>, vector<16xi32>, vector<16xi32>, vector<16xi32>], vector<16xf32>,
        %add3A_375 = arith.constant 16 : i32
        %add3A_376 = arith.addi %squeeze3A_366, %add3A_375 : i32
        %get3A_377 = arith.index_cast %add3A_364 : i32 to index
        %get3A_378 = arith.index_cast %add3A_376 : i32 to index
        %get3A_379 = tpu.vector_load %arg8[%get3A_377, %get3A_378] {strides = array<i32>} : memref<256x128xf32, #tpu.memory_space<vmem>>, vector<16xf32>,
        %add3A_380 = arith.constant 2 : i32
        %add3A_381 = vector.broadcast %add3A_380 : i32 to vector<16xi32>
        %add3A_382 = arith.addi %select_n3A_45, %add3A_381 : vector<16xi32>
        tpu.vector_store_idx %arg10[%add3A_382, %broadcast_in_dim3A_180, %select_n3A_17, %broadcast_in_dim3A_362], %get3A_379 : memref<4x2x10x129xf32, #tpu.memory_space<vmem>>[vector<16xi32>, vector<16xi32>, vector<16xi32>, vector<16xi32>], vector<16xf32>,
        %mul3A_383 = arith.constant 16 : i32
        %mul3A_384 = arith.muli %scan3A_321, %mul3A_383 : i32
        %add3A_385 = arith.constant 2 : i32
        %add3A_386 = arith.addi %mul3A_384, %add3A_385 : i32
        %broadcast_in_dim3A_387 = vector.broadcast %add3A_386 : i32 to vector<16xi32>
        %add3A_388 = arith.constant 128 : i32
        %add3A_389 = arith.addi %add3A_388, %add3A_386 : i32
        %slice3A_390 = vector.extract_strided_slice %mul3A_334 {offsets = [2], sizes = [1], strides = [1]} : vector<16xi32> to vector<1xi32>
        %squeeze3A_391 = vector.extract %slice3A_390[0] : i32 from vector<1xi32>
        %add3A_392 = arith.constant 0 : i32
        %add3A_393 = arith.addi %squeeze3A_391, %add3A_392 : i32
        %get3A_394 = arith.index_cast %add3A_389 : i32 to index
        %get3A_395 = arith.index_cast %add3A_393 : i32 to index
        %get3A_396 = tpu.vector_load %arg8[%get3A_394, %get3A_395] {strides = array<i32>} : memref<256x128xf32, #tpu.memory_space<vmem>>, vector<16xf32>,
        %add3A_397 = arith.constant 0 : i32
        %add3A_398 = vector.broadcast %add3A_397 : i32 to vector<16xi32>
        %add3A_399 = arith.addi %select_n3A_45, %add3A_398 : vector<16xi32>
        tpu.vector_store_idx %arg10[%add3A_399, %broadcast_in_dim3A_180, %select_n3A_17, %broadcast_in_dim3A_387], %get3A_396 : memref<4x2x10x129xf32, #tpu.memory_space<vmem>>[vector<16xi32>, vector<16xi32>, vector<16xi32>, vector<16xi32>], vector<16xf32>,
        %add3A_400 = arith.constant 16 : i32
        %add3A_401 = arith.addi %squeeze3A_391, %add3A_400 : i32
        %get3A_402 = arith.index_cast %add3A_389 : i32 to index
        %get3A_403 = arith.index_cast %add3A_401 : i32 to index
        %get3A_404 = tpu.vector_load %arg8[%get3A_402, %get3A_403] {strides = array<i32>} : memref<256x128xf32, #tpu.memory_space<vmem>>, vector<16xf32>,
        %add3A_405 = arith.constant 2 : i32
        %add3A_406 = vector.broadcast %add3A_405 : i32 to vector<16xi32>
        %add3A_407 = arith.addi %select_n3A_45, %add3A_406 : vector<16xi32>
        tpu.vector_store_idx %arg10[%add3A_407, %broadcast_in_dim3A_180, %select_n3A_17, %broadcast_in_dim3A_387], %get3A_404 : memref<4x2x10x129xf32, #tpu.memory_space<vmem>>[vector<16xi32>, vector<16xi32>, vector<16xi32>, vector<16xi32>], vector<16xf32>,
        %mul3A_408 = arith.constant 16 : i32
        %mul3A_409 = arith.muli %scan3A_321, %mul3A_408 : i32
        %add3A_410 = arith.constant 3 : i32
        %add3A_411 = arith.addi %mul3A_409, %add3A_410 : i32
        %broadcast_in_dim3A_412 = vector.broadcast %add3A_411 : i32 to vector<16xi32>
        %add3A_413 = arith.constant 128 : i32
        %add3A_414 = arith.addi %add3A_413, %add3A_411 : i32
        %slice3A_415 = vector.extract_strided_slice %mul3A_334 {offsets = [3], sizes = [1], strides = [1]} : vector<16xi32> to vector<1xi32>
        %squeeze3A_416 = vector.extract %slice3A_415[0] : i32 from vector<1xi32>
        %add3A_417 = arith.constant 0 : i32
        %add3A_418 = arith.addi %squeeze3A_416, %add3A_417 : i32
        %get3A_419 = arith.index_cast %add3A_414 : i32 to index
        %get3A_420 = arith.index_cast %add3A_418 : i32 to index
        %get3A_421 = tpu.vector_load %arg8[%get3A_419, %get3A_420] {strides = array<i32>} : memref<256x128xf32, #tpu.memory_space<vmem>>, vector<16xf32>,
        %add3A_422 = arith.constant 0 : i32
        %add3A_423 = vector.broadcast %add3A_422 : i32 to vector<16xi32>
        %add3A_424 = arith.addi %select_n3A_45, %add3A_423 : vector<16xi32>
        tpu.vector_store_idx %arg10[%add3A_424, %broadcast_in_dim3A_180, %select_n3A_17, %broadcast_in_dim3A_412], %get3A_421 : memref<4x2x10x129xf32, #tpu.memory_space<vmem>>[vector<16xi32>, vector<16xi32>, vector<16xi32>, vector<16xi32>], vector<16xf32>,
        %add3A_425 = arith.constant 16 : i32
        %add3A_426 = arith.addi %squeeze3A_416, %add3A_425 : i32
        %get3A_427 = arith.index_cast %add3A_414 : i32 to index
        %get3A_428 = arith.index_cast %add3A_426 : i32 to index
        %get3A_429 = tpu.vector_load %arg8[%get3A_427, %get3A_428] {strides = array<i32>} : memref<256x128xf32, #tpu.memory_space<vmem>>, vector<16xf32>,
        %add3A_430 = arith.constant 2 : i32
        %add3A_431 = vector.broadcast %add3A_430 : i32 to vector<16xi32>
        %add3A_432 = arith.addi %select_n3A_45, %add3A_431 : vector<16xi32>
        tpu.vector_store_idx %arg10[%add3A_432, %broadcast_in_dim3A_180, %select_n3A_17, %broadcast_in_dim3A_412], %get3A_429 : memref<4x2x10x129xf32, #tpu.memory_space<vmem>>[vector<16xi32>, vector<16xi32>, vector<16xi32>, vector<16xi32>], vector<16xf32>,
        %mul3A_433 = arith.constant 16 : i32
        %mul3A_434 = arith.muli %scan3A_321, %mul3A_433 : i32
        %add3A_435 = arith.constant 4 : i32
        %add3A_436 = arith.addi %mul3A_434, %add3A_435 : i32
        %broadcast_in_dim3A_437 = vector.broadcast %add3A_436 : i32 to vector<16xi32>
        %add3A_438 = arith.constant 128 : i32
        %add3A_439 = arith.addi %add3A_438, %add3A_436 : i32
        %slice3A_440 = vector.extract_strided_slice %mul3A_334 {offsets = [4], sizes = [1], strides = [1]} : vector<16xi32> to vector<1xi32>
        %squeeze3A_441 = vector.extract %slice3A_440[0] : i32 from vector<1xi32>
        %add3A_442 = arith.constant 0 : i32
        %add3A_443 = arith.addi %squeeze3A_441, %add3A_442 : i32
        %get3A_444 = arith.index_cast %add3A_439 : i32 to index
        %get3A_445 = arith.index_cast %add3A_443 : i32 to index
        %get3A_446 = tpu.vector_load %arg8[%get3A_444, %get3A_445] {strides = array<i32>} : memref<256x128xf32, #tpu.memory_space<vmem>>, vector<16xf32>,
        %add3A_447 = arith.constant 0 : i32
        %add3A_448 = vector.broadcast %add3A_447 : i32 to vector<16xi32>
        %add3A_449 = arith.addi %select_n3A_45, %add3A_448 : vector<16xi32>
        tpu.vector_store_idx %arg10[%add3A_449, %broadcast_in_dim3A_180, %select_n3A_17, %broadcast_in_dim3A_437], %get3A_446 : memref<4x2x10x129xf32, #tpu.memory_space<vmem>>[vector<16xi32>, vector<16xi32>, vector<16xi32>, vector<16xi32>], vector<16xf32>,
        %add3A_450 = arith.constant 16 : i32
        %add3A_451 = arith.addi %squeeze3A_441, %add3A_450 : i32
        %get3A_452 = arith.index_cast %add3A_439 : i32 to index
        %get3A_453 = arith.index_cast %add3A_451 : i32 to index
        %get3A_454 = tpu.vector_load %arg8[%get3A_452, %get3A_453] {strides = array<i32>} : memref<256x128xf32, #tpu.memory_space<vmem>>, vector<16xf32>,
        %add3A_455 = arith.constant 2 : i32
        %add3A_456 = vector.broadcast %add3A_455 : i32 to vector<16xi32>
        %add3A_457 = arith.addi %select_n3A_45, %add3A_456 : vector<16xi32>
        tpu.vector_store_idx %arg10[%add3A_457, %broadcast_in_dim3A_180, %select_n3A_17, %broadcast_in_dim3A_437], %get3A_454 : memref<4x2x10x129xf32, #tpu.memory_space<vmem>>[vector<16xi32>, vector<16xi32>, vector<16xi32>, vector<16xi32>], vector<16xf32>,
        %mul3A_458 = arith.constant 16 : i32
        %mul3A_459 = arith.muli %scan3A_321, %mul3A_458 : i32
        %add3A_460 = arith.constant 5 : i32
        %add3A_461 = arith.addi %mul3A_459, %add3A_460 : i32
        %broadcast_in_dim3A_462 = vector.broadcast %add3A_461 : i32 to vector<16xi32>
        %add3A_463 = arith.constant 128 : i32
        %add3A_464 = arith.addi %add3A_463, %add3A_461 : i32
        %slice3A_465 = vector.extract_strided_slice %mul3A_334 {offsets = [5], sizes = [1], strides = [1]} : vector<16xi32> to vector<1xi32>
        %squeeze3A_466 = vector.extract %slice3A_465[0] : i32 from vector<1xi32>
        %add3A_467 = arith.constant 0 : i32
        %add3A_468 = arith.addi %squeeze3A_466, %add3A_467 : i32
        %get3A_469 = arith.index_cast %add3A_464 : i32 to index
        %get3A_470 = arith.index_cast %add3A_468 : i32 to index
        %get3A_471 = tpu.vector_load %arg8[%get3A_469, %get3A_470] {strides = array<i32>} : memref<256x128xf32, #tpu.memory_space<vmem>>, vector<16xf32>,
        %add3A_472 = arith.constant 0 : i32
        %add3A_473 = vector.broadcast %add3A_472 : i32 to vector<16xi32>
        %add3A_474 = arith.addi %select_n3A_45, %add3A_473 : vector<16xi32>
        tpu.vector_store_idx %arg10[%add3A_474, %broadcast_in_dim3A_180, %select_n3A_17, %broadcast_in_dim3A_462], %get3A_471 : memref<4x2x10x129xf32, #tpu.memory_space<vmem>>[vector<16xi32>, vector<16xi32>, vector<16xi32>, vector<16xi32>], vector<16xf32>,
        %add3A_475 = arith.constant 16 : i32
        %add3A_476 = arith.addi %squeeze3A_466, %add3A_475 : i32
        %get3A_477 = arith.index_cast %add3A_464 : i32 to index
        %get3A_478 = arith.index_cast %add3A_476 : i32 to index
        %get3A_479 = tpu.vector_load %arg8[%get3A_477, %get3A_478] {strides = array<i32>} : memref<256x128xf32, #tpu.memory_space<vmem>>, vector<16xf32>,
        %add3A_480 = arith.constant 2 : i32
        %add3A_481 = vector.broadcast %add3A_480 : i32 to vector<16xi32>
        %add3A_482 = arith.addi %select_n3A_45, %add3A_481 : vector<16xi32>
        tpu.vector_store_idx %arg10[%add3A_482, %broadcast_in_dim3A_180, %select_n3A_17, %broadcast_in_dim3A_462], %get3A_479 : memref<4x2x10x129xf32, #tpu.memory_space<vmem>>[vector<16xi32>, vector<16xi32>, vector<16xi32>, vector<16xi32>], vector<16xf32>,
        %mul3A_483 = arith.constant 16 : i32
        %mul3A_484 = arith.muli %scan3A_321, %mul3A_483 : i32
        %add3A_485 = arith.constant 6 : i32
        %add3A_486 = arith.addi %mul3A_484, %add3A_485 : i32
        %broadcast_in_dim3A_487 = vector.broadcast %add3A_486 : i32 to vector<16xi32>
        %add3A_488 = arith.constant 128 : i32
        %add3A_489 = arith.addi %add3A_488, %add3A_486 : i32
        %slice3A_490 = vector.extract_strided_slice %mul3A_334 {offsets = [6], sizes = [1], strides = [1]} : vector<16xi32> to vector<1xi32>
        %squeeze3A_491 = vector.extract %slice3A_490[0] : i32 from vector<1xi32>
        %add3A_492 = arith.constant 0 : i32
        %add3A_493 = arith.addi %squeeze3A_491, %add3A_492 : i32
        %get3A_494 = arith.index_cast %add3A_489 : i32 to index
        %get3A_495 = arith.index_cast %add3A_493 : i32 to index
        %get3A_496 = tpu.vector_load %arg8[%get3A_494, %get3A_495] {strides = array<i32>} : memref<256x128xf32, #tpu.memory_space<vmem>>, vector<16xf32>,
        %add3A_497 = arith.constant 0 : i32
        %add3A_498 = vector.broadcast %add3A_497 : i32 to vector<16xi32>
        %add3A_499 = arith.addi %select_n3A_45, %add3A_498 : vector<16xi32>
        tpu.vector_store_idx %arg10[%add3A_499, %broadcast_in_dim3A_180, %select_n3A_17, %broadcast_in_dim3A_487], %get3A_496 : memref<4x2x10x129xf32, #tpu.memory_space<vmem>>[vector<16xi32>, vector<16xi32>, vector<16xi32>, vector<16xi32>], vector<16xf32>,
        %add3A_500 = arith.constant 16 : i32
        %add3A_501 = arith.addi %squeeze3A_491, %add3A_500 : i32
        %get3A_502 = arith.index_cast %add3A_489 : i32 to index
        %get3A_503 = arith.index_cast %add3A_501 : i32 to index
        %get3A_504 = tpu.vector_load %arg8[%get3A_502, %get3A_503] {strides = array<i32>} : memref<256x128xf32, #tpu.memory_space<vmem>>, vector<16xf32>,
        %add3A_505 = arith.constant 2 : i32
        %add3A_506 = vector.broadcast %add3A_505 : i32 to vector<16xi32>
        %add3A_507 = arith.addi %select_n3A_45, %add3A_506 : vector<16xi32>
        tpu.vector_store_idx %arg10[%add3A_507, %broadcast_in_dim3A_180, %select_n3A_17, %broadcast_in_dim3A_487], %get3A_504 : memref<4x2x10x129xf32, #tpu.memory_space<vmem>>[vector<16xi32>, vector<16xi32>, vector<16xi32>, vector<16xi32>], vector<16xf32>,
        %mul3A_508 = arith.constant 16 : i32
        %mul3A_509 = arith.muli %scan3A_321, %mul3A_508 : i32
        %add3A_510 = arith.constant 7 : i32
        %add3A_511 = arith.addi %mul3A_509, %add3A_510 : i32
        %broadcast_in_dim3A_512 = vector.broadcast %add3A_511 : i32 to vector<16xi32>
        %add3A_513 = arith.constant 128 : i32
        %add3A_514 = arith.addi %add3A_513, %add3A_511 : i32
        %slice3A_515 = vector.extract_strided_slice %mul3A_334 {offsets = [7], sizes = [1], strides = [1]} : vector<16xi32> to vector<1xi32>
        %squeeze3A_516 = vector.extract %slice3A_515[0] : i32 from vector<1xi32>
        %add3A_517 = arith.constant 0 : i32
        %add3A_518 = arith.addi %squeeze3A_516, %add3A_517 : i32
        %get3A_519 = arith.index_cast %add3A_514 : i32 to index
        %get3A_520 = arith.index_cast %add3A_518 : i32 to index
        %get3A_521 = tpu.vector_load %arg8[%get3A_519, %get3A_520] {strides = array<i32>} : memref<256x128xf32, #tpu.memory_space<vmem>>, vector<16xf32>,
        %add3A_522 = arith.constant 0 : i32
        %add3A_523 = vector.broadcast %add3A_522 : i32 to vector<16xi32>
        %add3A_524 = arith.addi %select_n3A_45, %add3A_523 : vector<16xi32>
        tpu.vector_store_idx %arg10[%add3A_524, %broadcast_in_dim3A_180, %select_n3A_17, %broadcast_in_dim3A_512], %get3A_521 : memref<4x2x10x129xf32, #tpu.memory_space<vmem>>[vector<16xi32>, vector<16xi32>, vector<16xi32>, vector<16xi32>], vector<16xf32>,
        %add3A_525 = arith.constant 16 : i32
        %add3A_526 = arith.addi %squeeze3A_516, %add3A_525 : i32
        %get3A_527 = arith.index_cast %add3A_514 : i32 to index
        %get3A_528 = arith.index_cast %add3A_526 : i32 to index
        %get3A_529 = tpu.vector_load %arg8[%get3A_527, %get3A_528] {strides = array<i32>} : memref<256x128xf32, #tpu.memory_space<vmem>>, vector<16xf32>,
        %add3A_530 = arith.constant 2 : i32
        %add3A_531 = vector.broadcast %add3A_530 : i32 to vector<16xi32>
        %add3A_532 = arith.addi %select_n3A_45, %add3A_531 : vector<16xi32>
        tpu.vector_store_idx %arg10[%add3A_532, %broadcast_in_dim3A_180, %select_n3A_17, %broadcast_in_dim3A_512], %get3A_529 : memref<4x2x10x129xf32, #tpu.memory_space<vmem>>[vector<16xi32>, vector<16xi32>, vector<16xi32>, vector<16xi32>], vector<16xf32>,
        %mul3A_533 = arith.constant 16 : i32
        %mul3A_534 = arith.muli %scan3A_321, %mul3A_533 : i32
        %add3A_535 = arith.constant 8 : i32
        %add3A_536 = arith.addi %mul3A_534, %add3A_535 : i32
        %broadcast_in_dim3A_537 = vector.broadcast %add3A_536 : i32 to vector<16xi32>
        %add3A_538 = arith.constant 128 : i32
        %add3A_539 = arith.addi %add3A_538, %add3A_536 : i32
        %slice3A_540 = vector.extract_strided_slice %mul3A_334 {offsets = [8], sizes = [1], strides = [1]} : vector<16xi32> to vector<1xi32>
        %squeeze3A_541 = vector.extract %slice3A_540[0] : i32 from vector<1xi32>
        %add3A_542 = arith.constant 0 : i32
        %add3A_543 = arith.addi %squeeze3A_541, %add3A_542 : i32
        %get3A_544 = arith.index_cast %add3A_539 : i32 to index
        %get3A_545 = arith.index_cast %add3A_543 : i32 to index
        %get3A_546 = tpu.vector_load %arg8[%get3A_544, %get3A_545] {strides = array<i32>} : memref<256x128xf32, #tpu.memory_space<vmem>>, vector<16xf32>,
        %add3A_547 = arith.constant 0 : i32
        %add3A_548 = vector.broadcast %add3A_547 : i32 to vector<16xi32>
        %add3A_549 = arith.addi %select_n3A_45, %add3A_548 : vector<16xi32>
        tpu.vector_store_idx %arg10[%add3A_549, %broadcast_in_dim3A_180, %select_n3A_17, %broadcast_in_dim3A_537], %get3A_546 : memref<4x2x10x129xf32, #tpu.memory_space<vmem>>[vector<16xi32>, vector<16xi32>, vector<16xi32>, vector<16xi32>], vector<16xf32>,
        %add3A_550 = arith.constant 16 : i32
        %add3A_551 = arith.addi %squeeze3A_541, %add3A_550 : i32
        %get3A_552 = arith.index_cast %add3A_539 : i32 to index
        %get3A_553 = arith.index_cast %add3A_551 : i32 to index
        %get3A_554 = tpu.vector_load %arg8[%get3A_552, %get3A_553] {strides = array<i32>} : memref<256x128xf32, #tpu.memory_space<vmem>>, vector<16xf32>,
        %add3A_555 = arith.constant 2 : i32
        %add3A_556 = vector.broadcast %add3A_555 : i32 to vector<16xi32>
        %add3A_557 = arith.addi %select_n3A_45, %add3A_556 : vector<16xi32>
        tpu.vector_store_idx %arg10[%add3A_557, %broadcast_in_dim3A_180, %select_n3A_17, %broadcast_in_dim3A_537], %get3A_554 : memref<4x2x10x129xf32, #tpu.memory_space<vmem>>[vector<16xi32>, vector<16xi32>, vector<16xi32>, vector<16xi32>], vector<16xf32>,
        %mul3A_558 = arith.constant 16 : i32
        %mul3A_559 = arith.muli %scan3A_321, %mul3A_558 : i32
        %add3A_560 = arith.constant 9 : i32
        %add3A_561 = arith.addi %mul3A_559, %add3A_560 : i32
        %broadcast_in_dim3A_562 = vector.broadcast %add3A_561 : i32 to vector<16xi32>
        %add3A_563 = arith.constant 128 : i32
        %add3A_564 = arith.addi %add3A_563, %add3A_561 : i32
        %slice3A_565 = vector.extract_strided_slice %mul3A_334 {offsets = [9], sizes = [1], strides = [1]} : vector<16xi32> to vector<1xi32>
        %squeeze3A_566 = vector.extract %slice3A_565[0] : i32 from vector<1xi32>
        %add3A_567 = arith.constant 0 : i32
        %add3A_568 = arith.addi %squeeze3A_566, %add3A_567 : i32
        %get3A_569 = arith.index_cast %add3A_564 : i32 to index
        %get3A_570 = arith.index_cast %add3A_568 : i32 to index
        %get3A_571 = tpu.vector_load %arg8[%get3A_569, %get3A_570] {strides = array<i32>} : memref<256x128xf32, #tpu.memory_space<vmem>>, vector<16xf32>,
        %add3A_572 = arith.constant 0 : i32
        %add3A_573 = vector.broadcast %add3A_572 : i32 to vector<16xi32>
        %add3A_574 = arith.addi %select_n3A_45, %add3A_573 : vector<16xi32>
        tpu.vector_store_idx %arg10[%add3A_574, %broadcast_in_dim3A_180, %select_n3A_17, %broadcast_in_dim3A_562], %get3A_571 : memref<4x2x10x129xf32, #tpu.memory_space<vmem>>[vector<16xi32>, vector<16xi32>, vector<16xi32>, vector<16xi32>], vector<16xf32>,
        %add3A_575 = arith.constant 16 : i32
        %add3A_576 = arith.addi %squeeze3A_566, %add3A_575 : i32
        %get3A_577 = arith.index_cast %add3A_564 : i32 to index
        %get3A_578 = arith.index_cast %add3A_576 : i32 to index
        %get3A_579 = tpu.vector_load %arg8[%get3A_577, %get3A_578] {strides = array<i32>} : memref<256x128xf32, #tpu.memory_space<vmem>>, vector<16xf32>,
        %add3A_580 = arith.constant 2 : i32
        %add3A_581 = vector.broadcast %add3A_580 : i32 to vector<16xi32>
        %add3A_582 = arith.addi %select_n3A_45, %add3A_581 : vector<16xi32>
        tpu.vector_store_idx %arg10[%add3A_582, %broadcast_in_dim3A_180, %select_n3A_17, %broadcast_in_dim3A_562], %get3A_579 : memref<4x2x10x129xf32, #tpu.memory_space<vmem>>[vector<16xi32>, vector<16xi32>, vector<16xi32>, vector<16xi32>], vector<16xf32>,
        %mul3A_583 = arith.constant 16 : i32
        %mul3A_584 = arith.muli %scan3A_321, %mul3A_583 : i32
        %add3A_585 = arith.constant 10 : i32
        %add3A_586 = arith.addi %mul3A_584, %add3A_585 : i32
        %broadcast_in_dim3A_587 = vector.broadcast %add3A_586 : i32 to vector<16xi32>
        %add3A_588 = arith.constant 128 : i32
        %add3A_589 = arith.addi %add3A_588, %add3A_586 : i32
        %slice3A_590 = vector.extract_strided_slice %mul3A_334 {offsets = [10], sizes = [1], strides = [1]} : vector<16xi32> to vector<1xi32>
        %squeeze3A_591 = vector.extract %slice3A_590[0] : i32 from vector<1xi32>
        %add3A_592 = arith.constant 0 : i32
        %add3A_593 = arith.addi %squeeze3A_591, %add3A_592 : i32
        %get3A_594 = arith.index_cast %add3A_589 : i32 to index
        %get3A_595 = arith.index_cast %add3A_593 : i32 to index
        %get3A_596 = tpu.vector_load %arg8[%get3A_594, %get3A_595] {strides = array<i32>} : memref<256x128xf32, #tpu.memory_space<vmem>>, vector<16xf32>,
        %add3A_597 = arith.constant 0 : i32
        %add3A_598 = vector.broadcast %add3A_597 : i32 to vector<16xi32>
        %add3A_599 = arith.addi %select_n3A_45, %add3A_598 : vector<16xi32>
        tpu.vector_store_idx %arg10[%add3A_599, %broadcast_in_dim3A_180, %select_n3A_17, %broadcast_in_dim3A_587], %get3A_596 : memref<4x2x10x129xf32, #tpu.memory_space<vmem>>[vector<16xi32>, vector<16xi32>, vector<16xi32>, vector<16xi32>], vector<16xf32>,
        %add3A_600 = arith.constant 16 : i32
        %add3A_601 = arith.addi %squeeze3A_591, %add3A_600 : i32
        %get3A_602 = arith.index_cast %add3A_589 : i32 to index
        %get3A_603 = arith.index_cast %add3A_601 : i32 to index
        %get3A_604 = tpu.vector_load %arg8[%get3A_602, %get3A_603] {strides = array<i32>} : memref<256x128xf32, #tpu.memory_space<vmem>>, vector<16xf32>,
        %add3A_605 = arith.constant 2 : i32
        %add3A_606 = vector.broadcast %add3A_605 : i32 to vector<16xi32>
        %add3A_607 = arith.addi %select_n3A_45, %add3A_606 : vector<16xi32>
        tpu.vector_store_idx %arg10[%add3A_607, %broadcast_in_dim3A_180, %select_n3A_17, %broadcast_in_dim3A_587], %get3A_604 : memref<4x2x10x129xf32, #tpu.memory_space<vmem>>[vector<16xi32>, vector<16xi32>, vector<16xi32>, vector<16xi32>], vector<16xf32>,
        %mul3A_608 = arith.constant 16 : i32
        %mul3A_609 = arith.muli %scan3A_321, %mul3A_608 : i32
        %add3A_610 = arith.constant 11 : i32
        %add3A_611 = arith.addi %mul3A_609, %add3A_610 : i32
        %broadcast_in_dim3A_612 = vector.broadcast %add3A_611 : i32 to vector<16xi32>
        %add3A_613 = arith.constant 128 : i32
        %add3A_614 = arith.addi %add3A_613, %add3A_611 : i32
        %slice3A_615 = vector.extract_strided_slice %mul3A_334 {offsets = [11], sizes = [1], strides = [1]} : vector<16xi32> to vector<1xi32>
        %squeeze3A_616 = vector.extract %slice3A_615[0] : i32 from vector<1xi32>
        %add3A_617 = arith.constant 0 : i32
        %add3A_618 = arith.addi %squeeze3A_616, %add3A_617 : i32
        %get3A_619 = arith.index_cast %add3A_614 : i32 to index
        %get3A_620 = arith.index_cast %add3A_618 : i32 to index
        %get3A_621 = tpu.vector_load %arg8[%get3A_619, %get3A_620] {strides = array<i32>} : memref<256x128xf32, #tpu.memory_space<vmem>>, vector<16xf32>,
        %add3A_622 = arith.constant 0 : i32
        %add3A_623 = vector.broadcast %add3A_622 : i32 to vector<16xi32>
        %add3A_624 = arith.addi %select_n3A_45, %add3A_623 : vector<16xi32>
        tpu.vector_store_idx %arg10[%add3A_624, %broadcast_in_dim3A_180, %select_n3A_17, %broadcast_in_dim3A_612], %get3A_621 : memref<4x2x10x129xf32, #tpu.memory_space<vmem>>[vector<16xi32>, vector<16xi32>, vector<16xi32>, vector<16xi32>], vector<16xf32>,
        %add3A_625 = arith.constant 16 : i32
        %add3A_626 = arith.addi %squeeze3A_616, %add3A_625 : i32
        %get3A_627 = arith.index_cast %add3A_614 : i32 to index
        %get3A_628 = arith.index_cast %add3A_626 : i32 to index
        %get3A_629 = tpu.vector_load %arg8[%get3A_627, %get3A_628] {strides = array<i32>} : memref<256x128xf32, #tpu.memory_space<vmem>>, vector<16xf32>,
        %add3A_630 = arith.constant 2 : i32
        %add3A_631 = vector.broadcast %add3A_630 : i32 to vector<16xi32>
        %add3A_632 = arith.addi %select_n3A_45, %add3A_631 : vector<16xi32>
        tpu.vector_store_idx %arg10[%add3A_632, %broadcast_in_dim3A_180, %select_n3A_17, %broadcast_in_dim3A_612], %get3A_629 : memref<4x2x10x129xf32, #tpu.memory_space<vmem>>[vector<16xi32>, vector<16xi32>, vector<16xi32>, vector<16xi32>], vector<16xf32>,
        %mul3A_633 = arith.constant 16 : i32
        %mul3A_634 = arith.muli %scan3A_321, %mul3A_633 : i32
        %add3A_635 = arith.constant 12 : i32
        %add3A_636 = arith.addi %mul3A_634, %add3A_635 : i32
        %broadcast_in_dim3A_637 = vector.broadcast %add3A_636 : i32 to vector<16xi32>
        %add3A_638 = arith.constant 128 : i32
        %add3A_639 = arith.addi %add3A_638, %add3A_636 : i32
        %slice3A_640 = vector.extract_strided_slice %mul3A_334 {offsets = [12], sizes = [1], strides = [1]} : vector<16xi32> to vector<1xi32>
        %squeeze3A_641 = vector.extract %slice3A_640[0] : i32 from vector<1xi32>
        %add3A_642 = arith.constant 0 : i32
        %add3A_643 = arith.addi %squeeze3A_641, %add3A_642 : i32
        %get3A_644 = arith.index_cast %add3A_639 : i32 to index
        %get3A_645 = arith.index_cast %add3A_643 : i32 to index
        %get3A_646 = tpu.vector_load %arg8[%get3A_644, %get3A_645] {strides = array<i32>} : memref<256x128xf32, #tpu.memory_space<vmem>>, vector<16xf32>,
        %add3A_647 = arith.constant 0 : i32
        %add3A_648 = vector.broadcast %add3A_647 : i32 to vector<16xi32>
        %add3A_649 = arith.addi %select_n3A_45, %add3A_648 : vector<16xi32>
        tpu.vector_store_idx %arg10[%add3A_649, %broadcast_in_dim3A_180, %select_n3A_17, %broadcast_in_dim3A_637], %get3A_646 : memref<4x2x10x129xf32, #tpu.memory_space<vmem>>[vector<16xi32>, vector<16xi32>, vector<16xi32>, vector<16xi32>], vector<16xf32>,
        %add3A_650 = arith.constant 16 : i32
        %add3A_651 = arith.addi %squeeze3A_641, %add3A_650 : i32
        %get3A_652 = arith.index_cast %add3A_639 : i32 to index
        %get3A_653 = arith.index_cast %add3A_651 : i32 to index
        %get3A_654 = tpu.vector_load %arg8[%get3A_652, %get3A_653] {strides = array<i32>} : memref<256x128xf32, #tpu.memory_space<vmem>>, vector<16xf32>,
        %add3A_655 = arith.constant 2 : i32
        %add3A_656 = vector.broadcast %add3A_655 : i32 to vector<16xi32>
        %add3A_657 = arith.addi %select_n3A_45, %add3A_656 : vector<16xi32>
        tpu.vector_store_idx %arg10[%add3A_657, %broadcast_in_dim3A_180, %select_n3A_17, %broadcast_in_dim3A_637], %get3A_654 : memref<4x2x10x129xf32, #tpu.memory_space<vmem>>[vector<16xi32>, vector<16xi32>, vector<16xi32>, vector<16xi32>], vector<16xf32>,
        %mul3A_658 = arith.constant 16 : i32
        %mul3A_659 = arith.muli %scan3A_321, %mul3A_658 : i32
        %add3A_660 = arith.constant 13 : i32
        %add3A_661 = arith.addi %mul3A_659, %add3A_660 : i32
        %broadcast_in_dim3A_662 = vector.broadcast %add3A_661 : i32 to vector<16xi32>
        %add3A_663 = arith.constant 128 : i32
        %add3A_664 = arith.addi %add3A_663, %add3A_661 : i32
        %slice3A_665 = vector.extract_strided_slice %mul3A_334 {offsets = [13], sizes = [1], strides = [1]} : vector<16xi32> to vector<1xi32>
        %squeeze3A_666 = vector.extract %slice3A_665[0] : i32 from vector<1xi32>
        %add3A_667 = arith.constant 0 : i32
        %add3A_668 = arith.addi %squeeze3A_666, %add3A_667 : i32
        %get3A_669 = arith.index_cast %add3A_664 : i32 to index
        %get3A_670 = arith.index_cast %add3A_668 : i32 to index
        %get3A_671 = tpu.vector_load %arg8[%get3A_669, %get3A_670] {strides = array<i32>} : memref<256x128xf32, #tpu.memory_space<vmem>>, vector<16xf32>,
        %add3A_672 = arith.constant 0 : i32
        %add3A_673 = vector.broadcast %add3A_672 : i32 to vector<16xi32>
        %add3A_674 = arith.addi %select_n3A_45, %add3A_673 : vector<16xi32>
        tpu.vector_store_idx %arg10[%add3A_674, %broadcast_in_dim3A_180, %select_n3A_17, %broadcast_in_dim3A_662], %get3A_671 : memref<4x2x10x129xf32, #tpu.memory_space<vmem>>[vector<16xi32>, vector<16xi32>, vector<16xi32>, vector<16xi32>], vector<16xf32>,
        %add3A_675 = arith.constant 16 : i32
        %add3A_676 = arith.addi %squeeze3A_666, %add3A_675 : i32
        %get3A_677 = arith.index_cast %add3A_664 : i32 to index
        %get3A_678 = arith.index_cast %add3A_676 : i32 to index
        %get3A_679 = tpu.vector_load %arg8[%get3A_677, %get3A_678] {strides = array<i32>} : memref<256x128xf32, #tpu.memory_space<vmem>>, vector<16xf32>,
        %add3A_680 = arith.constant 2 : i32
        %add3A_681 = vector.broadcast %add3A_680 : i32 to vector<16xi32>
        %add3A_682 = arith.addi %select_n3A_45, %add3A_681 : vector<16xi32>
        tpu.vector_store_idx %arg10[%add3A_682, %broadcast_in_dim3A_180, %select_n3A_17, %broadcast_in_dim3A_662], %get3A_679 : memref<4x2x10x129xf32, #tpu.memory_space<vmem>>[vector<16xi32>, vector<16xi32>, vector<16xi32>, vector<16xi32>], vector<16xf32>,
        %mul3A_683 = arith.constant 16 : i32
        %mul3A_684 = arith.muli %scan3A_321, %mul3A_683 : i32
        %add3A_685 = arith.constant 14 : i32
        %add3A_686 = arith.addi %mul3A_684, %add3A_685 : i32
        %broadcast_in_dim3A_687 = vector.broadcast %add3A_686 : i32 to vector<16xi32>
        %add3A_688 = arith.constant 128 : i32
        %add3A_689 = arith.addi %add3A_688, %add3A_686 : i32
        %slice3A_690 = vector.extract_strided_slice %mul3A_334 {offsets = [14], sizes = [1], strides = [1]} : vector<16xi32> to vector<1xi32>
        %squeeze3A_691 = vector.extract %slice3A_690[0] : i32 from vector<1xi32>
        %add3A_692 = arith.constant 0 : i32
        %add3A_693 = arith.addi %squeeze3A_691, %add3A_692 : i32
        %get3A_694 = arith.index_cast %add3A_689 : i32 to index
        %get3A_695 = arith.index_cast %add3A_693 : i32 to index
        %get3A_696 = tpu.vector_load %arg8[%get3A_694, %get3A_695] {strides = array<i32>} : memref<256x128xf32, #tpu.memory_space<vmem>>, vector<16xf32>,
        %add3A_697 = arith.constant 0 : i32
        %add3A_698 = vector.broadcast %add3A_697 : i32 to vector<16xi32>
        %add3A_699 = arith.addi %select_n3A_45, %add3A_698 : vector<16xi32>
        tpu.vector_store_idx %arg10[%add3A_699, %broadcast_in_dim3A_180, %select_n3A_17, %broadcast_in_dim3A_687], %get3A_696 : memref<4x2x10x129xf32, #tpu.memory_space<vmem>>[vector<16xi32>, vector<16xi32>, vector<16xi32>, vector<16xi32>], vector<16xf32>,
        %add3A_700 = arith.constant 16 : i32
        %add3A_701 = arith.addi %squeeze3A_691, %add3A_700 : i32
        %get3A_702 = arith.index_cast %add3A_689 : i32 to index
        %get3A_703 = arith.index_cast %add3A_701 : i32 to index
        %get3A_704 = tpu.vector_load %arg8[%get3A_702, %get3A_703] {strides = array<i32>} : memref<256x128xf32, #tpu.memory_space<vmem>>, vector<16xf32>,
        %add3A_705 = arith.constant 2 : i32
        %add3A_706 = vector.broadcast %add3A_705 : i32 to vector<16xi32>
        %add3A_707 = arith.addi %select_n3A_45, %add3A_706 : vector<16xi32>
        tpu.vector_store_idx %arg10[%add3A_707, %broadcast_in_dim3A_180, %select_n3A_17, %broadcast_in_dim3A_687], %get3A_704 : memref<4x2x10x129xf32, #tpu.memory_space<vmem>>[vector<16xi32>, vector<16xi32>, vector<16xi32>, vector<16xi32>], vector<16xf32>,
        %mul3A_708 = arith.constant 16 : i32
        %mul3A_709 = arith.muli %scan3A_321, %mul3A_708 : i32
        %add3A_710 = arith.constant 15 : i32
        %add3A_711 = arith.addi %mul3A_709, %add3A_710 : i32
        %broadcast_in_dim3A_712 = vector.broadcast %add3A_711 : i32 to vector<16xi32>
        %add3A_713 = arith.constant 128 : i32
        %add3A_714 = arith.addi %add3A_713, %add3A_711 : i32
        %slice3A_715 = vector.extract_strided_slice %mul3A_334 {offsets = [15], sizes = [1], strides = [1]} : vector<16xi32> to vector<1xi32>
        %squeeze3A_716 = vector.extract %slice3A_715[0] : i32 from vector<1xi32>
        %add3A_717 = arith.constant 0 : i32
        %add3A_718 = arith.addi %squeeze3A_716, %add3A_717 : i32
        %get3A_719 = arith.index_cast %add3A_714 : i32 to index
        %get3A_720 = arith.index_cast %add3A_718 : i32 to index
        %get3A_721 = tpu.vector_load %arg8[%get3A_719, %get3A_720] {strides = array<i32>} : memref<256x128xf32, #tpu.memory_space<vmem>>, vector<16xf32>,
        %add3A_722 = arith.constant 0 : i32
        %add3A_723 = vector.broadcast %add3A_722 : i32 to vector<16xi32>
        %add3A_724 = arith.addi %select_n3A_45, %add3A_723 : vector<16xi32>
        tpu.vector_store_idx %arg10[%add3A_724, %broadcast_in_dim3A_180, %select_n3A_17, %broadcast_in_dim3A_712], %get3A_721 : memref<4x2x10x129xf32, #tpu.memory_space<vmem>>[vector<16xi32>, vector<16xi32>, vector<16xi32>, vector<16xi32>], vector<16xf32>,
        %add3A_725 = arith.constant 16 : i32
        %add3A_726 = arith.addi %squeeze3A_716, %add3A_725 : i32
        %get3A_727 = arith.index_cast %add3A_714 : i32 to index
        %get3A_728 = arith.index_cast %add3A_726 : i32 to index
        %get3A_729 = tpu.vector_load %arg8[%get3A_727, %get3A_728] {strides = array<i32>} : memref<256x128xf32, #tpu.memory_space<vmem>>, vector<16xf32>,
        %add3A_730 = arith.constant 2 : i32
        %add3A_731 = vector.broadcast %add3A_730 : i32 to vector<16xi32>
        %add3A_732 = arith.addi %select_n3A_45, %add3A_731 : vector<16xi32>
        tpu.vector_store_idx %arg10[%add3A_732, %broadcast_in_dim3A_180, %select_n3A_17, %broadcast_in_dim3A_712], %get3A_729 : memref<4x2x10x129xf32, #tpu.memory_space<vmem>>[vector<16xi32>, vector<16xi32>, vector<16xi32>, vector<16xi32>], vector<16xf32>,
        %scan3A_733 = arith.constant 0 : i32
        %scan3A_734 = arith.constant 1 : i32
        %scan3A_735 = arith.addi %scan3A_321, %scan3A_734 : i32
        %mul3A_736 = arith.constant 16 : i32
        %mul3A_737 = arith.muli %scan3A_735, %mul3A_736 : i32
        %add3A_738 = arith.constant 128 : i32
        %add3A_739 = arith.addi %add3A_738, %mul3A_737 : i32
        %get3A_740 = arith.index_cast %scan3A_164 : i32 to index
        %get3A_741 = arith.index_cast %add3A_739 : i32 to index
        %get3A_742 = tpu.vector_load %arg5[%get3A_740, %get3A_741] {strides = array<i32>} : memref<50x512xi32, #tpu.memory_space<vmem>>, vector<16xi32>,
        %and3A_743 = arith.constant 3 : i32
        %and3A_744 = vector.broadcast %and3A_743 : i32 to vector<16xi32>
        %and3A_745 = arith.andi %get3A_742, %and3A_744 : vector<16xi32>
        %mul3A_746 = arith.constant 32 : i32
        %mul3A_747 = vector.broadcast %mul3A_746 : i32 to vector<16xi32>
        %mul3A_748 = arith.muli %and3A_745, %mul3A_747 : vector<16xi32>
        %mul3A_749 = arith.constant 16 : i32
        %mul3A_750 = arith.muli %scan3A_735, %mul3A_749 : i32
        %add3A_751 = arith.constant 0 : i32
        %add3A_752 = arith.addi %mul3A_750, %add3A_751 : i32
        %broadcast_in_dim3A_753 = vector.broadcast %add3A_752 : i32 to vector<16xi32>
        %add3A_754 = arith.constant 128 : i32
        %add3A_755 = arith.addi %add3A_754, %add3A_752 : i32
        %slice3A_756 = vector.extract_strided_slice %mul3A_748 {offsets = [0], sizes = [1], strides = [1]} : vector<16xi32> to vector<1xi32>
        %squeeze3A_757 = vector.extract %slice3A_756[0] : i32 from vector<1xi32>
        %add3A_758 = arith.constant 0 : i32
        %add3A_759 = arith.addi %squeeze3A_757, %add3A_758 : i32
        %get3A_760 = arith.index_cast %add3A_755 : i32 to index
        %get3A_761 = arith.index_cast %add3A_759 : i32 to index
        %get3A_762 = tpu.vector_load %arg8[%get3A_760, %get3A_761] {strides = array<i32>} : memref<256x128xf32, #tpu.memory_space<vmem>>, vector<16xf32>,
        %add3A_763 = arith.constant 0 : i32
        %add3A_764 = vector.broadcast %add3A_763 : i32 to vector<16xi32>
        %add3A_765 = arith.addi %select_n3A_45, %add3A_764 : vector<16xi32>
        tpu.vector_store_idx %arg10[%add3A_765, %broadcast_in_dim3A_180, %select_n3A_17, %broadcast_in_dim3A_753], %get3A_762 : memref<4x2x10x129xf32, #tpu.memory_space<vmem>>[vector<16xi32>, vector<16xi32>, vector<16xi32>, vector<16xi32>], vector<16xf32>,
        %add3A_766 = arith.constant 16 : i32
        %add3A_767 = arith.addi %squeeze3A_757, %add3A_766 : i32
        %get3A_768 = arith.index_cast %add3A_755 : i32 to index
        %get3A_769 = arith.index_cast %add3A_767 : i32 to index
        %get3A_770 = tpu.vector_load %arg8[%get3A_768, %get3A_769] {strides = array<i32>} : memref<256x128xf32, #tpu.memory_space<vmem>>, vector<16xf32>,
        %add3A_771 = arith.constant 2 : i32
        %add3A_772 = vector.broadcast %add3A_771 : i32 to vector<16xi32>
        %add3A_773 = arith.addi %select_n3A_45, %add3A_772 : vector<16xi32>
        tpu.vector_store_idx %arg10[%add3A_773, %broadcast_in_dim3A_180, %select_n3A_17, %broadcast_in_dim3A_753], %get3A_770 : memref<4x2x10x129xf32, #tpu.memory_space<vmem>>[vector<16xi32>, vector<16xi32>, vector<16xi32>, vector<16xi32>], vector<16xf32>,
        %mul3A_774 = arith.constant 16 : i32
        %mul3A_775 = arith.muli %scan3A_735, %mul3A_774 : i32
        %add3A_776 = arith.constant 1 : i32
        %add3A_777 = arith.addi %mul3A_775, %add3A_776 : i32
        %broadcast_in_dim3A_778 = vector.broadcast %add3A_777 : i32 to vector<16xi32>
        %add3A_779 = arith.constant 128 : i32
        %add3A_780 = arith.addi %add3A_779, %add3A_777 : i32
        %slice3A_781 = vector.extract_strided_slice %mul3A_748 {offsets = [1], sizes = [1], strides = [1]} : vector<16xi32> to vector<1xi32>
        %squeeze3A_782 = vector.extract %slice3A_781[0] : i32 from vector<1xi32>
        %add3A_783 = arith.constant 0 : i32
        %add3A_784 = arith.addi %squeeze3A_782, %add3A_783 : i32
        %get3A_785 = arith.index_cast %add3A_780 : i32 to index
        %get3A_786 = arith.index_cast %add3A_784 : i32 to index
        %get3A_787 = tpu.vector_load %arg8[%get3A_785, %get3A_786] {strides = array<i32>} : memref<256x128xf32, #tpu.memory_space<vmem>>, vector<16xf32>,
        %add3A_788 = arith.constant 0 : i32
        %add3A_789 = vector.broadcast %add3A_788 : i32 to vector<16xi32>
        %add3A_790 = arith.addi %select_n3A_45, %add3A_789 : vector<16xi32>
        tpu.vector_store_idx %arg10[%add3A_790, %broadcast_in_dim3A_180, %select_n3A_17, %broadcast_in_dim3A_778], %get3A_787 : memref<4x2x10x129xf32, #tpu.memory_space<vmem>>[vector<16xi32>, vector<16xi32>, vector<16xi32>, vector<16xi32>], vector<16xf32>,
        %add3A_791 = arith.constant 16 : i32
        %add3A_792 = arith.addi %squeeze3A_782, %add3A_791 : i32
        %get3A_793 = arith.index_cast %add3A_780 : i32 to index
        %get3A_794 = arith.index_cast %add3A_792 : i32 to index
        %get3A_795 = tpu.vector_load %arg8[%get3A_793, %get3A_794] {strides = array<i32>} : memref<256x128xf32, #tpu.memory_space<vmem>>, vector<16xf32>,
        %add3A_796 = arith.constant 2 : i32
        %add3A_797 = vector.broadcast %add3A_796 : i32 to vector<16xi32>
        %add3A_798 = arith.addi %select_n3A_45, %add3A_797 : vector<16xi32>
        tpu.vector_store_idx %arg10[%add3A_798, %broadcast_in_dim3A_180, %select_n3A_17, %broadcast_in_dim3A_778], %get3A_795 : memref<4x2x10x129xf32, #tpu.memory_space<vmem>>[vector<16xi32>, vector<16xi32>, vector<16xi32>, vector<16xi32>], vector<16xf32>,
        %mul3A_799 = arith.constant 16 : i32
        %mul3A_800 = arith.muli %scan3A_735, %mul3A_799 : i32
        %add3A_801 = arith.constant 2 : i32
        %add3A_802 = arith.addi %mul3A_800, %add3A_801 : i32
        %broadcast_in_dim3A_803 = vector.broadcast %add3A_802 : i32 to vector<16xi32>
        %add3A_804 = arith.constant 128 : i32
        %add3A_805 = arith.addi %add3A_804, %add3A_802 : i32
        %slice3A_806 = vector.extract_strided_slice %mul3A_748 {offsets = [2], sizes = [1], strides = [1]} : vector<16xi32> to vector<1xi32>
        %squeeze3A_807 = vector.extract %slice3A_806[0] : i32 from vector<1xi32>
        %add3A_808 = arith.constant 0 : i32
        %add3A_809 = arith.addi %squeeze3A_807, %add3A_808 : i32
        %get3A_810 = arith.index_cast %add3A_805 : i32 to index
        %get3A_811 = arith.index_cast %add3A_809 : i32 to index
        %get3A_812 = tpu.vector_load %arg8[%get3A_810, %get3A_811] {strides = array<i32>} : memref<256x128xf32, #tpu.memory_space<vmem>>, vector<16xf32>,
        %add3A_813 = arith.constant 0 : i32
        %add3A_814 = vector.broadcast %add3A_813 : i32 to vector<16xi32>
        %add3A_815 = arith.addi %select_n3A_45, %add3A_814 : vector<16xi32>
        tpu.vector_store_idx %arg10[%add3A_815, %broadcast_in_dim3A_180, %select_n3A_17, %broadcast_in_dim3A_803], %get3A_812 : memref<4x2x10x129xf32, #tpu.memory_space<vmem>>[vector<16xi32>, vector<16xi32>, vector<16xi32>, vector<16xi32>], vector<16xf32>,
        %add3A_816 = arith.constant 16 : i32
        %add3A_817 = arith.addi %squeeze3A_807, %add3A_816 : i32
        %get3A_818 = arith.index_cast %add3A_805 : i32 to index
        %get3A_819 = arith.index_cast %add3A_817 : i32 to index
        %get3A_820 = tpu.vector_load %arg8[%get3A_818, %get3A_819] {strides = array<i32>} : memref<256x128xf32, #tpu.memory_space<vmem>>, vector<16xf32>,
        %add3A_821 = arith.constant 2 : i32
        %add3A_822 = vector.broadcast %add3A_821 : i32 to vector<16xi32>
        %add3A_823 = arith.addi %select_n3A_45, %add3A_822 : vector<16xi32>
        tpu.vector_store_idx %arg10[%add3A_823, %broadcast_in_dim3A_180, %select_n3A_17, %broadcast_in_dim3A_803], %get3A_820 : memref<4x2x10x129xf32, #tpu.memory_space<vmem>>[vector<16xi32>, vector<16xi32>, vector<16xi32>, vector<16xi32>], vector<16xf32>,
        %mul3A_824 = arith.constant 16 : i32
        %mul3A_825 = arith.muli %scan3A_735, %mul3A_824 : i32
        %add3A_826 = arith.constant 3 : i32
        %add3A_827 = arith.addi %mul3A_825, %add3A_826 : i32
        %broadcast_in_dim3A_828 = vector.broadcast %add3A_827 : i32 to vector<16xi32>
        %add3A_829 = arith.constant 128 : i32
        %add3A_830 = arith.addi %add3A_829, %add3A_827 : i32
        %slice3A_831 = vector.extract_strided_slice %mul3A_748 {offsets = [3], sizes = [1], strides = [1]} : vector<16xi32> to vector<1xi32>
        %squeeze3A_832 = vector.extract %slice3A_831[0] : i32 from vector<1xi32>
        %add3A_833 = arith.constant 0 : i32
        %add3A_834 = arith.addi %squeeze3A_832, %add3A_833 : i32
        %get3A_835 = arith.index_cast %add3A_830 : i32 to index
        %get3A_836 = arith.index_cast %add3A_834 : i32 to index
        %get3A_837 = tpu.vector_load %arg8[%get3A_835, %get3A_836] {strides = array<i32>} : memref<256x128xf32, #tpu.memory_space<vmem>>, vector<16xf32>,
        %add3A_838 = arith.constant 0 : i32
        %add3A_839 = vector.broadcast %add3A_838 : i32 to vector<16xi32>
        %add3A_840 = arith.addi %select_n3A_45, %add3A_839 : vector<16xi32>
        tpu.vector_store_idx %arg10[%add3A_840, %broadcast_in_dim3A_180, %select_n3A_17, %broadcast_in_dim3A_828], %get3A_837 : memref<4x2x10x129xf32, #tpu.memory_space<vmem>>[vector<16xi32>, vector<16xi32>, vector<16xi32>, vector<16xi32>], vector<16xf32>,
        %add3A_841 = arith.constant 16 : i32
        %add3A_842 = arith.addi %squeeze3A_832, %add3A_841 : i32
        %get3A_843 = arith.index_cast %add3A_830 : i32 to index
        %get3A_844 = arith.index_cast %add3A_842 : i32 to index
        %get3A_845 = tpu.vector_load %arg8[%get3A_843, %get3A_844] {strides = array<i32>} : memref<256x128xf32, #tpu.memory_space<vmem>>, vector<16xf32>,
        %add3A_846 = arith.constant 2 : i32
        %add3A_847 = vector.broadcast %add3A_846 : i32 to vector<16xi32>
        %add3A_848 = arith.addi %select_n3A_45, %add3A_847 : vector<16xi32>
        tpu.vector_store_idx %arg10[%add3A_848, %broadcast_in_dim3A_180, %select_n3A_17, %broadcast_in_dim3A_828], %get3A_845 : memref<4x2x10x129xf32, #tpu.memory_space<vmem>>[vector<16xi32>, vector<16xi32>, vector<16xi32>, vector<16xi32>], vector<16xf32>,
        %mul3A_849 = arith.constant 16 : i32
        %mul3A_850 = arith.muli %scan3A_735, %mul3A_849 : i32
        %add3A_851 = arith.constant 4 : i32
        %add3A_852 = arith.addi %mul3A_850, %add3A_851 : i32
        %broadcast_in_dim3A_853 = vector.broadcast %add3A_852 : i32 to vector<16xi32>
        %add3A_854 = arith.constant 128 : i32
        %add3A_855 = arith.addi %add3A_854, %add3A_852 : i32
        %slice3A_856 = vector.extract_strided_slice %mul3A_748 {offsets = [4], sizes = [1], strides = [1]} : vector<16xi32> to vector<1xi32>
        %squeeze3A_857 = vector.extract %slice3A_856[0] : i32 from vector<1xi32>
        %add3A_858 = arith.constant 0 : i32
        %add3A_859 = arith.addi %squeeze3A_857, %add3A_858 : i32
        %get3A_860 = arith.index_cast %add3A_855 : i32 to index
        %get3A_861 = arith.index_cast %add3A_859 : i32 to index
        %get3A_862 = tpu.vector_load %arg8[%get3A_860, %get3A_861] {strides = array<i32>} : memref<256x128xf32, #tpu.memory_space<vmem>>, vector<16xf32>,
        %add3A_863 = arith.constant 0 : i32
        %add3A_864 = vector.broadcast %add3A_863 : i32 to vector<16xi32>
        %add3A_865 = arith.addi %select_n3A_45, %add3A_864 : vector<16xi32>
        tpu.vector_store_idx %arg10[%add3A_865, %broadcast_in_dim3A_180, %select_n3A_17, %broadcast_in_dim3A_853], %get3A_862 : memref<4x2x10x129xf32, #tpu.memory_space<vmem>>[vector<16xi32>, vector<16xi32>, vector<16xi32>, vector<16xi32>], vector<16xf32>,
        %add3A_866 = arith.constant 16 : i32
        %add3A_867 = arith.addi %squeeze3A_857, %add3A_866 : i32
        %get3A_868 = arith.index_cast %add3A_855 : i32 to index
        %get3A_869 = arith.index_cast %add3A_867 : i32 to index
        %get3A_870 = tpu.vector_load %arg8[%get3A_868, %get3A_869] {strides = array<i32>} : memref<256x128xf32, #tpu.memory_space<vmem>>, vector<16xf32>,
        %add3A_871 = arith.constant 2 : i32
        %add3A_872 = vector.broadcast %add3A_871 : i32 to vector<16xi32>
        %add3A_873 = arith.addi %select_n3A_45, %add3A_872 : vector<16xi32>
        tpu.vector_store_idx %arg10[%add3A_873, %broadcast_in_dim3A_180, %select_n3A_17, %broadcast_in_dim3A_853], %get3A_870 : memref<4x2x10x129xf32, #tpu.memory_space<vmem>>[vector<16xi32>, vector<16xi32>, vector<16xi32>, vector<16xi32>], vector<16xf32>,
        %mul3A_874 = arith.constant 16 : i32
        %mul3A_875 = arith.muli %scan3A_735, %mul3A_874 : i32
        %add3A_876 = arith.constant 5 : i32
        %add3A_877 = arith.addi %mul3A_875, %add3A_876 : i32
        %broadcast_in_dim3A_878 = vector.broadcast %add3A_877 : i32 to vector<16xi32>
        %add3A_879 = arith.constant 128 : i32
        %add3A_880 = arith.addi %add3A_879, %add3A_877 : i32
        %slice3A_881 = vector.extract_strided_slice %mul3A_748 {offsets = [5], sizes = [1], strides = [1]} : vector<16xi32> to vector<1xi32>
        %squeeze3A_882 = vector.extract %slice3A_881[0] : i32 from vector<1xi32>
        %add3A_883 = arith.constant 0 : i32
        %add3A_884 = arith.addi %squeeze3A_882, %add3A_883 : i32
        %get3A_885 = arith.index_cast %add3A_880 : i32 to index
        %get3A_886 = arith.index_cast %add3A_884 : i32 to index
        %get3A_887 = tpu.vector_load %arg8[%get3A_885, %get3A_886] {strides = array<i32>} : memref<256x128xf32, #tpu.memory_space<vmem>>, vector<16xf32>,
        %add3A_888 = arith.constant 0 : i32
        %add3A_889 = vector.broadcast %add3A_888 : i32 to vector<16xi32>
        %add3A_890 = arith.addi %select_n3A_45, %add3A_889 : vector<16xi32>
        tpu.vector_store_idx %arg10[%add3A_890, %broadcast_in_dim3A_180, %select_n3A_17, %broadcast_in_dim3A_878], %get3A_887 : memref<4x2x10x129xf32, #tpu.memory_space<vmem>>[vector<16xi32>, vector<16xi32>, vector<16xi32>, vector<16xi32>], vector<16xf32>,
        %add3A_891 = arith.constant 16 : i32
        %add3A_892 = arith.addi %squeeze3A_882, %add3A_891 : i32
        %get3A_893 = arith.index_cast %add3A_880 : i32 to index
        %get3A_894 = arith.index_cast %add3A_892 : i32 to index
        %get3A_895 = tpu.vector_load %arg8[%get3A_893, %get3A_894] {strides = array<i32>} : memref<256x128xf32, #tpu.memory_space<vmem>>, vector<16xf32>,
        %add3A_896 = arith.constant 2 : i32
        %add3A_897 = vector.broadcast %add3A_896 : i32 to vector<16xi32>
        %add3A_898 = arith.addi %select_n3A_45, %add3A_897 : vector<16xi32>
        tpu.vector_store_idx %arg10[%add3A_898, %broadcast_in_dim3A_180, %select_n3A_17, %broadcast_in_dim3A_878], %get3A_895 : memref<4x2x10x129xf32, #tpu.memory_space<vmem>>[vector<16xi32>, vector<16xi32>, vector<16xi32>, vector<16xi32>], vector<16xf32>,
        %mul3A_899 = arith.constant 16 : i32
        %mul3A_900 = arith.muli %scan3A_735, %mul3A_899 : i32
        %add3A_901 = arith.constant 6 : i32
        %add3A_902 = arith.addi %mul3A_900, %add3A_901 : i32
        %broadcast_in_dim3A_903 = vector.broadcast %add3A_902 : i32 to vector<16xi32>
        %add3A_904 = arith.constant 128 : i32
        %add3A_905 = arith.addi %add3A_904, %add3A_902 : i32
        %slice3A_906 = vector.extract_strided_slice %mul3A_748 {offsets = [6], sizes = [1], strides = [1]} : vector<16xi32> to vector<1xi32>
        %squeeze3A_907 = vector.extract %slice3A_906[0] : i32 from vector<1xi32>
        %add3A_908 = arith.constant 0 : i32
        %add3A_909 = arith.addi %squeeze3A_907, %add3A_908 : i32
        %get3A_910 = arith.index_cast %add3A_905 : i32 to index
        %get3A_911 = arith.index_cast %add3A_909 : i32 to index
        %get3A_912 = tpu.vector_load %arg8[%get3A_910, %get3A_911] {strides = array<i32>} : memref<256x128xf32, #tpu.memory_space<vmem>>, vector<16xf32>,
        %add3A_913 = arith.constant 0 : i32
        %add3A_914 = vector.broadcast %add3A_913 : i32 to vector<16xi32>
        %add3A_915 = arith.addi %select_n3A_45, %add3A_914 : vector<16xi32>
        tpu.vector_store_idx %arg10[%add3A_915, %broadcast_in_dim3A_180, %select_n3A_17, %broadcast_in_dim3A_903], %get3A_912 : memref<4x2x10x129xf32, #tpu.memory_space<vmem>>[vector<16xi32>, vector<16xi32>, vector<16xi32>, vector<16xi32>], vector<16xf32>,
        %add3A_916 = arith.constant 16 : i32
        %add3A_917 = arith.addi %squeeze3A_907, %add3A_916 : i32
        %get3A_918 = arith.index_cast %add3A_905 : i32 to index
        %get3A_919 = arith.index_cast %add3A_917 : i32 to index
        %get3A_920 = tpu.vector_load %arg8[%get3A_918, %get3A_919] {strides = array<i32>} : memref<256x128xf32, #tpu.memory_space<vmem>>, vector<16xf32>,
        %add3A_921 = arith.constant 2 : i32
        %add3A_922 = vector.broadcast %add3A_921 : i32 to vector<16xi32>
        %add3A_923 = arith.addi %select_n3A_45, %add3A_922 : vector<16xi32>
        tpu.vector_store_idx %arg10[%add3A_923, %broadcast_in_dim3A_180, %select_n3A_17, %broadcast_in_dim3A_903], %get3A_920 : memref<4x2x10x129xf32, #tpu.memory_space<vmem>>[vector<16xi32>, vector<16xi32>, vector<16xi32>, vector<16xi32>], vector<16xf32>,
        %mul3A_924 = arith.constant 16 : i32
        %mul3A_925 = arith.muli %scan3A_735, %mul3A_924 : i32
        %add3A_926 = arith.constant 7 : i32
        %add3A_927 = arith.addi %mul3A_925, %add3A_926 : i32
        %broadcast_in_dim3A_928 = vector.broadcast %add3A_927 : i32 to vector<16xi32>
        %add3A_929 = arith.constant 128 : i32
        %add3A_930 = arith.addi %add3A_929, %add3A_927 : i32
        %slice3A_931 = vector.extract_strided_slice %mul3A_748 {offsets = [7], sizes = [1], strides = [1]} : vector<16xi32> to vector<1xi32>
        %squeeze3A_932 = vector.extract %slice3A_931[0] : i32 from vector<1xi32>
        %add3A_933 = arith.constant 0 : i32
        %add3A_934 = arith.addi %squeeze3A_932, %add3A_933 : i32
        %get3A_935 = arith.index_cast %add3A_930 : i32 to index
        %get3A_936 = arith.index_cast %add3A_934 : i32 to index
        %get3A_937 = tpu.vector_load %arg8[%get3A_935, %get3A_936] {strides = array<i32>} : memref<256x128xf32, #tpu.memory_space<vmem>>, vector<16xf32>,
        %add3A_938 = arith.constant 0 : i32
        %add3A_939 = vector.broadcast %add3A_938 : i32 to vector<16xi32>
        %add3A_940 = arith.addi %select_n3A_45, %add3A_939 : vector<16xi32>
        tpu.vector_store_idx %arg10[%add3A_940, %broadcast_in_dim3A_180, %select_n3A_17, %broadcast_in_dim3A_928], %get3A_937 : memref<4x2x10x129xf32, #tpu.memory_space<vmem>>[vector<16xi32>, vector<16xi32>, vector<16xi32>, vector<16xi32>], vector<16xf32>,
        %add3A_941 = arith.constant 16 : i32
        %add3A_942 = arith.addi %squeeze3A_932, %add3A_941 : i32
        %get3A_943 = arith.index_cast %add3A_930 : i32 to index
        %get3A_944 = arith.index_cast %add3A_942 : i32 to index
        %get3A_945 = tpu.vector_load %arg8[%get3A_943, %get3A_944] {strides = array<i32>} : memref<256x128xf32, #tpu.memory_space<vmem>>, vector<16xf32>,
        %add3A_946 = arith.constant 2 : i32
        %add3A_947 = vector.broadcast %add3A_946 : i32 to vector<16xi32>
        %add3A_948 = arith.addi %select_n3A_45, %add3A_947 : vector<16xi32>
        tpu.vector_store_idx %arg10[%add3A_948, %broadcast_in_dim3A_180, %select_n3A_17, %broadcast_in_dim3A_928], %get3A_945 : memref<4x2x10x129xf32, #tpu.memory_space<vmem>>[vector<16xi32>, vector<16xi32>, vector<16xi32>, vector<16xi32>], vector<16xf32>,
        %mul3A_949 = arith.constant 16 : i32
        %mul3A_950 = arith.muli %scan3A_735, %mul3A_949 : i32
        %add3A_951 = arith.constant 8 : i32
        %add3A_952 = arith.addi %mul3A_950, %add3A_951 : i32
        %broadcast_in_dim3A_953 = vector.broadcast %add3A_952 : i32 to vector<16xi32>
        %add3A_954 = arith.constant 128 : i32
        %add3A_955 = arith.addi %add3A_954, %add3A_952 : i32
        %slice3A_956 = vector.extract_strided_slice %mul3A_748 {offsets = [8], sizes = [1], strides = [1]} : vector<16xi32> to vector<1xi32>
        %squeeze3A_957 = vector.extract %slice3A_956[0] : i32 from vector<1xi32>
        %add3A_958 = arith.constant 0 : i32
        %add3A_959 = arith.addi %squeeze3A_957, %add3A_958 : i32
        %get3A_960 = arith.index_cast %add3A_955 : i32 to index
        %get3A_961 = arith.index_cast %add3A_959 : i32 to index
        %get3A_962 = tpu.vector_load %arg8[%get3A_960, %get3A_961] {strides = array<i32>} : memref<256x128xf32, #tpu.memory_space<vmem>>, vector<16xf32>,
        %add3A_963 = arith.constant 0 : i32
        %add3A_964 = vector.broadcast %add3A_963 : i32 to vector<16xi32>
        %add3A_965 = arith.addi %select_n3A_45, %add3A_964 : vector<16xi32>
        tpu.vector_store_idx %arg10[%add3A_965, %broadcast_in_dim3A_180, %select_n3A_17, %broadcast_in_dim3A_953], %get3A_962 : memref<4x2x10x129xf32, #tpu.memory_space<vmem>>[vector<16xi32>, vector<16xi32>, vector<16xi32>, vector<16xi32>], vector<16xf32>,
        %add3A_966 = arith.constant 16 : i32
        %add3A_967 = arith.addi %squeeze3A_957, %add3A_966 : i32
        %get3A_968 = arith.index_cast %add3A_955 : i32 to index
        %get3A_969 = arith.index_cast %add3A_967 : i32 to index
        %get3A_970 = tpu.vector_load %arg8[%get3A_968, %get3A_969] {strides = array<i32>} : memref<256x128xf32, #tpu.memory_space<vmem>>, vector<16xf32>,
        %add3A_971 = arith.constant 2 : i32
        %add3A_972 = vector.broadcast %add3A_971 : i32 to vector<16xi32>
        %add3A_973 = arith.addi %select_n3A_45, %add3A_972 : vector<16xi32>
        tpu.vector_store_idx %arg10[%add3A_973, %broadcast_in_dim3A_180, %select_n3A_17, %broadcast_in_dim3A_953], %get3A_970 : memref<4x2x10x129xf32, #tpu.memory_space<vmem>>[vector<16xi32>, vector<16xi32>, vector<16xi32>, vector<16xi32>], vector<16xf32>,
        %mul3A_974 = arith.constant 16 : i32
        %mul3A_975 = arith.muli %scan3A_735, %mul3A_974 : i32
        %add3A_976 = arith.constant 9 : i32
        %add3A_977 = arith.addi %mul3A_975, %add3A_976 : i32
        %broadcast_in_dim3A_978 = vector.broadcast %add3A_977 : i32 to vector<16xi32>
        %add3A_979 = arith.constant 128 : i32
        %add3A_980 = arith.addi %add3A_979, %add3A_977 : i32
        %slice3A_981 = vector.extract_strided_slice %mul3A_748 {offsets = [9], sizes = [1], strides = [1]} : vector<16xi32> to vector<1xi32>
        %squeeze3A_982 = vector.extract %slice3A_981[0] : i32 from vector<1xi32>
        %add3A_983 = arith.constant 0 : i32
        %add3A_984 = arith.addi %squeeze3A_982, %add3A_983 : i32
        %get3A_985 = arith.index_cast %add3A_980 : i32 to index
        %get3A_986 = arith.index_cast %add3A_984 : i32 to index
        %get3A_987 = tpu.vector_load %arg8[%get3A_985, %get3A_986] {strides = array<i32>} : memref<256x128xf32, #tpu.memory_space<vmem>>, vector<16xf32>,
        %add3A_988 = arith.constant 0 : i32
        %add3A_989 = vector.broadcast %add3A_988 : i32 to vector<16xi32>
        %add3A_990 = arith.addi %select_n3A_45, %add3A_989 : vector<16xi32>
        tpu.vector_store_idx %arg10[%add3A_990, %broadcast_in_dim3A_180, %select_n3A_17, %broadcast_in_dim3A_978], %get3A_987 : memref<4x2x10x129xf32, #tpu.memory_space<vmem>>[vector<16xi32>, vector<16xi32>, vector<16xi32>, vector<16xi32>], vector<16xf32>,
        %add3A_991 = arith.constant 16 : i32
        %add3A_992 = arith.addi %squeeze3A_982, %add3A_991 : i32
        %get3A_993 = arith.index_cast %add3A_980 : i32 to index
        %get3A_994 = arith.index_cast %add3A_992 : i32 to index
        %get3A_995 = tpu.vector_load %arg8[%get3A_993, %get3A_994] {strides = array<i32>} : memref<256x128xf32, #tpu.memory_space<vmem>>, vector<16xf32>,
        %add3A_996 = arith.constant 2 : i32
        %add3A_997 = vector.broadcast %add3A_996 : i32 to vector<16xi32>
        %add3A_998 = arith.addi %select_n3A_45, %add3A_997 : vector<16xi32>
        tpu.vector_store_idx %arg10[%add3A_998, %broadcast_in_dim3A_180, %select_n3A_17, %broadcast_in_dim3A_978], %get3A_995 : memref<4x2x10x129xf32, #tpu.memory_space<vmem>>[vector<16xi32>, vector<16xi32>, vector<16xi32>, vector<16xi32>], vector<16xf32>,
        %mul3A_999 = arith.constant 16 : i32
        %mul3A_1000 = arith.muli %scan3A_735, %mul3A_999 : i32
        %add3A_1001 = arith.constant 10 : i32
        %add3A_1002 = arith.addi %mul3A_1000, %add3A_1001 : i32
        %broadcast_in_dim3A_1003 = vector.broadcast %add3A_1002 : i32 to vector<16xi32>
        %add3A_1004 = arith.constant 128 : i32
        %add3A_1005 = arith.addi %add3A_1004, %add3A_1002 : i32
        %slice3A_1006 = vector.extract_strided_slice %mul3A_748 {offsets = [10], sizes = [1], strides = [1]} : vector<16xi32> to vector<1xi32>
        %squeeze3A_1007 = vector.extract %slice3A_1006[0] : i32 from vector<1xi32>
        %add3A_1008 = arith.constant 0 : i32
        %add3A_1009 = arith.addi %squeeze3A_1007, %add3A_1008 : i32
        %get3A_1010 = arith.index_cast %add3A_1005 : i32 to index
        %get3A_1011 = arith.index_cast %add3A_1009 : i32 to index
        %get3A_1012 = tpu.vector_load %arg8[%get3A_1010, %get3A_1011] {strides = array<i32>} : memref<256x128xf32, #tpu.memory_space<vmem>>, vector<16xf32>,
        %add3A_1013 = arith.constant 0 : i32
        %add3A_1014 = vector.broadcast %add3A_1013 : i32 to vector<16xi32>
        %add3A_1015 = arith.addi %select_n3A_45, %add3A_1014 : vector<16xi32>
        tpu.vector_store_idx %arg10[%add3A_1015, %broadcast_in_dim3A_180, %select_n3A_17, %broadcast_in_dim3A_1003], %get3A_1012 : memref<4x2x10x129xf32, #tpu.memory_space<vmem>>[vector<16xi32>, vector<16xi32>, vector<16xi32>, vector<16xi32>], vector<16xf32>,
        %add3A_1016 = arith.constant 16 : i32
        %add3A_1017 = arith.addi %squeeze3A_1007, %add3A_1016 : i32
        %get3A_1018 = arith.index_cast %add3A_1005 : i32 to index
        %get3A_1019 = arith.index_cast %add3A_1017 : i32 to index
        %get3A_1020 = tpu.vector_load %arg8[%get3A_1018, %get3A_1019] {strides = array<i32>} : memref<256x128xf32, #tpu.memory_space<vmem>>, vector<16xf32>,
        %add3A_1021 = arith.constant 2 : i32
        %add3A_1022 = vector.broadcast %add3A_1021 : i32 to vector<16xi32>
        %add3A_1023 = arith.addi %select_n3A_45, %add3A_1022 : vector<16xi32>
        tpu.vector_store_idx %arg10[%add3A_1023, %broadcast_in_dim3A_180, %select_n3A_17, %broadcast_in_dim3A_1003], %get3A_1020 : memref<4x2x10x129xf32, #tpu.memory_space<vmem>>[vector<16xi32>, vector<16xi32>, vector<16xi32>, vector<16xi32>], vector<16xf32>,
        %mul3A_1024 = arith.constant 16 : i32
        %mul3A_1025 = arith.muli %scan3A_735, %mul3A_1024 : i32
        %add3A_1026 = arith.constant 11 : i32
        %add3A_1027 = arith.addi %mul3A_1025, %add3A_1026 : i32
        %broadcast_in_dim3A_1028 = vector.broadcast %add3A_1027 : i32 to vector<16xi32>
        %add3A_1029 = arith.constant 128 : i32
        %add3A_1030 = arith.addi %add3A_1029, %add3A_1027 : i32
        %slice3A_1031 = vector.extract_strided_slice %mul3A_748 {offsets = [11], sizes = [1], strides = [1]} : vector<16xi32> to vector<1xi32>
        %squeeze3A_1032 = vector.extract %slice3A_1031[0] : i32 from vector<1xi32>
        %add3A_1033 = arith.constant 0 : i32
        %add3A_1034 = arith.addi %squeeze3A_1032, %add3A_1033 : i32
        %get3A_1035 = arith.index_cast %add3A_1030 : i32 to index
        %get3A_1036 = arith.index_cast %add3A_1034 : i32 to index
        %get3A_1037 = tpu.vector_load %arg8[%get3A_1035, %get3A_1036] {strides = array<i32>} : memref<256x128xf32, #tpu.memory_space<vmem>>, vector<16xf32>,
        %add3A_1038 = arith.constant 0 : i32
        %add3A_1039 = vector.broadcast %add3A_1038 : i32 to vector<16xi32>
        %add3A_1040 = arith.addi %select_n3A_45, %add3A_1039 : vector<16xi32>
        tpu.vector_store_idx %arg10[%add3A_1040, %broadcast_in_dim3A_180, %select_n3A_17, %broadcast_in_dim3A_1028], %get3A_1037 : memref<4x2x10x129xf32, #tpu.memory_space<vmem>>[vector<16xi32>, vector<16xi32>, vector<16xi32>, vector<16xi32>], vector<16xf32>,
        %add3A_1041 = arith.constant 16 : i32
        %add3A_1042 = arith.addi %squeeze3A_1032, %add3A_1041 : i32
        %get3A_1043 = arith.index_cast %add3A_1030 : i32 to index
        %get3A_1044 = arith.index_cast %add3A_1042 : i32 to index
        %get3A_1045 = tpu.vector_load %arg8[%get3A_1043, %get3A_1044] {strides = array<i32>} : memref<256x128xf32, #tpu.memory_space<vmem>>, vector<16xf32>,
        %add3A_1046 = arith.constant 2 : i32
        %add3A_1047 = vector.broadcast %add3A_1046 : i32 to vector<16xi32>
        %add3A_1048 = arith.addi %select_n3A_45, %add3A_1047 : vector<16xi32>
        tpu.vector_store_idx %arg10[%add3A_1048, %broadcast_in_dim3A_180, %select_n3A_17, %broadcast_in_dim3A_1028], %get3A_1045 : memref<4x2x10x129xf32, #tpu.memory_space<vmem>>[vector<16xi32>, vector<16xi32>, vector<16xi32>, vector<16xi32>], vector<16xf32>,
        %mul3A_1049 = arith.constant 16 : i32
        %mul3A_1050 = arith.muli %scan3A_735, %mul3A_1049 : i32
        %add3A_1051 = arith.constant 12 : i32
        %add3A_1052 = arith.addi %mul3A_1050, %add3A_1051 : i32
        %broadcast_in_dim3A_1053 = vector.broadcast %add3A_1052 : i32 to vector<16xi32>
        %add3A_1054 = arith.constant 128 : i32
        %add3A_1055 = arith.addi %add3A_1054, %add3A_1052 : i32
        %slice3A_1056 = vector.extract_strided_slice %mul3A_748 {offsets = [12], sizes = [1], strides = [1]} : vector<16xi32> to vector<1xi32>
        %squeeze3A_1057 = vector.extract %slice3A_1056[0] : i32 from vector<1xi32>
        %add3A_1058 = arith.constant 0 : i32
        %add3A_1059 = arith.addi %squeeze3A_1057, %add3A_1058 : i32
        %get3A_1060 = arith.index_cast %add3A_1055 : i32 to index
        %get3A_1061 = arith.index_cast %add3A_1059 : i32 to index
        %get3A_1062 = tpu.vector_load %arg8[%get3A_1060, %get3A_1061] {strides = array<i32>} : memref<256x128xf32, #tpu.memory_space<vmem>>, vector<16xf32>,
        %add3A_1063 = arith.constant 0 : i32
        %add3A_1064 = vector.broadcast %add3A_1063 : i32 to vector<16xi32>
        %add3A_1065 = arith.addi %select_n3A_45, %add3A_1064 : vector<16xi32>
        tpu.vector_store_idx %arg10[%add3A_1065, %broadcast_in_dim3A_180, %select_n3A_17, %broadcast_in_dim3A_1053], %get3A_1062 : memref<4x2x10x129xf32, #tpu.memory_space<vmem>>[vector<16xi32>, vector<16xi32>, vector<16xi32>, vector<16xi32>], vector<16xf32>,
        %add3A_1066 = arith.constant 16 : i32
        %add3A_1067 = arith.addi %squeeze3A_1057, %add3A_1066 : i32
        %get3A_1068 = arith.index_cast %add3A_1055 : i32 to index
        %get3A_1069 = arith.index_cast %add3A_1067 : i32 to index
        %get3A_1070 = tpu.vector_load %arg8[%get3A_1068, %get3A_1069] {strides = array<i32>} : memref<256x128xf32, #tpu.memory_space<vmem>>, vector<16xf32>,
        %add3A_1071 = arith.constant 2 : i32
        %add3A_1072 = vector.broadcast %add3A_1071 : i32 to vector<16xi32>
        %add3A_1073 = arith.addi %select_n3A_45, %add3A_1072 : vector<16xi32>
        tpu.vector_store_idx %arg10[%add3A_1073, %broadcast_in_dim3A_180, %select_n3A_17, %broadcast_in_dim3A_1053], %get3A_1070 : memref<4x2x10x129xf32, #tpu.memory_space<vmem>>[vector<16xi32>, vector<16xi32>, vector<16xi32>, vector<16xi32>], vector<16xf32>,
        %mul3A_1074 = arith.constant 16 : i32
        %mul3A_1075 = arith.muli %scan3A_735, %mul3A_1074 : i32
        %add3A_1076 = arith.constant 13 : i32
        %add3A_1077 = arith.addi %mul3A_1075, %add3A_1076 : i32
        %broadcast_in_dim3A_1078 = vector.broadcast %add3A_1077 : i32 to vector<16xi32>
        %add3A_1079 = arith.constant 128 : i32
        %add3A_1080 = arith.addi %add3A_1079, %add3A_1077 : i32
        %slice3A_1081 = vector.extract_strided_slice %mul3A_748 {offsets = [13], sizes = [1], strides = [1]} : vector<16xi32> to vector<1xi32>
        %squeeze3A_1082 = vector.extract %slice3A_1081[0] : i32 from vector<1xi32>
        %add3A_1083 = arith.constant 0 : i32
        %add3A_1084 = arith.addi %squeeze3A_1082, %add3A_1083 : i32
        %get3A_1085 = arith.index_cast %add3A_1080 : i32 to index
        %get3A_1086 = arith.index_cast %add3A_1084 : i32 to index
        %get3A_1087 = tpu.vector_load %arg8[%get3A_1085, %get3A_1086] {strides = array<i32>} : memref<256x128xf32, #tpu.memory_space<vmem>>, vector<16xf32>,
        %add3A_1088 = arith.constant 0 : i32
        %add3A_1089 = vector.broadcast %add3A_1088 : i32 to vector<16xi32>
        %add3A_1090 = arith.addi %select_n3A_45, %add3A_1089 : vector<16xi32>
        tpu.vector_store_idx %arg10[%add3A_1090, %broadcast_in_dim3A_180, %select_n3A_17, %broadcast_in_dim3A_1078], %get3A_1087 : memref<4x2x10x129xf32, #tpu.memory_space<vmem>>[vector<16xi32>, vector<16xi32>, vector<16xi32>, vector<16xi32>], vector<16xf32>,
        %add3A_1091 = arith.constant 16 : i32
        %add3A_1092 = arith.addi %squeeze3A_1082, %add3A_1091 : i32
        %get3A_1093 = arith.index_cast %add3A_1080 : i32 to index
        %get3A_1094 = arith.index_cast %add3A_1092 : i32 to index
        %get3A_1095 = tpu.vector_load %arg8[%get3A_1093, %get3A_1094] {strides = array<i32>} : memref<256x128xf32, #tpu.memory_space<vmem>>, vector<16xf32>,
        %add3A_1096 = arith.constant 2 : i32
        %add3A_1097 = vector.broadcast %add3A_1096 : i32 to vector<16xi32>
        %add3A_1098 = arith.addi %select_n3A_45, %add3A_1097 : vector<16xi32>
        tpu.vector_store_idx %arg10[%add3A_1098, %broadcast_in_dim3A_180, %select_n3A_17, %broadcast_in_dim3A_1078], %get3A_1095 : memref<4x2x10x129xf32, #tpu.memory_space<vmem>>[vector<16xi32>, vector<16xi32>, vector<16xi32>, vector<16xi32>], vector<16xf32>,
        %mul3A_1099 = arith.constant 16 : i32
        %mul3A_1100 = arith.muli %scan3A_735, %mul3A_1099 : i32
        %add3A_1101 = arith.constant 14 : i32
        %add3A_1102 = arith.addi %mul3A_1100, %add3A_1101 : i32
        %broadcast_in_dim3A_1103 = vector.broadcast %add3A_1102 : i32 to vector<16xi32>
        %add3A_1104 = arith.constant 128 : i32
        %add3A_1105 = arith.addi %add3A_1104, %add3A_1102 : i32
        %slice3A_1106 = vector.extract_strided_slice %mul3A_748 {offsets = [14], sizes = [1], strides = [1]} : vector<16xi32> to vector<1xi32>
        %squeeze3A_1107 = vector.extract %slice3A_1106[0] : i32 from vector<1xi32>
        %add3A_1108 = arith.constant 0 : i32
        %add3A_1109 = arith.addi %squeeze3A_1107, %add3A_1108 : i32
        %get3A_1110 = arith.index_cast %add3A_1105 : i32 to index
        %get3A_1111 = arith.index_cast %add3A_1109 : i32 to index
        %get3A_1112 = tpu.vector_load %arg8[%get3A_1110, %get3A_1111] {strides = array<i32>} : memref<256x128xf32, #tpu.memory_space<vmem>>, vector<16xf32>,
        %add3A_1113 = arith.constant 0 : i32
        %add3A_1114 = vector.broadcast %add3A_1113 : i32 to vector<16xi32>
        %add3A_1115 = arith.addi %select_n3A_45, %add3A_1114 : vector<16xi32>
        tpu.vector_store_idx %arg10[%add3A_1115, %broadcast_in_dim3A_180, %select_n3A_17, %broadcast_in_dim3A_1103], %get3A_1112 : memref<4x2x10x129xf32, #tpu.memory_space<vmem>>[vector<16xi32>, vector<16xi32>, vector<16xi32>, vector<16xi32>], vector<16xf32>,
        %add3A_1116 = arith.constant 16 : i32
        %add3A_1117 = arith.addi %squeeze3A_1107, %add3A_1116 : i32
        %get3A_1118 = arith.index_cast %add3A_1105 : i32 to index
        %get3A_1119 = arith.index_cast %add3A_1117 : i32 to index
        %get3A_1120 = tpu.vector_load %arg8[%get3A_1118, %get3A_1119] {strides = array<i32>} : memref<256x128xf32, #tpu.memory_space<vmem>>, vector<16xf32>,
        %add3A_1121 = arith.constant 2 : i32
        %add3A_1122 = vector.broadcast %add3A_1121 : i32 to vector<16xi32>
        %add3A_1123 = arith.addi %select_n3A_45, %add3A_1122 : vector<16xi32>
        tpu.vector_store_idx %arg10[%add3A_1123, %broadcast_in_dim3A_180, %select_n3A_17, %broadcast_in_dim3A_1103], %get3A_1120 : memref<4x2x10x129xf32, #tpu.memory_space<vmem>>[vector<16xi32>, vector<16xi32>, vector<16xi32>, vector<16xi32>], vector<16xf32>,
        %mul3A_1124 = arith.constant 16 : i32
        %mul3A_1125 = arith.muli %scan3A_735, %mul3A_1124 : i32
        %add3A_1126 = arith.constant 15 : i32
        %add3A_1127 = arith.addi %mul3A_1125, %add3A_1126 : i32
        %broadcast_in_dim3A_1128 = vector.broadcast %add3A_1127 : i32 to vector<16xi32>
        %add3A_1129 = arith.constant 128 : i32
        %add3A_1130 = arith.addi %add3A_1129, %add3A_1127 : i32
        %slice3A_1131 = vector.extract_strided_slice %mul3A_748 {offsets = [15], sizes = [1], strides = [1]} : vector<16xi32> to vector<1xi32>
        %squeeze3A_1132 = vector.extract %slice3A_1131[0] : i32 from vector<1xi32>
        %add3A_1133 = arith.constant 0 : i32
        %add3A_1134 = arith.addi %squeeze3A_1132, %add3A_1133 : i32
        %get3A_1135 = arith.index_cast %add3A_1130 : i32 to index
        %get3A_1136 = arith.index_cast %add3A_1134 : i32 to index
        %get3A_1137 = tpu.vector_load %arg8[%get3A_1135, %get3A_1136] {strides = array<i32>} : memref<256x128xf32, #tpu.memory_space<vmem>>, vector<16xf32>,
        %add3A_1138 = arith.constant 0 : i32
        %add3A_1139 = vector.broadcast %add3A_1138 : i32 to vector<16xi32>
        %add3A_1140 = arith.addi %select_n3A_45, %add3A_1139 : vector<16xi32>
        tpu.vector_store_idx %arg10[%add3A_1140, %broadcast_in_dim3A_180, %select_n3A_17, %broadcast_in_dim3A_1128], %get3A_1137 : memref<4x2x10x129xf32, #tpu.memory_space<vmem>>[vector<16xi32>, vector<16xi32>, vector<16xi32>, vector<16xi32>], vector<16xf32>,
        %add3A_1141 = arith.constant 16 : i32
        %add3A_1142 = arith.addi %squeeze3A_1132, %add3A_1141 : i32
        %get3A_1143 = arith.index_cast %add3A_1130 : i32 to index
        %get3A_1144 = arith.index_cast %add3A_1142 : i32 to index
        %get3A_1145 = tpu.vector_load %arg8[%get3A_1143, %get3A_1144] {strides = array<i32>} : memref<256x128xf32, #tpu.memory_space<vmem>>, vector<16xf32>,
        %add3A_1146 = arith.constant 2 : i32
        %add3A_1147 = vector.broadcast %add3A_1146 : i32 to vector<16xi32>
        %add3A_1148 = arith.addi %select_n3A_45, %add3A_1147 : vector<16xi32>
        tpu.vector_store_idx %arg10[%add3A_1148, %broadcast_in_dim3A_180, %select_n3A_17, %broadcast_in_dim3A_1128], %get3A_1145 : memref<4x2x10x129xf32, #tpu.memory_space<vmem>>[vector<16xi32>, vector<16xi32>, vector<16xi32>, vector<16xi32>], vector<16xf32>,
        %scan3A_1149 = arith.constant 0 : i32
        scf.yield %scan3A_1149 : i32
      }
      %scan3A_187 = arith.constant 8 : i32
      %jit3A_188 = arith.constant 128 : i32
      %div3A_189 = arith.divsi %mul3A_2, %jit3A_188 : i32
      %sign3A_190 = arith.constant 0 : i32
      %sign3A_191 = arith.cmpi sgt, %mul3A_2, %sign3A_190 : i32
      %sign3A_192 = arith.extui %sign3A_191 : i1 to i32
      %sign3A_193 = arith.constant 0 : i32
      %sign3A_194 = arith.cmpi slt, %mul3A_2, %sign3A_193 : i32
      %sign3A_195 = arith.extui %sign3A_194 : i1 to i32
      %sign3A_196 = arith.subi %sign3A_192, %sign3A_195 : i32
      %sign3A_197 = arith.constant 0 : i32
      %sign3A_198 = arith.cmpi sgt, %jit3A_188, %sign3A_197 : i32
      %sign3A_199 = arith.extui %sign3A_198 : i1 to i32
      %sign3A_200 = arith.constant 0 : i32
      %sign3A_201 = arith.cmpi slt, %jit3A_188, %sign3A_200 : i32
      %sign3A_202 = arith.extui %sign3A_201 : i1 to i32
      %sign3A_203 = arith.subi %sign3A_199, %sign3A_202 : i32
      %ne3A_204 = arith.cmpi ne, %sign3A_196, %sign3A_203 : i32
      %rem3A_205 = arith.remsi %mul3A_2, %jit3A_188 : i32
      %ne3A_206 = arith.constant 0 : i32
      %ne3A_207 = arith.cmpi ne, %rem3A_205, %ne3A_206 : i32
      %and3A_208 = arith.andi %ne3A_204, %ne3A_207 : i1
      %sub3A_209 = arith.constant 1 : i32
      %sub3A_210 = arith.subi %div3A_189, %sub3A_209 : i32
      %select_n3A_211 = arith.select %and3A_208, %sub3A_210, %div3A_189 : i32
      %add3A_212 = arith.constant 0 : i32
      %add3A_213 = arith.addi %select_n3A_211, %add3A_212 : i32
      %dma_start3A_214 = arith.constant 0 : i32
      %dma_start3A_215 = arith.constant 0 : i32
      %dma_start3A_216 = arith.constant 0 : i32
      %dma_start3A_217 = arith.constant 0 : i32
      %dma_start3A_218 = tpu.memref_slice %arg10[%dma_start3A_214, %dma_start3A_215, %dma_start3A_216, %dma_start3A_217] : memref<4x2x10x129xf32, #tpu.memory_space<vmem>> -> memref<4x2x8x128xf32, #tpu.memory_space<vmem>>
      %dma_start3A_219 = arith.constant 0 : i32
      %dma_start3A_220 = arith.constant 0 : i32
      %dma_start3A_221 = arith.constant 0 : i32
      %dma_start3A_222 = tpu.memref_slice %arg4[%scan3A_164, %dma_start3A_219, %add3A_213, %dma_start3A_220, %dma_start3A_221] : memref<50x4x128x8x128xf32, #tpu.memory_space<hbm>> -> memref<1x4x2x8x128xf32, #tpu.memory_space<hbm>>
      %dma_start3A_223 = tpu.memref_squeeze %dma_start3A_222 : memref<1x4x2x8x128xf32, #tpu.memory_space<hbm>> -> memref<4x2x8x128xf32, #tpu.memory_space<hbm>>
      %dma_start3A_224 = arith.constant 0 : i32
      %dma_start3A_225 = arith.constant 0 : i32
      %dma_start3A_226 = arith.constant 0 : i32
      %dma_start3A_227 = tpu.memref_slice %arg4[%scan3A_164, %dma_start3A_224, %add3A_213, %dma_start3A_225, %dma_start3A_226] : memref<50x4x128x8x128xf32, #tpu.memory_space<hbm>> -> memref<1x4x2x8x128xf32, #tpu.memory_space<hbm>>
      %dma_start3A_228 = tpu.memref_squeeze %dma_start3A_227 : memref<1x4x2x8x128xf32, #tpu.memory_space<hbm>> -> memref<4x2x8x128xf32, #tpu.memory_space<hbm>>
      %dma_start3A_229 = arith.constant 0 : i32
      %dma_start3A_230 = arith.constant 0 : i32
      %dma_start3A_231 = arith.constant 0 : i32
      %dma_start3A_232 = arith.constant 0 : i32
      %dma_start3A_233 = tpu.memref_slice %arg10[%dma_start3A_229, %dma_start3A_230, %dma_start3A_231, %dma_start3A_232] : memref<4x2x10x129xf32, #tpu.memory_space<vmem>> -> memref<4x2x8x128xf32, #tpu.memory_space<vmem>>
      tpu.enqueue_dma source(%dma_start3A_233 : memref<4x2x8x128xf32, #tpu.memory_space<vmem>>) target(%dma_start3A_228 : memref<4x2x8x128xf32, #tpu.memory_space<hbm>>) target_semaphore(%arg14 : memref<!tpu.dma_semaphore, #tpu.memory_space<semaphore_mem>>)
      %add3A_234 = arith.constant 1 : i32
      %add3A_235 = arith.addi %scan3A_164, %add3A_234 : i32
      %lt3A_236 = arith.constant 50 : i32
      %lt3A_237 = arith.cmpi slt, %add3A_235, %lt3A_236 : i32
      %convert_element_type3A_238 = arith.extui %lt3A_237 : i1 to i32
      %cond3A_239 = arith.constant 0 : i32
      %cond3A_240 = arith.cmpi ne, %convert_element_type3A_238, %cond3A_239 : i32
      scf.if %cond3A_240 {
        %add3A_321 = arith.constant 1 : i32
        %add3A_322 = arith.addi %scan3A_164, %add3A_321 : i32
        %scan3A_323 = arith.constant 0 : i32
        %scan3A_324 = arith.constant 0 : i32
        %scan3A_325 = arith.constant 16 : i32
        %scan3A_326 = arith.addi %scan3A_324, %scan3A_325 : i32
        %scan3A_327 = arith.constant 1 : i32
        %scan3A_328 = scf.for %scan3A_333 = %scan3A_324 to %scan3A_326 step %scan3A_327 iter_args(%scan3A_334 = %scan3A_323) -> (i32)  : i32 {
          %mul3A_335 = arith.constant 16 : i32
          %mul3A_336 = arith.muli %scan3A_333, %mul3A_335 : i32
          %add3A_337 = arith.constant 0 : i32
          %add3A_338 = arith.addi %add3A_337, %mul3A_336 : i32
          %get3A = arith.index_cast %add3A_322 : i32 to index
          %get3A_339 = arith.index_cast %add3A_338 : i32 to index
          %get3A_340 = tpu.vector_load %arg5[%get3A, %get3A_339] {strides = array<i32>} : memref<50x512xi32, #tpu.memory_space<vmem>>, vector<16xi32>,
          %shift_right_logical3A = arith.constant 2 : i32
          %shift_right_logical3A_341 = vector.broadcast %shift_right_logical3A : i32 to vector<16xi32>
          %shift_right_logical3A_342 = arith.shrui %get3A_340, %shift_right_logical3A_341 : vector<16xi32>
          %mul3A_343 = arith.constant 16 : i32
          %mul3A_344 = arith.muli %scan3A_333, %mul3A_343 : i32
          %swap3A = arith.index_cast %mul3A_344 : i32 to index
          %swap3A_345 = tpu.vector_load %arg6[%swap3A] {strides = array<i32>} : memref<256xi32, #tpu.memory_space<vmem>>, vector<16xi32>,
          tpu.vector_store %arg6[%swap3A], %shift_right_logical3A_342 {strides = array<i32>} : memref<256xi32, #tpu.memory_space<vmem>>, vector<16xi32>,
          %scan3A_346 = arith.constant 0 : i32
          scf.yield %scan3A_346 : i32
        }
        %scan3A_329 = arith.constant 16 : i32
        %dma_start3A_330 = arith.constant 0 : i32
        %dma_start3A_331 = arith.constant 0 : i32
        %dma_start3A_332 = tpu.memref_slice %arg3[%dma_start3A_330, %dma_start3A_331] : memref<250000x128xf32, #tpu.memory_space<hbm>> -> memref<250000x128xf32, #tpu.memory_space<hbm>>
        tpu.enqueue_indirect_dma source(%dma_start3A_332 : memref<250000x128xf32, #tpu.memory_space<hbm>>) target(%arg8 : memref<256x128xf32, #tpu.memory_space<vmem>>) offsets(%arg6 : memref<256xi32, #tpu.memory_space<vmem>>) semaphore(%arg12 : memref<!tpu.dma_semaphore, #tpu.memory_space<semaphore_mem>>)
      } else {
      }
      %dma_wait3A_241 = arith.constant 0 : i32
      %dma_wait3A_242 = arith.constant 0 : i32
      %dma_wait3A_243 = tpu.memref_slice %arg3[%dma_wait3A_241, %dma_wait3A_242] : memref<250000x128xf32, #tpu.memory_space<hbm>> -> memref<250000x128xf32, #tpu.memory_space<hbm>>
      tpu.wait_indirect_dma semaphore(%arg13 : memref<!tpu.dma_semaphore, #tpu.memory_space<semaphore_mem>>) src(%dma_wait3A_243 : memref<250000x128xf32, #tpu.memory_space<hbm>>) dst(%arg9 : memref<256x128xf32, #tpu.memory_space<vmem>>)
      %gt3A_244 = arith.constant 0 : i32
      %gt3A_245 = arith.cmpi sgt, %scan3A_164, %gt3A_244 : i32
      %convert_element_type3A_246 = arith.extui %gt3A_245 : i1 to i32
      %cond3A_247 = arith.constant 0 : i32
      %cond3A_248 = arith.cmpi ne, %convert_element_type3A_246, %cond3A_247 : i32
      scf.if %cond3A_248 {
        %sub3A_321 = arith.constant 1 : i32
        %sub3A_322 = arith.subi %scan3A_164, %sub3A_321 : i32
        %jit3A_323 = arith.constant 128 : i32
        %div3A_324 = arith.divsi %mul3A_2, %jit3A_323 : i32
        %sign3A_325 = arith.constant 0 : i32
        %sign3A_326 = arith.cmpi sgt, %mul3A_2, %sign3A_325 : i32
        %sign3A_327 = arith.extui %sign3A_326 : i1 to i32
        %sign3A_328 = arith.constant 0 : i32
        %sign3A_329 = arith.cmpi slt, %mul3A_2, %sign3A_328 : i32
        %sign3A_330 = arith.extui %sign3A_329 : i1 to i32
        %sign3A_331 = arith.subi %sign3A_327, %sign3A_330 : i32
        %sign3A_332 = arith.constant 0 : i32
        %sign3A_333 = arith.cmpi sgt, %jit3A_323, %sign3A_332 : i32
        %sign3A_334 = arith.extui %sign3A_333 : i1 to i32
        %sign3A_335 = arith.constant 0 : i32
        %sign3A_336 = arith.cmpi slt, %jit3A_323, %sign3A_335 : i32
        %sign3A_337 = arith.extui %sign3A_336 : i1 to i32
        %sign3A_338 = arith.subi %sign3A_334, %sign3A_337 : i32
        %ne3A_339 = arith.cmpi ne, %sign3A_331, %sign3A_338 : i32
        %rem3A_340 = arith.remsi %mul3A_2, %jit3A_323 : i32
        %ne3A_341 = arith.constant 0 : i32
        %ne3A_342 = arith.cmpi ne, %rem3A_340, %ne3A_341 : i32
        %and3A_343 = arith.andi %ne3A_339, %ne3A_342 : i1
        %sub3A_344 = arith.constant 1 : i32
        %sub3A_345 = arith.subi %div3A_324, %sub3A_344 : i32
        %select_n3A_346 = arith.select %and3A_343, %sub3A_345, %div3A_324 : i32
        %add3A_347 = arith.constant 2 : i32
        %add3A_348 = arith.addi %select_n3A_346, %add3A_347 : i32
        %dma_wait3A_349 = arith.constant 0 : i32
        %dma_wait3A_350 = arith.constant 0 : i32
        %dma_wait3A_351 = arith.constant 0 : i32
        %dma_wait3A_352 = arith.constant 0 : i32
        %dma_wait3A_353 = tpu.memref_slice %arg11[%dma_wait3A_349, %dma_wait3A_350, %dma_wait3A_351, %dma_wait3A_352] : memref<4x2x10x129xf32, #tpu.memory_space<vmem>> -> memref<4x2x8x128xf32, #tpu.memory_space<vmem>>
        %dma_wait3A_354 = arith.constant 0 : i32
        %dma_wait3A_355 = arith.constant 0 : i32
        %dma_wait3A_356 = arith.constant 0 : i32
        %dma_wait3A_357 = tpu.memref_slice %arg4[%sub3A_322, %dma_wait3A_354, %add3A_348, %dma_wait3A_355, %dma_wait3A_356] : memref<50x4x128x8x128xf32, #tpu.memory_space<hbm>> -> memref<1x4x2x8x128xf32, #tpu.memory_space<hbm>>
        %dma_wait3A_358 = tpu.memref_squeeze %dma_wait3A_357 : memref<1x4x2x8x128xf32, #tpu.memory_space<hbm>> -> memref<4x2x8x128xf32, #tpu.memory_space<hbm>>
        %dma_wait3A_359 = arith.constant 0 : i32
        %dma_wait3A_360 = arith.constant 0 : i32
        %dma_wait3A_361 = arith.constant 0 : i32
        %dma_wait3A_362 = tpu.memref_slice %arg4[%sub3A_322, %dma_wait3A_359, %add3A_348, %dma_wait3A_360, %dma_wait3A_361] : memref<50x4x128x8x128xf32, #tpu.memory_space<hbm>> -> memref<1x4x2x8x128xf32, #tpu.memory_space<hbm>>
        %dma_wait3A_363 = tpu.memref_squeeze %dma_wait3A_362 : memref<1x4x2x8x128xf32, #tpu.memory_space<hbm>> -> memref<4x2x8x128xf32, #tpu.memory_space<hbm>>
        %dma_wait3A_364 = arith.constant 0 : i32
        %dma_wait3A_365 = arith.constant 0 : i32
        %dma_wait3A_366 = arith.constant 0 : i32
        %dma_wait3A_367 = arith.constant 0 : i32
        %dma_wait3A_368 = tpu.memref_slice %arg11[%dma_wait3A_364, %dma_wait3A_365, %dma_wait3A_366, %dma_wait3A_367] : memref<4x2x10x129xf32, #tpu.memory_space<vmem>> -> memref<4x2x8x128xf32, #tpu.memory_space<vmem>>
        tpu.wait_dma2 semaphore(%arg15 : memref<!tpu.dma_semaphore, #tpu.memory_space<semaphore_mem>>) src(%dma_wait3A_368 : memref<4x2x8x128xf32, #tpu.memory_space<vmem>>) dst(%dma_wait3A_363 : memref<4x2x8x128xf32, #tpu.memory_space<hbm>>)
      } else {
      }
      %broadcast_in_dim3A_249 = arith.constant 0 : i32
      %broadcast_in_dim3A_250 = vector.broadcast %broadcast_in_dim3A_249 : i32 to vector<16xi32>
      %scan3A_251 = arith.constant 0 : i32
      %scan3A_252 = arith.constant 0 : i32
      %scan3A_253 = arith.constant 8 : i32
      %scan3A_254 = arith.addi %scan3A_252, %scan3A_253 : i32
      %scan3A_255 = arith.constant 2 : i32
      %scan3A_256 = scf.for %scan3A_321 = %scan3A_252 to %scan3A_254 step %scan3A_255 iter_args(%scan3A_322 = %scan3A_251) -> (i32)  : i32 {
        %mul3A_323 = arith.constant 16 : i32
        %mul3A_324 = arith.muli %scan3A_321, %mul3A_323 : i32
        %add3A_325 = arith.constant 256 : i32
        %add3A_326 = arith.addi %add3A_325, %mul3A_324 : i32
        %get3A = arith.index_cast %scan3A_164 : i32 to index
        %get3A_327 = arith.index_cast %add3A_326 : i32 to index
        %get3A_328 = tpu.vector_load %arg5[%get3A, %get3A_327] {strides = array<i32>} : memref<50x512xi32, #tpu.memory_space<vmem>>, vector<16xi32>,
        %and3A_329 = arith.constant 3 : i32
        %and3A_330 = vector.broadcast %and3A_329 : i32 to vector<16xi32>
        %and3A_331 = arith.andi %get3A_328, %and3A_330 : vector<16xi32>
        %mul3A_332 = arith.constant 32 : i32
        %mul3A_333 = vector.broadcast %mul3A_332 : i32 to vector<16xi32>
        %mul3A_334 = arith.muli %and3A_331, %mul3A_333 : vector<16xi32>
        %mul3A_335 = arith.constant 16 : i32
        %mul3A_336 = arith.muli %scan3A_321, %mul3A_335 : i32
        %add3A_337 = arith.constant 0 : i32
        %add3A_338 = arith.addi %mul3A_336, %add3A_337 : i32
        %broadcast_in_dim3A_339 = vector.broadcast %add3A_338 : i32 to vector<16xi32>
        %add3A_340 = arith.constant 0 : i32
        %add3A_341 = arith.addi %add3A_340, %add3A_338 : i32
        %slice3A = vector.extract_strided_slice %mul3A_334 {offsets = [0], sizes = [1], strides = [1]} : vector<16xi32> to vector<1xi32>
        %squeeze3A = vector.extract %slice3A[0] : i32 from vector<1xi32>
        %add3A_342 = arith.constant 0 : i32
        %add3A_343 = arith.addi %squeeze3A, %add3A_342 : i32
        %get3A_344 = arith.index_cast %add3A_341 : i32 to index
        %get3A_345 = arith.index_cast %add3A_343 : i32 to index
        %get3A_346 = tpu.vector_load %arg9[%get3A_344, %get3A_345] {strides = array<i32>} : memref<256x128xf32, #tpu.memory_space<vmem>>, vector<16xf32>,
        %add3A_347 = arith.constant 0 : i32
        %add3A_348 = vector.broadcast %add3A_347 : i32 to vector<16xi32>
        %add3A_349 = arith.addi %select_n3A_45, %add3A_348 : vector<16xi32>
        tpu.vector_store_idx %arg11[%add3A_349, %broadcast_in_dim3A_250, %select_n3A_17, %broadcast_in_dim3A_339], %get3A_346 : memref<4x2x10x129xf32, #tpu.memory_space<vmem>>[vector<16xi32>, vector<16xi32>, vector<16xi32>, vector<16xi32>], vector<16xf32>,
        %add3A_350 = arith.constant 16 : i32
        %add3A_351 = arith.addi %squeeze3A, %add3A_350 : i32
        %get3A_352 = arith.index_cast %add3A_341 : i32 to index
        %get3A_353 = arith.index_cast %add3A_351 : i32 to index
        %get3A_354 = tpu.vector_load %arg9[%get3A_352, %get3A_353] {strides = array<i32>} : memref<256x128xf32, #tpu.memory_space<vmem>>, vector<16xf32>,
        %add3A_355 = arith.constant 2 : i32
        %add3A_356 = vector.broadcast %add3A_355 : i32 to vector<16xi32>
        %add3A_357 = arith.addi %select_n3A_45, %add3A_356 : vector<16xi32>
        tpu.vector_store_idx %arg11[%add3A_357, %broadcast_in_dim3A_250, %select_n3A_17, %broadcast_in_dim3A_339], %get3A_354 : memref<4x2x10x129xf32, #tpu.memory_space<vmem>>[vector<16xi32>, vector<16xi32>, vector<16xi32>, vector<16xi32>], vector<16xf32>,
        %mul3A_358 = arith.constant 16 : i32
        %mul3A_359 = arith.muli %scan3A_321, %mul3A_358 : i32
        %add3A_360 = arith.constant 1 : i32
        %add3A_361 = arith.addi %mul3A_359, %add3A_360 : i32
        %broadcast_in_dim3A_362 = vector.broadcast %add3A_361 : i32 to vector<16xi32>
        %add3A_363 = arith.constant 0 : i32
        %add3A_364 = arith.addi %add3A_363, %add3A_361 : i32
        %slice3A_365 = vector.extract_strided_slice %mul3A_334 {offsets = [1], sizes = [1], strides = [1]} : vector<16xi32> to vector<1xi32>
        %squeeze3A_366 = vector.extract %slice3A_365[0] : i32 from vector<1xi32>
        %add3A_367 = arith.constant 0 : i32
        %add3A_368 = arith.addi %squeeze3A_366, %add3A_367 : i32
        %get3A_369 = arith.index_cast %add3A_364 : i32 to index
        %get3A_370 = arith.index_cast %add3A_368 : i32 to index
        %get3A_371 = tpu.vector_load %arg9[%get3A_369, %get3A_370] {strides = array<i32>} : memref<256x128xf32, #tpu.memory_space<vmem>>, vector<16xf32>,
        %add3A_372 = arith.constant 0 : i32
        %add3A_373 = vector.broadcast %add3A_372 : i32 to vector<16xi32>
        %add3A_374 = arith.addi %select_n3A_45, %add3A_373 : vector<16xi32>
        tpu.vector_store_idx %arg11[%add3A_374, %broadcast_in_dim3A_250, %select_n3A_17, %broadcast_in_dim3A_362], %get3A_371 : memref<4x2x10x129xf32, #tpu.memory_space<vmem>>[vector<16xi32>, vector<16xi32>, vector<16xi32>, vector<16xi32>], vector<16xf32>,
        %add3A_375 = arith.constant 16 : i32
        %add3A_376 = arith.addi %squeeze3A_366, %add3A_375 : i32
        %get3A_377 = arith.index_cast %add3A_364 : i32 to index
        %get3A_378 = arith.index_cast %add3A_376 : i32 to index
        %get3A_379 = tpu.vector_load %arg9[%get3A_377, %get3A_378] {strides = array<i32>} : memref<256x128xf32, #tpu.memory_space<vmem>>, vector<16xf32>,
        %add3A_380 = arith.constant 2 : i32
        %add3A_381 = vector.broadcast %add3A_380 : i32 to vector<16xi32>
        %add3A_382 = arith.addi %select_n3A_45, %add3A_381 : vector<16xi32>
        tpu.vector_store_idx %arg11[%add3A_382, %broadcast_in_dim3A_250, %select_n3A_17, %broadcast_in_dim3A_362], %get3A_379 : memref<4x2x10x129xf32, #tpu.memory_space<vmem>>[vector<16xi32>, vector<16xi32>, vector<16xi32>, vector<16xi32>], vector<16xf32>,
        %mul3A_383 = arith.constant 16 : i32
        %mul3A_384 = arith.muli %scan3A_321, %mul3A_383 : i32
        %add3A_385 = arith.constant 2 : i32
        %add3A_386 = arith.addi %mul3A_384, %add3A_385 : i32
        %broadcast_in_dim3A_387 = vector.broadcast %add3A_386 : i32 to vector<16xi32>
        %add3A_388 = arith.constant 0 : i32
        %add3A_389 = arith.addi %add3A_388, %add3A_386 : i32
        %slice3A_390 = vector.extract_strided_slice %mul3A_334 {offsets = [2], sizes = [1], strides = [1]} : vector<16xi32> to vector<1xi32>
        %squeeze3A_391 = vector.extract %slice3A_390[0] : i32 from vector<1xi32>
        %add3A_392 = arith.constant 0 : i32
        %add3A_393 = arith.addi %squeeze3A_391, %add3A_392 : i32
        %get3A_394 = arith.index_cast %add3A_389 : i32 to index
        %get3A_395 = arith.index_cast %add3A_393 : i32 to index
        %get3A_396 = tpu.vector_load %arg9[%get3A_394, %get3A_395] {strides = array<i32>} : memref<256x128xf32, #tpu.memory_space<vmem>>, vector<16xf32>,
        %add3A_397 = arith.constant 0 : i32
        %add3A_398 = vector.broadcast %add3A_397 : i32 to vector<16xi32>
        %add3A_399 = arith.addi %select_n3A_45, %add3A_398 : vector<16xi32>
        tpu.vector_store_idx %arg11[%add3A_399, %broadcast_in_dim3A_250, %select_n3A_17, %broadcast_in_dim3A_387], %get3A_396 : memref<4x2x10x129xf32, #tpu.memory_space<vmem>>[vector<16xi32>, vector<16xi32>, vector<16xi32>, vector<16xi32>], vector<16xf32>,
        %add3A_400 = arith.constant 16 : i32
        %add3A_401 = arith.addi %squeeze3A_391, %add3A_400 : i32
        %get3A_402 = arith.index_cast %add3A_389 : i32 to index
        %get3A_403 = arith.index_cast %add3A_401 : i32 to index
        %get3A_404 = tpu.vector_load %arg9[%get3A_402, %get3A_403] {strides = array<i32>} : memref<256x128xf32, #tpu.memory_space<vmem>>, vector<16xf32>,
        %add3A_405 = arith.constant 2 : i32
        %add3A_406 = vector.broadcast %add3A_405 : i32 to vector<16xi32>
        %add3A_407 = arith.addi %select_n3A_45, %add3A_406 : vector<16xi32>
        tpu.vector_store_idx %arg11[%add3A_407, %broadcast_in_dim3A_250, %select_n3A_17, %broadcast_in_dim3A_387], %get3A_404 : memref<4x2x10x129xf32, #tpu.memory_space<vmem>>[vector<16xi32>, vector<16xi32>, vector<16xi32>, vector<16xi32>], vector<16xf32>,
        %mul3A_408 = arith.constant 16 : i32
        %mul3A_409 = arith.muli %scan3A_321, %mul3A_408 : i32
        %add3A_410 = arith.constant 3 : i32
        %add3A_411 = arith.addi %mul3A_409, %add3A_410 : i32
        %broadcast_in_dim3A_412 = vector.broadcast %add3A_411 : i32 to vector<16xi32>
        %add3A_413 = arith.constant 0 : i32
        %add3A_414 = arith.addi %add3A_413, %add3A_411 : i32
        %slice3A_415 = vector.extract_strided_slice %mul3A_334 {offsets = [3], sizes = [1], strides = [1]} : vector<16xi32> to vector<1xi32>
        %squeeze3A_416 = vector.extract %slice3A_415[0] : i32 from vector<1xi32>
        %add3A_417 = arith.constant 0 : i32
        %add3A_418 = arith.addi %squeeze3A_416, %add3A_417 : i32
        %get3A_419 = arith.index_cast %add3A_414 : i32 to index
        %get3A_420 = arith.index_cast %add3A_418 : i32 to index
        %get3A_421 = tpu.vector_load %arg9[%get3A_419, %get3A_420] {strides = array<i32>} : memref<256x128xf32, #tpu.memory_space<vmem>>, vector<16xf32>,
        %add3A_422 = arith.constant 0 : i32
        %add3A_423 = vector.broadcast %add3A_422 : i32 to vector<16xi32>
        %add3A_424 = arith.addi %select_n3A_45, %add3A_423 : vector<16xi32>
        tpu.vector_store_idx %arg11[%add3A_424, %broadcast_in_dim3A_250, %select_n3A_17, %broadcast_in_dim3A_412], %get3A_421 : memref<4x2x10x129xf32, #tpu.memory_space<vmem>>[vector<16xi32>, vector<16xi32>, vector<16xi32>, vector<16xi32>], vector<16xf32>,
        %add3A_425 = arith.constant 16 : i32
        %add3A_426 = arith.addi %squeeze3A_416, %add3A_425 : i32
        %get3A_427 = arith.index_cast %add3A_414 : i32 to index
        %get3A_428 = arith.index_cast %add3A_426 : i32 to index
        %get3A_429 = tpu.vector_load %arg9[%get3A_427, %get3A_428] {strides = array<i32>} : memref<256x128xf32, #tpu.memory_space<vmem>>, vector<16xf32>,
        %add3A_430 = arith.constant 2 : i32
        %add3A_431 = vector.broadcast %add3A_430 : i32 to vector<16xi32>
        %add3A_432 = arith.addi %select_n3A_45, %add3A_431 : vector<16xi32>
        tpu.vector_store_idx %arg11[%add3A_432, %broadcast_in_dim3A_250, %select_n3A_17, %broadcast_in_dim3A_412], %get3A_429 : memref<4x2x10x129xf32, #tpu.memory_space<vmem>>[vector<16xi32>, vector<16xi32>, vector<16xi32>, vector<16xi32>], vector<16xf32>,
        %mul3A_433 = arith.constant 16 : i32
        %mul3A_434 = arith.muli %scan3A_321, %mul3A_433 : i32
        %add3A_435 = arith.constant 4 : i32
        %add3A_436 = arith.addi %mul3A_434, %add3A_435 : i32
        %broadcast_in_dim3A_437 = vector.broadcast %add3A_436 : i32 to vector<16xi32>
        %add3A_438 = arith.constant 0 : i32
        %add3A_439 = arith.addi %add3A_438, %add3A_436 : i32
        %slice3A_440 = vector.extract_strided_slice %mul3A_334 {offsets = [4], sizes = [1], strides = [1]} : vector<16xi32> to vector<1xi32>
        %squeeze3A_441 = vector.extract %slice3A_440[0] : i32 from vector<1xi32>
        %add3A_442 = arith.constant 0 : i32
        %add3A_443 = arith.addi %squeeze3A_441, %add3A_442 : i32
        %get3A_444 = arith.index_cast %add3A_439 : i32 to index
        %get3A_445 = arith.index_cast %add3A_443 : i32 to index
        %get3A_446 = tpu.vector_load %arg9[%get3A_444, %get3A_445] {strides = array<i32>} : memref<256x128xf32, #tpu.memory_space<vmem>>, vector<16xf32>,
        %add3A_447 = arith.constant 0 : i32
        %add3A_448 = vector.broadcast %add3A_447 : i32 to vector<16xi32>
        %add3A_449 = arith.addi %select_n3A_45, %add3A_448 : vector<16xi32>
        tpu.vector_store_idx %arg11[%add3A_449, %broadcast_in_dim3A_250, %select_n3A_17, %broadcast_in_dim3A_437], %get3A_446 : memref<4x2x10x129xf32, #tpu.memory_space<vmem>>[vector<16xi32>, vector<16xi32>, vector<16xi32>, vector<16xi32>], vector<16xf32>,
        %add3A_450 = arith.constant 16 : i32
        %add3A_451 = arith.addi %squeeze3A_441, %add3A_450 : i32
        %get3A_452 = arith.index_cast %add3A_439 : i32 to index
        %get3A_453 = arith.index_cast %add3A_451 : i32 to index
        %get3A_454 = tpu.vector_load %arg9[%get3A_452, %get3A_453] {strides = array<i32>} : memref<256x128xf32, #tpu.memory_space<vmem>>, vector<16xf32>,
        %add3A_455 = arith.constant 2 : i32
        %add3A_456 = vector.broadcast %add3A_455 : i32 to vector<16xi32>
        %add3A_457 = arith.addi %select_n3A_45, %add3A_456 : vector<16xi32>
        tpu.vector_store_idx %arg11[%add3A_457, %broadcast_in_dim3A_250, %select_n3A_17, %broadcast_in_dim3A_437], %get3A_454 : memref<4x2x10x129xf32, #tpu.memory_space<vmem>>[vector<16xi32>, vector<16xi32>, vector<16xi32>, vector<16xi32>], vector<16xf32>,
        %mul3A_458 = arith.constant 16 : i32
        %mul3A_459 = arith.muli %scan3A_321, %mul3A_458 : i32
        %add3A_460 = arith.constant 5 : i32
        %add3A_461 = arith.addi %mul3A_459, %add3A_460 : i32
        %broadcast_in_dim3A_462 = vector.broadcast %add3A_461 : i32 to vector<16xi32>
        %add3A_463 = arith.constant 0 : i32
        %add3A_464 = arith.addi %add3A_463, %add3A_461 : i32
        %slice3A_465 = vector.extract_strided_slice %mul3A_334 {offsets = [5], sizes = [1], strides = [1]} : vector<16xi32> to vector<1xi32>
        %squeeze3A_466 = vector.extract %slice3A_465[0] : i32 from vector<1xi32>
        %add3A_467 = arith.constant 0 : i32
        %add3A_468 = arith.addi %squeeze3A_466, %add3A_467 : i32
        %get3A_469 = arith.index_cast %add3A_464 : i32 to index
        %get3A_470 = arith.index_cast %add3A_468 : i32 to index
        %get3A_471 = tpu.vector_load %arg9[%get3A_469, %get3A_470] {strides = array<i32>} : memref<256x128xf32, #tpu.memory_space<vmem>>, vector<16xf32>,
        %add3A_472 = arith.constant 0 : i32
        %add3A_473 = vector.broadcast %add3A_472 : i32 to vector<16xi32>
        %add3A_474 = arith.addi %select_n3A_45, %add3A_473 : vector<16xi32>
        tpu.vector_store_idx %arg11[%add3A_474, %broadcast_in_dim3A_250, %select_n3A_17, %broadcast_in_dim3A_462], %get3A_471 : memref<4x2x10x129xf32, #tpu.memory_space<vmem>>[vector<16xi32>, vector<16xi32>, vector<16xi32>, vector<16xi32>], vector<16xf32>,
        %add3A_475 = arith.constant 16 : i32
        %add3A_476 = arith.addi %squeeze3A_466, %add3A_475 : i32
        %get3A_477 = arith.index_cast %add3A_464 : i32 to index
        %get3A_478 = arith.index_cast %add3A_476 : i32 to index
        %get3A_479 = tpu.vector_load %arg9[%get3A_477, %get3A_478] {strides = array<i32>} : memref<256x128xf32, #tpu.memory_space<vmem>>, vector<16xf32>,
        %add3A_480 = arith.constant 2 : i32
        %add3A_481 = vector.broadcast %add3A_480 : i32 to vector<16xi32>
        %add3A_482 = arith.addi %select_n3A_45, %add3A_481 : vector<16xi32>
        tpu.vector_store_idx %arg11[%add3A_482, %broadcast_in_dim3A_250, %select_n3A_17, %broadcast_in_dim3A_462], %get3A_479 : memref<4x2x10x129xf32, #tpu.memory_space<vmem>>[vector<16xi32>, vector<16xi32>, vector<16xi32>, vector<16xi32>], vector<16xf32>,
        %mul3A_483 = arith.constant 16 : i32
        %mul3A_484 = arith.muli %scan3A_321, %mul3A_483 : i32
        %add3A_485 = arith.constant 6 : i32
        %add3A_486 = arith.addi %mul3A_484, %add3A_485 : i32
        %broadcast_in_dim3A_487 = vector.broadcast %add3A_486 : i32 to vector<16xi32>
        %add3A_488 = arith.constant 0 : i32
        %add3A_489 = arith.addi %add3A_488, %add3A_486 : i32
        %slice3A_490 = vector.extract_strided_slice %mul3A_334 {offsets = [6], sizes = [1], strides = [1]} : vector<16xi32> to vector<1xi32>
        %squeeze3A_491 = vector.extract %slice3A_490[0] : i32 from vector<1xi32>
        %add3A_492 = arith.constant 0 : i32
        %add3A_493 = arith.addi %squeeze3A_491, %add3A_492 : i32
        %get3A_494 = arith.index_cast %add3A_489 : i32 to index
        %get3A_495 = arith.index_cast %add3A_493 : i32 to index
        %get3A_496 = tpu.vector_load %arg9[%get3A_494, %get3A_495] {strides = array<i32>} : memref<256x128xf32, #tpu.memory_space<vmem>>, vector<16xf32>,
        %add3A_497 = arith.constant 0 : i32
        %add3A_498 = vector.broadcast %add3A_497 : i32 to vector<16xi32>
        %add3A_499 = arith.addi %select_n3A_45, %add3A_498 : vector<16xi32>
        tpu.vector_store_idx %arg11[%add3A_499, %broadcast_in_dim3A_250, %select_n3A_17, %broadcast_in_dim3A_487], %get3A_496 : memref<4x2x10x129xf32, #tpu.memory_space<vmem>>[vector<16xi32>, vector<16xi32>, vector<16xi32>, vector<16xi32>], vector<16xf32>,
        %add3A_500 = arith.constant 16 : i32
        %add3A_501 = arith.addi %squeeze3A_491, %add3A_500 : i32
        %get3A_502 = arith.index_cast %add3A_489 : i32 to index
        %get3A_503 = arith.index_cast %add3A_501 : i32 to index
        %get3A_504 = tpu.vector_load %arg9[%get3A_502, %get3A_503] {strides = array<i32>} : memref<256x128xf32, #tpu.memory_space<vmem>>, vector<16xf32>,
        %add3A_505 = arith.constant 2 : i32
        %add3A_506 = vector.broadcast %add3A_505 : i32 to vector<16xi32>
        %add3A_507 = arith.addi %select_n3A_45, %add3A_506 : vector<16xi32>
        tpu.vector_store_idx %arg11[%add3A_507, %broadcast_in_dim3A_250, %select_n3A_17, %broadcast_in_dim3A_487], %get3A_504 : memref<4x2x10x129xf32, #tpu.memory_space<vmem>>[vector<16xi32>, vector<16xi32>, vector<16xi32>, vector<16xi32>], vector<16xf32>,
        %mul3A_508 = arith.constant 16 : i32
        %mul3A_509 = arith.muli %scan3A_321, %mul3A_508 : i32
        %add3A_510 = arith.constant 7 : i32
        %add3A_511 = arith.addi %mul3A_509, %add3A_510 : i32
        %broadcast_in_dim3A_512 = vector.broadcast %add3A_511 : i32 to vector<16xi32>
        %add3A_513 = arith.constant 0 : i32
        %add3A_514 = arith.addi %add3A_513, %add3A_511 : i32
        %slice3A_515 = vector.extract_strided_slice %mul3A_334 {offsets = [7], sizes = [1], strides = [1]} : vector<16xi32> to vector<1xi32>
        %squeeze3A_516 = vector.extract %slice3A_515[0] : i32 from vector<1xi32>
        %add3A_517 = arith.constant 0 : i32
        %add3A_518 = arith.addi %squeeze3A_516, %add3A_517 : i32
        %get3A_519 = arith.index_cast %add3A_514 : i32 to index
        %get3A_520 = arith.index_cast %add3A_518 : i32 to index
        %get3A_521 = tpu.vector_load %arg9[%get3A_519, %get3A_520] {strides = array<i32>} : memref<256x128xf32, #tpu.memory_space<vmem>>, vector<16xf32>,
        %add3A_522 = arith.constant 0 : i32
        %add3A_523 = vector.broadcast %add3A_522 : i32 to vector<16xi32>
        %add3A_524 = arith.addi %select_n3A_45, %add3A_523 : vector<16xi32>
        tpu.vector_store_idx %arg11[%add3A_524, %broadcast_in_dim3A_250, %select_n3A_17, %broadcast_in_dim3A_512], %get3A_521 : memref<4x2x10x129xf32, #tpu.memory_space<vmem>>[vector<16xi32>, vector<16xi32>, vector<16xi32>, vector<16xi32>], vector<16xf32>,
        %add3A_525 = arith.constant 16 : i32
        %add3A_526 = arith.addi %squeeze3A_516, %add3A_525 : i32
        %get3A_527 = arith.index_cast %add3A_514 : i32 to index
        %get3A_528 = arith.index_cast %add3A_526 : i32 to index
        %get3A_529 = tpu.vector_load %arg9[%get3A_527, %get3A_528] {strides = array<i32>} : memref<256x128xf32, #tpu.memory_space<vmem>>, vector<16xf32>,
        %add3A_530 = arith.constant 2 : i32
        %add3A_531 = vector.broadcast %add3A_530 : i32 to vector<16xi32>
        %add3A_532 = arith.addi %select_n3A_45, %add3A_531 : vector<16xi32>
        tpu.vector_store_idx %arg11[%add3A_532, %broadcast_in_dim3A_250, %select_n3A_17, %broadcast_in_dim3A_512], %get3A_529 : memref<4x2x10x129xf32, #tpu.memory_space<vmem>>[vector<16xi32>, vector<16xi32>, vector<16xi32>, vector<16xi32>], vector<16xf32>,
        %mul3A_533 = arith.constant 16 : i32
        %mul3A_534 = arith.muli %scan3A_321, %mul3A_533 : i32
        %add3A_535 = arith.constant 8 : i32
        %add3A_536 = arith.addi %mul3A_534, %add3A_535 : i32
        %broadcast_in_dim3A_537 = vector.broadcast %add3A_536 : i32 to vector<16xi32>
        %add3A_538 = arith.constant 0 : i32
        %add3A_539 = arith.addi %add3A_538, %add3A_536 : i32
        %slice3A_540 = vector.extract_strided_slice %mul3A_334 {offsets = [8], sizes = [1], strides = [1]} : vector<16xi32> to vector<1xi32>
        %squeeze3A_541 = vector.extract %slice3A_540[0] : i32 from vector<1xi32>
        %add3A_542 = arith.constant 0 : i32
        %add3A_543 = arith.addi %squeeze3A_541, %add3A_542 : i32
        %get3A_544 = arith.index_cast %add3A_539 : i32 to index
        %get3A_545 = arith.index_cast %add3A_543 : i32 to index
        %get3A_546 = tpu.vector_load %arg9[%get3A_544, %get3A_545] {strides = array<i32>} : memref<256x128xf32, #tpu.memory_space<vmem>>, vector<16xf32>,
        %add3A_547 = arith.constant 0 : i32
        %add3A_548 = vector.broadcast %add3A_547 : i32 to vector<16xi32>
        %add3A_549 = arith.addi %select_n3A_45, %add3A_548 : vector<16xi32>
        tpu.vector_store_idx %arg11[%add3A_549, %broadcast_in_dim3A_250, %select_n3A_17, %broadcast_in_dim3A_537], %get3A_546 : memref<4x2x10x129xf32, #tpu.memory_space<vmem>>[vector<16xi32>, vector<16xi32>, vector<16xi32>, vector<16xi32>], vector<16xf32>,
        %add3A_550 = arith.constant 16 : i32
        %add3A_551 = arith.addi %squeeze3A_541, %add3A_550 : i32
        %get3A_552 = arith.index_cast %add3A_539 : i32 to index
        %get3A_553 = arith.index_cast %add3A_551 : i32 to index
        %get3A_554 = tpu.vector_load %arg9[%get3A_552, %get3A_553] {strides = array<i32>} : memref<256x128xf32, #tpu.memory_space<vmem>>, vector<16xf32>,
        %add3A_555 = arith.constant 2 : i32
        %add3A_556 = vector.broadcast %add3A_555 : i32 to vector<16xi32>
        %add3A_557 = arith.addi %select_n3A_45, %add3A_556 : vector<16xi32>
        tpu.vector_store_idx %arg11[%add3A_557, %broadcast_in_dim3A_250, %select_n3A_17, %broadcast_in_dim3A_537], %get3A_554 : memref<4x2x10x129xf32, #tpu.memory_space<vmem>>[vector<16xi32>, vector<16xi32>, vector<16xi32>, vector<16xi32>], vector<16xf32>,
        %mul3A_558 = arith.constant 16 : i32
        %mul3A_559 = arith.muli %scan3A_321, %mul3A_558 : i32
        %add3A_560 = arith.constant 9 : i32
        %add3A_561 = arith.addi %mul3A_559, %add3A_560 : i32
        %broadcast_in_dim3A_562 = vector.broadcast %add3A_561 : i32 to vector<16xi32>
        %add3A_563 = arith.constant 0 : i32
        %add3A_564 = arith.addi %add3A_563, %add3A_561 : i32
        %slice3A_565 = vector.extract_strided_slice %mul3A_334 {offsets = [9], sizes = [1], strides = [1]} : vector<16xi32> to vector<1xi32>
        %squeeze3A_566 = vector.extract %slice3A_565[0] : i32 from vector<1xi32>
        %add3A_567 = arith.constant 0 : i32
        %add3A_568 = arith.addi %squeeze3A_566, %add3A_567 : i32
        %get3A_569 = arith.index_cast %add3A_564 : i32 to index
        %get3A_570 = arith.index_cast %add3A_568 : i32 to index
        %get3A_571 = tpu.vector_load %arg9[%get3A_569, %get3A_570] {strides = array<i32>} : memref<256x128xf32, #tpu.memory_space<vmem>>, vector<16xf32>,
        %add3A_572 = arith.constant 0 : i32
        %add3A_573 = vector.broadcast %add3A_572 : i32 to vector<16xi32>
        %add3A_574 = arith.addi %select_n3A_45, %add3A_573 : vector<16xi32>
        tpu.vector_store_idx %arg11[%add3A_574, %broadcast_in_dim3A_250, %select_n3A_17, %broadcast_in_dim3A_562], %get3A_571 : memref<4x2x10x129xf32, #tpu.memory_space<vmem>>[vector<16xi32>, vector<16xi32>, vector<16xi32>, vector<16xi32>], vector<16xf32>,
        %add3A_575 = arith.constant 16 : i32
        %add3A_576 = arith.addi %squeeze3A_566, %add3A_575 : i32
        %get3A_577 = arith.index_cast %add3A_564 : i32 to index
        %get3A_578 = arith.index_cast %add3A_576 : i32 to index
        %get3A_579 = tpu.vector_load %arg9[%get3A_577, %get3A_578] {strides = array<i32>} : memref<256x128xf32, #tpu.memory_space<vmem>>, vector<16xf32>,
        %add3A_580 = arith.constant 2 : i32
        %add3A_581 = vector.broadcast %add3A_580 : i32 to vector<16xi32>
        %add3A_582 = arith.addi %select_n3A_45, %add3A_581 : vector<16xi32>
        tpu.vector_store_idx %arg11[%add3A_582, %broadcast_in_dim3A_250, %select_n3A_17, %broadcast_in_dim3A_562], %get3A_579 : memref<4x2x10x129xf32, #tpu.memory_space<vmem>>[vector<16xi32>, vector<16xi32>, vector<16xi32>, vector<16xi32>], vector<16xf32>,
        %mul3A_583 = arith.constant 16 : i32
        %mul3A_584 = arith.muli %scan3A_321, %mul3A_583 : i32
        %add3A_585 = arith.constant 10 : i32
        %add3A_586 = arith.addi %mul3A_584, %add3A_585 : i32
        %broadcast_in_dim3A_587 = vector.broadcast %add3A_586 : i32 to vector<16xi32>
        %add3A_588 = arith.constant 0 : i32
        %add3A_589 = arith.addi %add3A_588, %add3A_586 : i32
        %slice3A_590 = vector.extract_strided_slice %mul3A_334 {offsets = [10], sizes = [1], strides = [1]} : vector<16xi32> to vector<1xi32>
        %squeeze3A_591 = vector.extract %slice3A_590[0] : i32 from vector<1xi32>
        %add3A_592 = arith.constant 0 : i32
        %add3A_593 = arith.addi %squeeze3A_591, %add3A_592 : i32
        %get3A_594 = arith.index_cast %add3A_589 : i32 to index
        %get3A_595 = arith.index_cast %add3A_593 : i32 to index
        %get3A_596 = tpu.vector_load %arg9[%get3A_594, %get3A_595] {strides = array<i32>} : memref<256x128xf32, #tpu.memory_space<vmem>>, vector<16xf32>,
        %add3A_597 = arith.constant 0 : i32
        %add3A_598 = vector.broadcast %add3A_597 : i32 to vector<16xi32>
        %add3A_599 = arith.addi %select_n3A_45, %add3A_598 : vector<16xi32>
        tpu.vector_store_idx %arg11[%add3A_599, %broadcast_in_dim3A_250, %select_n3A_17, %broadcast_in_dim3A_587], %get3A_596 : memref<4x2x10x129xf32, #tpu.memory_space<vmem>>[vector<16xi32>, vector<16xi32>, vector<16xi32>, vector<16xi32>], vector<16xf32>,
        %add3A_600 = arith.constant 16 : i32
        %add3A_601 = arith.addi %squeeze3A_591, %add3A_600 : i32
        %get3A_602 = arith.index_cast %add3A_589 : i32 to index
        %get3A_603 = arith.index_cast %add3A_601 : i32 to index
        %get3A_604 = tpu.vector_load %arg9[%get3A_602, %get3A_603] {strides = array<i32>} : memref<256x128xf32, #tpu.memory_space<vmem>>, vector<16xf32>,
        %add3A_605 = arith.constant 2 : i32
        %add3A_606 = vector.broadcast %add3A_605 : i32 to vector<16xi32>
        %add3A_607 = arith.addi %select_n3A_45, %add3A_606 : vector<16xi32>
        tpu.vector_store_idx %arg11[%add3A_607, %broadcast_in_dim3A_250, %select_n3A_17, %broadcast_in_dim3A_587], %get3A_604 : memref<4x2x10x129xf32, #tpu.memory_space<vmem>>[vector<16xi32>, vector<16xi32>, vector<16xi32>, vector<16xi32>], vector<16xf32>,
        %mul3A_608 = arith.constant 16 : i32
        %mul3A_609 = arith.muli %scan3A_321, %mul3A_608 : i32
        %add3A_610 = arith.constant 11 : i32
        %add3A_611 = arith.addi %mul3A_609, %add3A_610 : i32
        %broadcast_in_dim3A_612 = vector.broadcast %add3A_611 : i32 to vector<16xi32>
        %add3A_613 = arith.constant 0 : i32
        %add3A_614 = arith.addi %add3A_613, %add3A_611 : i32
        %slice3A_615 = vector.extract_strided_slice %mul3A_334 {offsets = [11], sizes = [1], strides = [1]} : vector<16xi32> to vector<1xi32>
        %squeeze3A_616 = vector.extract %slice3A_615[0] : i32 from vector<1xi32>
        %add3A_617 = arith.constant 0 : i32
        %add3A_618 = arith.addi %squeeze3A_616, %add3A_617 : i32
        %get3A_619 = arith.index_cast %add3A_614 : i32 to index
        %get3A_620 = arith.index_cast %add3A_618 : i32 to index
        %get3A_621 = tpu.vector_load %arg9[%get3A_619, %get3A_620] {strides = array<i32>} : memref<256x128xf32, #tpu.memory_space<vmem>>, vector<16xf32>,
        %add3A_622 = arith.constant 0 : i32
        %add3A_623 = vector.broadcast %add3A_622 : i32 to vector<16xi32>
        %add3A_624 = arith.addi %select_n3A_45, %add3A_623 : vector<16xi32>
        tpu.vector_store_idx %arg11[%add3A_624, %broadcast_in_dim3A_250, %select_n3A_17, %broadcast_in_dim3A_612], %get3A_621 : memref<4x2x10x129xf32, #tpu.memory_space<vmem>>[vector<16xi32>, vector<16xi32>, vector<16xi32>, vector<16xi32>], vector<16xf32>,
        %add3A_625 = arith.constant 16 : i32
        %add3A_626 = arith.addi %squeeze3A_616, %add3A_625 : i32
        %get3A_627 = arith.index_cast %add3A_614 : i32 to index
        %get3A_628 = arith.index_cast %add3A_626 : i32 to index
        %get3A_629 = tpu.vector_load %arg9[%get3A_627, %get3A_628] {strides = array<i32>} : memref<256x128xf32, #tpu.memory_space<vmem>>, vector<16xf32>,
        %add3A_630 = arith.constant 2 : i32
        %add3A_631 = vector.broadcast %add3A_630 : i32 to vector<16xi32>
        %add3A_632 = arith.addi %select_n3A_45, %add3A_631 : vector<16xi32>
        tpu.vector_store_idx %arg11[%add3A_632, %broadcast_in_dim3A_250, %select_n3A_17, %broadcast_in_dim3A_612], %get3A_629 : memref<4x2x10x129xf32, #tpu.memory_space<vmem>>[vector<16xi32>, vector<16xi32>, vector<16xi32>, vector<16xi32>], vector<16xf32>,
        %mul3A_633 = arith.constant 16 : i32
        %mul3A_634 = arith.muli %scan3A_321, %mul3A_633 : i32
        %add3A_635 = arith.constant 12 : i32
        %add3A_636 = arith.addi %mul3A_634, %add3A_635 : i32
        %broadcast_in_dim3A_637 = vector.broadcast %add3A_636 : i32 to vector<16xi32>
        %add3A_638 = arith.constant 0 : i32
        %add3A_639 = arith.addi %add3A_638, %add3A_636 : i32
        %slice3A_640 = vector.extract_strided_slice %mul3A_334 {offsets = [12], sizes = [1], strides = [1]} : vector<16xi32> to vector<1xi32>
        %squeeze3A_641 = vector.extract %slice3A_640[0] : i32 from vector<1xi32>
        %add3A_642 = arith.constant 0 : i32
        %add3A_643 = arith.addi %squeeze3A_641, %add3A_642 : i32
        %get3A_644 = arith.index_cast %add3A_639 : i32 to index
        %get3A_645 = arith.index_cast %add3A_643 : i32 to index
        %get3A_646 = tpu.vector_load %arg9[%get3A_644, %get3A_645] {strides = array<i32>} : memref<256x128xf32, #tpu.memory_space<vmem>>, vector<16xf32>,
        %add3A_647 = arith.constant 0 : i32
        %add3A_648 = vector.broadcast %add3A_647 : i32 to vector<16xi32>
        %add3A_649 = arith.addi %select_n3A_45, %add3A_648 : vector<16xi32>
        tpu.vector_store_idx %arg11[%add3A_649, %broadcast_in_dim3A_250, %select_n3A_17, %broadcast_in_dim3A_637], %get3A_646 : memref<4x2x10x129xf32, #tpu.memory_space<vmem>>[vector<16xi32>, vector<16xi32>, vector<16xi32>, vector<16xi32>], vector<16xf32>,
        %add3A_650 = arith.constant 16 : i32
        %add3A_651 = arith.addi %squeeze3A_641, %add3A_650 : i32
        %get3A_652 = arith.index_cast %add3A_639 : i32 to index
        %get3A_653 = arith.index_cast %add3A_651 : i32 to index
        %get3A_654 = tpu.vector_load %arg9[%get3A_652, %get3A_653] {strides = array<i32>} : memref<256x128xf32, #tpu.memory_space<vmem>>, vector<16xf32>,
        %add3A_655 = arith.constant 2 : i32
        %add3A_656 = vector.broadcast %add3A_655 : i32 to vector<16xi32>
        %add3A_657 = arith.addi %select_n3A_45, %add3A_656 : vector<16xi32>
        tpu.vector_store_idx %arg11[%add3A_657, %broadcast_in_dim3A_250, %select_n3A_17, %broadcast_in_dim3A_637], %get3A_654 : memref<4x2x10x129xf32, #tpu.memory_space<vmem>>[vector<16xi32>, vector<16xi32>, vector<16xi32>, vector<16xi32>], vector<16xf32>,
        %mul3A_658 = arith.constant 16 : i32
        %mul3A_659 = arith.muli %scan3A_321, %mul3A_658 : i32
        %add3A_660 = arith.constant 13 : i32
        %add3A_661 = arith.addi %mul3A_659, %add3A_660 : i32
        %broadcast_in_dim3A_662 = vector.broadcast %add3A_661 : i32 to vector<16xi32>
        %add3A_663 = arith.constant 0 : i32
        %add3A_664 = arith.addi %add3A_663, %add3A_661 : i32
        %slice3A_665 = vector.extract_strided_slice %mul3A_334 {offsets = [13], sizes = [1], strides = [1]} : vector<16xi32> to vector<1xi32>
        %squeeze3A_666 = vector.extract %slice3A_665[0] : i32 from vector<1xi32>
        %add3A_667 = arith.constant 0 : i32
        %add3A_668 = arith.addi %squeeze3A_666, %add3A_667 : i32
        %get3A_669 = arith.index_cast %add3A_664 : i32 to index
        %get3A_670 = arith.index_cast %add3A_668 : i32 to index
        %get3A_671 = tpu.vector_load %arg9[%get3A_669, %get3A_670] {strides = array<i32>} : memref<256x128xf32, #tpu.memory_space<vmem>>, vector<16xf32>,
        %add3A_672 = arith.constant 0 : i32
        %add3A_673 = vector.broadcast %add3A_672 : i32 to vector<16xi32>
        %add3A_674 = arith.addi %select_n3A_45, %add3A_673 : vector<16xi32>
        tpu.vector_store_idx %arg11[%add3A_674, %broadcast_in_dim3A_250, %select_n3A_17, %broadcast_in_dim3A_662], %get3A_671 : memref<4x2x10x129xf32, #tpu.memory_space<vmem>>[vector<16xi32>, vector<16xi32>, vector<16xi32>, vector<16xi32>], vector<16xf32>,
        %add3A_675 = arith.constant 16 : i32
        %add3A_676 = arith.addi %squeeze3A_666, %add3A_675 : i32
        %get3A_677 = arith.index_cast %add3A_664 : i32 to index
        %get3A_678 = arith.index_cast %add3A_676 : i32 to index
        %get3A_679 = tpu.vector_load %arg9[%get3A_677, %get3A_678] {strides = array<i32>} : memref<256x128xf32, #tpu.memory_space<vmem>>, vector<16xf32>,
        %add3A_680 = arith.constant 2 : i32
        %add3A_681 = vector.broadcast %add3A_680 : i32 to vector<16xi32>
        %add3A_682 = arith.addi %select_n3A_45, %add3A_681 : vector<16xi32>
        tpu.vector_store_idx %arg11[%add3A_682, %broadcast_in_dim3A_250, %select_n3A_17, %broadcast_in_dim3A_662], %get3A_679 : memref<4x2x10x129xf32, #tpu.memory_space<vmem>>[vector<16xi32>, vector<16xi32>, vector<16xi32>, vector<16xi32>], vector<16xf32>,
        %mul3A_683 = arith.constant 16 : i32
        %mul3A_684 = arith.muli %scan3A_321, %mul3A_683 : i32
        %add3A_685 = arith.constant 14 : i32
        %add3A_686 = arith.addi %mul3A_684, %add3A_685 : i32
        %broadcast_in_dim3A_687 = vector.broadcast %add3A_686 : i32 to vector<16xi32>
        %add3A_688 = arith.constant 0 : i32
        %add3A_689 = arith.addi %add3A_688, %add3A_686 : i32
        %slice3A_690 = vector.extract_strided_slice %mul3A_334 {offsets = [14], sizes = [1], strides = [1]} : vector<16xi32> to vector<1xi32>
        %squeeze3A_691 = vector.extract %slice3A_690[0] : i32 from vector<1xi32>
        %add3A_692 = arith.constant 0 : i32
        %add3A_693 = arith.addi %squeeze3A_691, %add3A_692 : i32
        %get3A_694 = arith.index_cast %add3A_689 : i32 to index
        %get3A_695 = arith.index_cast %add3A_693 : i32 to index
        %get3A_696 = tpu.vector_load %arg9[%get3A_694, %get3A_695] {strides = array<i32>} : memref<256x128xf32, #tpu.memory_space<vmem>>, vector<16xf32>,
        %add3A_697 = arith.constant 0 : i32
        %add3A_698 = vector.broadcast %add3A_697 : i32 to vector<16xi32>
        %add3A_699 = arith.addi %select_n3A_45, %add3A_698 : vector<16xi32>
        tpu.vector_store_idx %arg11[%add3A_699, %broadcast_in_dim3A_250, %select_n3A_17, %broadcast_in_dim3A_687], %get3A_696 : memref<4x2x10x129xf32, #tpu.memory_space<vmem>>[vector<16xi32>, vector<16xi32>, vector<16xi32>, vector<16xi32>], vector<16xf32>,
        %add3A_700 = arith.constant 16 : i32
        %add3A_701 = arith.addi %squeeze3A_691, %add3A_700 : i32
        %get3A_702 = arith.index_cast %add3A_689 : i32 to index
        %get3A_703 = arith.index_cast %add3A_701 : i32 to index
        %get3A_704 = tpu.vector_load %arg9[%get3A_702, %get3A_703] {strides = array<i32>} : memref<256x128xf32, #tpu.memory_space<vmem>>, vector<16xf32>,
        %add3A_705 = arith.constant 2 : i32
        %add3A_706 = vector.broadcast %add3A_705 : i32 to vector<16xi32>
        %add3A_707 = arith.addi %select_n3A_45, %add3A_706 : vector<16xi32>
        tpu.vector_store_idx %arg11[%add3A_707, %broadcast_in_dim3A_250, %select_n3A_17, %broadcast_in_dim3A_687], %get3A_704 : memref<4x2x10x129xf32, #tpu.memory_space<vmem>>[vector<16xi32>, vector<16xi32>, vector<16xi32>, vector<16xi32>], vector<16xf32>,
        %mul3A_708 = arith.constant 16 : i32
        %mul3A_709 = arith.muli %scan3A_321, %mul3A_708 : i32
        %add3A_710 = arith.constant 15 : i32
        %add3A_711 = arith.addi %mul3A_709, %add3A_710 : i32
        %broadcast_in_dim3A_712 = vector.broadcast %add3A_711 : i32 to vector<16xi32>
        %add3A_713 = arith.constant 0 : i32
        %add3A_714 = arith.addi %add3A_713, %add3A_711 : i32
        %slice3A_715 = vector.extract_strided_slice %mul3A_334 {offsets = [15], sizes = [1], strides = [1]} : vector<16xi32> to vector<1xi32>
        %squeeze3A_716 = vector.extract %slice3A_715[0] : i32 from vector<1xi32>
        %add3A_717 = arith.constant 0 : i32
        %add3A_718 = arith.addi %squeeze3A_716, %add3A_717 : i32
        %get3A_719 = arith.index_cast %add3A_714 : i32 to index
        %get3A_720 = arith.index_cast %add3A_718 : i32 to index
        %get3A_721 = tpu.vector_load %arg9[%get3A_719, %get3A_720] {strides = array<i32>} : memref<256x128xf32, #tpu.memory_space<vmem>>, vector<16xf32>,
        %add3A_722 = arith.constant 0 : i32
        %add3A_723 = vector.broadcast %add3A_722 : i32 to vector<16xi32>
        %add3A_724 = arith.addi %select_n3A_45, %add3A_723 : vector<16xi32>
        tpu.vector_store_idx %arg11[%add3A_724, %broadcast_in_dim3A_250, %select_n3A_17, %broadcast_in_dim3A_712], %get3A_721 : memref<4x2x10x129xf32, #tpu.memory_space<vmem>>[vector<16xi32>, vector<16xi32>, vector<16xi32>, vector<16xi32>], vector<16xf32>,
        %add3A_725 = arith.constant 16 : i32
        %add3A_726 = arith.addi %squeeze3A_716, %add3A_725 : i32
        %get3A_727 = arith.index_cast %add3A_714 : i32 to index
        %get3A_728 = arith.index_cast %add3A_726 : i32 to index
        %get3A_729 = tpu.vector_load %arg9[%get3A_727, %get3A_728] {strides = array<i32>} : memref<256x128xf32, #tpu.memory_space<vmem>>, vector<16xf32>,
        %add3A_730 = arith.constant 2 : i32
        %add3A_731 = vector.broadcast %add3A_730 : i32 to vector<16xi32>
        %add3A_732 = arith.addi %select_n3A_45, %add3A_731 : vector<16xi32>
        tpu.vector_store_idx %arg11[%add3A_732, %broadcast_in_dim3A_250, %select_n3A_17, %broadcast_in_dim3A_712], %get3A_729 : memref<4x2x10x129xf32, #tpu.memory_space<vmem>>[vector<16xi32>, vector<16xi32>, vector<16xi32>, vector<16xi32>], vector<16xf32>,
        %scan3A_733 = arith.constant 0 : i32
        %scan3A_734 = arith.constant 1 : i32
        %scan3A_735 = arith.addi %scan3A_321, %scan3A_734 : i32
        %mul3A_736 = arith.constant 16 : i32
        %mul3A_737 = arith.muli %scan3A_735, %mul3A_736 : i32
        %add3A_738 = arith.constant 256 : i32
        %add3A_739 = arith.addi %add3A_738, %mul3A_737 : i32
        %get3A_740 = arith.index_cast %scan3A_164 : i32 to index
        %get3A_741 = arith.index_cast %add3A_739 : i32 to index
        %get3A_742 = tpu.vector_load %arg5[%get3A_740, %get3A_741] {strides = array<i32>} : memref<50x512xi32, #tpu.memory_space<vmem>>, vector<16xi32>,
        %and3A_743 = arith.constant 3 : i32
        %and3A_744 = vector.broadcast %and3A_743 : i32 to vector<16xi32>
        %and3A_745 = arith.andi %get3A_742, %and3A_744 : vector<16xi32>
        %mul3A_746 = arith.constant 32 : i32
        %mul3A_747 = vector.broadcast %mul3A_746 : i32 to vector<16xi32>
        %mul3A_748 = arith.muli %and3A_745, %mul3A_747 : vector<16xi32>
        %mul3A_749 = arith.constant 16 : i32
        %mul3A_750 = arith.muli %scan3A_735, %mul3A_749 : i32
        %add3A_751 = arith.constant 0 : i32
        %add3A_752 = arith.addi %mul3A_750, %add3A_751 : i32
        %broadcast_in_dim3A_753 = vector.broadcast %add3A_752 : i32 to vector<16xi32>
        %add3A_754 = arith.constant 0 : i32
        %add3A_755 = arith.addi %add3A_754, %add3A_752 : i32
        %slice3A_756 = vector.extract_strided_slice %mul3A_748 {offsets = [0], sizes = [1], strides = [1]} : vector<16xi32> to vector<1xi32>
        %squeeze3A_757 = vector.extract %slice3A_756[0] : i32 from vector<1xi32>
        %add3A_758 = arith.constant 0 : i32
        %add3A_759 = arith.addi %squeeze3A_757, %add3A_758 : i32
        %get3A_760 = arith.index_cast %add3A_755 : i32 to index
        %get3A_761 = arith.index_cast %add3A_759 : i32 to index
        %get3A_762 = tpu.vector_load %arg9[%get3A_760, %get3A_761] {strides = array<i32>} : memref<256x128xf32, #tpu.memory_space<vmem>>, vector<16xf32>,
        %add3A_763 = arith.constant 0 : i32
        %add3A_764 = vector.broadcast %add3A_763 : i32 to vector<16xi32>
        %add3A_765 = arith.addi %select_n3A_45, %add3A_764 : vector<16xi32>
        tpu.vector_store_idx %arg11[%add3A_765, %broadcast_in_dim3A_250, %select_n3A_17, %broadcast_in_dim3A_753], %get3A_762 : memref<4x2x10x129xf32, #tpu.memory_space<vmem>>[vector<16xi32>, vector<16xi32>, vector<16xi32>, vector<16xi32>], vector<16xf32>,
        %add3A_766 = arith.constant 16 : i32
        %add3A_767 = arith.addi %squeeze3A_757, %add3A_766 : i32
        %get3A_768 = arith.index_cast %add3A_755 : i32 to index
        %get3A_769 = arith.index_cast %add3A_767 : i32 to index
        %get3A_770 = tpu.vector_load %arg9[%get3A_768, %get3A_769] {strides = array<i32>} : memref<256x128xf32, #tpu.memory_space<vmem>>, vector<16xf32>,
        %add3A_771 = arith.constant 2 : i32
        %add3A_772 = vector.broadcast %add3A_771 : i32 to vector<16xi32>
        %add3A_773 = arith.addi %select_n3A_45, %add3A_772 : vector<16xi32>
        tpu.vector_store_idx %arg11[%add3A_773, %broadcast_in_dim3A_250, %select_n3A_17, %broadcast_in_dim3A_753], %get3A_770 : memref<4x2x10x129xf32, #tpu.memory_space<vmem>>[vector<16xi32>, vector<16xi32>, vector<16xi32>, vector<16xi32>], vector<16xf32>,
        %mul3A_774 = arith.constant 16 : i32
        %mul3A_775 = arith.muli %scan3A_735, %mul3A_774 : i32
        %add3A_776 = arith.constant 1 : i32
        %add3A_777 = arith.addi %mul3A_775, %add3A_776 : i32
        %broadcast_in_dim3A_778 = vector.broadcast %add3A_777 : i32 to vector<16xi32>
        %add3A_779 = arith.constant 0 : i32
        %add3A_780 = arith.addi %add3A_779, %add3A_777 : i32
        %slice3A_781 = vector.extract_strided_slice %mul3A_748 {offsets = [1], sizes = [1], strides = [1]} : vector<16xi32> to vector<1xi32>
        %squeeze3A_782 = vector.extract %slice3A_781[0] : i32 from vector<1xi32>
        %add3A_783 = arith.constant 0 : i32
        %add3A_784 = arith.addi %squeeze3A_782, %add3A_783 : i32
        %get3A_785 = arith.index_cast %add3A_780 : i32 to index
        %get3A_786 = arith.index_cast %add3A_784 : i32 to index
        %get3A_787 = tpu.vector_load %arg9[%get3A_785, %get3A_786] {strides = array<i32>} : memref<256x128xf32, #tpu.memory_space<vmem>>, vector<16xf32>,
        %add3A_788 = arith.constant 0 : i32
        %add3A_789 = vector.broadcast %add3A_788 : i32 to vector<16xi32>
        %add3A_790 = arith.addi %select_n3A_45, %add3A_789 : vector<16xi32>
        tpu.vector_store_idx %arg11[%add3A_790, %broadcast_in_dim3A_250, %select_n3A_17, %broadcast_in_dim3A_778], %get3A_787 : memref<4x2x10x129xf32, #tpu.memory_space<vmem>>[vector<16xi32>, vector<16xi32>, vector<16xi32>, vector<16xi32>], vector<16xf32>,
        %add3A_791 = arith.constant 16 : i32
        %add3A_792 = arith.addi %squeeze3A_782, %add3A_791 : i32
        %get3A_793 = arith.index_cast %add3A_780 : i32 to index
        %get3A_794 = arith.index_cast %add3A_792 : i32 to index
        %get3A_795 = tpu.vector_load %arg9[%get3A_793, %get3A_794] {strides = array<i32>} : memref<256x128xf32, #tpu.memory_space<vmem>>, vector<16xf32>,
        %add3A_796 = arith.constant 2 : i32
        %add3A_797 = vector.broadcast %add3A_796 : i32 to vector<16xi32>
        %add3A_798 = arith.addi %select_n3A_45, %add3A_797 : vector<16xi32>
        tpu.vector_store_idx %arg11[%add3A_798, %broadcast_in_dim3A_250, %select_n3A_17, %broadcast_in_dim3A_778], %get3A_795 : memref<4x2x10x129xf32, #tpu.memory_space<vmem>>[vector<16xi32>, vector<16xi32>, vector<16xi32>, vector<16xi32>], vector<16xf32>,
        %mul3A_799 = arith.constant 16 : i32
        %mul3A_800 = arith.muli %scan3A_735, %mul3A_799 : i32
        %add3A_801 = arith.constant 2 : i32
        %add3A_802 = arith.addi %mul3A_800, %add3A_801 : i32
        %broadcast_in_dim3A_803 = vector.broadcast %add3A_802 : i32 to vector<16xi32>
        %add3A_804 = arith.constant 0 : i32
        %add3A_805 = arith.addi %add3A_804, %add3A_802 : i32
        %slice3A_806 = vector.extract_strided_slice %mul3A_748 {offsets = [2], sizes = [1], strides = [1]} : vector<16xi32> to vector<1xi32>
        %squeeze3A_807 = vector.extract %slice3A_806[0] : i32 from vector<1xi32>
        %add3A_808 = arith.constant 0 : i32
        %add3A_809 = arith.addi %squeeze3A_807, %add3A_808 : i32
        %get3A_810 = arith.index_cast %add3A_805 : i32 to index
        %get3A_811 = arith.index_cast %add3A_809 : i32 to index
        %get3A_812 = tpu.vector_load %arg9[%get3A_810, %get3A_811] {strides = array<i32>} : memref<256x128xf32, #tpu.memory_space<vmem>>, vector<16xf32>,
        %add3A_813 = arith.constant 0 : i32
        %add3A_814 = vector.broadcast %add3A_813 : i32 to vector<16xi32>
        %add3A_815 = arith.addi %select_n3A_45, %add3A_814 : vector<16xi32>
        tpu.vector_store_idx %arg11[%add3A_815, %broadcast_in_dim3A_250, %select_n3A_17, %broadcast_in_dim3A_803], %get3A_812 : memref<4x2x10x129xf32, #tpu.memory_space<vmem>>[vector<16xi32>, vector<16xi32>, vector<16xi32>, vector<16xi32>], vector<16xf32>,
        %add3A_816 = arith.constant 16 : i32
        %add3A_817 = arith.addi %squeeze3A_807, %add3A_816 : i32
        %get3A_818 = arith.index_cast %add3A_805 : i32 to index
        %get3A_819 = arith.index_cast %add3A_817 : i32 to index
        %get3A_820 = tpu.vector_load %arg9[%get3A_818, %get3A_819] {strides = array<i32>} : memref<256x128xf32, #tpu.memory_space<vmem>>, vector<16xf32>,
        %add3A_821 = arith.constant 2 : i32
        %add3A_822 = vector.broadcast %add3A_821 : i32 to vector<16xi32>
        %add3A_823 = arith.addi %select_n3A_45, %add3A_822 : vector<16xi32>
        tpu.vector_store_idx %arg11[%add3A_823, %broadcast_in_dim3A_250, %select_n3A_17, %broadcast_in_dim3A_803], %get3A_820 : memref<4x2x10x129xf32, #tpu.memory_space<vmem>>[vector<16xi32>, vector<16xi32>, vector<16xi32>, vector<16xi32>], vector<16xf32>,
        %mul3A_824 = arith.constant 16 : i32
        %mul3A_825 = arith.muli %scan3A_735, %mul3A_824 : i32
        %add3A_826 = arith.constant 3 : i32
        %add3A_827 = arith.addi %mul3A_825, %add3A_826 : i32
        %broadcast_in_dim3A_828 = vector.broadcast %add3A_827 : i32 to vector<16xi32>
        %add3A_829 = arith.constant 0 : i32
        %add3A_830 = arith.addi %add3A_829, %add3A_827 : i32
        %slice3A_831 = vector.extract_strided_slice %mul3A_748 {offsets = [3], sizes = [1], strides = [1]} : vector<16xi32> to vector<1xi32>
        %squeeze3A_832 = vector.extract %slice3A_831[0] : i32 from vector<1xi32>
        %add3A_833 = arith.constant 0 : i32
        %add3A_834 = arith.addi %squeeze3A_832, %add3A_833 : i32
        %get3A_835 = arith.index_cast %add3A_830 : i32 to index
        %get3A_836 = arith.index_cast %add3A_834 : i32 to index
        %get3A_837 = tpu.vector_load %arg9[%get3A_835, %get3A_836] {strides = array<i32>} : memref<256x128xf32, #tpu.memory_space<vmem>>, vector<16xf32>,
        %add3A_838 = arith.constant 0 : i32
        %add3A_839 = vector.broadcast %add3A_838 : i32 to vector<16xi32>
        %add3A_840 = arith.addi %select_n3A_45, %add3A_839 : vector<16xi32>
        tpu.vector_store_idx %arg11[%add3A_840, %broadcast_in_dim3A_250, %select_n3A_17, %broadcast_in_dim3A_828], %get3A_837 : memref<4x2x10x129xf32, #tpu.memory_space<vmem>>[vector<16xi32>, vector<16xi32>, vector<16xi32>, vector<16xi32>], vector<16xf32>,
        %add3A_841 = arith.constant 16 : i32
        %add3A_842 = arith.addi %squeeze3A_832, %add3A_841 : i32
        %get3A_843 = arith.index_cast %add3A_830 : i32 to index
        %get3A_844 = arith.index_cast %add3A_842 : i32 to index
        %get3A_845 = tpu.vector_load %arg9[%get3A_843, %get3A_844] {strides = array<i32>} : memref<256x128xf32, #tpu.memory_space<vmem>>, vector<16xf32>,
        %add3A_846 = arith.constant 2 : i32
        %add3A_847 = vector.broadcast %add3A_846 : i32 to vector<16xi32>
        %add3A_848 = arith.addi %select_n3A_45, %add3A_847 : vector<16xi32>
        tpu.vector_store_idx %arg11[%add3A_848, %broadcast_in_dim3A_250, %select_n3A_17, %broadcast_in_dim3A_828], %get3A_845 : memref<4x2x10x129xf32, #tpu.memory_space<vmem>>[vector<16xi32>, vector<16xi32>, vector<16xi32>, vector<16xi32>], vector<16xf32>,
        %mul3A_849 = arith.constant 16 : i32
        %mul3A_850 = arith.muli %scan3A_735, %mul3A_849 : i32
        %add3A_851 = arith.constant 4 : i32
        %add3A_852 = arith.addi %mul3A_850, %add3A_851 : i32
        %broadcast_in_dim3A_853 = vector.broadcast %add3A_852 : i32 to vector<16xi32>
        %add3A_854 = arith.constant 0 : i32
        %add3A_855 = arith.addi %add3A_854, %add3A_852 : i32
        %slice3A_856 = vector.extract_strided_slice %mul3A_748 {offsets = [4], sizes = [1], strides = [1]} : vector<16xi32> to vector<1xi32>
        %squeeze3A_857 = vector.extract %slice3A_856[0] : i32 from vector<1xi32>
        %add3A_858 = arith.constant 0 : i32
        %add3A_859 = arith.addi %squeeze3A_857, %add3A_858 : i32
        %get3A_860 = arith.index_cast %add3A_855 : i32 to index
        %get3A_861 = arith.index_cast %add3A_859 : i32 to index
        %get3A_862 = tpu.vector_load %arg9[%get3A_860, %get3A_861] {strides = array<i32>} : memref<256x128xf32, #tpu.memory_space<vmem>>, vector<16xf32>,
        %add3A_863 = arith.constant 0 : i32
        %add3A_864 = vector.broadcast %add3A_863 : i32 to vector<16xi32>
        %add3A_865 = arith.addi %select_n3A_45, %add3A_864 : vector<16xi32>
        tpu.vector_store_idx %arg11[%add3A_865, %broadcast_in_dim3A_250, %select_n3A_17, %broadcast_in_dim3A_853], %get3A_862 : memref<4x2x10x129xf32, #tpu.memory_space<vmem>>[vector<16xi32>, vector<16xi32>, vector<16xi32>, vector<16xi32>], vector<16xf32>,
        %add3A_866 = arith.constant 16 : i32
        %add3A_867 = arith.addi %squeeze3A_857, %add3A_866 : i32
        %get3A_868 = arith.index_cast %add3A_855 : i32 to index
        %get3A_869 = arith.index_cast %add3A_867 : i32 to index
        %get3A_870 = tpu.vector_load %arg9[%get3A_868, %get3A_869] {strides = array<i32>} : memref<256x128xf32, #tpu.memory_space<vmem>>, vector<16xf32>,
        %add3A_871 = arith.constant 2 : i32
        %add3A_872 = vector.broadcast %add3A_871 : i32 to vector<16xi32>
        %add3A_873 = arith.addi %select_n3A_45, %add3A_872 : vector<16xi32>
        tpu.vector_store_idx %arg11[%add3A_873, %broadcast_in_dim3A_250, %select_n3A_17, %broadcast_in_dim3A_853], %get3A_870 : memref<4x2x10x129xf32, #tpu.memory_space<vmem>>[vector<16xi32>, vector<16xi32>, vector<16xi32>, vector<16xi32>], vector<16xf32>,
        %mul3A_874 = arith.constant 16 : i32
        %mul3A_875 = arith.muli %scan3A_735, %mul3A_874 : i32
        %add3A_876 = arith.constant 5 : i32
        %add3A_877 = arith.addi %mul3A_875, %add3A_876 : i32
        %broadcast_in_dim3A_878 = vector.broadcast %add3A_877 : i32 to vector<16xi32>
        %add3A_879 = arith.constant 0 : i32
        %add3A_880 = arith.addi %add3A_879, %add3A_877 : i32
        %slice3A_881 = vector.extract_strided_slice %mul3A_748 {offsets = [5], sizes = [1], strides = [1]} : vector<16xi32> to vector<1xi32>
        %squeeze3A_882 = vector.extract %slice3A_881[0] : i32 from vector<1xi32>
        %add3A_883 = arith.constant 0 : i32
        %add3A_884 = arith.addi %squeeze3A_882, %add3A_883 : i32
        %get3A_885 = arith.index_cast %add3A_880 : i32 to index
        %get3A_886 = arith.index_cast %add3A_884 : i32 to index
        %get3A_887 = tpu.vector_load %arg9[%get3A_885, %get3A_886] {strides = array<i32>} : memref<256x128xf32, #tpu.memory_space<vmem>>, vector<16xf32>,
        %add3A_888 = arith.constant 0 : i32
        %add3A_889 = vector.broadcast %add3A_888 : i32 to vector<16xi32>
        %add3A_890 = arith.addi %select_n3A_45, %add3A_889 : vector<16xi32>
        tpu.vector_store_idx %arg11[%add3A_890, %broadcast_in_dim3A_250, %select_n3A_17, %broadcast_in_dim3A_878], %get3A_887 : memref<4x2x10x129xf32, #tpu.memory_space<vmem>>[vector<16xi32>, vector<16xi32>, vector<16xi32>, vector<16xi32>], vector<16xf32>,
        %add3A_891 = arith.constant 16 : i32
        %add3A_892 = arith.addi %squeeze3A_882, %add3A_891 : i32
        %get3A_893 = arith.index_cast %add3A_880 : i32 to index
        %get3A_894 = arith.index_cast %add3A_892 : i32 to index
        %get3A_895 = tpu.vector_load %arg9[%get3A_893, %get3A_894] {strides = array<i32>} : memref<256x128xf32, #tpu.memory_space<vmem>>, vector<16xf32>,
        %add3A_896 = arith.constant 2 : i32
        %add3A_897 = vector.broadcast %add3A_896 : i32 to vector<16xi32>
        %add3A_898 = arith.addi %select_n3A_45, %add3A_897 : vector<16xi32>
        tpu.vector_store_idx %arg11[%add3A_898, %broadcast_in_dim3A_250, %select_n3A_17, %broadcast_in_dim3A_878], %get3A_895 : memref<4x2x10x129xf32, #tpu.memory_space<vmem>>[vector<16xi32>, vector<16xi32>, vector<16xi32>, vector<16xi32>], vector<16xf32>,
        %mul3A_899 = arith.constant 16 : i32
        %mul3A_900 = arith.muli %scan3A_735, %mul3A_899 : i32
        %add3A_901 = arith.constant 6 : i32
        %add3A_902 = arith.addi %mul3A_900, %add3A_901 : i32
        %broadcast_in_dim3A_903 = vector.broadcast %add3A_902 : i32 to vector<16xi32>
        %add3A_904 = arith.constant 0 : i32
        %add3A_905 = arith.addi %add3A_904, %add3A_902 : i32
        %slice3A_906 = vector.extract_strided_slice %mul3A_748 {offsets = [6], sizes = [1], strides = [1]} : vector<16xi32> to vector<1xi32>
        %squeeze3A_907 = vector.extract %slice3A_906[0] : i32 from vector<1xi32>
        %add3A_908 = arith.constant 0 : i32
        %add3A_909 = arith.addi %squeeze3A_907, %add3A_908 : i32
        %get3A_910 = arith.index_cast %add3A_905 : i32 to index
        %get3A_911 = arith.index_cast %add3A_909 : i32 to index
        %get3A_912 = tpu.vector_load %arg9[%get3A_910, %get3A_911] {strides = array<i32>} : memref<256x128xf32, #tpu.memory_space<vmem>>, vector<16xf32>,
        %add3A_913 = arith.constant 0 : i32
        %add3A_914 = vector.broadcast %add3A_913 : i32 to vector<16xi32>
        %add3A_915 = arith.addi %select_n3A_45, %add3A_914 : vector<16xi32>
        tpu.vector_store_idx %arg11[%add3A_915, %broadcast_in_dim3A_250, %select_n3A_17, %broadcast_in_dim3A_903], %get3A_912 : memref<4x2x10x129xf32, #tpu.memory_space<vmem>>[vector<16xi32>, vector<16xi32>, vector<16xi32>, vector<16xi32>], vector<16xf32>,
        %add3A_916 = arith.constant 16 : i32
        %add3A_917 = arith.addi %squeeze3A_907, %add3A_916 : i32
        %get3A_918 = arith.index_cast %add3A_905 : i32 to index
        %get3A_919 = arith.index_cast %add3A_917 : i32 to index
        %get3A_920 = tpu.vector_load %arg9[%get3A_918, %get3A_919] {strides = array<i32>} : memref<256x128xf32, #tpu.memory_space<vmem>>, vector<16xf32>,
        %add3A_921 = arith.constant 2 : i32
        %add3A_922 = vector.broadcast %add3A_921 : i32 to vector<16xi32>
        %add3A_923 = arith.addi %select_n3A_45, %add3A_922 : vector<16xi32>
        tpu.vector_store_idx %arg11[%add3A_923, %broadcast_in_dim3A_250, %select_n3A_17, %broadcast_in_dim3A_903], %get3A_920 : memref<4x2x10x129xf32, #tpu.memory_space<vmem>>[vector<16xi32>, vector<16xi32>, vector<16xi32>, vector<16xi32>], vector<16xf32>,
        %mul3A_924 = arith.constant 16 : i32
        %mul3A_925 = arith.muli %scan3A_735, %mul3A_924 : i32
        %add3A_926 = arith.constant 7 : i32
        %add3A_927 = arith.addi %mul3A_925, %add3A_926 : i32
        %broadcast_in_dim3A_928 = vector.broadcast %add3A_927 : i32 to vector<16xi32>
        %add3A_929 = arith.constant 0 : i32
        %add3A_930 = arith.addi %add3A_929, %add3A_927 : i32
        %slice3A_931 = vector.extract_strided_slice %mul3A_748 {offsets = [7], sizes = [1], strides = [1]} : vector<16xi32> to vector<1xi32>
        %squeeze3A_932 = vector.extract %slice3A_931[0] : i32 from vector<1xi32>
        %add3A_933 = arith.constant 0 : i32
        %add3A_934 = arith.addi %squeeze3A_932, %add3A_933 : i32
        %get3A_935 = arith.index_cast %add3A_930 : i32 to index
        %get3A_936 = arith.index_cast %add3A_934 : i32 to index
        %get3A_937 = tpu.vector_load %arg9[%get3A_935, %get3A_936] {strides = array<i32>} : memref<256x128xf32, #tpu.memory_space<vmem>>, vector<16xf32>,
        %add3A_938 = arith.constant 0 : i32
        %add3A_939 = vector.broadcast %add3A_938 : i32 to vector<16xi32>
        %add3A_940 = arith.addi %select_n3A_45, %add3A_939 : vector<16xi32>
        tpu.vector_store_idx %arg11[%add3A_940, %broadcast_in_dim3A_250, %select_n3A_17, %broadcast_in_dim3A_928], %get3A_937 : memref<4x2x10x129xf32, #tpu.memory_space<vmem>>[vector<16xi32>, vector<16xi32>, vector<16xi32>, vector<16xi32>], vector<16xf32>,
        %add3A_941 = arith.constant 16 : i32
        %add3A_942 = arith.addi %squeeze3A_932, %add3A_941 : i32
        %get3A_943 = arith.index_cast %add3A_930 : i32 to index
        %get3A_944 = arith.index_cast %add3A_942 : i32 to index
        %get3A_945 = tpu.vector_load %arg9[%get3A_943, %get3A_944] {strides = array<i32>} : memref<256x128xf32, #tpu.memory_space<vmem>>, vector<16xf32>,
        %add3A_946 = arith.constant 2 : i32
        %add3A_947 = vector.broadcast %add3A_946 : i32 to vector<16xi32>
        %add3A_948 = arith.addi %select_n3A_45, %add3A_947 : vector<16xi32>
        tpu.vector_store_idx %arg11[%add3A_948, %broadcast_in_dim3A_250, %select_n3A_17, %broadcast_in_dim3A_928], %get3A_945 : memref<4x2x10x129xf32, #tpu.memory_space<vmem>>[vector<16xi32>, vector<16xi32>, vector<16xi32>, vector<16xi32>], vector<16xf32>,
        %mul3A_949 = arith.constant 16 : i32
        %mul3A_950 = arith.muli %scan3A_735, %mul3A_949 : i32
        %add3A_951 = arith.constant 8 : i32
        %add3A_952 = arith.addi %mul3A_950, %add3A_951 : i32
        %broadcast_in_dim3A_953 = vector.broadcast %add3A_952 : i32 to vector<16xi32>
        %add3A_954 = arith.constant 0 : i32
        %add3A_955 = arith.addi %add3A_954, %add3A_952 : i32
        %slice3A_956 = vector.extract_strided_slice %mul3A_748 {offsets = [8], sizes = [1], strides = [1]} : vector<16xi32> to vector<1xi32>
        %squeeze3A_957 = vector.extract %slice3A_956[0] : i32 from vector<1xi32>
        %add3A_958 = arith.constant 0 : i32
        %add3A_959 = arith.addi %squeeze3A_957, %add3A_958 : i32
        %get3A_960 = arith.index_cast %add3A_955 : i32 to index
        %get3A_961 = arith.index_cast %add3A_959 : i32 to index
        %get3A_962 = tpu.vector_load %arg9[%get3A_960, %get3A_961] {strides = array<i32>} : memref<256x128xf32, #tpu.memory_space<vmem>>, vector<16xf32>,
        %add3A_963 = arith.constant 0 : i32
        %add3A_964 = vector.broadcast %add3A_963 : i32 to vector<16xi32>
        %add3A_965 = arith.addi %select_n3A_45, %add3A_964 : vector<16xi32>
        tpu.vector_store_idx %arg11[%add3A_965, %broadcast_in_dim3A_250, %select_n3A_17, %broadcast_in_dim3A_953], %get3A_962 : memref<4x2x10x129xf32, #tpu.memory_space<vmem>>[vector<16xi32>, vector<16xi32>, vector<16xi32>, vector<16xi32>], vector<16xf32>,
        %add3A_966 = arith.constant 16 : i32
        %add3A_967 = arith.addi %squeeze3A_957, %add3A_966 : i32
        %get3A_968 = arith.index_cast %add3A_955 : i32 to index
        %get3A_969 = arith.index_cast %add3A_967 : i32 to index
        %get3A_970 = tpu.vector_load %arg9[%get3A_968, %get3A_969] {strides = array<i32>} : memref<256x128xf32, #tpu.memory_space<vmem>>, vector<16xf32>,
        %add3A_971 = arith.constant 2 : i32
        %add3A_972 = vector.broadcast %add3A_971 : i32 to vector<16xi32>
        %add3A_973 = arith.addi %select_n3A_45, %add3A_972 : vector<16xi32>
        tpu.vector_store_idx %arg11[%add3A_973, %broadcast_in_dim3A_250, %select_n3A_17, %broadcast_in_dim3A_953], %get3A_970 : memref<4x2x10x129xf32, #tpu.memory_space<vmem>>[vector<16xi32>, vector<16xi32>, vector<16xi32>, vector<16xi32>], vector<16xf32>,
        %mul3A_974 = arith.constant 16 : i32
        %mul3A_975 = arith.muli %scan3A_735, %mul3A_974 : i32
        %add3A_976 = arith.constant 9 : i32
        %add3A_977 = arith.addi %mul3A_975, %add3A_976 : i32
        %broadcast_in_dim3A_978 = vector.broadcast %add3A_977 : i32 to vector<16xi32>
        %add3A_979 = arith.constant 0 : i32
        %add3A_980 = arith.addi %add3A_979, %add3A_977 : i32
        %slice3A_981 = vector.extract_strided_slice %mul3A_748 {offsets = [9], sizes = [1], strides = [1]} : vector<16xi32> to vector<1xi32>
        %squeeze3A_982 = vector.extract %slice3A_981[0] : i32 from vector<1xi32>
        %add3A_983 = arith.constant 0 : i32
        %add3A_984 = arith.addi %squeeze3A_982, %add3A_983 : i32
        %get3A_985 = arith.index_cast %add3A_980 : i32 to index
        %get3A_986 = arith.index_cast %add3A_984 : i32 to index
        %get3A_987 = tpu.vector_load %arg9[%get3A_985, %get3A_986] {strides = array<i32>} : memref<256x128xf32, #tpu.memory_space<vmem>>, vector<16xf32>,
        %add3A_988 = arith.constant 0 : i32
        %add3A_989 = vector.broadcast %add3A_988 : i32 to vector<16xi32>
        %add3A_990 = arith.addi %select_n3A_45, %add3A_989 : vector<16xi32>
        tpu.vector_store_idx %arg11[%add3A_990, %broadcast_in_dim3A_250, %select_n3A_17, %broadcast_in_dim3A_978], %get3A_987 : memref<4x2x10x129xf32, #tpu.memory_space<vmem>>[vector<16xi32>, vector<16xi32>, vector<16xi32>, vector<16xi32>], vector<16xf32>,
        %add3A_991 = arith.constant 16 : i32
        %add3A_992 = arith.addi %squeeze3A_982, %add3A_991 : i32
        %get3A_993 = arith.index_cast %add3A_980 : i32 to index
        %get3A_994 = arith.index_cast %add3A_992 : i32 to index
        %get3A_995 = tpu.vector_load %arg9[%get3A_993, %get3A_994] {strides = array<i32>} : memref<256x128xf32, #tpu.memory_space<vmem>>, vector<16xf32>,
        %add3A_996 = arith.constant 2 : i32
        %add3A_997 = vector.broadcast %add3A_996 : i32 to vector<16xi32>
        %add3A_998 = arith.addi %select_n3A_45, %add3A_997 : vector<16xi32>
        tpu.vector_store_idx %arg11[%add3A_998, %broadcast_in_dim3A_250, %select_n3A_17, %broadcast_in_dim3A_978], %get3A_995 : memref<4x2x10x129xf32, #tpu.memory_space<vmem>>[vector<16xi32>, vector<16xi32>, vector<16xi32>, vector<16xi32>], vector<16xf32>,
        %mul3A_999 = arith.constant 16 : i32
        %mul3A_1000 = arith.muli %scan3A_735, %mul3A_999 : i32
        %add3A_1001 = arith.constant 10 : i32
        %add3A_1002 = arith.addi %mul3A_1000, %add3A_1001 : i32
        %broadcast_in_dim3A_1003 = vector.broadcast %add3A_1002 : i32 to vector<16xi32>
        %add3A_1004 = arith.constant 0 : i32
        %add3A_1005 = arith.addi %add3A_1004, %add3A_1002 : i32
        %slice3A_1006 = vector.extract_strided_slice %mul3A_748 {offsets = [10], sizes = [1], strides = [1]} : vector<16xi32> to vector<1xi32>
        %squeeze3A_1007 = vector.extract %slice3A_1006[0] : i32 from vector<1xi32>
        %add3A_1008 = arith.constant 0 : i32
        %add3A_1009 = arith.addi %squeeze3A_1007, %add3A_1008 : i32
        %get3A_1010 = arith.index_cast %add3A_1005 : i32 to index
        %get3A_1011 = arith.index_cast %add3A_1009 : i32 to index
        %get3A_1012 = tpu.vector_load %arg9[%get3A_1010, %get3A_1011] {strides = array<i32>} : memref<256x128xf32, #tpu.memory_space<vmem>>, vector<16xf32>,
        %add3A_1013 = arith.constant 0 : i32
        %add3A_1014 = vector.broadcast %add3A_1013 : i32 to vector<16xi32>
        %add3A_1015 = arith.addi %select_n3A_45, %add3A_1014 : vector<16xi32>
        tpu.vector_store_idx %arg11[%add3A_1015, %broadcast_in_dim3A_250, %select_n3A_17, %broadcast_in_dim3A_1003], %get3A_1012 : memref<4x2x10x129xf32, #tpu.memory_space<vmem>>[vector<16xi32>, vector<16xi32>, vector<16xi32>, vector<16xi32>], vector<16xf32>,
        %add3A_1016 = arith.constant 16 : i32
        %add3A_1017 = arith.addi %squeeze3A_1007, %add3A_1016 : i32
        %get3A_1018 = arith.index_cast %add3A_1005 : i32 to index
        %get3A_1019 = arith.index_cast %add3A_1017 : i32 to index
        %get3A_1020 = tpu.vector_load %arg9[%get3A_1018, %get3A_1019] {strides = array<i32>} : memref<256x128xf32, #tpu.memory_space<vmem>>, vector<16xf32>,
        %add3A_1021 = arith.constant 2 : i32
        %add3A_1022 = vector.broadcast %add3A_1021 : i32 to vector<16xi32>
        %add3A_1023 = arith.addi %select_n3A_45, %add3A_1022 : vector<16xi32>
        tpu.vector_store_idx %arg11[%add3A_1023, %broadcast_in_dim3A_250, %select_n3A_17, %broadcast_in_dim3A_1003], %get3A_1020 : memref<4x2x10x129xf32, #tpu.memory_space<vmem>>[vector<16xi32>, vector<16xi32>, vector<16xi32>, vector<16xi32>], vector<16xf32>,
        %mul3A_1024 = arith.constant 16 : i32
        %mul3A_1025 = arith.muli %scan3A_735, %mul3A_1024 : i32
        %add3A_1026 = arith.constant 11 : i32
        %add3A_1027 = arith.addi %mul3A_1025, %add3A_1026 : i32
        %broadcast_in_dim3A_1028 = vector.broadcast %add3A_1027 : i32 to vector<16xi32>
        %add3A_1029 = arith.constant 0 : i32
        %add3A_1030 = arith.addi %add3A_1029, %add3A_1027 : i32
        %slice3A_1031 = vector.extract_strided_slice %mul3A_748 {offsets = [11], sizes = [1], strides = [1]} : vector<16xi32> to vector<1xi32>
        %squeeze3A_1032 = vector.extract %slice3A_1031[0] : i32 from vector<1xi32>
        %add3A_1033 = arith.constant 0 : i32
        %add3A_1034 = arith.addi %squeeze3A_1032, %add3A_1033 : i32
        %get3A_1035 = arith.index_cast %add3A_1030 : i32 to index
        %get3A_1036 = arith.index_cast %add3A_1034 : i32 to index
        %get3A_1037 = tpu.vector_load %arg9[%get3A_1035, %get3A_1036] {strides = array<i32>} : memref<256x128xf32, #tpu.memory_space<vmem>>, vector<16xf32>,
        %add3A_1038 = arith.constant 0 : i32
        %add3A_1039 = vector.broadcast %add3A_1038 : i32 to vector<16xi32>
        %add3A_1040 = arith.addi %select_n3A_45, %add3A_1039 : vector<16xi32>
        tpu.vector_store_idx %arg11[%add3A_1040, %broadcast_in_dim3A_250, %select_n3A_17, %broadcast_in_dim3A_1028], %get3A_1037 : memref<4x2x10x129xf32, #tpu.memory_space<vmem>>[vector<16xi32>, vector<16xi32>, vector<16xi32>, vector<16xi32>], vector<16xf32>,
        %add3A_1041 = arith.constant 16 : i32
        %add3A_1042 = arith.addi %squeeze3A_1032, %add3A_1041 : i32
        %get3A_1043 = arith.index_cast %add3A_1030 : i32 to index
        %get3A_1044 = arith.index_cast %add3A_1042 : i32 to index
        %get3A_1045 = tpu.vector_load %arg9[%get3A_1043, %get3A_1044] {strides = array<i32>} : memref<256x128xf32, #tpu.memory_space<vmem>>, vector<16xf32>,
        %add3A_1046 = arith.constant 2 : i32
        %add3A_1047 = vector.broadcast %add3A_1046 : i32 to vector<16xi32>
        %add3A_1048 = arith.addi %select_n3A_45, %add3A_1047 : vector<16xi32>
        tpu.vector_store_idx %arg11[%add3A_1048, %broadcast_in_dim3A_250, %select_n3A_17, %broadcast_in_dim3A_1028], %get3A_1045 : memref<4x2x10x129xf32, #tpu.memory_space<vmem>>[vector<16xi32>, vector<16xi32>, vector<16xi32>, vector<16xi32>], vector<16xf32>,
        %mul3A_1049 = arith.constant 16 : i32
        %mul3A_1050 = arith.muli %scan3A_735, %mul3A_1049 : i32
        %add3A_1051 = arith.constant 12 : i32
        %add3A_1052 = arith.addi %mul3A_1050, %add3A_1051 : i32
        %broadcast_in_dim3A_1053 = vector.broadcast %add3A_1052 : i32 to vector<16xi32>
        %add3A_1054 = arith.constant 0 : i32
        %add3A_1055 = arith.addi %add3A_1054, %add3A_1052 : i32
        %slice3A_1056 = vector.extract_strided_slice %mul3A_748 {offsets = [12], sizes = [1], strides = [1]} : vector<16xi32> to vector<1xi32>
        %squeeze3A_1057 = vector.extract %slice3A_1056[0] : i32 from vector<1xi32>
        %add3A_1058 = arith.constant 0 : i32
        %add3A_1059 = arith.addi %squeeze3A_1057, %add3A_1058 : i32
        %get3A_1060 = arith.index_cast %add3A_1055 : i32 to index
        %get3A_1061 = arith.index_cast %add3A_1059 : i32 to index
        %get3A_1062 = tpu.vector_load %arg9[%get3A_1060, %get3A_1061] {strides = array<i32>} : memref<256x128xf32, #tpu.memory_space<vmem>>, vector<16xf32>,
        %add3A_1063 = arith.constant 0 : i32
        %add3A_1064 = vector.broadcast %add3A_1063 : i32 to vector<16xi32>
        %add3A_1065 = arith.addi %select_n3A_45, %add3A_1064 : vector<16xi32>
        tpu.vector_store_idx %arg11[%add3A_1065, %broadcast_in_dim3A_250, %select_n3A_17, %broadcast_in_dim3A_1053], %get3A_1062 : memref<4x2x10x129xf32, #tpu.memory_space<vmem>>[vector<16xi32>, vector<16xi32>, vector<16xi32>, vector<16xi32>], vector<16xf32>,
        %add3A_1066 = arith.constant 16 : i32
        %add3A_1067 = arith.addi %squeeze3A_1057, %add3A_1066 : i32
        %get3A_1068 = arith.index_cast %add3A_1055 : i32 to index
        %get3A_1069 = arith.index_cast %add3A_1067 : i32 to index
        %get3A_1070 = tpu.vector_load %arg9[%get3A_1068, %get3A_1069] {strides = array<i32>} : memref<256x128xf32, #tpu.memory_space<vmem>>, vector<16xf32>,
        %add3A_1071 = arith.constant 2 : i32
        %add3A_1072 = vector.broadcast %add3A_1071 : i32 to vector<16xi32>
        %add3A_1073 = arith.addi %select_n3A_45, %add3A_1072 : vector<16xi32>
        tpu.vector_store_idx %arg11[%add3A_1073, %broadcast_in_dim3A_250, %select_n3A_17, %broadcast_in_dim3A_1053], %get3A_1070 : memref<4x2x10x129xf32, #tpu.memory_space<vmem>>[vector<16xi32>, vector<16xi32>, vector<16xi32>, vector<16xi32>], vector<16xf32>,
        %mul3A_1074 = arith.constant 16 : i32
        %mul3A_1075 = arith.muli %scan3A_735, %mul3A_1074 : i32
        %add3A_1076 = arith.constant 13 : i32
        %add3A_1077 = arith.addi %mul3A_1075, %add3A_1076 : i32
        %broadcast_in_dim3A_1078 = vector.broadcast %add3A_1077 : i32 to vector<16xi32>
        %add3A_1079 = arith.constant 0 : i32
        %add3A_1080 = arith.addi %add3A_1079, %add3A_1077 : i32
        %slice3A_1081 = vector.extract_strided_slice %mul3A_748 {offsets = [13], sizes = [1], strides = [1]} : vector<16xi32> to vector<1xi32>
        %squeeze3A_1082 = vector.extract %slice3A_1081[0] : i32 from vector<1xi32>
        %add3A_1083 = arith.constant 0 : i32
        %add3A_1084 = arith.addi %squeeze3A_1082, %add3A_1083 : i32
        %get3A_1085 = arith.index_cast %add3A_1080 : i32 to index
        %get3A_1086 = arith.index_cast %add3A_1084 : i32 to index
        %get3A_1087 = tpu.vector_load %arg9[%get3A_1085, %get3A_1086] {strides = array<i32>} : memref<256x128xf32, #tpu.memory_space<vmem>>, vector<16xf32>,
        %add3A_1088 = arith.constant 0 : i32
        %add3A_1089 = vector.broadcast %add3A_1088 : i32 to vector<16xi32>
        %add3A_1090 = arith.addi %select_n3A_45, %add3A_1089 : vector<16xi32>
        tpu.vector_store_idx %arg11[%add3A_1090, %broadcast_in_dim3A_250, %select_n3A_17, %broadcast_in_dim3A_1078], %get3A_1087 : memref<4x2x10x129xf32, #tpu.memory_space<vmem>>[vector<16xi32>, vector<16xi32>, vector<16xi32>, vector<16xi32>], vector<16xf32>,
        %add3A_1091 = arith.constant 16 : i32
        %add3A_1092 = arith.addi %squeeze3A_1082, %add3A_1091 : i32
        %get3A_1093 = arith.index_cast %add3A_1080 : i32 to index
        %get3A_1094 = arith.index_cast %add3A_1092 : i32 to index
        %get3A_1095 = tpu.vector_load %arg9[%get3A_1093, %get3A_1094] {strides = array<i32>} : memref<256x128xf32, #tpu.memory_space<vmem>>, vector<16xf32>,
        %add3A_1096 = arith.constant 2 : i32
        %add3A_1097 = vector.broadcast %add3A_1096 : i32 to vector<16xi32>
        %add3A_1098 = arith.addi %select_n3A_45, %add3A_1097 : vector<16xi32>
        tpu.vector_store_idx %arg11[%add3A_1098, %broadcast_in_dim3A_250, %select_n3A_17, %broadcast_in_dim3A_1078], %get3A_1095 : memref<4x2x10x129xf32, #tpu.memory_space<vmem>>[vector<16xi32>, vector<16xi32>, vector<16xi32>, vector<16xi32>], vector<16xf32>,
        %mul3A_1099 = arith.constant 16 : i32
        %mul3A_1100 = arith.muli %scan3A_735, %mul3A_1099 : i32
        %add3A_1101 = arith.constant 14 : i32
        %add3A_1102 = arith.addi %mul3A_1100, %add3A_1101 : i32
        %broadcast_in_dim3A_1103 = vector.broadcast %add3A_1102 : i32 to vector<16xi32>
        %add3A_1104 = arith.constant 0 : i32
        %add3A_1105 = arith.addi %add3A_1104, %add3A_1102 : i32
        %slice3A_1106 = vector.extract_strided_slice %mul3A_748 {offsets = [14], sizes = [1], strides = [1]} : vector<16xi32> to vector<1xi32>
        %squeeze3A_1107 = vector.extract %slice3A_1106[0] : i32 from vector<1xi32>
        %add3A_1108 = arith.constant 0 : i32
        %add3A_1109 = arith.addi %squeeze3A_1107, %add3A_1108 : i32
        %get3A_1110 = arith.index_cast %add3A_1105 : i32 to index
        %get3A_1111 = arith.index_cast %add3A_1109 : i32 to index
        %get3A_1112 = tpu.vector_load %arg9[%get3A_1110, %get3A_1111] {strides = array<i32>} : memref<256x128xf32, #tpu.memory_space<vmem>>, vector<16xf32>,
        %add3A_1113 = arith.constant 0 : i32
        %add3A_1114 = vector.broadcast %add3A_1113 : i32 to vector<16xi32>
        %add3A_1115 = arith.addi %select_n3A_45, %add3A_1114 : vector<16xi32>
        tpu.vector_store_idx %arg11[%add3A_1115, %broadcast_in_dim3A_250, %select_n3A_17, %broadcast_in_dim3A_1103], %get3A_1112 : memref<4x2x10x129xf32, #tpu.memory_space<vmem>>[vector<16xi32>, vector<16xi32>, vector<16xi32>, vector<16xi32>], vector<16xf32>,
        %add3A_1116 = arith.constant 16 : i32
        %add3A_1117 = arith.addi %squeeze3A_1107, %add3A_1116 : i32
        %get3A_1118 = arith.index_cast %add3A_1105 : i32 to index
        %get3A_1119 = arith.index_cast %add3A_1117 : i32 to index
        %get3A_1120 = tpu.vector_load %arg9[%get3A_1118, %get3A_1119] {strides = array<i32>} : memref<256x128xf32, #tpu.memory_space<vmem>>, vector<16xf32>,
        %add3A_1121 = arith.constant 2 : i32
        %add3A_1122 = vector.broadcast %add3A_1121 : i32 to vector<16xi32>
        %add3A_1123 = arith.addi %select_n3A_45, %add3A_1122 : vector<16xi32>
        tpu.vector_store_idx %arg11[%add3A_1123, %broadcast_in_dim3A_250, %select_n3A_17, %broadcast_in_dim3A_1103], %get3A_1120 : memref<4x2x10x129xf32, #tpu.memory_space<vmem>>[vector<16xi32>, vector<16xi32>, vector<16xi32>, vector<16xi32>], vector<16xf32>,
        %mul3A_1124 = arith.constant 16 : i32
        %mul3A_1125 = arith.muli %scan3A_735, %mul3A_1124 : i32
        %add3A_1126 = arith.constant 15 : i32
        %add3A_1127 = arith.addi %mul3A_1125, %add3A_1126 : i32
        %broadcast_in_dim3A_1128 = vector.broadcast %add3A_1127 : i32 to vector<16xi32>
        %add3A_1129 = arith.constant 0 : i32
        %add3A_1130 = arith.addi %add3A_1129, %add3A_1127 : i32
        %slice3A_1131 = vector.extract_strided_slice %mul3A_748 {offsets = [15], sizes = [1], strides = [1]} : vector<16xi32> to vector<1xi32>
        %squeeze3A_1132 = vector.extract %slice3A_1131[0] : i32 from vector<1xi32>
        %add3A_1133 = arith.constant 0 : i32
        %add3A_1134 = arith.addi %squeeze3A_1132, %add3A_1133 : i32
        %get3A_1135 = arith.index_cast %add3A_1130 : i32 to index
        %get3A_1136 = arith.index_cast %add3A_1134 : i32 to index
        %get3A_1137 = tpu.vector_load %arg9[%get3A_1135, %get3A_1136] {strides = array<i32>} : memref<256x128xf32, #tpu.memory_space<vmem>>, vector<16xf32>,
        %add3A_1138 = arith.constant 0 : i32
        %add3A_1139 = vector.broadcast %add3A_1138 : i32 to vector<16xi32>
        %add3A_1140 = arith.addi %select_n3A_45, %add3A_1139 : vector<16xi32>
        tpu.vector_store_idx %arg11[%add3A_1140, %broadcast_in_dim3A_250, %select_n3A_17, %broadcast_in_dim3A_1128], %get3A_1137 : memref<4x2x10x129xf32, #tpu.memory_space<vmem>>[vector<16xi32>, vector<16xi32>, vector<16xi32>, vector<16xi32>], vector<16xf32>,
        %add3A_1141 = arith.constant 16 : i32
        %add3A_1142 = arith.addi %squeeze3A_1132, %add3A_1141 : i32
        %get3A_1143 = arith.index_cast %add3A_1130 : i32 to index
        %get3A_1144 = arith.index_cast %add3A_1142 : i32 to index
        %get3A_1145 = tpu.vector_load %arg9[%get3A_1143, %get3A_1144] {strides = array<i32>} : memref<256x128xf32, #tpu.memory_space<vmem>>, vector<16xf32>,
        %add3A_1146 = arith.constant 2 : i32
        %add3A_1147 = vector.broadcast %add3A_1146 : i32 to vector<16xi32>
        %add3A_1148 = arith.addi %select_n3A_45, %add3A_1147 : vector<16xi32>
        tpu.vector_store_idx %arg11[%add3A_1148, %broadcast_in_dim3A_250, %select_n3A_17, %broadcast_in_dim3A_1128], %get3A_1145 : memref<4x2x10x129xf32, #tpu.memory_space<vmem>>[vector<16xi32>, vector<16xi32>, vector<16xi32>, vector<16xi32>], vector<16xf32>,
        %scan3A_1149 = arith.constant 0 : i32
        scf.yield %scan3A_1149 : i32
      }
      %scan3A_257 = arith.constant 8 : i32
      %broadcast_in_dim3A_258 = arith.constant 1 : i32
      %broadcast_in_dim3A_259 = vector.broadcast %broadcast_in_dim3A_258 : i32 to vector<16xi32>
      %scan3A_260 = arith.constant 0 : i32
      %scan3A_261 = arith.constant 0 : i32
      %scan3A_262 = arith.constant 8 : i32
      %scan3A_263 = arith.addi %scan3A_261, %scan3A_262 : i32
      %scan3A_264 = arith.constant 2 : i32
      %scan3A_265 = scf.for %scan3A_321 = %scan3A_261 to %scan3A_263 step %scan3A_264 iter_args(%scan3A_322 = %scan3A_260) -> (i32)  : i32 {
        %mul3A_323 = arith.constant 16 : i32
        %mul3A_324 = arith.muli %scan3A_321, %mul3A_323 : i32
        %add3A_325 = arith.constant 384 : i32
        %add3A_326 = arith.addi %add3A_325, %mul3A_324 : i32
        %get3A = arith.index_cast %scan3A_164 : i32 to index
        %get3A_327 = arith.index_cast %add3A_326 : i32 to index
        %get3A_328 = tpu.vector_load %arg5[%get3A, %get3A_327] {strides = array<i32>} : memref<50x512xi32, #tpu.memory_space<vmem>>, vector<16xi32>,
        %and3A_329 = arith.constant 3 : i32
        %and3A_330 = vector.broadcast %and3A_329 : i32 to vector<16xi32>
        %and3A_331 = arith.andi %get3A_328, %and3A_330 : vector<16xi32>
        %mul3A_332 = arith.constant 32 : i32
        %mul3A_333 = vector.broadcast %mul3A_332 : i32 to vector<16xi32>
        %mul3A_334 = arith.muli %and3A_331, %mul3A_333 : vector<16xi32>
        %mul3A_335 = arith.constant 16 : i32
        %mul3A_336 = arith.muli %scan3A_321, %mul3A_335 : i32
        %add3A_337 = arith.constant 0 : i32
        %add3A_338 = arith.addi %mul3A_336, %add3A_337 : i32
        %broadcast_in_dim3A_339 = vector.broadcast %add3A_338 : i32 to vector<16xi32>
        %add3A_340 = arith.constant 128 : i32
        %add3A_341 = arith.addi %add3A_340, %add3A_338 : i32
        %slice3A = vector.extract_strided_slice %mul3A_334 {offsets = [0], sizes = [1], strides = [1]} : vector<16xi32> to vector<1xi32>
        %squeeze3A = vector.extract %slice3A[0] : i32 from vector<1xi32>
        %add3A_342 = arith.constant 0 : i32
        %add3A_343 = arith.addi %squeeze3A, %add3A_342 : i32
        %get3A_344 = arith.index_cast %add3A_341 : i32 to index
        %get3A_345 = arith.index_cast %add3A_343 : i32 to index
        %get3A_346 = tpu.vector_load %arg9[%get3A_344, %get3A_345] {strides = array<i32>} : memref<256x128xf32, #tpu.memory_space<vmem>>, vector<16xf32>,
        %add3A_347 = arith.constant 0 : i32
        %add3A_348 = vector.broadcast %add3A_347 : i32 to vector<16xi32>
        %add3A_349 = arith.addi %select_n3A_45, %add3A_348 : vector<16xi32>
        tpu.vector_store_idx %arg11[%add3A_349, %broadcast_in_dim3A_259, %select_n3A_17, %broadcast_in_dim3A_339], %get3A_346 : memref<4x2x10x129xf32, #tpu.memory_space<vmem>>[vector<16xi32>, vector<16xi32>, vector<16xi32>, vector<16xi32>], vector<16xf32>,
        %add3A_350 = arith.constant 16 : i32
        %add3A_351 = arith.addi %squeeze3A, %add3A_350 : i32
        %get3A_352 = arith.index_cast %add3A_341 : i32 to index
        %get3A_353 = arith.index_cast %add3A_351 : i32 to index
        %get3A_354 = tpu.vector_load %arg9[%get3A_352, %get3A_353] {strides = array<i32>} : memref<256x128xf32, #tpu.memory_space<vmem>>, vector<16xf32>,
        %add3A_355 = arith.constant 2 : i32
        %add3A_356 = vector.broadcast %add3A_355 : i32 to vector<16xi32>
        %add3A_357 = arith.addi %select_n3A_45, %add3A_356 : vector<16xi32>
        tpu.vector_store_idx %arg11[%add3A_357, %broadcast_in_dim3A_259, %select_n3A_17, %broadcast_in_dim3A_339], %get3A_354 : memref<4x2x10x129xf32, #tpu.memory_space<vmem>>[vector<16xi32>, vector<16xi32>, vector<16xi32>, vector<16xi32>], vector<16xf32>,
        %mul3A_358 = arith.constant 16 : i32
        %mul3A_359 = arith.muli %scan3A_321, %mul3A_358 : i32
        %add3A_360 = arith.constant 1 : i32
        %add3A_361 = arith.addi %mul3A_359, %add3A_360 : i32
        %broadcast_in_dim3A_362 = vector.broadcast %add3A_361 : i32 to vector<16xi32>
        %add3A_363 = arith.constant 128 : i32
        %add3A_364 = arith.addi %add3A_363, %add3A_361 : i32
        %slice3A_365 = vector.extract_strided_slice %mul3A_334 {offsets = [1], sizes = [1], strides = [1]} : vector<16xi32> to vector<1xi32>
        %squeeze3A_366 = vector.extract %slice3A_365[0] : i32 from vector<1xi32>
        %add3A_367 = arith.constant 0 : i32
        %add3A_368 = arith.addi %squeeze3A_366, %add3A_367 : i32
        %get3A_369 = arith.index_cast %add3A_364 : i32 to index
        %get3A_370 = arith.index_cast %add3A_368 : i32 to index
        %get3A_371 = tpu.vector_load %arg9[%get3A_369, %get3A_370] {strides = array<i32>} : memref<256x128xf32, #tpu.memory_space<vmem>>, vector<16xf32>,
        %add3A_372 = arith.constant 0 : i32
        %add3A_373 = vector.broadcast %add3A_372 : i32 to vector<16xi32>
        %add3A_374 = arith.addi %select_n3A_45, %add3A_373 : vector<16xi32>
        tpu.vector_store_idx %arg11[%add3A_374, %broadcast_in_dim3A_259, %select_n3A_17, %broadcast_in_dim3A_362], %get3A_371 : memref<4x2x10x129xf32, #tpu.memory_space<vmem>>[vector<16xi32>, vector<16xi32>, vector<16xi32>, vector<16xi32>], vector<16xf32>,
        %add3A_375 = arith.constant 16 : i32
        %add3A_376 = arith.addi %squeeze3A_366, %add3A_375 : i32
        %get3A_377 = arith.index_cast %add3A_364 : i32 to index
        %get3A_378 = arith.index_cast %add3A_376 : i32 to index
        %get3A_379 = tpu.vector_load %arg9[%get3A_377, %get3A_378] {strides = array<i32>} : memref<256x128xf32, #tpu.memory_space<vmem>>, vector<16xf32>,
        %add3A_380 = arith.constant 2 : i32
        %add3A_381 = vector.broadcast %add3A_380 : i32 to vector<16xi32>
        %add3A_382 = arith.addi %select_n3A_45, %add3A_381 : vector<16xi32>
        tpu.vector_store_idx %arg11[%add3A_382, %broadcast_in_dim3A_259, %select_n3A_17, %broadcast_in_dim3A_362], %get3A_379 : memref<4x2x10x129xf32, #tpu.memory_space<vmem>>[vector<16xi32>, vector<16xi32>, vector<16xi32>, vector<16xi32>], vector<16xf32>,
        %mul3A_383 = arith.constant 16 : i32
        %mul3A_384 = arith.muli %scan3A_321, %mul3A_383 : i32
        %add3A_385 = arith.constant 2 : i32
        %add3A_386 = arith.addi %mul3A_384, %add3A_385 : i32
        %broadcast_in_dim3A_387 = vector.broadcast %add3A_386 : i32 to vector<16xi32>
        %add3A_388 = arith.constant 128 : i32
        %add3A_389 = arith.addi %add3A_388, %add3A_386 : i32
        %slice3A_390 = vector.extract_strided_slice %mul3A_334 {offsets = [2], sizes = [1], strides = [1]} : vector<16xi32> to vector<1xi32>
        %squeeze3A_391 = vector.extract %slice3A_390[0] : i32 from vector<1xi32>
        %add3A_392 = arith.constant 0 : i32
        %add3A_393 = arith.addi %squeeze3A_391, %add3A_392 : i32
        %get3A_394 = arith.index_cast %add3A_389 : i32 to index
        %get3A_395 = arith.index_cast %add3A_393 : i32 to index
        %get3A_396 = tpu.vector_load %arg9[%get3A_394, %get3A_395] {strides = array<i32>} : memref<256x128xf32, #tpu.memory_space<vmem>>, vector<16xf32>,
        %add3A_397 = arith.constant 0 : i32
        %add3A_398 = vector.broadcast %add3A_397 : i32 to vector<16xi32>
        %add3A_399 = arith.addi %select_n3A_45, %add3A_398 : vector<16xi32>
        tpu.vector_store_idx %arg11[%add3A_399, %broadcast_in_dim3A_259, %select_n3A_17, %broadcast_in_dim3A_387], %get3A_396 : memref<4x2x10x129xf32, #tpu.memory_space<vmem>>[vector<16xi32>, vector<16xi32>, vector<16xi32>, vector<16xi32>], vector<16xf32>,
        %add3A_400 = arith.constant 16 : i32
        %add3A_401 = arith.addi %squeeze3A_391, %add3A_400 : i32
        %get3A_402 = arith.index_cast %add3A_389 : i32 to index
        %get3A_403 = arith.index_cast %add3A_401 : i32 to index
        %get3A_404 = tpu.vector_load %arg9[%get3A_402, %get3A_403] {strides = array<i32>} : memref<256x128xf32, #tpu.memory_space<vmem>>, vector<16xf32>,
        %add3A_405 = arith.constant 2 : i32
        %add3A_406 = vector.broadcast %add3A_405 : i32 to vector<16xi32>
        %add3A_407 = arith.addi %select_n3A_45, %add3A_406 : vector<16xi32>
        tpu.vector_store_idx %arg11[%add3A_407, %broadcast_in_dim3A_259, %select_n3A_17, %broadcast_in_dim3A_387], %get3A_404 : memref<4x2x10x129xf32, #tpu.memory_space<vmem>>[vector<16xi32>, vector<16xi32>, vector<16xi32>, vector<16xi32>], vector<16xf32>,
        %mul3A_408 = arith.constant 16 : i32
        %mul3A_409 = arith.muli %scan3A_321, %mul3A_408 : i32
        %add3A_410 = arith.constant 3 : i32
        %add3A_411 = arith.addi %mul3A_409, %add3A_410 : i32
        %broadcast_in_dim3A_412 = vector.broadcast %add3A_411 : i32 to vector<16xi32>
        %add3A_413 = arith.constant 128 : i32
        %add3A_414 = arith.addi %add3A_413, %add3A_411 : i32
        %slice3A_415 = vector.extract_strided_slice %mul3A_334 {offsets = [3], sizes = [1], strides = [1]} : vector<16xi32> to vector<1xi32>
        %squeeze3A_416 = vector.extract %slice3A_415[0] : i32 from vector<1xi32>
        %add3A_417 = arith.constant 0 : i32
        %add3A_418 = arith.addi %squeeze3A_416, %add3A_417 : i32
        %get3A_419 = arith.index_cast %add3A_414 : i32 to index
        %get3A_420 = arith.index_cast %add3A_418 : i32 to index
        %get3A_421 = tpu.vector_load %arg9[%get3A_419, %get3A_420] {strides = array<i32>} : memref<256x128xf32, #tpu.memory_space<vmem>>, vector<16xf32>,
        %add3A_422 = arith.constant 0 : i32
        %add3A_423 = vector.broadcast %add3A_422 : i32 to vector<16xi32>
        %add3A_424 = arith.addi %select_n3A_45, %add3A_423 : vector<16xi32>
        tpu.vector_store_idx %arg11[%add3A_424, %broadcast_in_dim3A_259, %select_n3A_17, %broadcast_in_dim3A_412], %get3A_421 : memref<4x2x10x129xf32, #tpu.memory_space<vmem>>[vector<16xi32>, vector<16xi32>, vector<16xi32>, vector<16xi32>], vector<16xf32>,
        %add3A_425 = arith.constant 16 : i32
        %add3A_426 = arith.addi %squeeze3A_416, %add3A_425 : i32
        %get3A_427 = arith.index_cast %add3A_414 : i32 to index
        %get3A_428 = arith.index_cast %add3A_426 : i32 to index
        %get3A_429 = tpu.vector_load %arg9[%get3A_427, %get3A_428] {strides = array<i32>} : memref<256x128xf32, #tpu.memory_space<vmem>>, vector<16xf32>,
        %add3A_430 = arith.constant 2 : i32
        %add3A_431 = vector.broadcast %add3A_430 : i32 to vector<16xi32>
        %add3A_432 = arith.addi %select_n3A_45, %add3A_431 : vector<16xi32>
        tpu.vector_store_idx %arg11[%add3A_432, %broadcast_in_dim3A_259, %select_n3A_17, %broadcast_in_dim3A_412], %get3A_429 : memref<4x2x10x129xf32, #tpu.memory_space<vmem>>[vector<16xi32>, vector<16xi32>, vector<16xi32>, vector<16xi32>], vector<16xf32>,
        %mul3A_433 = arith.constant 16 : i32
        %mul3A_434 = arith.muli %scan3A_321, %mul3A_433 : i32
        %add3A_435 = arith.constant 4 : i32
        %add3A_436 = arith.addi %mul3A_434, %add3A_435 : i32
        %broadcast_in_dim3A_437 = vector.broadcast %add3A_436 : i32 to vector<16xi32>
        %add3A_438 = arith.constant 128 : i32
        %add3A_439 = arith.addi %add3A_438, %add3A_436 : i32
        %slice3A_440 = vector.extract_strided_slice %mul3A_334 {offsets = [4], sizes = [1], strides = [1]} : vector<16xi32> to vector<1xi32>
        %squeeze3A_441 = vector.extract %slice3A_440[0] : i32 from vector<1xi32>
        %add3A_442 = arith.constant 0 : i32
        %add3A_443 = arith.addi %squeeze3A_441, %add3A_442 : i32
        %get3A_444 = arith.index_cast %add3A_439 : i32 to index
        %get3A_445 = arith.index_cast %add3A_443 : i32 to index
        %get3A_446 = tpu.vector_load %arg9[%get3A_444, %get3A_445] {strides = array<i32>} : memref<256x128xf32, #tpu.memory_space<vmem>>, vector<16xf32>,
        %add3A_447 = arith.constant 0 : i32
        %add3A_448 = vector.broadcast %add3A_447 : i32 to vector<16xi32>
        %add3A_449 = arith.addi %select_n3A_45, %add3A_448 : vector<16xi32>
        tpu.vector_store_idx %arg11[%add3A_449, %broadcast_in_dim3A_259, %select_n3A_17, %broadcast_in_dim3A_437], %get3A_446 : memref<4x2x10x129xf32, #tpu.memory_space<vmem>>[vector<16xi32>, vector<16xi32>, vector<16xi32>, vector<16xi32>], vector<16xf32>,
        %add3A_450 = arith.constant 16 : i32
        %add3A_451 = arith.addi %squeeze3A_441, %add3A_450 : i32
        %get3A_452 = arith.index_cast %add3A_439 : i32 to index
        %get3A_453 = arith.index_cast %add3A_451 : i32 to index
        %get3A_454 = tpu.vector_load %arg9[%get3A_452, %get3A_453] {strides = array<i32>} : memref<256x128xf32, #tpu.memory_space<vmem>>, vector<16xf32>,
        %add3A_455 = arith.constant 2 : i32
        %add3A_456 = vector.broadcast %add3A_455 : i32 to vector<16xi32>
        %add3A_457 = arith.addi %select_n3A_45, %add3A_456 : vector<16xi32>
        tpu.vector_store_idx %arg11[%add3A_457, %broadcast_in_dim3A_259, %select_n3A_17, %broadcast_in_dim3A_437], %get3A_454 : memref<4x2x10x129xf32, #tpu.memory_space<vmem>>[vector<16xi32>, vector<16xi32>, vector<16xi32>, vector<16xi32>], vector<16xf32>,
        %mul3A_458 = arith.constant 16 : i32
        %mul3A_459 = arith.muli %scan3A_321, %mul3A_458 : i32
        %add3A_460 = arith.constant 5 : i32
        %add3A_461 = arith.addi %mul3A_459, %add3A_460 : i32
        %broadcast_in_dim3A_462 = vector.broadcast %add3A_461 : i32 to vector<16xi32>
        %add3A_463 = arith.constant 128 : i32
        %add3A_464 = arith.addi %add3A_463, %add3A_461 : i32
        %slice3A_465 = vector.extract_strided_slice %mul3A_334 {offsets = [5], sizes = [1], strides = [1]} : vector<16xi32> to vector<1xi32>
        %squeeze3A_466 = vector.extract %slice3A_465[0] : i32 from vector<1xi32>
        %add3A_467 = arith.constant 0 : i32
        %add3A_468 = arith.addi %squeeze3A_466, %add3A_467 : i32
        %get3A_469 = arith.index_cast %add3A_464 : i32 to index
        %get3A_470 = arith.index_cast %add3A_468 : i32 to index
        %get3A_471 = tpu.vector_load %arg9[%get3A_469, %get3A_470] {strides = array<i32>} : memref<256x128xf32, #tpu.memory_space<vmem>>, vector<16xf32>,
        %add3A_472 = arith.constant 0 : i32
        %add3A_473 = vector.broadcast %add3A_472 : i32 to vector<16xi32>
        %add3A_474 = arith.addi %select_n3A_45, %add3A_473 : vector<16xi32>
        tpu.vector_store_idx %arg11[%add3A_474, %broadcast_in_dim3A_259, %select_n3A_17, %broadcast_in_dim3A_462], %get3A_471 : memref<4x2x10x129xf32, #tpu.memory_space<vmem>>[vector<16xi32>, vector<16xi32>, vector<16xi32>, vector<16xi32>], vector<16xf32>,
        %add3A_475 = arith.constant 16 : i32
        %add3A_476 = arith.addi %squeeze3A_466, %add3A_475 : i32
        %get3A_477 = arith.index_cast %add3A_464 : i32 to index
        %get3A_478 = arith.index_cast %add3A_476 : i32 to index
        %get3A_479 = tpu.vector_load %arg9[%get3A_477, %get3A_478] {strides = array<i32>} : memref<256x128xf32, #tpu.memory_space<vmem>>, vector<16xf32>,
        %add3A_480 = arith.constant 2 : i32
        %add3A_481 = vector.broadcast %add3A_480 : i32 to vector<16xi32>
        %add3A_482 = arith.addi %select_n3A_45, %add3A_481 : vector<16xi32>
        tpu.vector_store_idx %arg11[%add3A_482, %broadcast_in_dim3A_259, %select_n3A_17, %broadcast_in_dim3A_462], %get3A_479 : memref<4x2x10x129xf32, #tpu.memory_space<vmem>>[vector<16xi32>, vector<16xi32>, vector<16xi32>, vector<16xi32>], vector<16xf32>,
        %mul3A_483 = arith.constant 16 : i32
        %mul3A_484 = arith.muli %scan3A_321, %mul3A_483 : i32
        %add3A_485 = arith.constant 6 : i32
        %add3A_486 = arith.addi %mul3A_484, %add3A_485 : i32
        %broadcast_in_dim3A_487 = vector.broadcast %add3A_486 : i32 to vector<16xi32>
        %add3A_488 = arith.constant 128 : i32
        %add3A_489 = arith.addi %add3A_488, %add3A_486 : i32
        %slice3A_490 = vector.extract_strided_slice %mul3A_334 {offsets = [6], sizes = [1], strides = [1]} : vector<16xi32> to vector<1xi32>
        %squeeze3A_491 = vector.extract %slice3A_490[0] : i32 from vector<1xi32>
        %add3A_492 = arith.constant 0 : i32
        %add3A_493 = arith.addi %squeeze3A_491, %add3A_492 : i32
        %get3A_494 = arith.index_cast %add3A_489 : i32 to index
        %get3A_495 = arith.index_cast %add3A_493 : i32 to index
        %get3A_496 = tpu.vector_load %arg9[%get3A_494, %get3A_495] {strides = array<i32>} : memref<256x128xf32, #tpu.memory_space<vmem>>, vector<16xf32>,
        %add3A_497 = arith.constant 0 : i32
        %add3A_498 = vector.broadcast %add3A_497 : i32 to vector<16xi32>
        %add3A_499 = arith.addi %select_n3A_45, %add3A_498 : vector<16xi32>
        tpu.vector_store_idx %arg11[%add3A_499, %broadcast_in_dim3A_259, %select_n3A_17, %broadcast_in_dim3A_487], %get3A_496 : memref<4x2x10x129xf32, #tpu.memory_space<vmem>>[vector<16xi32>, vector<16xi32>, vector<16xi32>, vector<16xi32>], vector<16xf32>,
        %add3A_500 = arith.constant 16 : i32
        %add3A_501 = arith.addi %squeeze3A_491, %add3A_500 : i32
        %get3A_502 = arith.index_cast %add3A_489 : i32 to index
        %get3A_503 = arith.index_cast %add3A_501 : i32 to index
        %get3A_504 = tpu.vector_load %arg9[%get3A_502, %get3A_503] {strides = array<i32>} : memref<256x128xf32, #tpu.memory_space<vmem>>, vector<16xf32>,
        %add3A_505 = arith.constant 2 : i32
        %add3A_506 = vector.broadcast %add3A_505 : i32 to vector<16xi32>
        %add3A_507 = arith.addi %select_n3A_45, %add3A_506 : vector<16xi32>
        tpu.vector_store_idx %arg11[%add3A_507, %broadcast_in_dim3A_259, %select_n3A_17, %broadcast_in_dim3A_487], %get3A_504 : memref<4x2x10x129xf32, #tpu.memory_space<vmem>>[vector<16xi32>, vector<16xi32>, vector<16xi32>, vector<16xi32>], vector<16xf32>,
        %mul3A_508 = arith.constant 16 : i32
        %mul3A_509 = arith.muli %scan3A_321, %mul3A_508 : i32
        %add3A_510 = arith.constant 7 : i32
        %add3A_511 = arith.addi %mul3A_509, %add3A_510 : i32
        %broadcast_in_dim3A_512 = vector.broadcast %add3A_511 : i32 to vector<16xi32>
        %add3A_513 = arith.constant 128 : i32
        %add3A_514 = arith.addi %add3A_513, %add3A_511 : i32
        %slice3A_515 = vector.extract_strided_slice %mul3A_334 {offsets = [7], sizes = [1], strides = [1]} : vector<16xi32> to vector<1xi32>
        %squeeze3A_516 = vector.extract %slice3A_515[0] : i32 from vector<1xi32>
        %add3A_517 = arith.constant 0 : i32
        %add3A_518 = arith.addi %squeeze3A_516, %add3A_517 : i32
        %get3A_519 = arith.index_cast %add3A_514 : i32 to index
        %get3A_520 = arith.index_cast %add3A_518 : i32 to index
        %get3A_521 = tpu.vector_load %arg9[%get3A_519, %get3A_520] {strides = array<i32>} : memref<256x128xf32, #tpu.memory_space<vmem>>, vector<16xf32>,
        %add3A_522 = arith.constant 0 : i32
        %add3A_523 = vector.broadcast %add3A_522 : i32 to vector<16xi32>
        %add3A_524 = arith.addi %select_n3A_45, %add3A_523 : vector<16xi32>
        tpu.vector_store_idx %arg11[%add3A_524, %broadcast_in_dim3A_259, %select_n3A_17, %broadcast_in_dim3A_512], %get3A_521 : memref<4x2x10x129xf32, #tpu.memory_space<vmem>>[vector<16xi32>, vector<16xi32>, vector<16xi32>, vector<16xi32>], vector<16xf32>,
        %add3A_525 = arith.constant 16 : i32
        %add3A_526 = arith.addi %squeeze3A_516, %add3A_525 : i32
        %get3A_527 = arith.index_cast %add3A_514 : i32 to index
        %get3A_528 = arith.index_cast %add3A_526 : i32 to index
        %get3A_529 = tpu.vector_load %arg9[%get3A_527, %get3A_528] {strides = array<i32>} : memref<256x128xf32, #tpu.memory_space<vmem>>, vector<16xf32>,
        %add3A_530 = arith.constant 2 : i32
        %add3A_531 = vector.broadcast %add3A_530 : i32 to vector<16xi32>
        %add3A_532 = arith.addi %select_n3A_45, %add3A_531 : vector<16xi32>
        tpu.vector_store_idx %arg11[%add3A_532, %broadcast_in_dim3A_259, %select_n3A_17, %broadcast_in_dim3A_512], %get3A_529 : memref<4x2x10x129xf32, #tpu.memory_space<vmem>>[vector<16xi32>, vector<16xi32>, vector<16xi32>, vector<16xi32>], vector<16xf32>,
        %mul3A_533 = arith.constant 16 : i32
        %mul3A_534 = arith.muli %scan3A_321, %mul3A_533 : i32
        %add3A_535 = arith.constant 8 : i32
        %add3A_536 = arith.addi %mul3A_534, %add3A_535 : i32
        %broadcast_in_dim3A_537 = vector.broadcast %add3A_536 : i32 to vector<16xi32>
        %add3A_538 = arith.constant 128 : i32
        %add3A_539 = arith.addi %add3A_538, %add3A_536 : i32
        %slice3A_540 = vector.extract_strided_slice %mul3A_334 {offsets = [8], sizes = [1], strides = [1]} : vector<16xi32> to vector<1xi32>
        %squeeze3A_541 = vector.extract %slice3A_540[0] : i32 from vector<1xi32>
        %add3A_542 = arith.constant 0 : i32
        %add3A_543 = arith.addi %squeeze3A_541, %add3A_542 : i32
        %get3A_544 = arith.index_cast %add3A_539 : i32 to index
        %get3A_545 = arith.index_cast %add3A_543 : i32 to index
        %get3A_546 = tpu.vector_load %arg9[%get3A_544, %get3A_545] {strides = array<i32>} : memref<256x128xf32, #tpu.memory_space<vmem>>, vector<16xf32>,
        %add3A_547 = arith.constant 0 : i32
        %add3A_548 = vector.broadcast %add3A_547 : i32 to vector<16xi32>
        %add3A_549 = arith.addi %select_n3A_45, %add3A_548 : vector<16xi32>
        tpu.vector_store_idx %arg11[%add3A_549, %broadcast_in_dim3A_259, %select_n3A_17, %broadcast_in_dim3A_537], %get3A_546 : memref<4x2x10x129xf32, #tpu.memory_space<vmem>>[vector<16xi32>, vector<16xi32>, vector<16xi32>, vector<16xi32>], vector<16xf32>,
        %add3A_550 = arith.constant 16 : i32
        %add3A_551 = arith.addi %squeeze3A_541, %add3A_550 : i32
        %get3A_552 = arith.index_cast %add3A_539 : i32 to index
        %get3A_553 = arith.index_cast %add3A_551 : i32 to index
        %get3A_554 = tpu.vector_load %arg9[%get3A_552, %get3A_553] {strides = array<i32>} : memref<256x128xf32, #tpu.memory_space<vmem>>, vector<16xf32>,
        %add3A_555 = arith.constant 2 : i32
        %add3A_556 = vector.broadcast %add3A_555 : i32 to vector<16xi32>
        %add3A_557 = arith.addi %select_n3A_45, %add3A_556 : vector<16xi32>
        tpu.vector_store_idx %arg11[%add3A_557, %broadcast_in_dim3A_259, %select_n3A_17, %broadcast_in_dim3A_537], %get3A_554 : memref<4x2x10x129xf32, #tpu.memory_space<vmem>>[vector<16xi32>, vector<16xi32>, vector<16xi32>, vector<16xi32>], vector<16xf32>,
        %mul3A_558 = arith.constant 16 : i32
        %mul3A_559 = arith.muli %scan3A_321, %mul3A_558 : i32
        %add3A_560 = arith.constant 9 : i32
        %add3A_561 = arith.addi %mul3A_559, %add3A_560 : i32
        %broadcast_in_dim3A_562 = vector.broadcast %add3A_561 : i32 to vector<16xi32>
        %add3A_563 = arith.constant 128 : i32
        %add3A_564 = arith.addi %add3A_563, %add3A_561 : i32
        %slice3A_565 = vector.extract_strided_slice %mul3A_334 {offsets = [9], sizes = [1], strides = [1]} : vector<16xi32> to vector<1xi32>
        %squeeze3A_566 = vector.extract %slice3A_565[0] : i32 from vector<1xi32>
        %add3A_567 = arith.constant 0 : i32
        %add3A_568 = arith.addi %squeeze3A_566, %add3A_567 : i32
        %get3A_569 = arith.index_cast %add3A_564 : i32 to index
        %get3A_570 = arith.index_cast %add3A_568 : i32 to index
        %get3A_571 = tpu.vector_load %arg9[%get3A_569, %get3A_570] {strides = array<i32>} : memref<256x128xf32, #tpu.memory_space<vmem>>, vector<16xf32>,
        %add3A_572 = arith.constant 0 : i32
        %add3A_573 = vector.broadcast %add3A_572 : i32 to vector<16xi32>
        %add3A_574 = arith.addi %select_n3A_45, %add3A_573 : vector<16xi32>
        tpu.vector_store_idx %arg11[%add3A_574, %broadcast_in_dim3A_259, %select_n3A_17, %broadcast_in_dim3A_562], %get3A_571 : memref<4x2x10x129xf32, #tpu.memory_space<vmem>>[vector<16xi32>, vector<16xi32>, vector<16xi32>, vector<16xi32>], vector<16xf32>,
        %add3A_575 = arith.constant 16 : i32
        %add3A_576 = arith.addi %squeeze3A_566, %add3A_575 : i32
        %get3A_577 = arith.index_cast %add3A_564 : i32 to index
        %get3A_578 = arith.index_cast %add3A_576 : i32 to index
        %get3A_579 = tpu.vector_load %arg9[%get3A_577, %get3A_578] {strides = array<i32>} : memref<256x128xf32, #tpu.memory_space<vmem>>, vector<16xf32>,
        %add3A_580 = arith.constant 2 : i32
        %add3A_581 = vector.broadcast %add3A_580 : i32 to vector<16xi32>
        %add3A_582 = arith.addi %select_n3A_45, %add3A_581 : vector<16xi32>
        tpu.vector_store_idx %arg11[%add3A_582, %broadcast_in_dim3A_259, %select_n3A_17, %broadcast_in_dim3A_562], %get3A_579 : memref<4x2x10x129xf32, #tpu.memory_space<vmem>>[vector<16xi32>, vector<16xi32>, vector<16xi32>, vector<16xi32>], vector<16xf32>,
        %mul3A_583 = arith.constant 16 : i32
        %mul3A_584 = arith.muli %scan3A_321, %mul3A_583 : i32
        %add3A_585 = arith.constant 10 : i32
        %add3A_586 = arith.addi %mul3A_584, %add3A_585 : i32
        %broadcast_in_dim3A_587 = vector.broadcast %add3A_586 : i32 to vector<16xi32>
        %add3A_588 = arith.constant 128 : i32
        %add3A_589 = arith.addi %add3A_588, %add3A_586 : i32
        %slice3A_590 = vector.extract_strided_slice %mul3A_334 {offsets = [10], sizes = [1], strides = [1]} : vector<16xi32> to vector<1xi32>
        %squeeze3A_591 = vector.extract %slice3A_590[0] : i32 from vector<1xi32>
        %add3A_592 = arith.constant 0 : i32
        %add3A_593 = arith.addi %squeeze3A_591, %add3A_592 : i32
        %get3A_594 = arith.index_cast %add3A_589 : i32 to index
        %get3A_595 = arith.index_cast %add3A_593 : i32 to index
        %get3A_596 = tpu.vector_load %arg9[%get3A_594, %get3A_595] {strides = array<i32>} : memref<256x128xf32, #tpu.memory_space<vmem>>, vector<16xf32>,
        %add3A_597 = arith.constant 0 : i32
        %add3A_598 = vector.broadcast %add3A_597 : i32 to vector<16xi32>
        %add3A_599 = arith.addi %select_n3A_45, %add3A_598 : vector<16xi32>
        tpu.vector_store_idx %arg11[%add3A_599, %broadcast_in_dim3A_259, %select_n3A_17, %broadcast_in_dim3A_587], %get3A_596 : memref<4x2x10x129xf32, #tpu.memory_space<vmem>>[vector<16xi32>, vector<16xi32>, vector<16xi32>, vector<16xi32>], vector<16xf32>,
        %add3A_600 = arith.constant 16 : i32
        %add3A_601 = arith.addi %squeeze3A_591, %add3A_600 : i32
        %get3A_602 = arith.index_cast %add3A_589 : i32 to index
        %get3A_603 = arith.index_cast %add3A_601 : i32 to index
        %get3A_604 = tpu.vector_load %arg9[%get3A_602, %get3A_603] {strides = array<i32>} : memref<256x128xf32, #tpu.memory_space<vmem>>, vector<16xf32>,
        %add3A_605 = arith.constant 2 : i32
        %add3A_606 = vector.broadcast %add3A_605 : i32 to vector<16xi32>
        %add3A_607 = arith.addi %select_n3A_45, %add3A_606 : vector<16xi32>
        tpu.vector_store_idx %arg11[%add3A_607, %broadcast_in_dim3A_259, %select_n3A_17, %broadcast_in_dim3A_587], %get3A_604 : memref<4x2x10x129xf32, #tpu.memory_space<vmem>>[vector<16xi32>, vector<16xi32>, vector<16xi32>, vector<16xi32>], vector<16xf32>,
        %mul3A_608 = arith.constant 16 : i32
        %mul3A_609 = arith.muli %scan3A_321, %mul3A_608 : i32
        %add3A_610 = arith.constant 11 : i32
        %add3A_611 = arith.addi %mul3A_609, %add3A_610 : i32
        %broadcast_in_dim3A_612 = vector.broadcast %add3A_611 : i32 to vector<16xi32>
        %add3A_613 = arith.constant 128 : i32
        %add3A_614 = arith.addi %add3A_613, %add3A_611 : i32
        %slice3A_615 = vector.extract_strided_slice %mul3A_334 {offsets = [11], sizes = [1], strides = [1]} : vector<16xi32> to vector<1xi32>
        %squeeze3A_616 = vector.extract %slice3A_615[0] : i32 from vector<1xi32>
        %add3A_617 = arith.constant 0 : i32
        %add3A_618 = arith.addi %squeeze3A_616, %add3A_617 : i32
        %get3A_619 = arith.index_cast %add3A_614 : i32 to index
        %get3A_620 = arith.index_cast %add3A_618 : i32 to index
        %get3A_621 = tpu.vector_load %arg9[%get3A_619, %get3A_620] {strides = array<i32>} : memref<256x128xf32, #tpu.memory_space<vmem>>, vector<16xf32>,
        %add3A_622 = arith.constant 0 : i32
        %add3A_623 = vector.broadcast %add3A_622 : i32 to vector<16xi32>
        %add3A_624 = arith.addi %select_n3A_45, %add3A_623 : vector<16xi32>
        tpu.vector_store_idx %arg11[%add3A_624, %broadcast_in_dim3A_259, %select_n3A_17, %broadcast_in_dim3A_612], %get3A_621 : memref<4x2x10x129xf32, #tpu.memory_space<vmem>>[vector<16xi32>, vector<16xi32>, vector<16xi32>, vector<16xi32>], vector<16xf32>,
        %add3A_625 = arith.constant 16 : i32
        %add3A_626 = arith.addi %squeeze3A_616, %add3A_625 : i32
        %get3A_627 = arith.index_cast %add3A_614 : i32 to index
        %get3A_628 = arith.index_cast %add3A_626 : i32 to index
        %get3A_629 = tpu.vector_load %arg9[%get3A_627, %get3A_628] {strides = array<i32>} : memref<256x128xf32, #tpu.memory_space<vmem>>, vector<16xf32>,
        %add3A_630 = arith.constant 2 : i32
        %add3A_631 = vector.broadcast %add3A_630 : i32 to vector<16xi32>
        %add3A_632 = arith.addi %select_n3A_45, %add3A_631 : vector<16xi32>
        tpu.vector_store_idx %arg11[%add3A_632, %broadcast_in_dim3A_259, %select_n3A_17, %broadcast_in_dim3A_612], %get3A_629 : memref<4x2x10x129xf32, #tpu.memory_space<vmem>>[vector<16xi32>, vector<16xi32>, vector<16xi32>, vector<16xi32>], vector<16xf32>,
        %mul3A_633 = arith.constant 16 : i32
        %mul3A_634 = arith.muli %scan3A_321, %mul3A_633 : i32
        %add3A_635 = arith.constant 12 : i32
        %add3A_636 = arith.addi %mul3A_634, %add3A_635 : i32
        %broadcast_in_dim3A_637 = vector.broadcast %add3A_636 : i32 to vector<16xi32>
        %add3A_638 = arith.constant 128 : i32
        %add3A_639 = arith.addi %add3A_638, %add3A_636 : i32
        %slice3A_640 = vector.extract_strided_slice %mul3A_334 {offsets = [12], sizes = [1], strides = [1]} : vector<16xi32> to vector<1xi32>
        %squeeze3A_641 = vector.extract %slice3A_640[0] : i32 from vector<1xi32>
        %add3A_642 = arith.constant 0 : i32
        %add3A_643 = arith.addi %squeeze3A_641, %add3A_642 : i32
        %get3A_644 = arith.index_cast %add3A_639 : i32 to index
        %get3A_645 = arith.index_cast %add3A_643 : i32 to index
        %get3A_646 = tpu.vector_load %arg9[%get3A_644, %get3A_645] {strides = array<i32>} : memref<256x128xf32, #tpu.memory_space<vmem>>, vector<16xf32>,
        %add3A_647 = arith.constant 0 : i32
        %add3A_648 = vector.broadcast %add3A_647 : i32 to vector<16xi32>
        %add3A_649 = arith.addi %select_n3A_45, %add3A_648 : vector<16xi32>
        tpu.vector_store_idx %arg11[%add3A_649, %broadcast_in_dim3A_259, %select_n3A_17, %broadcast_in_dim3A_637], %get3A_646 : memref<4x2x10x129xf32, #tpu.memory_space<vmem>>[vector<16xi32>, vector<16xi32>, vector<16xi32>, vector<16xi32>], vector<16xf32>,
        %add3A_650 = arith.constant 16 : i32
        %add3A_651 = arith.addi %squeeze3A_641, %add3A_650 : i32
        %get3A_652 = arith.index_cast %add3A_639 : i32 to index
        %get3A_653 = arith.index_cast %add3A_651 : i32 to index
        %get3A_654 = tpu.vector_load %arg9[%get3A_652, %get3A_653] {strides = array<i32>} : memref<256x128xf32, #tpu.memory_space<vmem>>, vector<16xf32>,
        %add3A_655 = arith.constant 2 : i32
        %add3A_656 = vector.broadcast %add3A_655 : i32 to vector<16xi32>
        %add3A_657 = arith.addi %select_n3A_45, %add3A_656 : vector<16xi32>
        tpu.vector_store_idx %arg11[%add3A_657, %broadcast_in_dim3A_259, %select_n3A_17, %broadcast_in_dim3A_637], %get3A_654 : memref<4x2x10x129xf32, #tpu.memory_space<vmem>>[vector<16xi32>, vector<16xi32>, vector<16xi32>, vector<16xi32>], vector<16xf32>,
        %mul3A_658 = arith.constant 16 : i32
        %mul3A_659 = arith.muli %scan3A_321, %mul3A_658 : i32
        %add3A_660 = arith.constant 13 : i32
        %add3A_661 = arith.addi %mul3A_659, %add3A_660 : i32
        %broadcast_in_dim3A_662 = vector.broadcast %add3A_661 : i32 to vector<16xi32>
        %add3A_663 = arith.constant 128 : i32
        %add3A_664 = arith.addi %add3A_663, %add3A_661 : i32
        %slice3A_665 = vector.extract_strided_slice %mul3A_334 {offsets = [13], sizes = [1], strides = [1]} : vector<16xi32> to vector<1xi32>
        %squeeze3A_666 = vector.extract %slice3A_665[0] : i32 from vector<1xi32>
        %add3A_667 = arith.constant 0 : i32
        %add3A_668 = arith.addi %squeeze3A_666, %add3A_667 : i32
        %get3A_669 = arith.index_cast %add3A_664 : i32 to index
        %get3A_670 = arith.index_cast %add3A_668 : i32 to index
        %get3A_671 = tpu.vector_load %arg9[%get3A_669, %get3A_670] {strides = array<i32>} : memref<256x128xf32, #tpu.memory_space<vmem>>, vector<16xf32>,
        %add3A_672 = arith.constant 0 : i32
        %add3A_673 = vector.broadcast %add3A_672 : i32 to vector<16xi32>
        %add3A_674 = arith.addi %select_n3A_45, %add3A_673 : vector<16xi32>
        tpu.vector_store_idx %arg11[%add3A_674, %broadcast_in_dim3A_259, %select_n3A_17, %broadcast_in_dim3A_662], %get3A_671 : memref<4x2x10x129xf32, #tpu.memory_space<vmem>>[vector<16xi32>, vector<16xi32>, vector<16xi32>, vector<16xi32>], vector<16xf32>,
        %add3A_675 = arith.constant 16 : i32
        %add3A_676 = arith.addi %squeeze3A_666, %add3A_675 : i32
        %get3A_677 = arith.index_cast %add3A_664 : i32 to index
        %get3A_678 = arith.index_cast %add3A_676 : i32 to index
        %get3A_679 = tpu.vector_load %arg9[%get3A_677, %get3A_678] {strides = array<i32>} : memref<256x128xf32, #tpu.memory_space<vmem>>, vector<16xf32>,
        %add3A_680 = arith.constant 2 : i32
        %add3A_681 = vector.broadcast %add3A_680 : i32 to vector<16xi32>
        %add3A_682 = arith.addi %select_n3A_45, %add3A_681 : vector<16xi32>
        tpu.vector_store_idx %arg11[%add3A_682, %broadcast_in_dim3A_259, %select_n3A_17, %broadcast_in_dim3A_662], %get3A_679 : memref<4x2x10x129xf32, #tpu.memory_space<vmem>>[vector<16xi32>, vector<16xi32>, vector<16xi32>, vector<16xi32>], vector<16xf32>,
        %mul3A_683 = arith.constant 16 : i32
        %mul3A_684 = arith.muli %scan3A_321, %mul3A_683 : i32
        %add3A_685 = arith.constant 14 : i32
        %add3A_686 = arith.addi %mul3A_684, %add3A_685 : i32
        %broadcast_in_dim3A_687 = vector.broadcast %add3A_686 : i32 to vector<16xi32>
        %add3A_688 = arith.constant 128 : i32
        %add3A_689 = arith.addi %add3A_688, %add3A_686 : i32
        %slice3A_690 = vector.extract_strided_slice %mul3A_334 {offsets = [14], sizes = [1], strides = [1]} : vector<16xi32> to vector<1xi32>
        %squeeze3A_691 = vector.extract %slice3A_690[0] : i32 from vector<1xi32>
        %add3A_692 = arith.constant 0 : i32
        %add3A_693 = arith.addi %squeeze3A_691, %add3A_692 : i32
        %get3A_694 = arith.index_cast %add3A_689 : i32 to index
        %get3A_695 = arith.index_cast %add3A_693 : i32 to index
        %get3A_696 = tpu.vector_load %arg9[%get3A_694, %get3A_695] {strides = array<i32>} : memref<256x128xf32, #tpu.memory_space<vmem>>, vector<16xf32>,
        %add3A_697 = arith.constant 0 : i32
        %add3A_698 = vector.broadcast %add3A_697 : i32 to vector<16xi32>
        %add3A_699 = arith.addi %select_n3A_45, %add3A_698 : vector<16xi32>
        tpu.vector_store_idx %arg11[%add3A_699, %broadcast_in_dim3A_259, %select_n3A_17, %broadcast_in_dim3A_687], %get3A_696 : memref<4x2x10x129xf32, #tpu.memory_space<vmem>>[vector<16xi32>, vector<16xi32>, vector<16xi32>, vector<16xi32>], vector<16xf32>,
        %add3A_700 = arith.constant 16 : i32
        %add3A_701 = arith.addi %squeeze3A_691, %add3A_700 : i32
        %get3A_702 = arith.index_cast %add3A_689 : i32 to index
        %get3A_703 = arith.index_cast %add3A_701 : i32 to index
        %get3A_704 = tpu.vector_load %arg9[%get3A_702, %get3A_703] {strides = array<i32>} : memref<256x128xf32, #tpu.memory_space<vmem>>, vector<16xf32>,
        %add3A_705 = arith.constant 2 : i32
        %add3A_706 = vector.broadcast %add3A_705 : i32 to vector<16xi32>
        %add3A_707 = arith.addi %select_n3A_45, %add3A_706 : vector<16xi32>
        tpu.vector_store_idx %arg11[%add3A_707, %broadcast_in_dim3A_259, %select_n3A_17, %broadcast_in_dim3A_687], %get3A_704 : memref<4x2x10x129xf32, #tpu.memory_space<vmem>>[vector<16xi32>, vector<16xi32>, vector<16xi32>, vector<16xi32>], vector<16xf32>,
        %mul3A_708 = arith.constant 16 : i32
        %mul3A_709 = arith.muli %scan3A_321, %mul3A_708 : i32
        %add3A_710 = arith.constant 15 : i32
        %add3A_711 = arith.addi %mul3A_709, %add3A_710 : i32
        %broadcast_in_dim3A_712 = vector.broadcast %add3A_711 : i32 to vector<16xi32>
        %add3A_713 = arith.constant 128 : i32
        %add3A_714 = arith.addi %add3A_713, %add3A_711 : i32
        %slice3A_715 = vector.extract_strided_slice %mul3A_334 {offsets = [15], sizes = [1], strides = [1]} : vector<16xi32> to vector<1xi32>
        %squeeze3A_716 = vector.extract %slice3A_715[0] : i32 from vector<1xi32>
        %add3A_717 = arith.constant 0 : i32
        %add3A_718 = arith.addi %squeeze3A_716, %add3A_717 : i32
        %get3A_719 = arith.index_cast %add3A_714 : i32 to index
        %get3A_720 = arith.index_cast %add3A_718 : i32 to index
        %get3A_721 = tpu.vector_load %arg9[%get3A_719, %get3A_720] {strides = array<i32>} : memref<256x128xf32, #tpu.memory_space<vmem>>, vector<16xf32>,
        %add3A_722 = arith.constant 0 : i32
        %add3A_723 = vector.broadcast %add3A_722 : i32 to vector<16xi32>
        %add3A_724 = arith.addi %select_n3A_45, %add3A_723 : vector<16xi32>
        tpu.vector_store_idx %arg11[%add3A_724, %broadcast_in_dim3A_259, %select_n3A_17, %broadcast_in_dim3A_712], %get3A_721 : memref<4x2x10x129xf32, #tpu.memory_space<vmem>>[vector<16xi32>, vector<16xi32>, vector<16xi32>, vector<16xi32>], vector<16xf32>,
        %add3A_725 = arith.constant 16 : i32
        %add3A_726 = arith.addi %squeeze3A_716, %add3A_725 : i32
        %get3A_727 = arith.index_cast %add3A_714 : i32 to index
        %get3A_728 = arith.index_cast %add3A_726 : i32 to index
        %get3A_729 = tpu.vector_load %arg9[%get3A_727, %get3A_728] {strides = array<i32>} : memref<256x128xf32, #tpu.memory_space<vmem>>, vector<16xf32>,
        %add3A_730 = arith.constant 2 : i32
        %add3A_731 = vector.broadcast %add3A_730 : i32 to vector<16xi32>
        %add3A_732 = arith.addi %select_n3A_45, %add3A_731 : vector<16xi32>
        tpu.vector_store_idx %arg11[%add3A_732, %broadcast_in_dim3A_259, %select_n3A_17, %broadcast_in_dim3A_712], %get3A_729 : memref<4x2x10x129xf32, #tpu.memory_space<vmem>>[vector<16xi32>, vector<16xi32>, vector<16xi32>, vector<16xi32>], vector<16xf32>,
        %scan3A_733 = arith.constant 0 : i32
        %scan3A_734 = arith.constant 1 : i32
        %scan3A_735 = arith.addi %scan3A_321, %scan3A_734 : i32
        %mul3A_736 = arith.constant 16 : i32
        %mul3A_737 = arith.muli %scan3A_735, %mul3A_736 : i32
        %add3A_738 = arith.constant 384 : i32
        %add3A_739 = arith.addi %add3A_738, %mul3A_737 : i32
        %get3A_740 = arith.index_cast %scan3A_164 : i32 to index
        %get3A_741 = arith.index_cast %add3A_739 : i32 to index
        %get3A_742 = tpu.vector_load %arg5[%get3A_740, %get3A_741] {strides = array<i32>} : memref<50x512xi32, #tpu.memory_space<vmem>>, vector<16xi32>,
        %and3A_743 = arith.constant 3 : i32
        %and3A_744 = vector.broadcast %and3A_743 : i32 to vector<16xi32>
        %and3A_745 = arith.andi %get3A_742, %and3A_744 : vector<16xi32>
        %mul3A_746 = arith.constant 32 : i32
        %mul3A_747 = vector.broadcast %mul3A_746 : i32 to vector<16xi32>
        %mul3A_748 = arith.muli %and3A_745, %mul3A_747 : vector<16xi32>
        %mul3A_749 = arith.constant 16 : i32
        %mul3A_750 = arith.muli %scan3A_735, %mul3A_749 : i32
        %add3A_751 = arith.constant 0 : i32
        %add3A_752 = arith.addi %mul3A_750, %add3A_751 : i32
        %broadcast_in_dim3A_753 = vector.broadcast %add3A_752 : i32 to vector<16xi32>
        %add3A_754 = arith.constant 128 : i32
        %add3A_755 = arith.addi %add3A_754, %add3A_752 : i32
        %slice3A_756 = vector.extract_strided_slice %mul3A_748 {offsets = [0], sizes = [1], strides = [1]} : vector<16xi32> to vector<1xi32>
        %squeeze3A_757 = vector.extract %slice3A_756[0] : i32 from vector<1xi32>
        %add3A_758 = arith.constant 0 : i32
        %add3A_759 = arith.addi %squeeze3A_757, %add3A_758 : i32
        %get3A_760 = arith.index_cast %add3A_755 : i32 to index
        %get3A_761 = arith.index_cast %add3A_759 : i32 to index
        %get3A_762 = tpu.vector_load %arg9[%get3A_760, %get3A_761] {strides = array<i32>} : memref<256x128xf32, #tpu.memory_space<vmem>>, vector<16xf32>,
        %add3A_763 = arith.constant 0 : i32
        %add3A_764 = vector.broadcast %add3A_763 : i32 to vector<16xi32>
        %add3A_765 = arith.addi %select_n3A_45, %add3A_764 : vector<16xi32>
        tpu.vector_store_idx %arg11[%add3A_765, %broadcast_in_dim3A_259, %select_n3A_17, %broadcast_in_dim3A_753], %get3A_762 : memref<4x2x10x129xf32, #tpu.memory_space<vmem>>[vector<16xi32>, vector<16xi32>, vector<16xi32>, vector<16xi32>], vector<16xf32>,
        %add3A_766 = arith.constant 16 : i32
        %add3A_767 = arith.addi %squeeze3A_757, %add3A_766 : i32
        %get3A_768 = arith.index_cast %add3A_755 : i32 to index
        %get3A_769 = arith.index_cast %add3A_767 : i32 to index
        %get3A_770 = tpu.vector_load %arg9[%get3A_768, %get3A_769] {strides = array<i32>} : memref<256x128xf32, #tpu.memory_space<vmem>>, vector<16xf32>,
        %add3A_771 = arith.constant 2 : i32
        %add3A_772 = vector.broadcast %add3A_771 : i32 to vector<16xi32>
        %add3A_773 = arith.addi %select_n3A_45, %add3A_772 : vector<16xi32>
        tpu.vector_store_idx %arg11[%add3A_773, %broadcast_in_dim3A_259, %select_n3A_17, %broadcast_in_dim3A_753], %get3A_770 : memref<4x2x10x129xf32, #tpu.memory_space<vmem>>[vector<16xi32>, vector<16xi32>, vector<16xi32>, vector<16xi32>], vector<16xf32>,
        %mul3A_774 = arith.constant 16 : i32
        %mul3A_775 = arith.muli %scan3A_735, %mul3A_774 : i32
        %add3A_776 = arith.constant 1 : i32
        %add3A_777 = arith.addi %mul3A_775, %add3A_776 : i32
        %broadcast_in_dim3A_778 = vector.broadcast %add3A_777 : i32 to vector<16xi32>
        %add3A_779 = arith.constant 128 : i32
        %add3A_780 = arith.addi %add3A_779, %add3A_777 : i32
        %slice3A_781 = vector.extract_strided_slice %mul3A_748 {offsets = [1], sizes = [1], strides = [1]} : vector<16xi32> to vector<1xi32>
        %squeeze3A_782 = vector.extract %slice3A_781[0] : i32 from vector<1xi32>
        %add3A_783 = arith.constant 0 : i32
        %add3A_784 = arith.addi %squeeze3A_782, %add3A_783 : i32
        %get3A_785 = arith.index_cast %add3A_780 : i32 to index
        %get3A_786 = arith.index_cast %add3A_784 : i32 to index
        %get3A_787 = tpu.vector_load %arg9[%get3A_785, %get3A_786] {strides = array<i32>} : memref<256x128xf32, #tpu.memory_space<vmem>>, vector<16xf32>,
        %add3A_788 = arith.constant 0 : i32
        %add3A_789 = vector.broadcast %add3A_788 : i32 to vector<16xi32>
        %add3A_790 = arith.addi %select_n3A_45, %add3A_789 : vector<16xi32>
        tpu.vector_store_idx %arg11[%add3A_790, %broadcast_in_dim3A_259, %select_n3A_17, %broadcast_in_dim3A_778], %get3A_787 : memref<4x2x10x129xf32, #tpu.memory_space<vmem>>[vector<16xi32>, vector<16xi32>, vector<16xi32>, vector<16xi32>], vector<16xf32>,
        %add3A_791 = arith.constant 16 : i32
        %add3A_792 = arith.addi %squeeze3A_782, %add3A_791 : i32
        %get3A_793 = arith.index_cast %add3A_780 : i32 to index
        %get3A_794 = arith.index_cast %add3A_792 : i32 to index
        %get3A_795 = tpu.vector_load %arg9[%get3A_793, %get3A_794] {strides = array<i32>} : memref<256x128xf32, #tpu.memory_space<vmem>>, vector<16xf32>,
        %add3A_796 = arith.constant 2 : i32
        %add3A_797 = vector.broadcast %add3A_796 : i32 to vector<16xi32>
        %add3A_798 = arith.addi %select_n3A_45, %add3A_797 : vector<16xi32>
        tpu.vector_store_idx %arg11[%add3A_798, %broadcast_in_dim3A_259, %select_n3A_17, %broadcast_in_dim3A_778], %get3A_795 : memref<4x2x10x129xf32, #tpu.memory_space<vmem>>[vector<16xi32>, vector<16xi32>, vector<16xi32>, vector<16xi32>], vector<16xf32>,
        %mul3A_799 = arith.constant 16 : i32
        %mul3A_800 = arith.muli %scan3A_735, %mul3A_799 : i32
        %add3A_801 = arith.constant 2 : i32
        %add3A_802 = arith.addi %mul3A_800, %add3A_801 : i32
        %broadcast_in_dim3A_803 = vector.broadcast %add3A_802 : i32 to vector<16xi32>
        %add3A_804 = arith.constant 128 : i32
        %add3A_805 = arith.addi %add3A_804, %add3A_802 : i32
        %slice3A_806 = vector.extract_strided_slice %mul3A_748 {offsets = [2], sizes = [1], strides = [1]} : vector<16xi32> to vector<1xi32>
        %squeeze3A_807 = vector.extract %slice3A_806[0] : i32 from vector<1xi32>
        %add3A_808 = arith.constant 0 : i32
        %add3A_809 = arith.addi %squeeze3A_807, %add3A_808 : i32
        %get3A_810 = arith.index_cast %add3A_805 : i32 to index
        %get3A_811 = arith.index_cast %add3A_809 : i32 to index
        %get3A_812 = tpu.vector_load %arg9[%get3A_810, %get3A_811] {strides = array<i32>} : memref<256x128xf32, #tpu.memory_space<vmem>>, vector<16xf32>,
        %add3A_813 = arith.constant 0 : i32
        %add3A_814 = vector.broadcast %add3A_813 : i32 to vector<16xi32>
        %add3A_815 = arith.addi %select_n3A_45, %add3A_814 : vector<16xi32>
        tpu.vector_store_idx %arg11[%add3A_815, %broadcast_in_dim3A_259, %select_n3A_17, %broadcast_in_dim3A_803], %get3A_812 : memref<4x2x10x129xf32, #tpu.memory_space<vmem>>[vector<16xi32>, vector<16xi32>, vector<16xi32>, vector<16xi32>], vector<16xf32>,
        %add3A_816 = arith.constant 16 : i32
        %add3A_817 = arith.addi %squeeze3A_807, %add3A_816 : i32
        %get3A_818 = arith.index_cast %add3A_805 : i32 to index
        %get3A_819 = arith.index_cast %add3A_817 : i32 to index
        %get3A_820 = tpu.vector_load %arg9[%get3A_818, %get3A_819] {strides = array<i32>} : memref<256x128xf32, #tpu.memory_space<vmem>>, vector<16xf32>,
        %add3A_821 = arith.constant 2 : i32
        %add3A_822 = vector.broadcast %add3A_821 : i32 to vector<16xi32>
        %add3A_823 = arith.addi %select_n3A_45, %add3A_822 : vector<16xi32>
        tpu.vector_store_idx %arg11[%add3A_823, %broadcast_in_dim3A_259, %select_n3A_17, %broadcast_in_dim3A_803], %get3A_820 : memref<4x2x10x129xf32, #tpu.memory_space<vmem>>[vector<16xi32>, vector<16xi32>, vector<16xi32>, vector<16xi32>], vector<16xf32>,
        %mul3A_824 = arith.constant 16 : i32
        %mul3A_825 = arith.muli %scan3A_735, %mul3A_824 : i32
        %add3A_826 = arith.constant 3 : i32
        %add3A_827 = arith.addi %mul3A_825, %add3A_826 : i32
        %broadcast_in_dim3A_828 = vector.broadcast %add3A_827 : i32 to vector<16xi32>
        %add3A_829 = arith.constant 128 : i32
        %add3A_830 = arith.addi %add3A_829, %add3A_827 : i32
        %slice3A_831 = vector.extract_strided_slice %mul3A_748 {offsets = [3], sizes = [1], strides = [1]} : vector<16xi32> to vector<1xi32>
        %squeeze3A_832 = vector.extract %slice3A_831[0] : i32 from vector<1xi32>
        %add3A_833 = arith.constant 0 : i32
        %add3A_834 = arith.addi %squeeze3A_832, %add3A_833 : i32
        %get3A_835 = arith.index_cast %add3A_830 : i32 to index
        %get3A_836 = arith.index_cast %add3A_834 : i32 to index
        %get3A_837 = tpu.vector_load %arg9[%get3A_835, %get3A_836] {strides = array<i32>} : memref<256x128xf32, #tpu.memory_space<vmem>>, vector<16xf32>,
        %add3A_838 = arith.constant 0 : i32
        %add3A_839 = vector.broadcast %add3A_838 : i32 to vector<16xi32>
        %add3A_840 = arith.addi %select_n3A_45, %add3A_839 : vector<16xi32>
        tpu.vector_store_idx %arg11[%add3A_840, %broadcast_in_dim3A_259, %select_n3A_17, %broadcast_in_dim3A_828], %get3A_837 : memref<4x2x10x129xf32, #tpu.memory_space<vmem>>[vector<16xi32>, vector<16xi32>, vector<16xi32>, vector<16xi32>], vector<16xf32>,
        %add3A_841 = arith.constant 16 : i32
        %add3A_842 = arith.addi %squeeze3A_832, %add3A_841 : i32
        %get3A_843 = arith.index_cast %add3A_830 : i32 to index
        %get3A_844 = arith.index_cast %add3A_842 : i32 to index
        %get3A_845 = tpu.vector_load %arg9[%get3A_843, %get3A_844] {strides = array<i32>} : memref<256x128xf32, #tpu.memory_space<vmem>>, vector<16xf32>,
        %add3A_846 = arith.constant 2 : i32
        %add3A_847 = vector.broadcast %add3A_846 : i32 to vector<16xi32>
        %add3A_848 = arith.addi %select_n3A_45, %add3A_847 : vector<16xi32>
        tpu.vector_store_idx %arg11[%add3A_848, %broadcast_in_dim3A_259, %select_n3A_17, %broadcast_in_dim3A_828], %get3A_845 : memref<4x2x10x129xf32, #tpu.memory_space<vmem>>[vector<16xi32>, vector<16xi32>, vector<16xi32>, vector<16xi32>], vector<16xf32>,
        %mul3A_849 = arith.constant 16 : i32
        %mul3A_850 = arith.muli %scan3A_735, %mul3A_849 : i32
        %add3A_851 = arith.constant 4 : i32
        %add3A_852 = arith.addi %mul3A_850, %add3A_851 : i32
        %broadcast_in_dim3A_853 = vector.broadcast %add3A_852 : i32 to vector<16xi32>
        %add3A_854 = arith.constant 128 : i32
        %add3A_855 = arith.addi %add3A_854, %add3A_852 : i32
        %slice3A_856 = vector.extract_strided_slice %mul3A_748 {offsets = [4], sizes = [1], strides = [1]} : vector<16xi32> to vector<1xi32>
        %squeeze3A_857 = vector.extract %slice3A_856[0] : i32 from vector<1xi32>
        %add3A_858 = arith.constant 0 : i32
        %add3A_859 = arith.addi %squeeze3A_857, %add3A_858 : i32
        %get3A_860 = arith.index_cast %add3A_855 : i32 to index
        %get3A_861 = arith.index_cast %add3A_859 : i32 to index
        %get3A_862 = tpu.vector_load %arg9[%get3A_860, %get3A_861] {strides = array<i32>} : memref<256x128xf32, #tpu.memory_space<vmem>>, vector<16xf32>,
        %add3A_863 = arith.constant 0 : i32
        %add3A_864 = vector.broadcast %add3A_863 : i32 to vector<16xi32>
        %add3A_865 = arith.addi %select_n3A_45, %add3A_864 : vector<16xi32>
        tpu.vector_store_idx %arg11[%add3A_865, %broadcast_in_dim3A_259, %select_n3A_17, %broadcast_in_dim3A_853], %get3A_862 : memref<4x2x10x129xf32, #tpu.memory_space<vmem>>[vector<16xi32>, vector<16xi32>, vector<16xi32>, vector<16xi32>], vector<16xf32>,
        %add3A_866 = arith.constant 16 : i32
        %add3A_867 = arith.addi %squeeze3A_857, %add3A_866 : i32
        %get3A_868 = arith.index_cast %add3A_855 : i32 to index
        %get3A_869 = arith.index_cast %add3A_867 : i32 to index
        %get3A_870 = tpu.vector_load %arg9[%get3A_868, %get3A_869] {strides = array<i32>} : memref<256x128xf32, #tpu.memory_space<vmem>>, vector<16xf32>,
        %add3A_871 = arith.constant 2 : i32
        %add3A_872 = vector.broadcast %add3A_871 : i32 to vector<16xi32>
        %add3A_873 = arith.addi %select_n3A_45, %add3A_872 : vector<16xi32>
        tpu.vector_store_idx %arg11[%add3A_873, %broadcast_in_dim3A_259, %select_n3A_17, %broadcast_in_dim3A_853], %get3A_870 : memref<4x2x10x129xf32, #tpu.memory_space<vmem>>[vector<16xi32>, vector<16xi32>, vector<16xi32>, vector<16xi32>], vector<16xf32>,
        %mul3A_874 = arith.constant 16 : i32
        %mul3A_875 = arith.muli %scan3A_735, %mul3A_874 : i32
        %add3A_876 = arith.constant 5 : i32
        %add3A_877 = arith.addi %mul3A_875, %add3A_876 : i32
        %broadcast_in_dim3A_878 = vector.broadcast %add3A_877 : i32 to vector<16xi32>
        %add3A_879 = arith.constant 128 : i32
        %add3A_880 = arith.addi %add3A_879, %add3A_877 : i32
        %slice3A_881 = vector.extract_strided_slice %mul3A_748 {offsets = [5], sizes = [1], strides = [1]} : vector<16xi32> to vector<1xi32>
        %squeeze3A_882 = vector.extract %slice3A_881[0] : i32 from vector<1xi32>
        %add3A_883 = arith.constant 0 : i32
        %add3A_884 = arith.addi %squeeze3A_882, %add3A_883 : i32
        %get3A_885 = arith.index_cast %add3A_880 : i32 to index
        %get3A_886 = arith.index_cast %add3A_884 : i32 to index
        %get3A_887 = tpu.vector_load %arg9[%get3A_885, %get3A_886] {strides = array<i32>} : memref<256x128xf32, #tpu.memory_space<vmem>>, vector<16xf32>,
        %add3A_888 = arith.constant 0 : i32
        %add3A_889 = vector.broadcast %add3A_888 : i32 to vector<16xi32>
        %add3A_890 = arith.addi %select_n3A_45, %add3A_889 : vector<16xi32>
        tpu.vector_store_idx %arg11[%add3A_890, %broadcast_in_dim3A_259, %select_n3A_17, %broadcast_in_dim3A_878], %get3A_887 : memref<4x2x10x129xf32, #tpu.memory_space<vmem>>[vector<16xi32>, vector<16xi32>, vector<16xi32>, vector<16xi32>], vector<16xf32>,
        %add3A_891 = arith.constant 16 : i32
        %add3A_892 = arith.addi %squeeze3A_882, %add3A_891 : i32
        %get3A_893 = arith.index_cast %add3A_880 : i32 to index
        %get3A_894 = arith.index_cast %add3A_892 : i32 to index
        %get3A_895 = tpu.vector_load %arg9[%get3A_893, %get3A_894] {strides = array<i32>} : memref<256x128xf32, #tpu.memory_space<vmem>>, vector<16xf32>,
        %add3A_896 = arith.constant 2 : i32
        %add3A_897 = vector.broadcast %add3A_896 : i32 to vector<16xi32>
        %add3A_898 = arith.addi %select_n3A_45, %add3A_897 : vector<16xi32>
        tpu.vector_store_idx %arg11[%add3A_898, %broadcast_in_dim3A_259, %select_n3A_17, %broadcast_in_dim3A_878], %get3A_895 : memref<4x2x10x129xf32, #tpu.memory_space<vmem>>[vector<16xi32>, vector<16xi32>, vector<16xi32>, vector<16xi32>], vector<16xf32>,
        %mul3A_899 = arith.constant 16 : i32
        %mul3A_900 = arith.muli %scan3A_735, %mul3A_899 : i32
        %add3A_901 = arith.constant 6 : i32
        %add3A_902 = arith.addi %mul3A_900, %add3A_901 : i32
        %broadcast_in_dim3A_903 = vector.broadcast %add3A_902 : i32 to vector<16xi32>
        %add3A_904 = arith.constant 128 : i32
        %add3A_905 = arith.addi %add3A_904, %add3A_902 : i32
        %slice3A_906 = vector.extract_strided_slice %mul3A_748 {offsets = [6], sizes = [1], strides = [1]} : vector<16xi32> to vector<1xi32>
        %squeeze3A_907 = vector.extract %slice3A_906[0] : i32 from vector<1xi32>
        %add3A_908 = arith.constant 0 : i32
        %add3A_909 = arith.addi %squeeze3A_907, %add3A_908 : i32
        %get3A_910 = arith.index_cast %add3A_905 : i32 to index
        %get3A_911 = arith.index_cast %add3A_909 : i32 to index
        %get3A_912 = tpu.vector_load %arg9[%get3A_910, %get3A_911] {strides = array<i32>} : memref<256x128xf32, #tpu.memory_space<vmem>>, vector<16xf32>,
        %add3A_913 = arith.constant 0 : i32
        %add3A_914 = vector.broadcast %add3A_913 : i32 to vector<16xi32>
        %add3A_915 = arith.addi %select_n3A_45, %add3A_914 : vector<16xi32>
        tpu.vector_store_idx %arg11[%add3A_915, %broadcast_in_dim3A_259, %select_n3A_17, %broadcast_in_dim3A_903], %get3A_912 : memref<4x2x10x129xf32, #tpu.memory_space<vmem>>[vector<16xi32>, vector<16xi32>, vector<16xi32>, vector<16xi32>], vector<16xf32>,
        %add3A_916 = arith.constant 16 : i32
        %add3A_917 = arith.addi %squeeze3A_907, %add3A_916 : i32
        %get3A_918 = arith.index_cast %add3A_905 : i32 to index
        %get3A_919 = arith.index_cast %add3A_917 : i32 to index
        %get3A_920 = tpu.vector_load %arg9[%get3A_918, %get3A_919] {strides = array<i32>} : memref<256x128xf32, #tpu.memory_space<vmem>>, vector<16xf32>,
        %add3A_921 = arith.constant 2 : i32
        %add3A_922 = vector.broadcast %add3A_921 : i32 to vector<16xi32>
        %add3A_923 = arith.addi %select_n3A_45, %add3A_922 : vector<16xi32>
        tpu.vector_store_idx %arg11[%add3A_923, %broadcast_in_dim3A_259, %select_n3A_17, %broadcast_in_dim3A_903], %get3A_920 : memref<4x2x10x129xf32, #tpu.memory_space<vmem>>[vector<16xi32>, vector<16xi32>, vector<16xi32>, vector<16xi32>], vector<16xf32>,
        %mul3A_924 = arith.constant 16 : i32
        %mul3A_925 = arith.muli %scan3A_735, %mul3A_924 : i32
        %add3A_926 = arith.constant 7 : i32
        %add3A_927 = arith.addi %mul3A_925, %add3A_926 : i32
        %broadcast_in_dim3A_928 = vector.broadcast %add3A_927 : i32 to vector<16xi32>
        %add3A_929 = arith.constant 128 : i32
        %add3A_930 = arith.addi %add3A_929, %add3A_927 : i32
        %slice3A_931 = vector.extract_strided_slice %mul3A_748 {offsets = [7], sizes = [1], strides = [1]} : vector<16xi32> to vector<1xi32>
        %squeeze3A_932 = vector.extract %slice3A_931[0] : i32 from vector<1xi32>
        %add3A_933 = arith.constant 0 : i32
        %add3A_934 = arith.addi %squeeze3A_932, %add3A_933 : i32
        %get3A_935 = arith.index_cast %add3A_930 : i32 to index
        %get3A_936 = arith.index_cast %add3A_934 : i32 to index
        %get3A_937 = tpu.vector_load %arg9[%get3A_935, %get3A_936] {strides = array<i32>} : memref<256x128xf32, #tpu.memory_space<vmem>>, vector<16xf32>,
        %add3A_938 = arith.constant 0 : i32
        %add3A_939 = vector.broadcast %add3A_938 : i32 to vector<16xi32>
        %add3A_940 = arith.addi %select_n3A_45, %add3A_939 : vector<16xi32>
        tpu.vector_store_idx %arg11[%add3A_940, %broadcast_in_dim3A_259, %select_n3A_17, %broadcast_in_dim3A_928], %get3A_937 : memref<4x2x10x129xf32, #tpu.memory_space<vmem>>[vector<16xi32>, vector<16xi32>, vector<16xi32>, vector<16xi32>], vector<16xf32>,
        %add3A_941 = arith.constant 16 : i32
        %add3A_942 = arith.addi %squeeze3A_932, %add3A_941 : i32
        %get3A_943 = arith.index_cast %add3A_930 : i32 to index
        %get3A_944 = arith.index_cast %add3A_942 : i32 to index
        %get3A_945 = tpu.vector_load %arg9[%get3A_943, %get3A_944] {strides = array<i32>} : memref<256x128xf32, #tpu.memory_space<vmem>>, vector<16xf32>,
        %add3A_946 = arith.constant 2 : i32
        %add3A_947 = vector.broadcast %add3A_946 : i32 to vector<16xi32>
        %add3A_948 = arith.addi %select_n3A_45, %add3A_947 : vector<16xi32>
        tpu.vector_store_idx %arg11[%add3A_948, %broadcast_in_dim3A_259, %select_n3A_17, %broadcast_in_dim3A_928], %get3A_945 : memref<4x2x10x129xf32, #tpu.memory_space<vmem>>[vector<16xi32>, vector<16xi32>, vector<16xi32>, vector<16xi32>], vector<16xf32>,
        %mul3A_949 = arith.constant 16 : i32
        %mul3A_950 = arith.muli %scan3A_735, %mul3A_949 : i32
        %add3A_951 = arith.constant 8 : i32
        %add3A_952 = arith.addi %mul3A_950, %add3A_951 : i32
        %broadcast_in_dim3A_953 = vector.broadcast %add3A_952 : i32 to vector<16xi32>
        %add3A_954 = arith.constant 128 : i32
        %add3A_955 = arith.addi %add3A_954, %add3A_952 : i32
        %slice3A_956 = vector.extract_strided_slice %mul3A_748 {offsets = [8], sizes = [1], strides = [1]} : vector<16xi32> to vector<1xi32>
        %squeeze3A_957 = vector.extract %slice3A_956[0] : i32 from vector<1xi32>
        %add3A_958 = arith.constant 0 : i32
        %add3A_959 = arith.addi %squeeze3A_957, %add3A_958 : i32
        %get3A_960 = arith.index_cast %add3A_955 : i32 to index
        %get3A_961 = arith.index_cast %add3A_959 : i32 to index
        %get3A_962 = tpu.vector_load %arg9[%get3A_960, %get3A_961] {strides = array<i32>} : memref<256x128xf32, #tpu.memory_space<vmem>>, vector<16xf32>,
        %add3A_963 = arith.constant 0 : i32
        %add3A_964 = vector.broadcast %add3A_963 : i32 to vector<16xi32>
        %add3A_965 = arith.addi %select_n3A_45, %add3A_964 : vector<16xi32>
        tpu.vector_store_idx %arg11[%add3A_965, %broadcast_in_dim3A_259, %select_n3A_17, %broadcast_in_dim3A_953], %get3A_962 : memref<4x2x10x129xf32, #tpu.memory_space<vmem>>[vector<16xi32>, vector<16xi32>, vector<16xi32>, vector<16xi32>], vector<16xf32>,
        %add3A_966 = arith.constant 16 : i32
        %add3A_967 = arith.addi %squeeze3A_957, %add3A_966 : i32
        %get3A_968 = arith.index_cast %add3A_955 : i32 to index
        %get3A_969 = arith.index_cast %add3A_967 : i32 to index
        %get3A_970 = tpu.vector_load %arg9[%get3A_968, %get3A_969] {strides = array<i32>} : memref<256x128xf32, #tpu.memory_space<vmem>>, vector<16xf32>,
        %add3A_971 = arith.constant 2 : i32
        %add3A_972 = vector.broadcast %add3A_971 : i32 to vector<16xi32>
        %add3A_973 = arith.addi %select_n3A_45, %add3A_972 : vector<16xi32>
        tpu.vector_store_idx %arg11[%add3A_973, %broadcast_in_dim3A_259, %select_n3A_17, %broadcast_in_dim3A_953], %get3A_970 : memref<4x2x10x129xf32, #tpu.memory_space<vmem>>[vector<16xi32>, vector<16xi32>, vector<16xi32>, vector<16xi32>], vector<16xf32>,
        %mul3A_974 = arith.constant 16 : i32
        %mul3A_975 = arith.muli %scan3A_735, %mul3A_974 : i32
        %add3A_976 = arith.constant 9 : i32
        %add3A_977 = arith.addi %mul3A_975, %add3A_976 : i32
        %broadcast_in_dim3A_978 = vector.broadcast %add3A_977 : i32 to vector<16xi32>
        %add3A_979 = arith.constant 128 : i32
        %add3A_980 = arith.addi %add3A_979, %add3A_977 : i32
        %slice3A_981 = vector.extract_strided_slice %mul3A_748 {offsets = [9], sizes = [1], strides = [1]} : vector<16xi32> to vector<1xi32>
        %squeeze3A_982 = vector.extract %slice3A_981[0] : i32 from vector<1xi32>
        %add3A_983 = arith.constant 0 : i32
        %add3A_984 = arith.addi %squeeze3A_982, %add3A_983 : i32
        %get3A_985 = arith.index_cast %add3A_980 : i32 to index
        %get3A_986 = arith.index_cast %add3A_984 : i32 to index
        %get3A_987 = tpu.vector_load %arg9[%get3A_985, %get3A_986] {strides = array<i32>} : memref<256x128xf32, #tpu.memory_space<vmem>>, vector<16xf32>,
        %add3A_988 = arith.constant 0 : i32
        %add3A_989 = vector.broadcast %add3A_988 : i32 to vector<16xi32>
        %add3A_990 = arith.addi %select_n3A_45, %add3A_989 : vector<16xi32>
        tpu.vector_store_idx %arg11[%add3A_990, %broadcast_in_dim3A_259, %select_n3A_17, %broadcast_in_dim3A_978], %get3A_987 : memref<4x2x10x129xf32, #tpu.memory_space<vmem>>[vector<16xi32>, vector<16xi32>, vector<16xi32>, vector<16xi32>], vector<16xf32>,
        %add3A_991 = arith.constant 16 : i32
        %add3A_992 = arith.addi %squeeze3A_982, %add3A_991 : i32
        %get3A_993 = arith.index_cast %add3A_980 : i32 to index
        %get3A_994 = arith.index_cast %add3A_992 : i32 to index
        %get3A_995 = tpu.vector_load %arg9[%get3A_993, %get3A_994] {strides = array<i32>} : memref<256x128xf32, #tpu.memory_space<vmem>>, vector<16xf32>,
        %add3A_996 = arith.constant 2 : i32
        %add3A_997 = vector.broadcast %add3A_996 : i32 to vector<16xi32>
        %add3A_998 = arith.addi %select_n3A_45, %add3A_997 : vector<16xi32>
        tpu.vector_store_idx %arg11[%add3A_998, %broadcast_in_dim3A_259, %select_n3A_17, %broadcast_in_dim3A_978], %get3A_995 : memref<4x2x10x129xf32, #tpu.memory_space<vmem>>[vector<16xi32>, vector<16xi32>, vector<16xi32>, vector<16xi32>], vector<16xf32>,
        %mul3A_999 = arith.constant 16 : i32
        %mul3A_1000 = arith.muli %scan3A_735, %mul3A_999 : i32
        %add3A_1001 = arith.constant 10 : i32
        %add3A_1002 = arith.addi %mul3A_1000, %add3A_1001 : i32
        %broadcast_in_dim3A_1003 = vector.broadcast %add3A_1002 : i32 to vector<16xi32>
        %add3A_1004 = arith.constant 128 : i32
        %add3A_1005 = arith.addi %add3A_1004, %add3A_1002 : i32
        %slice3A_1006 = vector.extract_strided_slice %mul3A_748 {offsets = [10], sizes = [1], strides = [1]} : vector<16xi32> to vector<1xi32>
        %squeeze3A_1007 = vector.extract %slice3A_1006[0] : i32 from vector<1xi32>
        %add3A_1008 = arith.constant 0 : i32
        %add3A_1009 = arith.addi %squeeze3A_1007, %add3A_1008 : i32
        %get3A_1010 = arith.index_cast %add3A_1005 : i32 to index
        %get3A_1011 = arith.index_cast %add3A_1009 : i32 to index
        %get3A_1012 = tpu.vector_load %arg9[%get3A_1010, %get3A_1011] {strides = array<i32>} : memref<256x128xf32, #tpu.memory_space<vmem>>, vector<16xf32>,
        %add3A_1013 = arith.constant 0 : i32
        %add3A_1014 = vector.broadcast %add3A_1013 : i32 to vector<16xi32>
        %add3A_1015 = arith.addi %select_n3A_45, %add3A_1014 : vector<16xi32>
        tpu.vector_store_idx %arg11[%add3A_1015, %broadcast_in_dim3A_259, %select_n3A_17, %broadcast_in_dim3A_1003], %get3A_1012 : memref<4x2x10x129xf32, #tpu.memory_space<vmem>>[vector<16xi32>, vector<16xi32>, vector<16xi32>, vector<16xi32>], vector<16xf32>,
        %add3A_1016 = arith.constant 16 : i32
        %add3A_1017 = arith.addi %squeeze3A_1007, %add3A_1016 : i32
        %get3A_1018 = arith.index_cast %add3A_1005 : i32 to index
        %get3A_1019 = arith.index_cast %add3A_1017 : i32 to index
        %get3A_1020 = tpu.vector_load %arg9[%get3A_1018, %get3A_1019] {strides = array<i32>} : memref<256x128xf32, #tpu.memory_space<vmem>>, vector<16xf32>,
        %add3A_1021 = arith.constant 2 : i32
        %add3A_1022 = vector.broadcast %add3A_1021 : i32 to vector<16xi32>
        %add3A_1023 = arith.addi %select_n3A_45, %add3A_1022 : vector<16xi32>
        tpu.vector_store_idx %arg11[%add3A_1023, %broadcast_in_dim3A_259, %select_n3A_17, %broadcast_in_dim3A_1003], %get3A_1020 : memref<4x2x10x129xf32, #tpu.memory_space<vmem>>[vector<16xi32>, vector<16xi32>, vector<16xi32>, vector<16xi32>], vector<16xf32>,
        %mul3A_1024 = arith.constant 16 : i32
        %mul3A_1025 = arith.muli %scan3A_735, %mul3A_1024 : i32
        %add3A_1026 = arith.constant 11 : i32
        %add3A_1027 = arith.addi %mul3A_1025, %add3A_1026 : i32
        %broadcast_in_dim3A_1028 = vector.broadcast %add3A_1027 : i32 to vector<16xi32>
        %add3A_1029 = arith.constant 128 : i32
        %add3A_1030 = arith.addi %add3A_1029, %add3A_1027 : i32
        %slice3A_1031 = vector.extract_strided_slice %mul3A_748 {offsets = [11], sizes = [1], strides = [1]} : vector<16xi32> to vector<1xi32>
        %squeeze3A_1032 = vector.extract %slice3A_1031[0] : i32 from vector<1xi32>
        %add3A_1033 = arith.constant 0 : i32
        %add3A_1034 = arith.addi %squeeze3A_1032, %add3A_1033 : i32
        %get3A_1035 = arith.index_cast %add3A_1030 : i32 to index
        %get3A_1036 = arith.index_cast %add3A_1034 : i32 to index
        %get3A_1037 = tpu.vector_load %arg9[%get3A_1035, %get3A_1036] {strides = array<i32>} : memref<256x128xf32, #tpu.memory_space<vmem>>, vector<16xf32>,
        %add3A_1038 = arith.constant 0 : i32
        %add3A_1039 = vector.broadcast %add3A_1038 : i32 to vector<16xi32>
        %add3A_1040 = arith.addi %select_n3A_45, %add3A_1039 : vector<16xi32>
        tpu.vector_store_idx %arg11[%add3A_1040, %broadcast_in_dim3A_259, %select_n3A_17, %broadcast_in_dim3A_1028], %get3A_1037 : memref<4x2x10x129xf32, #tpu.memory_space<vmem>>[vector<16xi32>, vector<16xi32>, vector<16xi32>, vector<16xi32>], vector<16xf32>,
        %add3A_1041 = arith.constant 16 : i32
        %add3A_1042 = arith.addi %squeeze3A_1032, %add3A_1041 : i32
        %get3A_1043 = arith.index_cast %add3A_1030 : i32 to index
        %get3A_1044 = arith.index_cast %add3A_1042 : i32 to index
        %get3A_1045 = tpu.vector_load %arg9[%get3A_1043, %get3A_1044] {strides = array<i32>} : memref<256x128xf32, #tpu.memory_space<vmem>>, vector<16xf32>,
        %add3A_1046 = arith.constant 2 : i32
        %add3A_1047 = vector.broadcast %add3A_1046 : i32 to vector<16xi32>
        %add3A_1048 = arith.addi %select_n3A_45, %add3A_1047 : vector<16xi32>
        tpu.vector_store_idx %arg11[%add3A_1048, %broadcast_in_dim3A_259, %select_n3A_17, %broadcast_in_dim3A_1028], %get3A_1045 : memref<4x2x10x129xf32, #tpu.memory_space<vmem>>[vector<16xi32>, vector<16xi32>, vector<16xi32>, vector<16xi32>], vector<16xf32>,
        %mul3A_1049 = arith.constant 16 : i32
        %mul3A_1050 = arith.muli %scan3A_735, %mul3A_1049 : i32
        %add3A_1051 = arith.constant 12 : i32
        %add3A_1052 = arith.addi %mul3A_1050, %add3A_1051 : i32
        %broadcast_in_dim3A_1053 = vector.broadcast %add3A_1052 : i32 to vector<16xi32>
        %add3A_1054 = arith.constant 128 : i32
        %add3A_1055 = arith.addi %add3A_1054, %add3A_1052 : i32
        %slice3A_1056 = vector.extract_strided_slice %mul3A_748 {offsets = [12], sizes = [1], strides = [1]} : vector<16xi32> to vector<1xi32>
        %squeeze3A_1057 = vector.extract %slice3A_1056[0] : i32 from vector<1xi32>
        %add3A_1058 = arith.constant 0 : i32
        %add3A_1059 = arith.addi %squeeze3A_1057, %add3A_1058 : i32
        %get3A_1060 = arith.index_cast %add3A_1055 : i32 to index
        %get3A_1061 = arith.index_cast %add3A_1059 : i32 to index
        %get3A_1062 = tpu.vector_load %arg9[%get3A_1060, %get3A_1061] {strides = array<i32>} : memref<256x128xf32, #tpu.memory_space<vmem>>, vector<16xf32>,
        %add3A_1063 = arith.constant 0 : i32
        %add3A_1064 = vector.broadcast %add3A_1063 : i32 to vector<16xi32>
        %add3A_1065 = arith.addi %select_n3A_45, %add3A_1064 : vector<16xi32>
        tpu.vector_store_idx %arg11[%add3A_1065, %broadcast_in_dim3A_259, %select_n3A_17, %broadcast_in_dim3A_1053], %get3A_1062 : memref<4x2x10x129xf32, #tpu.memory_space<vmem>>[vector<16xi32>, vector<16xi32>, vector<16xi32>, vector<16xi32>], vector<16xf32>,
        %add3A_1066 = arith.constant 16 : i32
        %add3A_1067 = arith.addi %squeeze3A_1057, %add3A_1066 : i32
        %get3A_1068 = arith.index_cast %add3A_1055 : i32 to index
        %get3A_1069 = arith.index_cast %add3A_1067 : i32 to index
        %get3A_1070 = tpu.vector_load %arg9[%get3A_1068, %get3A_1069] {strides = array<i32>} : memref<256x128xf32, #tpu.memory_space<vmem>>, vector<16xf32>,
        %add3A_1071 = arith.constant 2 : i32
        %add3A_1072 = vector.broadcast %add3A_1071 : i32 to vector<16xi32>
        %add3A_1073 = arith.addi %select_n3A_45, %add3A_1072 : vector<16xi32>
        tpu.vector_store_idx %arg11[%add3A_1073, %broadcast_in_dim3A_259, %select_n3A_17, %broadcast_in_dim3A_1053], %get3A_1070 : memref<4x2x10x129xf32, #tpu.memory_space<vmem>>[vector<16xi32>, vector<16xi32>, vector<16xi32>, vector<16xi32>], vector<16xf32>,
        %mul3A_1074 = arith.constant 16 : i32
        %mul3A_1075 = arith.muli %scan3A_735, %mul3A_1074 : i32
        %add3A_1076 = arith.constant 13 : i32
        %add3A_1077 = arith.addi %mul3A_1075, %add3A_1076 : i32
        %broadcast_in_dim3A_1078 = vector.broadcast %add3A_1077 : i32 to vector<16xi32>
        %add3A_1079 = arith.constant 128 : i32
        %add3A_1080 = arith.addi %add3A_1079, %add3A_1077 : i32
        %slice3A_1081 = vector.extract_strided_slice %mul3A_748 {offsets = [13], sizes = [1], strides = [1]} : vector<16xi32> to vector<1xi32>
        %squeeze3A_1082 = vector.extract %slice3A_1081[0] : i32 from vector<1xi32>
        %add3A_1083 = arith.constant 0 : i32
        %add3A_1084 = arith.addi %squeeze3A_1082, %add3A_1083 : i32
        %get3A_1085 = arith.index_cast %add3A_1080 : i32 to index
        %get3A_1086 = arith.index_cast %add3A_1084 : i32 to index
        %get3A_1087 = tpu.vector_load %arg9[%get3A_1085, %get3A_1086] {strides = array<i32>} : memref<256x128xf32, #tpu.memory_space<vmem>>, vector<16xf32>,
        %add3A_1088 = arith.constant 0 : i32
        %add3A_1089 = vector.broadcast %add3A_1088 : i32 to vector<16xi32>
        %add3A_1090 = arith.addi %select_n3A_45, %add3A_1089 : vector<16xi32>
        tpu.vector_store_idx %arg11[%add3A_1090, %broadcast_in_dim3A_259, %select_n3A_17, %broadcast_in_dim3A_1078], %get3A_1087 : memref<4x2x10x129xf32, #tpu.memory_space<vmem>>[vector<16xi32>, vector<16xi32>, vector<16xi32>, vector<16xi32>], vector<16xf32>,
        %add3A_1091 = arith.constant 16 : i32
        %add3A_1092 = arith.addi %squeeze3A_1082, %add3A_1091 : i32
        %get3A_1093 = arith.index_cast %add3A_1080 : i32 to index
        %get3A_1094 = arith.index_cast %add3A_1092 : i32 to index
        %get3A_1095 = tpu.vector_load %arg9[%get3A_1093, %get3A_1094] {strides = array<i32>} : memref<256x128xf32, #tpu.memory_space<vmem>>, vector<16xf32>,
        %add3A_1096 = arith.constant 2 : i32
        %add3A_1097 = vector.broadcast %add3A_1096 : i32 to vector<16xi32>
        %add3A_1098 = arith.addi %select_n3A_45, %add3A_1097 : vector<16xi32>
        tpu.vector_store_idx %arg11[%add3A_1098, %broadcast_in_dim3A_259, %select_n3A_17, %broadcast_in_dim3A_1078], %get3A_1095 : memref<4x2x10x129xf32, #tpu.memory_space<vmem>>[vector<16xi32>, vector<16xi32>, vector<16xi32>, vector<16xi32>], vector<16xf32>,
        %mul3A_1099 = arith.constant 16 : i32
        %mul3A_1100 = arith.muli %scan3A_735, %mul3A_1099 : i32
        %add3A_1101 = arith.constant 14 : i32
        %add3A_1102 = arith.addi %mul3A_1100, %add3A_1101 : i32
        %broadcast_in_dim3A_1103 = vector.broadcast %add3A_1102 : i32 to vector<16xi32>
        %add3A_1104 = arith.constant 128 : i32
        %add3A_1105 = arith.addi %add3A_1104, %add3A_1102 : i32
        %slice3A_1106 = vector.extract_strided_slice %mul3A_748 {offsets = [14], sizes = [1], strides = [1]} : vector<16xi32> to vector<1xi32>
        %squeeze3A_1107 = vector.extract %slice3A_1106[0] : i32 from vector<1xi32>
        %add3A_1108 = arith.constant 0 : i32
        %add3A_1109 = arith.addi %squeeze3A_1107, %add3A_1108 : i32
        %get3A_1110 = arith.index_cast %add3A_1105 : i32 to index
        %get3A_1111 = arith.index_cast %add3A_1109 : i32 to index
        %get3A_1112 = tpu.vector_load %arg9[%get3A_1110, %get3A_1111] {strides = array<i32>} : memref<256x128xf32, #tpu.memory_space<vmem>>, vector<16xf32>,
        %add3A_1113 = arith.constant 0 : i32
        %add3A_1114 = vector.broadcast %add3A_1113 : i32 to vector<16xi32>
        %add3A_1115 = arith.addi %select_n3A_45, %add3A_1114 : vector<16xi32>
        tpu.vector_store_idx %arg11[%add3A_1115, %broadcast_in_dim3A_259, %select_n3A_17, %broadcast_in_dim3A_1103], %get3A_1112 : memref<4x2x10x129xf32, #tpu.memory_space<vmem>>[vector<16xi32>, vector<16xi32>, vector<16xi32>, vector<16xi32>], vector<16xf32>,
        %add3A_1116 = arith.constant 16 : i32
        %add3A_1117 = arith.addi %squeeze3A_1107, %add3A_1116 : i32
        %get3A_1118 = arith.index_cast %add3A_1105 : i32 to index
        %get3A_1119 = arith.index_cast %add3A_1117 : i32 to index
        %get3A_1120 = tpu.vector_load %arg9[%get3A_1118, %get3A_1119] {strides = array<i32>} : memref<256x128xf32, #tpu.memory_space<vmem>>, vector<16xf32>,
        %add3A_1121 = arith.constant 2 : i32
        %add3A_1122 = vector.broadcast %add3A_1121 : i32 to vector<16xi32>
        %add3A_1123 = arith.addi %select_n3A_45, %add3A_1122 : vector<16xi32>
        tpu.vector_store_idx %arg11[%add3A_1123, %broadcast_in_dim3A_259, %select_n3A_17, %broadcast_in_dim3A_1103], %get3A_1120 : memref<4x2x10x129xf32, #tpu.memory_space<vmem>>[vector<16xi32>, vector<16xi32>, vector<16xi32>, vector<16xi32>], vector<16xf32>,
        %mul3A_1124 = arith.constant 16 : i32
        %mul3A_1125 = arith.muli %scan3A_735, %mul3A_1124 : i32
        %add3A_1126 = arith.constant 15 : i32
        %add3A_1127 = arith.addi %mul3A_1125, %add3A_1126 : i32
        %broadcast_in_dim3A_1128 = vector.broadcast %add3A_1127 : i32 to vector<16xi32>
        %add3A_1129 = arith.constant 128 : i32
        %add3A_1130 = arith.addi %add3A_1129, %add3A_1127 : i32
        %slice3A_1131 = vector.extract_strided_slice %mul3A_748 {offsets = [15], sizes = [1], strides = [1]} : vector<16xi32> to vector<1xi32>
        %squeeze3A_1132 = vector.extract %slice3A_1131[0] : i32 from vector<1xi32>
        %add3A_1133 = arith.constant 0 : i32
        %add3A_1134 = arith.addi %squeeze3A_1132, %add3A_1133 : i32
        %get3A_1135 = arith.index_cast %add3A_1130 : i32 to index
        %get3A_1136 = arith.index_cast %add3A_1134 : i32 to index
        %get3A_1137 = tpu.vector_load %arg9[%get3A_1135, %get3A_1136] {strides = array<i32>} : memref<256x128xf32, #tpu.memory_space<vmem>>, vector<16xf32>,
        %add3A_1138 = arith.constant 0 : i32
        %add3A_1139 = vector.broadcast %add3A_1138 : i32 to vector<16xi32>
        %add3A_1140 = arith.addi %select_n3A_45, %add3A_1139 : vector<16xi32>
        tpu.vector_store_idx %arg11[%add3A_1140, %broadcast_in_dim3A_259, %select_n3A_17, %broadcast_in_dim3A_1128], %get3A_1137 : memref<4x2x10x129xf32, #tpu.memory_space<vmem>>[vector<16xi32>, vector<16xi32>, vector<16xi32>, vector<16xi32>], vector<16xf32>,
        %add3A_1141 = arith.constant 16 : i32
        %add3A_1142 = arith.addi %squeeze3A_1132, %add3A_1141 : i32
        %get3A_1143 = arith.index_cast %add3A_1130 : i32 to index
        %get3A_1144 = arith.index_cast %add3A_1142 : i32 to index
        %get3A_1145 = tpu.vector_load %arg9[%get3A_1143, %get3A_1144] {strides = array<i32>} : memref<256x128xf32, #tpu.memory_space<vmem>>, vector<16xf32>,
        %add3A_1146 = arith.constant 2 : i32
        %add3A_1147 = vector.broadcast %add3A_1146 : i32 to vector<16xi32>
        %add3A_1148 = arith.addi %select_n3A_45, %add3A_1147 : vector<16xi32>
        tpu.vector_store_idx %arg11[%add3A_1148, %broadcast_in_dim3A_259, %select_n3A_17, %broadcast_in_dim3A_1128], %get3A_1145 : memref<4x2x10x129xf32, #tpu.memory_space<vmem>>[vector<16xi32>, vector<16xi32>, vector<16xi32>, vector<16xi32>], vector<16xf32>,
        %scan3A_1149 = arith.constant 0 : i32
        scf.yield %scan3A_1149 : i32
      }
      %scan3A_266 = arith.constant 8 : i32
      %jit3A_267 = arith.constant 128 : i32
      %div3A_268 = arith.divsi %mul3A_2, %jit3A_267 : i32
      %sign3A_269 = arith.constant 0 : i32
      %sign3A_270 = arith.cmpi sgt, %mul3A_2, %sign3A_269 : i32
      %sign3A_271 = arith.extui %sign3A_270 : i1 to i32
      %sign3A_272 = arith.constant 0 : i32
      %sign3A_273 = arith.cmpi slt, %mul3A_2, %sign3A_272 : i32
      %sign3A_274 = arith.extui %sign3A_273 : i1 to i32
      %sign3A_275 = arith.subi %sign3A_271, %sign3A_274 : i32
      %sign3A_276 = arith.constant 0 : i32
      %sign3A_277 = arith.cmpi sgt, %jit3A_267, %sign3A_276 : i32
      %sign3A_278 = arith.extui %sign3A_277 : i1 to i32
      %sign3A_279 = arith.constant 0 : i32
      %sign3A_280 = arith.cmpi slt, %jit3A_267, %sign3A_279 : i32
      %sign3A_281 = arith.extui %sign3A_280 : i1 to i32
      %sign3A_282 = arith.subi %sign3A_278, %sign3A_281 : i32
      %ne3A_283 = arith.cmpi ne, %sign3A_275, %sign3A_282 : i32
      %rem3A_284 = arith.remsi %mul3A_2, %jit3A_267 : i32
      %ne3A_285 = arith.constant 0 : i32
      %ne3A_286 = arith.cmpi ne, %rem3A_284, %ne3A_285 : i32
      %and3A_287 = arith.andi %ne3A_283, %ne3A_286 : i1
      %sub3A_288 = arith.constant 1 : i32
      %sub3A_289 = arith.subi %div3A_268, %sub3A_288 : i32
      %select_n3A_290 = arith.select %and3A_287, %sub3A_289, %div3A_268 : i32
      %add3A_291 = arith.constant 2 : i32
      %add3A_292 = arith.addi %select_n3A_290, %add3A_291 : i32
      %dma_start3A_293 = arith.constant 0 : i32
      %dma_start3A_294 = arith.constant 0 : i32
      %dma_start3A_295 = arith.constant 0 : i32
      %dma_start3A_296 = arith.constant 0 : i32
      %dma_start3A_297 = tpu.memref_slice %arg11[%dma_start3A_293, %dma_start3A_294, %dma_start3A_295, %dma_start3A_296] : memref<4x2x10x129xf32, #tpu.memory_space<vmem>> -> memref<4x2x8x128xf32, #tpu.memory_space<vmem>>
      %dma_start3A_298 = arith.constant 0 : i32
      %dma_start3A_299 = arith.constant 0 : i32
      %dma_start3A_300 = arith.constant 0 : i32
      %dma_start3A_301 = tpu.memref_slice %arg4[%scan3A_164, %dma_start3A_298, %add3A_292, %dma_start3A_299, %dma_start3A_300] : memref<50x4x128x8x128xf32, #tpu.memory_space<hbm>> -> memref<1x4x2x8x128xf32, #tpu.memory_space<hbm>>
      %dma_start3A_302 = tpu.memref_squeeze %dma_start3A_301 : memref<1x4x2x8x128xf32, #tpu.memory_space<hbm>> -> memref<4x2x8x128xf32, #tpu.memory_space<hbm>>
      %dma_start3A_303 = arith.constant 0 : i32
      %dma_start3A_304 = arith.constant 0 : i32
      %dma_start3A_305 = arith.constant 0 : i32
      %dma_start3A_306 = tpu.memref_slice %arg4[%scan3A_164, %dma_start3A_303, %add3A_292, %dma_start3A_304, %dma_start3A_305] : memref<50x4x128x8x128xf32, #tpu.memory_space<hbm>> -> memref<1x4x2x8x128xf32, #tpu.memory_space<hbm>>
      %dma_start3A_307 = tpu.memref_squeeze %dma_start3A_306 : memref<1x4x2x8x128xf32, #tpu.memory_space<hbm>> -> memref<4x2x8x128xf32, #tpu.memory_space<hbm>>
      %dma_start3A_308 = arith.constant 0 : i32
      %dma_start3A_309 = arith.constant 0 : i32
      %dma_start3A_310 = arith.constant 0 : i32
      %dma_start3A_311 = arith.constant 0 : i32
      %dma_start3A_312 = tpu.memref_slice %arg11[%dma_start3A_308, %dma_start3A_309, %dma_start3A_310, %dma_start3A_311] : memref<4x2x10x129xf32, #tpu.memory_space<vmem>> -> memref<4x2x8x128xf32, #tpu.memory_space<vmem>>
      tpu.enqueue_dma source(%dma_start3A_312 : memref<4x2x8x128xf32, #tpu.memory_space<vmem>>) target(%dma_start3A_307 : memref<4x2x8x128xf32, #tpu.memory_space<hbm>>) target_semaphore(%arg15 : memref<!tpu.dma_semaphore, #tpu.memory_space<semaphore_mem>>)
      %add3A_313 = arith.constant 1 : i32
      %add3A_314 = arith.addi %scan3A_164, %add3A_313 : i32
      %lt3A_315 = arith.constant 50 : i32
      %lt3A_316 = arith.cmpi slt, %add3A_314, %lt3A_315 : i32
      %convert_element_type3A_317 = arith.extui %lt3A_316 : i1 to i32
      %cond3A_318 = arith.constant 0 : i32
      %cond3A_319 = arith.cmpi ne, %convert_element_type3A_317, %cond3A_318 : i32
      scf.if %cond3A_319 {
        %add3A_321 = arith.constant 1 : i32
        %add3A_322 = arith.addi %scan3A_164, %add3A_321 : i32
        %scan3A_323 = arith.constant 0 : i32
        %scan3A_324 = arith.constant 0 : i32
        %scan3A_325 = arith.constant 16 : i32
        %scan3A_326 = arith.addi %scan3A_324, %scan3A_325 : i32
        %scan3A_327 = arith.constant 1 : i32
        %scan3A_328 = scf.for %scan3A_333 = %scan3A_324 to %scan3A_326 step %scan3A_327 iter_args(%scan3A_334 = %scan3A_323) -> (i32)  : i32 {
          %mul3A_335 = arith.constant 16 : i32
          %mul3A_336 = arith.muli %scan3A_333, %mul3A_335 : i32
          %add3A_337 = arith.constant 256 : i32
          %add3A_338 = arith.addi %add3A_337, %mul3A_336 : i32
          %get3A = arith.index_cast %add3A_322 : i32 to index
          %get3A_339 = arith.index_cast %add3A_338 : i32 to index
          %get3A_340 = tpu.vector_load %arg5[%get3A, %get3A_339] {strides = array<i32>} : memref<50x512xi32, #tpu.memory_space<vmem>>, vector<16xi32>,
          %shift_right_logical3A = arith.constant 2 : i32
          %shift_right_logical3A_341 = vector.broadcast %shift_right_logical3A : i32 to vector<16xi32>
          %shift_right_logical3A_342 = arith.shrui %get3A_340, %shift_right_logical3A_341 : vector<16xi32>
          %mul3A_343 = arith.constant 16 : i32
          %mul3A_344 = arith.muli %scan3A_333, %mul3A_343 : i32
          %swap3A = arith.index_cast %mul3A_344 : i32 to index
          %swap3A_345 = tpu.vector_load %arg7[%swap3A] {strides = array<i32>} : memref<256xi32, #tpu.memory_space<vmem>>, vector<16xi32>,
          tpu.vector_store %arg7[%swap3A], %shift_right_logical3A_342 {strides = array<i32>} : memref<256xi32, #tpu.memory_space<vmem>>, vector<16xi32>,
          %scan3A_346 = arith.constant 0 : i32
          scf.yield %scan3A_346 : i32
        }
        %scan3A_329 = arith.constant 16 : i32
        %dma_start3A_330 = arith.constant 0 : i32
        %dma_start3A_331 = arith.constant 0 : i32
        %dma_start3A_332 = tpu.memref_slice %arg3[%dma_start3A_330, %dma_start3A_331] : memref<250000x128xf32, #tpu.memory_space<hbm>> -> memref<250000x128xf32, #tpu.memory_space<hbm>>
        tpu.enqueue_indirect_dma source(%dma_start3A_332 : memref<250000x128xf32, #tpu.memory_space<hbm>>) target(%arg9 : memref<256x128xf32, #tpu.memory_space<vmem>>) offsets(%arg7 : memref<256xi32, #tpu.memory_space<vmem>>) semaphore(%arg13 : memref<!tpu.dma_semaphore, #tpu.memory_space<semaphore_mem>>)
      } else {
      }
      %scan3A_320 = arith.constant 0 : i32
      scf.yield %scan3A_320 : i32
    }
    %scan3A_70 = arith.constant 50 : i32
    %jit3A_71 = arith.constant 128 : i32
    %div3A_72 = arith.divsi %mul3A_2, %jit3A_71 : i32
    %sign3A_73 = arith.constant 0 : i32
    %sign3A_74 = arith.cmpi sgt, %mul3A_2, %sign3A_73 : i32
    %sign3A_75 = arith.extui %sign3A_74 : i1 to i32
    %sign3A_76 = arith.constant 0 : i32
    %sign3A_77 = arith.cmpi slt, %mul3A_2, %sign3A_76 : i32
    %sign3A_78 = arith.extui %sign3A_77 : i1 to i32
    %sign3A_79 = arith.subi %sign3A_75, %sign3A_78 : i32
    %sign3A_80 = arith.constant 0 : i32
    %sign3A_81 = arith.cmpi sgt, %jit3A_71, %sign3A_80 : i32
    %sign3A_82 = arith.extui %sign3A_81 : i1 to i32
    %sign3A_83 = arith.constant 0 : i32
    %sign3A_84 = arith.cmpi slt, %jit3A_71, %sign3A_83 : i32
    %sign3A_85 = arith.extui %sign3A_84 : i1 to i32
    %sign3A_86 = arith.subi %sign3A_82, %sign3A_85 : i32
    %ne3A_87 = arith.cmpi ne, %sign3A_79, %sign3A_86 : i32
    %rem3A_88 = arith.remsi %mul3A_2, %jit3A_71 : i32
    %ne3A_89 = arith.constant 0 : i32
    %ne3A_90 = arith.cmpi ne, %rem3A_88, %ne3A_89 : i32
    %and3A_91 = arith.andi %ne3A_87, %ne3A_90 : i1
    %sub3A_92 = arith.constant 1 : i32
    %sub3A_93 = arith.subi %div3A_72, %sub3A_92 : i32
    %select_n3A_94 = arith.select %and3A_91, %sub3A_93, %div3A_72 : i32
    %add3A_95 = arith.constant 0 : i32
    %add3A_96 = arith.addi %select_n3A_94, %add3A_95 : i32
    %dma_wait3A = arith.constant 49 : i32
    %dma_wait3A_97 = arith.constant 0 : i32
    %dma_wait3A_98 = arith.constant 0 : i32
    %dma_wait3A_99 = arith.constant 0 : i32
    %dma_wait3A_100 = arith.constant 0 : i32
    %dma_wait3A_101 = tpu.memref_slice %arg10[%dma_wait3A_97, %dma_wait3A_98, %dma_wait3A_99, %dma_wait3A_100] : memref<4x2x10x129xf32, #tpu.memory_space<vmem>> -> memref<4x2x8x128xf32, #tpu.memory_space<vmem>>
    %dma_wait3A_102 = arith.constant 0 : i32
    %dma_wait3A_103 = arith.constant 0 : i32
    %dma_wait3A_104 = arith.constant 0 : i32
    %dma_wait3A_105 = tpu.memref_slice %arg4[%dma_wait3A, %dma_wait3A_102, %add3A_96, %dma_wait3A_103, %dma_wait3A_104] : memref<50x4x128x8x128xf32, #tpu.memory_space<hbm>> -> memref<1x4x2x8x128xf32, #tpu.memory_space<hbm>>
    %dma_wait3A_106 = tpu.memref_squeeze %dma_wait3A_105 : memref<1x4x2x8x128xf32, #tpu.memory_space<hbm>> -> memref<4x2x8x128xf32, #tpu.memory_space<hbm>>
    %dma_wait3A_107 = arith.constant 0 : i32
    %dma_wait3A_108 = arith.constant 0 : i32
    %dma_wait3A_109 = arith.constant 0 : i32
    %dma_wait3A_110 = tpu.memref_slice %arg4[%dma_wait3A, %dma_wait3A_107, %add3A_96, %dma_wait3A_108, %dma_wait3A_109] : memref<50x4x128x8x128xf32, #tpu.memory_space<hbm>> -> memref<1x4x2x8x128xf32, #tpu.memory_space<hbm>>
    %dma_wait3A_111 = tpu.memref_squeeze %dma_wait3A_110 : memref<1x4x2x8x128xf32, #tpu.memory_space<hbm>> -> memref<4x2x8x128xf32, #tpu.memory_space<hbm>>
    %dma_wait3A_112 = arith.constant 0 : i32
    %dma_wait3A_113 = arith.constant 0 : i32
    %dma_wait3A_114 = arith.constant 0 : i32
    %dma_wait3A_115 = arith.constant 0 : i32
    %dma_wait3A_116 = tpu.memref_slice %arg10[%dma_wait3A_112, %dma_wait3A_113, %dma_wait3A_114, %dma_wait3A_115] : memref<4x2x10x129xf32, #tpu.memory_space<vmem>> -> memref<4x2x8x128xf32, #tpu.memory_space<vmem>>
    tpu.wait_dma2 semaphore(%arg14 : memref<!tpu.dma_semaphore, #tpu.memory_space<semaphore_mem>>) src(%dma_wait3A_116 : memref<4x2x8x128xf32, #tpu.memory_space<vmem>>) dst(%dma_wait3A_111 : memref<4x2x8x128xf32, #tpu.memory_space<hbm>>)
    %jit3A_117 = arith.constant 128 : i32
    %div3A_118 = arith.divsi %mul3A_2, %jit3A_117 : i32
    %sign3A_119 = arith.constant 0 : i32
    %sign3A_120 = arith.cmpi sgt, %mul3A_2, %sign3A_119 : i32
    %sign3A_121 = arith.extui %sign3A_120 : i1 to i32
    %sign3A_122 = arith.constant 0 : i32
    %sign3A_123 = arith.cmpi slt, %mul3A_2, %sign3A_122 : i32
    %sign3A_124 = arith.extui %sign3A_123 : i1 to i32
    %sign3A_125 = arith.subi %sign3A_121, %sign3A_124 : i32
    %sign3A_126 = arith.constant 0 : i32
    %sign3A_127 = arith.cmpi sgt, %jit3A_117, %sign3A_126 : i32
    %sign3A_128 = arith.extui %sign3A_127 : i1 to i32
    %sign3A_129 = arith.constant 0 : i32
    %sign3A_130 = arith.cmpi slt, %jit3A_117, %sign3A_129 : i32
    %sign3A_131 = arith.extui %sign3A_130 : i1 to i32
    %sign3A_132 = arith.subi %sign3A_128, %sign3A_131 : i32
    %ne3A_133 = arith.cmpi ne, %sign3A_125, %sign3A_132 : i32
    %rem3A_134 = arith.remsi %mul3A_2, %jit3A_117 : i32
    %ne3A_135 = arith.constant 0 : i32
    %ne3A_136 = arith.cmpi ne, %rem3A_134, %ne3A_135 : i32
    %and3A_137 = arith.andi %ne3A_133, %ne3A_136 : i1
    %sub3A_138 = arith.constant 1 : i32
    %sub3A_139 = arith.subi %div3A_118, %sub3A_138 : i32
    %select_n3A_140 = arith.select %and3A_137, %sub3A_139, %div3A_118 : i32
    %add3A_141 = arith.constant 2 : i32
    %add3A_142 = arith.addi %select_n3A_140, %add3A_141 : i32
    %dma_wait3A_143 = arith.constant 49 : i32
    %dma_wait3A_144 = arith.constant 0 : i32
    %dma_wait3A_145 = arith.constant 0 : i32
    %dma_wait3A_146 = arith.constant 0 : i32
    %dma_wait3A_147 = arith.constant 0 : i32
    %dma_wait3A_148 = tpu.memref_slice %arg11[%dma_wait3A_144, %dma_wait3A_145, %dma_wait3A_146, %dma_wait3A_147] : memref<4x2x10x129xf32, #tpu.memory_space<vmem>> -> memref<4x2x8x128xf32, #tpu.memory_space<vmem>>
    %dma_wait3A_149 = arith.constant 0 : i32
    %dma_wait3A_150 = arith.constant 0 : i32
    %dma_wait3A_151 = arith.constant 0 : i32
    %dma_wait3A_152 = tpu.memref_slice %arg4[%dma_wait3A_143, %dma_wait3A_149, %add3A_142, %dma_wait3A_150, %dma_wait3A_151] : memref<50x4x128x8x128xf32, #tpu.memory_space<hbm>> -> memref<1x4x2x8x128xf32, #tpu.memory_space<hbm>>
    %dma_wait3A_153 = tpu.memref_squeeze %dma_wait3A_152 : memref<1x4x2x8x128xf32, #tpu.memory_space<hbm>> -> memref<4x2x8x128xf32, #tpu.memory_space<hbm>>
    %dma_wait3A_154 = arith.constant 0 : i32
    %dma_wait3A_155 = arith.constant 0 : i32
    %dma_wait3A_156 = arith.constant 0 : i32
    %dma_wait3A_157 = tpu.memref_slice %arg4[%dma_wait3A_143, %dma_wait3A_154, %add3A_142, %dma_wait3A_155, %dma_wait3A_156] : memref<50x4x128x8x128xf32, #tpu.memory_space<hbm>> -> memref<1x4x2x8x128xf32, #tpu.memory_space<hbm>>
    %dma_wait3A_158 = tpu.memref_squeeze %dma_wait3A_157 : memref<1x4x2x8x128xf32, #tpu.memory_space<hbm>> -> memref<4x2x8x128xf32, #tpu.memory_space<hbm>>
    %dma_wait3A_159 = arith.constant 0 : i32
    %dma_wait3A_160 = arith.constant 0 : i32
    %dma_wait3A_161 = arith.constant 0 : i32
    %dma_wait3A_162 = arith.constant 0 : i32
    %dma_wait3A_163 = tpu.memref_slice %arg11[%dma_wait3A_159, %dma_wait3A_160, %dma_wait3A_161, %dma_wait3A_162] : memref<4x2x10x129xf32, #tpu.memory_space<vmem>> -> memref<4x2x8x128xf32, #tpu.memory_space<vmem>>
    tpu.wait_dma2 semaphore(%arg15 : memref<!tpu.dma_semaphore, #tpu.memory_space<semaphore_mem>>) src(%dma_wait3A_163 : memref<4x2x8x128xf32, #tpu.memory_space<vmem>>) dst(%dma_wait3A_158 : memref<4x2x8x128xf32, #tpu.memory_space<hbm>>)
    return
  }
}

</mosaic_0001>

<sc_bundles>
// kernel: kernel.3.cloned.1.call-start
scs
__scs_entry_jumppad:
0x0: {  	(pc) =	sbr.rel $0x88, $3  }
0x1: {  	(tag) =	ssettag $0x0;
	lr =	simm.s32 $0x1  }
0x2: {  	[smem:$0x3F9F] =	sst lr;
	_ =	strace $0xD0000000  }
0x3: {  	_ = 	snop  }
0x4: {  	_ = 	snop  }
0x5: {  	_ = 	snop  }
0x6: {  	_ = 	snop  }
0x7: {  	_ = 	snop  }
__scs_overlays_trampoline_lowered:
0x8: {  	[smem:$0x3FAE] =	sst s0  }
0x9: {  	[smem:$0x3FAF] =	sst s1  }
0xa: {  	[smem:$0x3FB0] =	sst s2  }
0xb: {  	[smem:$0x3FB1] =	sst s3  }
0xc: {  	[smem:$0x3FB2] =	sst s4  }
0xd: {  	[smem:$0x3FB3] =	sst s5  }
0xe: {  	[smem:$0x3FB4] =	sst s6  }
0xf: {  	[smem:$0x3FB5] =	sst s7  }
0x10: {  	[smem:$0x3FB6] =	sst s8  }
0x11: {  	[smem:$0x3FB7] =	sst s9;
	s0 =	simm.s32 @!p0 $0x0  }
0x12: {  	s1 =	sld [smem:$0x3F9D];
	s0 =	simm.s32 @p0 $0x1  }
0x13: {  	[smem:$0x3FB8] =	sst s0;
	s0 =	simm.s32 @!p1 $0x0  }
0x14: {  	s2 =	sld [smem:$0x3F9C];
	s0 =	simm.s32 @p1 $0x1  }
0x15: {  	[smem:$0x3FB9] =	sst s0;
	s0 =	simm.s32 @!p2 $0x0  }
0x16: {  	s3 =	sld [smem:$0x3FDB];
	s0 =	simm.s32 @p2 $0x1  }
0x17: {  	s4 =	simm.s32 $0x1BF5;
	[smem:$0x3FBB] =	sst s0  }
0x18: {  	s0 =	sld [smem:$0x3F9E];
	_ =	swait.ge [sflag:s4], $0x0  }
0x19: {  	s7 =	sld [smem:$0x3F9F]  }
0x1a: {  	s8 =	sadd.s32 $0xFFFFE003, lr  }
0x1b: {  	s9 =	sadd.s32 $0xFFFFFEF7, lr;
	s5 =	simm.s32 $0xFFFFFFFF;
	p2 =	slt.u32 s8, $0xFFFFF086  }
0x1c: {  	p1 =	slt.u32 s9, $0xF7A;
	s5 =	simm.s32 @!p2 $0x0  }
0x1d: {  	s5 =	simm.s32 @p1 $0x1;
	p0 =	seq.s32 s7, s2  }
0x1e: {  	s7 =	smul.u32 @!p0 $0xF7A, s2;
	p2 =	seq.s32 @!p0 s5, $0x0  }
0x1f: {  	s9 =	smul.u32 $0xF7A, s1;
	s8 =	simm.s32 @!p0 $0x1BF5;
	p2 =	por !p2, p0  }
0x20: {  	[sflag:s8] =	ssyncset.s32 @!p0 $0xFFFFF086;
	s6 =	sadd.s32 @!p0 s3, s7;
	s7 =	simm.s32 @!p0 $0x108  }
0x21: {  	s3 =	sadd.s32 s3, s9;
	s6 =	sadd.s32 @!p0 $0x88, s6;
	s7 =	simm.s32 @p2 $0x1082  }
0x22: {  	[simem:s7], [sflag:s8] =	dma.local @!p0 [hbm:s6], $0xF7A  }
0x23: {  	s9 =	sor.u32 $0xD0000000, s2;
	s6 =	simm.s32 $0x108;
	_ =	swait.ge @!p0 [sflag:s8], $0x0  }
0x24: {  	s3 =	sadd.s32 $0x88, s3;
	s6 =	simm.s32 @!p1 $0x1082;
	[sflag:s4] =	ssyncset.s32 $0xFFFFF086  }
0x25: {  	[simem:s6], [sflag:s4] =	dma.local [hbm:s3], $0xF7A  }
0x26: {  	[smem:$0x3F9F] =	sst s1;
	(tag) =	ssettag s2;
	_ =	strace s9  }
0x27: {  	s1 =	sld [smem:$0x3FAF]  }
0x28: {  	s2 =	sld [smem:$0x3FB0]  }
0x29: {  	s4 =	sld [smem:$0x3FB2]  }
0x2a: {  	p0 =	seq.s32 s5, $0x0;
	s5 =	sld [smem:$0x3FB3]  }
0x2b: {  	s6 =	sld [smem:$0x3FB4]  }
0x2c: {  	s7 =	sld [smem:$0x3FB5]  }
0x2d: {  	s3 =	simm.s32 $0x108;
	s8 =	sld [smem:$0x3FB6]  }
0x2e: {  	s3 =	simm.s32 @!p0 $0x1082;
	s9 =	sld [smem:$0x3FB7]  }
0x2f: {  	lr =	sadd.s32 s0, s3;
	s0 =	sld [smem:$0x3FAE]  }
0x30: {  	s3 =	sld [smem:$0x3FB1]  }
0x31: {  	[smem:$0x3FBA] =	sst s10  }
0x32: {  	s10 =	sld [smem:$0x3FB8];
	_ =	sdelay $0x3  }
0x33: {  	p0 =	seq.s32 s10, $0x1;
	s10 =	sld [smem:$0x3FBA];
	_ =	sdelay $0x3  }
0x34: {  	[smem:$0x3FBA] =	sst s10  }
0x35: {  	s10 =	sld [smem:$0x3FB9];
	_ =	sdelay $0x3  }
0x36: {  	p1 =	seq.s32 s10, $0x1;
	s10 =	sld [smem:$0x3FBA];
	_ =	sdelay $0x3  }
0x37: {  	[smem:$0x3FBA] =	sst s10  }
0x38: {  	s10 =	sld [smem:$0x3FBB]  }
0x39: {  	_ = 	snop;
	(pc) =	sbr.ind lr, $3  }
0x3a: {  	_ = 	snop  }
0x3b: {  	_ = 	snop  }
0x3c: {  	p2 =	seq.s32 s10, $0x1;
	s10 =	sld [smem:$0x3FBA]  }
0x3d: {  	_ =	shalt  }
0x3e: {  	_ =	shalt  }
0x3f: {  	_ =	shalt  }
0x40: {  	_ =	shalt  }
0x41: {  	_ =	shalt  }
0x42: {  	_ =	shalt  }
0x43: {  	_ =	shalt  }
0x44: {  	_ =	shalt  }
0x45: {  	_ =	shalt  }
0x46: {  	_ =	shalt  }
0x47: {  	_ =	shalt  }
0x48: {  	_ =	shalt  }
0x49: {  	_ =	shalt  }
0x4a: {  	_ =	shalt  }
0x4b: {  	_ =	shalt  }
0x4c: {  	_ =	shalt  }
0x4d: {  	_ =	shalt  }
0x4e: {  	_ =	shalt  }
0x4f: {  	_ =	shalt  }
0x50: {  	_ =	shalt  }
0x51: {  	_ =	shalt  }
0x52: {  	_ =	shalt  }
0x53: {  	_ =	shalt  }
0x54: {  	_ =	shalt  }
0x55: {  	_ =	shalt  }
0x56: {  	_ =	shalt  }
0x57: {  	_ =	shalt  }
0x58: {  	_ =	shalt  }
0x59: {  	_ =	shalt  }
0x5a: {  	_ =	shalt  }
0x5b: {  	_ =	shalt  }
0x5c: {  	_ =	shalt  }
0x5d: {  	_ =	shalt  }
0x5e: {  	_ =	shalt  }
0x5f: {  	_ =	shalt  }
0x60: {  	_ =	shalt  }
0x61: {  	_ =	shalt  }
0x62: {  	_ =	shalt  }
0x63: {  	_ =	shalt  }
0x64: {  	_ =	shalt  }
0x65: {  	_ =	shalt  }
0x66: {  	_ =	shalt  }
0x67: {  	_ =	shalt  }
0x68: {  	_ =	shalt  }
0x69: {  	_ =	shalt  }
0x6a: {  	_ =	shalt  }
0x6b: {  	_ =	shalt  }
0x6c: {  	_ =	shalt  }
0x6d: {  	_ =	shalt  }
0x6e: {  	_ =	shalt  }
0x6f: {  	_ =	shalt  }
0x70: {  	_ =	shalt  }
0x71: {  	_ =	shalt  }
0x72: {  	_ =	shalt  }
0x73: {  	_ =	shalt  }
0x74: {  	_ =	shalt  }
0x75: {  	_ =	shalt  }
0x76: {  	_ =	shalt  }
0x77: {  	_ =	shalt  }
0x78: {  	_ =	shalt  }
0x79: {  	_ =	shalt  }
0x7a: {  	_ =	shalt  }
0x7b: {  	_ =	shalt  }
0x7c: {  	_ =	shalt  }
0x7d: {  	_ =	shalt  }
0x7e: {  	_ =	shalt  }
0x7f: {  	_ =	shalt  }
0x80: {  	_ =	shalt  }
0x81: {  	_ =	shalt  }
0x82: {  	_ =	shalt  }
0x83: {  	_ =	shalt  }
0x84: {  	_ =	shalt  }
0x85: {  	_ =	shalt  }
0x86: {  	_ =	shalt  }
0x87: {  	_ =	shalt  }
.Lfunc_end0:
.L_simem_size_0:
called_computation_lowered:
.L_overlay_start_0:
0x88: {  	s2 =	sld [smem:$0x3FD9]  }
0x89: {  	s3 =	sld [smem:$0x3FFE];
	_ =	sdelay $0x1  }
0x8a: {  	s1 =	srdreg.scid  }
0x8b: {  	s0 =	sand.u32 $0x1, s1  }
0x8c: {  	s17 =	sshll.u32 s0, $0xA;
	s2 =	sadd.s32 s3, s2  }
0x8d: {  	s2 =	sadd.s32 s2, s17  }
0x8e: {  	[smem:$0x3FC6] =	sst s2  }
0x8f: {  	_ = 	snop  }
0x90: {  	s2 =	sld [smem:$0x3FD0];
	(tm) =	ssettm $0x1  }
0x91: {  	s18 =	sld [smem:$0x3FFB];
	_ =	sdelay $0x3  }
0x92: {  	_ =	strace s18  }
0x93: {  	s3 =	sld [smem:$0x3FFC];
	_ =	sdelay $0x3  }
0x94: {  	_ =	strace s3  }
0x95: {  	s3 =	sld [smem:$0x3FFD];
	_ =	sdelay $0x3  }
0x96: {  	_ =	strace s3  }
0x97: {  	_ =	strace $0x8FFFFFFF  }
0x98: {  	s19 =	sld [smem:$0x3FDB];
	_ =	sdelay $0x1  }
0x99: {  	s4 =	simm.s32 $_scs_section_size  }
0x9a: {  	s5 =	simm.s32 $_size__tile_overlayer_lowered;
	s6 =	simm.s32 $_tile_overlayer_lowered  }
0x9b: {  	s22 =	simm.s32 $0x1BFF;
	s21 =	sshll.u32 s6, $0x1;
	s3 =	sadd.s32 s4, s19  }
0x9c: {  	s7 =	simm.s32 $0x0;
	s20 =	sshll.u32 s5, $0x1;
	s5 =	sadd.s32 s21, s3  }
0x9d: {  	[timem:s7], [sflag:s22] =	dma.local [hbm:s5], s20  }
0x9e: {  	_ =	swait.ge [sflag:s22], s20  }
0x9f: {  	s4 =	ssub.s32 $0x0, s20;
	[sflag:s22] =	ssyncset.done $0x0  }
0xa0: {  	[sflag:s22] =	ssyncadd.s32 s4;
	_ =	sdelay $0x1  }
0xa1: {  	s23 =	simm.s32 $0x1B8B  }
0xa2: {  	_ =	swait.ge [sflag:s23], $0x1  }
0xa3: {  	[sflag:s23] =	ssyncset.done $0x0  }
0xa4: {  	s25 =	simm.s32 $0x1B8E;
	s24 =	sld [smem:$0x3FFE];
	[sflag:s23] =	ssyncadd.s32 $0xFFFFFFFF  }
0xa5: {  	s26 =	simm.s32 $execute0_lowered;
	[smem:$0x3FD2] =	sst s25  }
0xa6: {  	s5 =	sshll.u32 s26, $0x1;
	_ =	strace $0x80000046;
	[dreg:$0x1] =	wrdreg $0xFFFFFFFF  }
0xa7: {  	s28 =	simm.s32 $_size_execute0_lowered;
	s3 =	sadd.s32 s3, s5;
	[dreg:$0x0] =	wrdreg $0x0  }
0xa8: {  	s5 =	sshll.u32 s28, $0x1;
	[dreg:$0x2] =	wrdreg s3  }
0xa9: {  	[dreg:$0x3] =	wrdreg s5  }
0xaa: {  	[dreg:$0x4] =	wrdreg $0xC0  }
0xab: {  	_ =	task [dreg:s7], $0x5FFFF  }
0xac: {  	[dreg:$0x1] =	wrdreg $0xFFFFFFFF  }
0xad: {  	[dreg:$0x0] =	wrdreg $0x60  }
0xae: {  	[dreg:$0x2] =	wrdreg s24  }
0xaf: {  	[dreg:$0x3] =	wrdreg s2  }
0xb0: {  	[dreg:$0x4] =	wrdreg $0x9  }
0xb1: {  	_ =	task.clear_ibuf [dreg:s7], $0x5FFFF;
	_ =	strace $0x90000046  }
0xb2: {  	s29 =	simm.s32 $0x9;
	_ =	strace $0x80000048  }
0xb3: {  	_ =	swait.ge [sflag:s29], $0x1  }
0xb4: {  	[sflag:s29] =	ssyncadd.s32 $0xFFFFFFFF  }
0xb5: {  	_ =	strace $0x90000048  }
0xb6: {  	_ =	sfence  }
0xb7: {  	s30 =	sld [smem:$0x0];
	_ =	sdelay $0x2  }
0xb8: {  	s31 =	sshll.u32 s1, $0xD;
	s1 =	sshrl.u32 s1, $0x2  }
0xb9: {  	s3 =	sand.u32 $0x4000, s31;
	s1 =	sadd.s32 s1, s30  }
0xba: {  	s0 =	sor.u32 s3, s0;
	s1 =	sshll.u32 s1, $0x11  }
0xbb: {  	s0 =	sor.u32 s1, s0  }
0xbc: {  	s0 =	sadd.s32 $0x8F2B, s0  }
0xbd: {  	[sflag:s0] =	ssyncadd.remote.s32 $0x1  }
0xbe: {  	_ =	sfence.sel $0xFFFF  }
0xbf: {  	[dreg:$0x0] =	wrdreg $0xFFFFFFFF;
	(pc) =	sbr.abs _section_cstart, $3  }
0xc0: {  	[dreg:$0x1] =	wrdreg $0xFFFFFFFF  }
0xc1: {  	_ =	task.clear_ibuf [dreg:s7], $0x2FFFF;
	_ =	strace $0x9FFFFFFF  }
0xc2: {  	(tm) =	ssettm $0x7FFFFFFF  }
0xc3: {  	_ =	shalt  }
tec
execute0_lowered:
.L_overlay_start_1:
0x0: {  	(tag) =	ssettag $0x1  }
0x1: {  	vm12 =	vcmask $0x300  }
0x2: {  	v0 =	vimm.s32 $0x0;
	v1 =	vimm.s32 $0xE58;
	v2 =	vimm.s32 $0x2398  }
0x3: {  	vm14 =	vcmask $0x704;
	vm13 =	vcmask $0xB08;
	vm11 =	vcmask $0xF0C  }
0x4: {  	vm10 =	vcmask $0x1310;
	vm9 =	vcmask $0x1714;
	vm8 =	vcmask $0x1B18  }
0x5: {  	vm7 =	vcmask $0x1F1C;
	vm6 =	vcmask $0x2320;
	vm5 =	vcmask $0x2724  }
0x6: {  	vm4 =	vcmask $0x2B28;
	vm3 =	vcmask $0x2F2C;
	vm2 =	vcmask $0x3330  }
0x7: {  	vm1 =	vcmask $0x3734;
	vm0 =	vcmask $0x3B38;
	v3 =	vimm.s32 $0xE59  }
0x8: {  	v4 =	vimm.s32 $0x2399;
	v5 =	vimm.s32 $0xE5A;
	v6 =	vimm.s32 $0x239A  }
0x9: {  	v7 =	vimm.s32 $0xE5B;
	v8 =	vimm.s32 $0x239B;
	v9 =	vimm.s32 $0xE5C  }
0xa: {  	v10 =	vimm.s32 $0x239C;
	v11 =	vimm.s32 $0xE5D;
	v12 =	vimm.s32 $0x239D  }
0xb: {  	v13 =	vimm.s32 $0xE5E;
	v14 =	vimm.s32 $0x239E;
	v15 =	vimm.s32 $0xE5F  }
0xc: {  	v16 =	vimm.s32 $0x239F;
	v17 =	vimm.s32 $0x13A8;
	v18 =	vimm.s32 $0x28E8  }
0xd: {  	v19 =	vimm.s32 $0x13A9;
	v20 =	vimm.s32 $0x28E9;
	v21 =	vimm.s32 $0x13AA  }
0xe: {  	v22 =	vimm.s32 $0x28EA;
	v23 =	vimm.s32 $0x13AB;
	v24 =	vimm.s32 $0x28EB  }
0xf: {  	v25 =	vimm.s32 $0x13AC;
	v26 =	vimm.s32 $0x28EC;
	v27 =	vimm.s32 $0x13AD  }
0x10: {  	v28 =	vimm.s32 $0x28ED;
	v29 =	vimm.s32 $0x13AE;
	v30 =	vimm.s32 $0x28EE  }
0x11: {  	v31 =	vimm.s32 $0x13AF;
	v32 =	vimm.s32 $0x28EF;
	v1 =	vsel vm12, $0x0, v1  }
0x12: {  	v2 =	vsel vm12, $0x1540, v2;
	v0 =	vsel vm12, $0x3, v0;
	v3 =	vsel vm12, $0x1, v3  }
0x13: {  	v4 =	vsel vm12, $0x1541, v4;
	v5 =	vsel vm12, $0x2, v5;
	v6 =	vsel vm12, $0x1542, v6  }
0x14: {  	v7 =	vsel vm12, $0x3, v7;
	v8 =	vsel vm12, $0x1543, v8;
	v9 =	vsel vm12, $0x4, v9  }
0x15: {  	v10 =	vsel vm12, $0x1544, v10;
	v11 =	vsel vm12, $0x5, v11;
	v12 =	vsel vm12, $0x1545, v12  }
0x16: {  	v13 =	vsel vm12, $0x6, v13;
	v14 =	vsel vm12, $0x1546, v14;
	v15 =	vsel vm12, $0x7, v15  }
0x17: {  	v16 =	vsel vm12, $0x1547, v16;
	v17 =	vsel vm12, $0x550, v17;
	v18 =	vsel vm12, $0x1A90, v18  }
0x18: {  	v19 =	vsel vm12, $0x551, v19;
	v20 =	vsel vm12, $0x1A91, v20;
	v21 =	vsel vm12, $0x552, v21  }
0x19: {  	v22 =	vsel vm12, $0x1A92, v22;
	v23 =	vsel vm12, $0x553, v23;
	v24 =	vsel vm12, $0x1A93, v24  }
0x1a: {  	v25 =	vsel vm12, $0x554, v25;
	v26 =	vsel vm12, $0x1A94, v26;
	v27 =	vsel vm12, $0x555, v27  }
0x1b: {  	v28 =	vsel vm12, $0x1A95, v28;
	v29 =	vsel vm12, $0x556, v29;
	v30 =	vsel vm12, $0x1A96, v30  }
0x1c: {  	v31 =	vsel vm12, $0x557, v31;
	v32 =	vsel vm12, $0x1A97, v32;
	v1 =	vsel vm14, $0x88, v1  }
0x1d: {  	v2 =	vsel vm14, $0x15C8, v2;
	v3 =	vsel vm14, $0x89, v3;
	v4 =	vsel vm14, $0x15C9, v4  }
0x1e: {  	v5 =	vsel vm14, $0x8A, v5;
	v6 =	vsel vm14, $0x15CA, v6;
	v7 =	vsel vm14, $0x8B, v7  }
0x1f: {  	v8 =	vsel vm14, $0x15CB, v8;
	v9 =	vsel vm14, $0x8C, v9;
	v10 =	vsel vm14, $0x15CC, v10  }
0x20: {  	v11 =	vsel vm14, $0x8D, v11;
	v12 =	vsel vm14, $0x15CD, v12;
	v13 =	vsel vm14, $0x8E, v13  }
0x21: {  	v14 =	vsel vm14, $0x15CE, v14;
	v15 =	vsel vm14, $0x8F, v15;
	v16 =	vsel vm14, $0x15CF, v16  }
0x22: {  	v17 =	vsel vm14, $0x5D8, v17;
	v18 =	vsel vm14, $0x1B18, v18;
	v19 =	vsel vm14, $0x5D9, v19  }
0x23: {  	v20 =	vsel vm14, $0x1B19, v20;
	v21 =	vsel vm14, $0x5DA, v21;
	v22 =	vsel vm14, $0x1B1A, v22  }
0x24: {  	v23 =	vsel vm14, $0x5DB, v23;
	v24 =	vsel vm14, $0x1B1B, v24;
	v25 =	vsel vm14, $0x5DC, v25  }
0x25: {  	v26 =	vsel vm14, $0x1B1C, v26;
	v27 =	vsel vm14, $0x5DD, v27;
	v28 =	vsel vm14, $0x1B1D, v28  }
0x26: {  	v29 =	vsel vm14, $0x5DE, v29;
	v30 =	vsel vm14, $0x1B1E, v30;
	v31 =	vsel vm14, $0x5DF, v31  }
0x27: {  	v32 =	vsel vm14, $0x1B1F, v32;
	v1 =	vsel vm13, $0x110, v1;
	v2 =	vsel vm13, $0x1650, v2  }
0x28: {  	v3 =	vsel vm13, $0x111, v3;
	v4 =	vsel vm13, $0x1651, v4;
	v5 =	vsel vm13, $0x112, v5  }
0x29: {  	v6 =	vsel vm13, $0x1652, v6;
	v7 =	vsel vm13, $0x113, v7;
	v8 =	vsel vm13, $0x1653, v8  }
0x2a: {  	v9 =	vsel vm13, $0x114, v9;
	v10 =	vsel vm13, $0x1654, v10;
	v11 =	vsel vm13, $0x115, v11  }
0x2b: {  	v12 =	vsel vm13, $0x1655, v12;
	v13 =	vsel vm13, $0x116, v13;
	v14 =	vsel vm13, $0x1656, v14  }
0x2c: {  	v15 =	vsel vm13, $0x117, v15;
	v16 =	vsel vm13, $0x1657, v16;
	v17 =	vsel vm13, $0x660, v17  }
0x2d: {  	v18 =	vsel vm13, $0x1BA0, v18;
	v19 =	vsel vm13, $0x661, v19;
	v20 =	vsel vm13, $0x1BA1, v20  }
0x2e: {  	v21 =	vsel vm13, $0x662, v21;
	v22 =	vsel vm13, $0x1BA2, v22;
	v23 =	vsel vm13, $0x663, v23  }
0x2f: {  	v24 =	vsel vm13, $0x1BA3, v24;
	v25 =	vsel vm13, $0x664, v25;
	v26 =	vsel vm13, $0x1BA4, v26  }
0x30: {  	v27 =	vsel vm13, $0x665, v27;
	v28 =	vsel vm13, $0x1BA5, v28;
	v29 =	vsel vm13, $0x666, v29  }
0x31: {  	v30 =	vsel vm13, $0x1BA6, v30;
	v31 =	vsel vm13, $0x667, v31;
	v32 =	vsel vm13, $0x1BA7, v32  }
0x32: {  	v1 =	vsel vm11, $0x198, v1;
	v2 =	vsel vm11, $0x16D8, v2;
	v3 =	vsel vm11, $0x199, v3  }
0x33: {  	v4 =	vsel vm11, $0x16D9, v4;
	v5 =	vsel vm11, $0x19A, v5;
	v6 =	vsel vm11, $0x16DA, v6  }
0x34: {  	v7 =	vsel vm11, $0x19B, v7;
	v8 =	vsel vm11, $0x16DB, v8;
	v9 =	vsel vm11, $0x19C, v9  }
0x35: {  	v10 =	vsel vm11, $0x16DC, v10;
	v11 =	vsel vm11, $0x19D, v11;
	v12 =	vsel vm11, $0x16DD, v12  }
0x36: {  	v13 =	vsel vm11, $0x19E, v13;
	v14 =	vsel vm11, $0x16DE, v14;
	v15 =	vsel vm11, $0x19F, v15  }
0x37: {  	v16 =	vsel vm11, $0x16DF, v16;
	v17 =	vsel vm11, $0x6E8, v17;
	v18 =	vsel vm11, $0x1C28, v18  }
0x38: {  	v19 =	vsel vm11, $0x6E9, v19;
	v20 =	vsel vm11, $0x1C29, v20;
	v21 =	vsel vm11, $0x6EA, v21  }
0x39: {  	v22 =	vsel vm11, $0x1C2A, v22;
	v23 =	vsel vm11, $0x6EB, v23;
	v24 =	vsel vm11, $0x1C2B, v24  }
0x3a: {  	v25 =	vsel vm11, $0x6EC, v25;
	v26 =	vsel vm11, $0x1C2C, v26;
	v27 =	vsel vm11, $0x6ED, v27  }
0x3b: {  	v28 =	vsel vm11, $0x1C2D, v28;
	v29 =	vsel vm11, $0x6EE, v29;
	v30 =	vsel vm11, $0x1C2E, v30  }
0x3c: {  	v31 =	vsel vm11, $0x6EF, v31;
	v32 =	vsel vm11, $0x1C2F, v32;
	v1 =	vsel vm10, $0x220, v1  }
0x3d: {  	v2 =	vsel vm10, $0x1760, v2;
	v3 =	vsel vm10, $0x221, v3;
	v4 =	vsel vm10, $0x1761, v4  }
0x3e: {  	v5 =	vsel vm10, $0x222, v5;
	v6 =	vsel vm10, $0x1762, v6;
	v7 =	vsel vm10, $0x223, v7  }
0x3f: {  	v8 =	vsel vm10, $0x1763, v8;
	v9 =	vsel vm10, $0x224, v9;
	v10 =	vsel vm10, $0x1764, v10  }
0x40: {  	v11 =	vsel vm10, $0x225, v11;
	v12 =	vsel vm10, $0x1765, v12;
	v13 =	vsel vm10, $0x226, v13  }
0x41: {  	v14 =	vsel vm10, $0x1766, v14;
	v15 =	vsel vm10, $0x227, v15;
	v16 =	vsel vm10, $0x1767, v16  }
0x42: {  	v17 =	vsel vm10, $0x770, v17;
	v18 =	vsel vm10, $0x1CB0, v18;
	v19 =	vsel vm10, $0x771, v19  }
0x43: {  	v20 =	vsel vm10, $0x1CB1, v20;
	v21 =	vsel vm10, $0x772, v21;
	v22 =	vsel vm10, $0x1CB2, v22  }
0x44: {  	v23 =	vsel vm10, $0x773, v23;
	v24 =	vsel vm10, $0x1CB3, v24;
	v25 =	vsel vm10, $0x774, v25  }
0x45: {  	v26 =	vsel vm10, $0x1CB4, v26;
	v27 =	vsel vm10, $0x775, v27;
	v28 =	vsel vm10, $0x1CB5, v28  }
0x46: {  	v29 =	vsel vm10, $0x776, v29;
	v30 =	vsel vm10, $0x1CB6, v30;
	v31 =	vsel vm10, $0x777, v31  }
0x47: {  	v32 =	vsel vm10, $0x1CB7, v32;
	v1 =	vsel vm9, $0x2A8, v1;
	v2 =	vsel vm9, $0x17E8, v2  }
0x48: {  	v3 =	vsel vm9, $0x2A9, v3;
	v4 =	vsel vm9, $0x17E9, v4;
	v5 =	vsel vm9, $0x2AA, v5  }
0x49: {  	v6 =	vsel vm9, $0x17EA, v6;
	v7 =	vsel vm9, $0x2AB, v7;
	v8 =	vsel vm9, $0x17EB, v8  }
0x4a: {  	v9 =	vsel vm9, $0x2AC, v9;
	v10 =	vsel vm9, $0x17EC, v10;
	v11 =	vsel vm9, $0x2AD, v11  }
0x4b: {  	v12 =	vsel vm9, $0x17ED, v12;
	v13 =	vsel vm9, $0x2AE, v13;
	v14 =	vsel vm9, $0x17EE, v14  }
0x4c: {  	v15 =	vsel vm9, $0x2AF, v15;
	v16 =	vsel vm9, $0x17EF, v16;
	v17 =	vsel vm9, $0x7F8, v17  }
0x4d: {  	v18 =	vsel vm9, $0x1D38, v18;
	v19 =	vsel vm9, $0x7F9, v19;
	v20 =	vsel vm9, $0x1D39, v20  }
0x4e: {  	v21 =	vsel vm9, $0x7FA, v21;
	v22 =	vsel vm9, $0x1D3A, v22;
	v23 =	vsel vm9, $0x7FB, v23  }
0x4f: {  	v24 =	vsel vm9, $0x1D3B, v24;
	v25 =	vsel vm9, $0x7FC, v25;
	v26 =	vsel vm9, $0x1D3C, v26  }
0x50: {  	v27 =	vsel vm9, $0x7FD, v27;
	v28 =	vsel vm9, $0x1D3D, v28;
	v29 =	vsel vm9, $0x7FE, v29  }
0x51: {  	v30 =	vsel vm9, $0x1D3E, v30;
	v31 =	vsel vm9, $0x7FF, v31;
	v32 =	vsel vm9, $0x1D3F, v32  }
0x52: {  	v1 =	vsel vm8, $0x330, v1;
	v2 =	vsel vm8, $0x1870, v2;
	v3 =	vsel vm8, $0x331, v3  }
0x53: {  	v4 =	vsel vm8, $0x1871, v4;
	v5 =	vsel vm8, $0x332, v5;
	v6 =	vsel vm8, $0x1872, v6  }
0x54: {  	v7 =	vsel vm8, $0x333, v7;
	v8 =	vsel vm8, $0x1873, v8;
	v9 =	vsel vm8, $0x334, v9  }
0x55: {  	v10 =	vsel vm8, $0x1874, v10;
	v11 =	vsel vm8, $0x335, v11;
	v12 =	vsel vm8, $0x1875, v12  }
0x56: {  	v13 =	vsel vm8, $0x336, v13;
	v14 =	vsel vm8, $0x1876, v14;
	v15 =	vsel vm8, $0x337, v15  }
0x57: {  	v16 =	vsel vm8, $0x1877, v16;
	v17 =	vsel vm8, $0x880, v17;
	v18 =	vsel vm8, $0x1DC0, v18  }
0x58: {  	v19 =	vsel vm8, $0x881, v19;
	v20 =	vsel vm8, $0x1DC1, v20;
	v21 =	vsel vm8, $0x882, v21  }
0x59: {  	v22 =	vsel vm8, $0x1DC2, v22;
	v23 =	vsel vm8, $0x883, v23;
	v24 =	vsel vm8, $0x1DC3, v24  }
0x5a: {  	v25 =	vsel vm8, $0x884, v25;
	v26 =	vsel vm8, $0x1DC4, v26;
	v27 =	vsel vm8, $0x885, v27  }
0x5b: {  	v28 =	vsel vm8, $0x1DC5, v28;
	v29 =	vsel vm8, $0x886, v29;
	v30 =	vsel vm8, $0x1DC6, v30  }
0x5c: {  	v31 =	vsel vm8, $0x887, v31;
	v32 =	vsel vm8, $0x1DC7, v32;
	v1 =	vsel vm7, $0x3B8, v1  }
0x5d: {  	v2 =	vsel vm7, $0x18F8, v2;
	v3 =	vsel vm7, $0x3B9, v3;
	v4 =	vsel vm7, $0x18F9, v4  }
0x5e: {  	v5 =	vsel vm7, $0x3BA, v5;
	v6 =	vsel vm7, $0x18FA, v6;
	v7 =	vsel vm7, $0x3BB, v7  }
0x5f: {  	v8 =	vsel vm7, $0x18FB, v8;
	v9 =	vsel vm7, $0x3BC, v9;
	v10 =	vsel vm7, $0x18FC, v10  }
0x60: {  	v11 =	vsel vm7, $0x3BD, v11;
	v12 =	vsel vm7, $0x18FD, v12;
	v13 =	vsel vm7, $0x3BE, v13  }
0x61: {  	v14 =	vsel vm7, $0x18FE, v14;
	v15 =	vsel vm7, $0x3BF, v15;
	v16 =	vsel vm7, $0x18FF, v16  }
0x62: {  	v17 =	vsel vm7, $0x908, v17;
	v18 =	vsel vm7, $0x1E48, v18;
	v19 =	vsel vm7, $0x909, v19  }
0x63: {  	v20 =	vsel vm7, $0x1E49, v20;
	v21 =	vsel vm7, $0x90A, v21;
	v22 =	vsel vm7, $0x1E4A, v22  }
0x64: {  	v23 =	vsel vm7, $0x90B, v23;
	v24 =	vsel vm7, $0x1E4B, v24;
	v25 =	vsel vm7, $0x90C, v25  }
0x65: {  	v26 =	vsel vm7, $0x1E4C, v26;
	v27 =	vsel vm7, $0x90D, v27;
	v28 =	vsel vm7, $0x1E4D, v28  }
0x66: {  	v29 =	vsel vm7, $0x90E, v29;
	v30 =	vsel vm7, $0x1E4E, v30;
	v31 =	vsel vm7, $0x90F, v31  }
0x67: {  	v32 =	vsel vm7, $0x1E4F, v32;
	v1 =	vsel vm6, $0xAA0, v1;
	v2 =	vsel vm6, $0x1FE0, v2  }
0x68: {  	v3 =	vsel vm6, $0xAA1, v3;
	v4 =	vsel vm6, $0x1FE1, v4;
	v5 =	vsel vm6, $0xAA2, v5  }
0x69: {  	v6 =	vsel vm6, $0x1FE2, v6;
	v7 =	vsel vm6, $0xAA3, v7;
	v8 =	vsel vm6, $0x1FE3, v8  }
0x6a: {  	v9 =	vsel vm6, $0xAA4, v9;
	v10 =	vsel vm6, $0x1FE4, v10;
	v11 =	vsel vm6, $0xAA5, v11  }
0x6b: {  	v12 =	vsel vm6, $0x1FE5, v12;
	v13 =	vsel vm6, $0xAA6, v13;
	v14 =	vsel vm6, $0x1FE6, v14  }
0x6c: {  	v15 =	vsel vm6, $0xAA7, v15;
	v16 =	vsel vm6, $0x1FE7, v16;
	v17 =	vsel vm6, $0xFF0, v17  }
0x6d: {  	v18 =	vsel vm6, $0x2530, v18;
	v19 =	vsel vm6, $0xFF1, v19;
	v20 =	vsel vm6, $0x2531, v20  }
0x6e: {  	v21 =	vsel vm6, $0xFF2, v21;
	v22 =	vsel vm6, $0x2532, v22;
	v23 =	vsel vm6, $0xFF3, v23  }
0x6f: {  	v24 =	vsel vm6, $0x2533, v24;
	v25 =	vsel vm6, $0xFF4, v25;
	v26 =	vsel vm6, $0x2534, v26  }
0x70: {  	v27 =	vsel vm6, $0xFF5, v27;
	v28 =	vsel vm6, $0x2535, v28;
	v29 =	vsel vm6, $0xFF6, v29  }
0x71: {  	v30 =	vsel vm6, $0x2536, v30;
	v31 =	vsel vm6, $0xFF7, v31;
	v32 =	vsel vm6, $0x2537, v32  }
0x72: {  	v1 =	vsel vm5, $0xB28, v1;
	v2 =	vsel vm5, $0x2068, v2;
	v3 =	vsel vm5, $0xB29, v3  }
0x73: {  	v4 =	vsel vm5, $0x2069, v4;
	v5 =	vsel vm5, $0xB2A, v5;
	v6 =	vsel vm5, $0x206A, v6  }
0x74: {  	v7 =	vsel vm5, $0xB2B, v7;
	v8 =	vsel vm5, $0x206B, v8;
	v9 =	vsel vm5, $0xB2C, v9  }
0x75: {  	v10 =	vsel vm5, $0x206C, v10;
	v11 =	vsel vm5, $0xB2D, v11;
	v12 =	vsel vm5, $0x206D, v12  }
0x76: {  	v13 =	vsel vm5, $0xB2E, v13;
	v14 =	vsel vm5, $0x206E, v14;
	v15 =	vsel vm5, $0xB2F, v15  }
0x77: {  	v16 =	vsel vm5, $0x206F, v16;
	v17 =	vsel vm5, $0x1078, v17;
	v18 =	vsel vm5, $0x25B8, v18  }
0x78: {  	v19 =	vsel vm5, $0x1079, v19;
	v20 =	vsel vm5, $0x25B9, v20;
	v21 =	vsel vm5, $0x107A, v21  }
0x79: {  	v22 =	vsel vm5, $0x25BA, v22;
	v23 =	vsel vm5, $0x107B, v23;
	v24 =	vsel vm5, $0x25BB, v24  }
0x7a: {  	v25 =	vsel vm5, $0x107C, v25;
	v26 =	vsel vm5, $0x25BC, v26;
	v27 =	vsel vm5, $0x107D, v27  }
0x7b: {  	v28 =	vsel vm5, $0x25BD, v28;
	v29 =	vsel vm5, $0x107E, v29;
	v30 =	vsel vm5, $0x25BE, v30  }
0x7c: {  	v31 =	vsel vm5, $0x107F, v31;
	v32 =	vsel vm5, $0x25BF, v32;
	v1 =	vsel vm4, $0xBB0, v1  }
0x7d: {  	v2 =	vsel vm4, $0x20F0, v2;
	v3 =	vsel vm4, $0xBB1, v3;
	v4 =	vsel vm4, $0x20F1, v4  }
0x7e: {  	v5 =	vsel vm4, $0xBB2, v5;
	v6 =	vsel vm4, $0x20F2, v6;
	v7 =	vsel vm4, $0xBB3, v7  }
0x7f: {  	v8 =	vsel vm4, $0x20F3, v8;
	v9 =	vsel vm4, $0xBB4, v9;
	v10 =	vsel vm4, $0x20F4, v10  }
0x80: {  	v11 =	vsel vm4, $0xBB5, v11;
	v12 =	vsel vm4, $0x20F5, v12;
	v13 =	vsel vm4, $0xBB6, v13  }
0x81: {  	v14 =	vsel vm4, $0x20F6, v14;
	v15 =	vsel vm4, $0xBB7, v15;
	v16 =	vsel vm4, $0x20F7, v16  }
0x82: {  	v17 =	vsel vm4, $0x1100, v17;
	v18 =	vsel vm4, $0x2640, v18;
	v19 =	vsel vm4, $0x1101, v19  }
0x83: {  	v20 =	vsel vm4, $0x2641, v20;
	v21 =	vsel vm4, $0x1102, v21;
	v22 =	vsel vm4, $0x2642, v22  }
0x84: {  	v23 =	vsel vm4, $0x1103, v23;
	v24 =	vsel vm4, $0x2643, v24;
	v25 =	vsel vm4, $0x1104, v25  }
0x85: {  	v26 =	vsel vm4, $0x2644, v26;
	v27 =	vsel vm4, $0x1105, v27;
	v28 =	vsel vm4, $0x2645, v28  }
0x86: {  	v29 =	vsel vm4, $0x1106, v29;
	v30 =	vsel vm4, $0x2646, v30;
	v31 =	vsel vm4, $0x1107, v31  }
0x87: {  	v32 =	vsel vm4, $0x2647, v32;
	v1 =	vsel vm3, $0xC38, v1;
	v2 =	vsel vm3, $0x2178, v2  }
0x88: {  	v3 =	vsel vm3, $0xC39, v3;
	v4 =	vsel vm3, $0x2179, v4;
	v5 =	vsel vm3, $0xC3A, v5  }
0x89: {  	v6 =	vsel vm3, $0x217A, v6;
	v7 =	vsel vm3, $0xC3B, v7;
	v8 =	vsel vm3, $0x217B, v8  }
0x8a: {  	v9 =	vsel vm3, $0xC3C, v9;
	v10 =	vsel vm3, $0x217C, v10;
	v11 =	vsel vm3, $0xC3D, v11  }
0x8b: {  	v12 =	vsel vm3, $0x217D, v12;
	v13 =	vsel vm3, $0xC3E, v13;
	v14 =	vsel vm3, $0x217E, v14  }
0x8c: {  	v15 =	vsel vm3, $0xC3F, v15;
	v16 =	vsel vm3, $0x217F, v16;
	v17 =	vsel vm3, $0x1188, v17  }
0x8d: {  	v18 =	vsel vm3, $0x26C8, v18;
	v19 =	vsel vm3, $0x1189, v19;
	v20 =	vsel vm3, $0x26C9, v20  }
0x8e: {  	v21 =	vsel vm3, $0x118A, v21;
	v22 =	vsel vm3, $0x26CA, v22;
	v23 =	vsel vm3, $0x118B, v23  }
0x8f: {  	v24 =	vsel vm3, $0x26CB, v24;
	v25 =	vsel vm3, $0x118C, v25;
	v26 =	vsel vm3, $0x26CC, v26  }
0x90: {  	v27 =	vsel vm3, $0x118D, v27;
	v28 =	vsel vm3, $0x26CD, v28;
	v29 =	vsel vm3, $0x118E, v29  }
0x91: {  	v30 =	vsel vm3, $0x26CE, v30;
	v31 =	vsel vm3, $0x118F, v31;
	v32 =	vsel vm3, $0x26CF, v32  }
0x92: {  	v1 =	vsel vm2, $0xCC0, v1;
	v2 =	vsel vm2, $0x2200, v2;
	v3 =	vsel vm2, $0xCC1, v3  }
0x93: {  	v4 =	vsel vm2, $0x2201, v4;
	v5 =	vsel vm2, $0xCC2, v5;
	v6 =	vsel vm2, $0x2202, v6  }
0x94: {  	v7 =	vsel vm2, $0xCC3, v7;
	v8 =	vsel vm2, $0x2203, v8;
	v9 =	vsel vm2, $0xCC4, v9  }
0x95: {  	v10 =	vsel vm2, $0x2204, v10;
	v11 =	vsel vm2, $0xCC5, v11;
	v12 =	vsel vm2, $0x2205, v12  }
0x96: {  	v13 =	vsel vm2, $0xCC6, v13;
	v14 =	vsel vm2, $0x2206, v14;
	v15 =	vsel vm2, $0xCC7, v15  }
0x97: {  	v16 =	vsel vm2, $0x2207, v16;
	v17 =	vsel vm2, $0x1210, v17;
	v18 =	vsel vm2, $0x2750, v18  }
0x98: {  	v19 =	vsel vm2, $0x1211, v19;
	v20 =	vsel vm2, $0x2751, v20;
	v21 =	vsel vm2, $0x1212, v21  }
0x99: {  	v22 =	vsel vm2, $0x2752, v22;
	v23 =	vsel vm2, $0x1213, v23;
	v24 =	vsel vm2, $0x2753, v24  }
0x9a: {  	v25 =	vsel vm2, $0x1214, v25;
	v26 =	vsel vm2, $0x2754, v26;
	v27 =	vsel vm2, $0x1215, v27  }
0x9b: {  	v28 =	vsel vm2, $0x2755, v28;
	v29 =	vsel vm2, $0x1216, v29;
	v30 =	vsel vm2, $0x2756, v30  }
0x9c: {  	v31 =	vsel vm2, $0x1217, v31;
	v32 =	vsel vm2, $0x2757, v32;
	v1 =	vsel vm1, $0xD48, v1  }
0x9d: {  	v2 =	vsel vm1, $0x2288, v2;
	v3 =	vsel vm1, $0xD49, v3;
	v4 =	vsel vm1, $0x2289, v4  }
0x9e: {  	v5 =	vsel vm1, $0xD4A, v5;
	v6 =	vsel vm1, $0x228A, v6;
	v7 =	vsel vm1, $0xD4B, v7  }
0x9f: {  	v8 =	vsel vm1, $0x228B, v8;
	v9 =	vsel vm1, $0xD4C, v9;
	v10 =	vsel vm1, $0x228C, v10  }
0xa0: {  	v11 =	vsel vm1, $0xD4D, v11;
	v12 =	vsel vm1, $0x228D, v12;
	v13 =	vsel vm1, $0xD4E, v13  }
0xa1: {  	v14 =	vsel vm1, $0x228E, v14;
	v15 =	vsel vm1, $0xD4F, v15;
	v16 =	vsel vm1, $0x228F, v16  }
0xa2: {  	v17 =	vsel vm1, $0x1298, v17;
	v18 =	vsel vm1, $0x27D8, v18;
	v19 =	vsel vm1, $0x1299, v19  }
0xa3: {  	v20 =	vsel vm1, $0x27D9, v20;
	v21 =	vsel vm1, $0x129A, v21;
	v22 =	vsel vm1, $0x27DA, v22  }
0xa4: {  	v23 =	vsel vm1, $0x129B, v23;
	v24 =	vsel vm1, $0x27DB, v24;
	v25 =	vsel vm1, $0x129C, v25  }
0xa5: {  	v26 =	vsel vm1, $0x27DC, v26;
	v27 =	vsel vm1, $0x129D, v27;
	v28 =	vsel vm1, $0x27DD, v28  }
0xa6: {  	v29 =	vsel vm1, $0x129E, v29;
	v30 =	vsel vm1, $0x27DE, v30;
	v31 =	vsel vm1, $0x129F, v31  }
0xa7: {  	s0 =	srdreg.scid;
	s1 =	rddreg [dreg:$0x0];
	v32 =	vsel vm1, $0x27DF, v32;
	v1 =	vsel vm0, $0xDD0, v1;
	v2 =	vsel vm0, $0x2310, v2  }
0xa8: {  	s2 =	stileid.u32;
	s4 =	rddreg [dreg:$0x1];
	s10 =	simm.s32 $0x5;
	v3 =	vsel vm0, $0xDD1, v3;
	v4 =	vsel vm0, $0x2311, v4;
	v5 =	vsel vm0, $0xDD2, v5  }
0xa9: {  	s11 =	simm.s32 $0x100;
	s12 =	simm.s32 $0x6400;
	s13 =	simm.s32 $0x6600;
	v6 =	vsel vm0, $0x2312, v6;
	v7 =	vsel vm0, $0xDD3, v7;
	v8 =	vsel vm0, $0x2313, v8  }
0xaa: {  	s16 =	simm.s32 $0x1;
	s17 =	simm.s32 $0x16600;
	s18 =	simm.s32 $0x2;
	v9 =	vsel vm0, $0xDD4, v9;
	v10 =	vsel vm0, $0x2314, v10;
	v11 =	vsel vm0, $0xDD5, v11  }
0xab: {  	s19 =	simm.s32 $0x4;
	s20 =	simm.s32 $0x19080;
	s21 =	simm.s32 $0x3;
	v12 =	vsel vm0, $0x2315, v12;
	v13 =	vsel vm0, $0xDD6, v13;
	v14 =	vsel vm0, $0x2316, v14  }
0xac: {  	s22 =	simm.s32 $0x0;
	s0 =	sand.u32 $0x1, s0;
	s3 =	sshll.u32 s2, $0xA;
	v15 =	vsel vm0, $0xDD7, v15;
	v16 =	vsel vm0, $0x2317, v16;
	v17 =	vsel vm0, $0x1320, v17  }
0xad: {  	s2 =	simm.s32 $0x0;
	s5 =	sshll.u32 s0, $0x9;
	s0 =	ssub.s32 $0x2, s0;
	v18 =	vsel vm0, $0x2860, v18;
	v19 =	vsel vm0, $0x1321, v19;
	v20 =	vsel vm0, $0x2861, v20  }
0xae: {  	[smem:$0x7FF] =	sst s2;
	s5 =	sor.u32 s5, s3;
	s7 =	sshrl.u32 s0, $0x1;
	v21 =	vsel vm0, $0x1322, v21;
	v22 =	vsel vm0, $0x2862, v22;
	v23 =	vsel vm0, $0x1323, v23  }
0xaf: {  	_ =	strace $0x80000047;
	s3 =	sshrl.u32 s5, $0x3;
	s0 =	ssub.s32 s0, s7;
	v24 =	vsel vm0, $0x2863, v24;
	v25 =	vsel vm0, $0x1324, v25;
	v26 =	vsel vm0, $0x2864, v26  }
0xb0: {  	s4 =	sadd.s32 s4, s5;
	s6 =	sadd.s32 s3, s1;
	s3 =	sadd.s32 $0xF42A00, s1;
	v27 =	vsel vm0, $0x1325, v27;
	v28 =	vsel vm0, $0x2865, v28;
	v29 =	vsel vm0, $0x1326, v29  }
0xb1: {  	s7 =	smax.u32 s0, $0x1;
	s5 =	sadd.s32 $0x600, s6;
	s6 =	sadd.s32 $0x100, s4;
	v30 =	vsel vm0, $0x2866, v30;
	v31 =	vsel vm0, $0x1327, v31;
	v32 =	vsel vm0, $0x2867, v32  }
.LBB2_1:
0xb2: {  	s0 =	simm.s32 $0x200;
	s1 =	simm.s32 $0x4000  }
0xb3: {  	[tilespmem:s2], [sflag:$0x5] =	stream.strided.gather [hbm4b:s5+s0], $0x6400, s1, s0, $0x38;
	[tilespmem:$0x1BB00] =	vst v63  }
0xb4: {  	_ =	swait.ge [sflag:s10], $0x6400  }
0xb5: {  	[sflag:s10] =	ssyncset.done $0x0  }
0xb6: {  	[sflag:s10] =	ssyncadd.s32 $0xFFFF9C00  }
0xb7: {  	v33 =	vld [tilespmem:$0x0]  }
0xb8: {  	v34 =	vld [tilespmem:$0x10]  }
0xb9: {  	v35 =	vld [tilespmem:$0x20]  }
0xba: {  	v36 =	vld [tilespmem:$0x30]  }
0xbb: {  	v37 =	vld [tilespmem:$0x40]  }
0xbc: {  	v38 =	vld [tilespmem:$0x50];
	v33 =	vshrl.u32 v33, $0x2  }
0xbd: {  	v58 =	vld [tilespmem:$0x60];
	v57 =	vshrl.u32 v34, $0x2;
	[tilespmem:$0x6400] =	vst v33  }
0xbe: {  	v60 =	vld [tilespmem:$0x70];
	v59 =	vshrl.u32 v35, $0x2;
	[tilespmem:$0x6410] =	vst v57  }
0xbf: {  	v62 =	vld [tilespmem:$0x80];
	v61 =	vshrl.u32 v36, $0x2;
	[tilespmem:$0x6420] =	vst v59  }
0xc0: {  	v40 =	vld [tilespmem:$0x90];
	v63 =	vshrl.u32 v37, $0x2;
	[tilespmem:$0x6430] =	vst v61  }
0xc1: {  	v42 =	vld [tilespmem:$0xA0];
	v41 =	vshrl.u32 v38, $0x2;
	[tilespmem:$0x6440] =	vst v63  }
0xc2: {  	v44 =	vld [tilespmem:$0xB0];
	v43 =	vshrl.u32 v58, $0x2;
	[tilespmem:$0x6450] =	vst v41  }
0xc3: {  	v46 =	vld [tilespmem:$0xC0];
	v45 =	vshrl.u32 v60, $0x2;
	[tilespmem:$0x6460] =	vst v43  }
0xc4: {  	v48 =	vld [tilespmem:$0xD0];
	v47 =	vshrl.u32 v62, $0x2;
	[tilespmem:$0x6470] =	vst v45  }
0xc5: {  	v50 =	vld [tilespmem:$0xE0];
	v49 =	vshrl.u32 v40, $0x2;
	[tilespmem:$0x6480] =	vst v47  }
0xc6: {  	v52 =	vld [tilespmem:$0xF0];
	v51 =	vshrl.u32 v42, $0x2;
	[tilespmem:$0x6490] =	vst v49  }
0xc7: {  	v53 =	vshrl.u32 v44, $0x2;
	[tilespmem:$0x64A0] =	vst v51  }
0xc8: {  	v54 =	vshrl.u32 v46, $0x2;
	[tilespmem:$0x64B0] =	vst v53  }
0xc9: {  	v55 =	vshrl.u32 v48, $0x2;
	[tilespmem:$0x64C0] =	vst v54  }
0xca: {  	v56 =	vshrl.u32 v50, $0x2;
	[tilespmem:$0x64D0] =	vst v55  }
0xcb: {  	[tilespmem:$0x64E0] =	vst v56;
	v57 =	vshrl.u32 v52, $0x2  }
0xcc: {  	[tilespmem:$0x64F0] =	vst v57  }
0xcd: {  	[tilespmem:s13], [sflag:$0x1] =	stream.indirect.gather [hbm4b:s3+s11], $0x80, s12, s11, $0xb8;
	[tilespmem:$0x1BB00] =	vst v63  }
0xce: {  	v58 =	vld [tilespmem:$0x100]  }
0xcf: {  	v59 =	vld [tilespmem:$0x110]  }
0xd0: {  	v60 =	vld [tilespmem:$0x120]  }
0xd1: {  	v61 =	vld [tilespmem:$0x130]  }
0xd2: {  	v62 =	vld [tilespmem:$0x140]  }
0xd3: {  	v63 =	vld [tilespmem:$0x150];
	v33 =	vshrl.u32 v58, $0x2  }
0xd4: {  	v40 =	vld [tilespmem:$0x160];
	v39 =	vshrl.u32 v59, $0x2;
	[tilespmem:$0x6500] =	vst v33  }
0xd5: {  	v42 =	vld [tilespmem:$0x170];
	v41 =	vshrl.u32 v60, $0x2;
	[tilespmem:$0x6510] =	vst v39  }
0xd6: {  	v44 =	vld [tilespmem:$0x180];
	v43 =	vshrl.u32 v61, $0x2;
	[tilespmem:$0x6520] =	vst v41  }
0xd7: {  	v46 =	vld [tilespmem:$0x190];
	v45 =	vshrl.u32 v62, $0x2;
	[tilespmem:$0x6530] =	vst v43  }
0xd8: {  	v48 =	vld [tilespmem:$0x1A0];
	v47 =	vshrl.u32 v63, $0x2;
	[tilespmem:$0x6540] =	vst v45  }
0xd9: {  	v50 =	vld [tilespmem:$0x1B0];
	v49 =	vshrl.u32 v40, $0x2;
	[tilespmem:$0x6550] =	vst v47  }
0xda: {  	v52 =	vld [tilespmem:$0x1C0];
	v51 =	vshrl.u32 v42, $0x2;
	[tilespmem:$0x6560] =	vst v49  }
0xdb: {  	v54 =	vld [tilespmem:$0x1D0];
	v53 =	vshrl.u32 v44, $0x2;
	[tilespmem:$0x6570] =	vst v51  }
0xdc: {  	v56 =	vld [tilespmem:$0x1E0];
	v55 =	vshrl.u32 v46, $0x2;
	[tilespmem:$0x6580] =	vst v53  }
0xdd: {  	v57 =	vshrl.u32 v48, $0x2;
	v58 =	vld [tilespmem:$0x1F0];
	[tilespmem:$0x6590] =	vst v55  }
0xde: {  	v59 =	vshrl.u32 v50, $0x2;
	[tilespmem:$0x65A0] =	vst v57  }
0xdf: {  	v60 =	vshrl.u32 v52, $0x2;
	[tilespmem:$0x65B0] =	vst v59  }
0xe0: {  	v61 =	vshrl.u32 v54, $0x2;
	[tilespmem:$0x65C0] =	vst v60  }
0xe1: {  	s30 =	simm.s32 $0x6500;
	v62 =	vshrl.u32 v56, $0x2;
	[tilespmem:$0x65D0] =	vst v61  }
0xe2: {  	s31 =	simm.s32 $0xE600;
	s23 =	simm.s32 $0x10;
	s24 =	simm.s32 $0x90;
	[tilespmem:$0x65E0] =	vst v62;
	v63 =	vshrl.u32 v58, $0x2  }
0xe3: {  	s26 =	simm.s32 $0x190;
	s28 =	simm.s32 $0x0;
	s0 =	simm.s32 $0x110;
	[tilespmem:$0x65F0] =	vst v63  }
0xe4: {  	[tilespmem:s31], [sflag:$0x2] =	stream.indirect.gather [hbm4b:s3+s11], $0x80, s30, s11, $0xb8;
	[tilespmem:$0x1BB00] =	vst v63  }
.LBB2_2:
0xe5: {  	_ =	swait.ge [sflag:s16], $0x8000  }
0xe6: {  	p1 =	seq.s32 s28, $0x0;
	[sflag:s16] =	ssyncset.done $0x0  }
0xe7: {  	s1 =	simm.s32 @!p1 $0x3;
	[sflag:s16] =	ssyncadd.s32 $0xFFFF8000  }
0xe8: {  	s29 =	simm.s32 $0xFFFFFFFE;
	s31 =	simm.s32 $0x6E00;
	_ =	swait.ge @!p1 [sflag:s1], $0x2000  }
0xe9: {  	s30 =	simm.s32 $0x1F;
	s25 =	simm.s32 $0x1F;
	[sflag:s1] =	ssyncset.done @!p1 $0x0  }
0xea: {  	s8 =	simm.s32 $0xFFFFFFFE;
	[sflag:s1] =	ssyncadd.s32 @!p1 $0xFFFFE000;
	s1 =	smov.u32 s23  }
.LBB2_3:
0xeb: {  	v33 =	vld [tilespmem:s1+$0xFFFFFFF0];
	_ =	sdelay $0x4  }
0xec: {  	v33 =	vshll.u32 v33, $0x5  }
0xed: {  	v33 =	vand.u32 $0x60, v33  }
0xee: {  	v33 =	vadd.s32 s31, v33  }
0xef: {  	(v2sf) =	vpush v33, $0x1  }
0xf0: {  	(v2sf) =	vpush v33, $0x0;
	_ =	sdelay $0x9  }
0xf1: {  	s9 =	sadd.s32 $0xFFFFFFE1, s25  }
0xf2: {  	v34 =	vmov s9  }
0xf3: {  	v34 =	vshrl.u32 v34, $0x3  }
0xf4: {  	v34 =	vshll.u32 v34, v0  }
0xf5: {  	v34 =	vbroadcast v34, $0x0;
	s9 =	spop (v2sf)  }
0xf6: {  	s14 =	spop (v2sf)  }
0xf7: {  	v36 =	vadd.s32 v1, v34;
	v35 =	vld [tilespmem:s14+$0xFFFFF800];
	_ =	sdelay $0x4  }
0xf8: {  	[tilespmem:v36+s17+$0x0] =	vst.idx.msk $0xffff, v35  }
0xf9: {  	s15 =	sadd.s32 $0xFFFFFFE2, s25;
	v34 =	vadd.s32 v2, v34;
	v35 =	vld [tilespmem:s14+$0xFFFFF810]  }
0xfa: {  	v48 =	vmov s15;
	(v2sf) =	vpush v33, $0x3  }
0xfb: {  	(v2sf) =	vpush v33, $0x2;
	v36 =	vshrl.u32 v48, $0x3  }
0xfc: {  	v36 =	vshll.u32 v36, v0  }
0xfd: {  	v36 =	vbroadcast v36, $0x0  }
0xfe: {  	[tilespmem:v34+s17+$0x0] =	vst.idx.msk $0xffff, v35  }
0xff: {  	v49 =	vadd.s32 v3, v36;
	v34 =	vld [tilespmem:s9+$0xFFFFF880];
	_ =	sdelay $0x4  }
0x100: {  	[tilespmem:v49+s17+$0x0] =	vst.idx.msk $0xffff, v34  }
0x101: {  	s14 =	sadd.s32 $0xFFFFFFE3, s25;
	v50 =	vadd.s32 v4, v36;
	v34 =	vld [tilespmem:s9+$0xFFFFF890]  }
0x102: {  	v51 =	vmov s14  }
0x103: {  	v36 =	vshrl.u32 v51, $0x3  }
0x104: {  	v36 =	vshll.u32 v36, v0  }
0x105: {  	v36 =	vbroadcast v36, $0x0;
	s9 =	spop (v2sf)  }
0x106: {  	s15 =	spop (v2sf);
	[tilespmem:v50+s17+$0x0] =	vst.idx.msk $0xffff, v34  }
0x107: {  	v52 =	vadd.s32 v5, v36;
	v34 =	vld [tilespmem:s15+$0xFFFFF900];
	_ =	sdelay $0x4  }
0x108: {  	[tilespmem:v52+s17+$0x0] =	vst.idx.msk $0xffff, v34  }
0x109: {  	v53 =	vadd.s32 v6, v36;
	v34 =	vld [tilespmem:s15+$0xFFFFF910];
	s15 =	sadd.s32 $0xFFFFFFE4, s25  }
0x10a: {  	(v2sf) =	vpush v33, $0x5;
	v54 =	vmov s15  }
0x10b: {  	(v2sf) =	vpush v33, $0x4;
	v36 =	vshrl.u32 v54, $0x3  }
0x10c: {  	v36 =	vshll.u32 v36, v0  }
0x10d: {  	v36 =	vbroadcast v36, $0x0  }
0x10e: {  	[tilespmem:v53+s17+$0x0] =	vst.idx.msk $0xffff, v34  }
0x10f: {  	v34 =	vld [tilespmem:s9+$0xFFFFF980];
	v55 =	vadd.s32 v7, v36;
	_ =	sdelay $0x4  }
0x110: {  	[tilespmem:v55+s17+$0x0] =	vst.idx.msk $0xffff, v34  }
0x111: {  	s14 =	sadd.s32 $0xFFFFFFE5, s25;
	v56 =	vadd.s32 v8, v36;
	v34 =	vld [tilespmem:s9+$0xFFFFF990]  }
0x112: {  	v57 =	vmov s14  }
0x113: {  	v36 =	vshrl.u32 v57, $0x3  }
0x114: {  	v36 =	vshll.u32 v36, v0  }
0x115: {  	v36 =	vbroadcast v36, $0x0;
	s9 =	spop (v2sf)  }
0x116: {  	s15 =	spop (v2sf);
	[tilespmem:v56+s17+$0x0] =	vst.idx.msk $0xffff, v34  }
0x117: {  	v58 =	vadd.s32 v9, v36;
	v34 =	vld [tilespmem:s15+$0xFFFFFA00];
	_ =	sdelay $0x4  }
0x118: {  	[tilespmem:v58+s17+$0x0] =	vst.idx.msk $0xffff, v34  }
0x119: {  	v59 =	vadd.s32 v10, v36;
	v34 =	vld [tilespmem:s15+$0xFFFFFA10];
	s15 =	sadd.s32 $0xFFFFFFE6, s25  }
0x11a: {  	(v2sf) =	vpush v33, $0x7;
	v60 =	vmov s15  }
0x11b: {  	(v2sf) =	vpush v33, $0x6;
	v36 =	vshrl.u32 v60, $0x3  }
0x11c: {  	v36 =	vshll.u32 v36, v0  }
0x11d: {  	v36 =	vbroadcast v36, $0x0  }
0x11e: {  	[tilespmem:v59+s17+$0x0] =	vst.idx.msk $0xffff, v34  }
0x11f: {  	v34 =	vld [tilespmem:s9+$0xFFFFFA80];
	v61 =	vadd.s32 v11, v36;
	_ =	sdelay $0x4  }
0x120: {  	[tilespmem:v61+s17+$0x0] =	vst.idx.msk $0xffff, v34  }
0x121: {  	s14 =	sadd.s32 $0xFFFFFFE7, s25;
	v62 =	vadd.s32 v12, v36;
	v34 =	vld [tilespmem:s9+$0xFFFFFA90]  }
0x122: {  	v63 =	vmov s14  }
0x123: {  	v36 =	vshrl.u32 v63, $0x3  }
0x124: {  	v36 =	vshll.u32 v36, v0  }
0x125: {  	v36 =	vbroadcast v36, $0x0;
	s9 =	spop (v2sf)  }
0x126: {  	s15 =	spop (v2sf);
	[tilespmem:v62+s17+$0x0] =	vst.idx.msk $0xffff, v34  }
0x127: {  	v39 =	vadd.s32 v13, v36;
	v34 =	vld [tilespmem:s15+$0xFFFFFB00];
	_ =	sdelay $0x4  }
0x128: {  	[tilespmem:v39+s17+$0x0] =	vst.idx.msk $0xffff, v34  }
0x129: {  	v40 =	vadd.s32 v14, v36;
	v34 =	vld [tilespmem:s15+$0xFFFFFB10];
	s15 =	sadd.s32 $0xFFFFFFE8, s25  }
0x12a: {  	(v2sf) =	vpush v33, $0x9;
	v41 =	vmov s15  }
0x12b: {  	(v2sf) =	vpush v33, $0x8;
	v36 =	vshrl.u32 v41, $0x3  }
0x12c: {  	v36 =	vshll.u32 v36, v0  }
0x12d: {  	v36 =	vbroadcast v36, $0x0  }
0x12e: {  	[tilespmem:v40+s17+$0x0] =	vst.idx.msk $0xffff, v34  }
0x12f: {  	v34 =	vld [tilespmem:s9+$0xFFFFFB80];
	v42 =	vadd.s32 v15, v36;
	_ =	sdelay $0x4  }
0x130: {  	[tilespmem:v42+s17+$0x0] =	vst.idx.msk $0xffff, v34  }
0x131: {  	s14 =	sadd.s32 $0xFFFFFFE9, s25;
	v43 =	vadd.s32 v16, v36;
	v34 =	vld [tilespmem:s9+$0xFFFFFB90]  }
0x132: {  	v44 =	vmov s14  }
0x133: {  	v36 =	vshrl.u32 v44, $0x3  }
0x134: {  	v36 =	vshll.u32 v36, v0  }
0x135: {  	v36 =	vbroadcast v36, $0x0;
	s9 =	spop (v2sf)  }
0x136: {  	s15 =	spop (v2sf);
	[tilespmem:v43+s17+$0x0] =	vst.idx.msk $0xffff, v34  }
0x137: {  	v45 =	vadd.s32 v1, v36;
	v34 =	vld [tilespmem:s15+$0xFFFFFC00];
	_ =	sdelay $0x4  }
0x138: {  	[tilespmem:v45+s17+$0x0] =	vst.idx.msk $0xffff, v34  }
0x139: {  	v46 =	vadd.s32 v2, v36;
	v34 =	vld [tilespmem:s15+$0xFFFFFC10];
	s15 =	sadd.s32 $0xFFFFFFEA, s25  }
0x13a: {  	(v2sf) =	vpush v33, $0xB;
	v47 =	vmov s15  }
0x13b: {  	(v2sf) =	vpush v33, $0xA;
	v36 =	vshrl.u32 v47, $0x3  }
0x13c: {  	v36 =	vshll.u32 v36, v0  }
0x13d: {  	v36 =	vbroadcast v36, $0x0  }
0x13e: {  	[tilespmem:v46+s17+$0x0] =	vst.idx.msk $0xffff, v34  }
0x13f: {  	v34 =	vld [tilespmem:s9+$0xFFFFFC80];
	v48 =	vadd.s32 v3, v36;
	_ =	sdelay $0x4  }
0x140: {  	[tilespmem:v48+s17+$0x0] =	vst.idx.msk $0xffff, v34  }
0x141: {  	s14 =	sadd.s32 $0xFFFFFFEB, s25;
	v49 =	vadd.s32 v4, v36;
	v34 =	vld [tilespmem:s9+$0xFFFFFC90]  }
0x142: {  	v50 =	vmov s14  }
0x143: {  	v36 =	vshrl.u32 v50, $0x3  }
0x144: {  	v36 =	vshll.u32 v36, v0  }
0x145: {  	v36 =	vbroadcast v36, $0x0;
	s9 =	spop (v2sf)  }
0x146: {  	s15 =	spop (v2sf);
	[tilespmem:v49+s17+$0x0] =	vst.idx.msk $0xffff, v34  }
0x147: {  	v51 =	vadd.s32 v5, v36;
	v34 =	vld [tilespmem:s15+$0xFFFFFD00];
	_ =	sdelay $0x4  }
0x148: {  	[tilespmem:v51+s17+$0x0] =	vst.idx.msk $0xffff, v34  }
0x149: {  	v52 =	vadd.s32 v6, v36;
	v34 =	vld [tilespmem:s15+$0xFFFFFD10];
	s15 =	sadd.s32 $0xFFFFFFEC, s25  }
0x14a: {  	(v2sf) =	vpush v33, $0xD;
	v53 =	vmov s15  }
0x14b: {  	(v2sf) =	vpush v33, $0xC;
	v36 =	vshrl.u32 v53, $0x3  }
0x14c: {  	v36 =	vshll.u32 v36, v0  }
0x14d: {  	v36 =	vbroadcast v36, $0x0  }
0x14e: {  	[tilespmem:v52+s17+$0x0] =	vst.idx.msk $0xffff, v34  }
0x14f: {  	v34 =	vld [tilespmem:s9+$0xFFFFFD80];
	v54 =	vadd.s32 v7, v36;
	_ =	sdelay $0x4  }
0x150: {  	[tilespmem:v54+s17+$0x0] =	vst.idx.msk $0xffff, v34  }
0x151: {  	s14 =	sadd.s32 $0xFFFFFFED, s25;
	v55 =	vadd.s32 v8, v36;
	v34 =	vld [tilespmem:s9+$0xFFFFFD90]  }
0x152: {  	v56 =	vmov s14  }
0x153: {  	v36 =	vshrl.u32 v56, $0x3  }
0x154: {  	v36 =	vshll.u32 v36, v0  }
0x155: {  	v36 =	vbroadcast v36, $0x0;
	s9 =	spop (v2sf)  }
0x156: {  	s15 =	spop (v2sf);
	[tilespmem:v55+s17+$0x0] =	vst.idx.msk $0xffff, v34  }
0x157: {  	v57 =	vadd.s32 v9, v36;
	v34 =	vld [tilespmem:s15+$0xFFFFFE00];
	_ =	sdelay $0x4  }
0x158: {  	[tilespmem:v57+s17+$0x0] =	vst.idx.msk $0xffff, v34  }
0x159: {  	v58 =	vadd.s32 v10, v36;
	v34 =	vld [tilespmem:s15+$0xFFFFFE10];
	s15 =	sadd.s32 $0xFFFFFFEE, s25  }
0x15a: {  	(v2sf) =	vpush v33, $0xF;
	v59 =	vmov s15  }
0x15b: {  	(v2sf) =	vpush v33, $0xE;
	v36 =	vshrl.u32 v59, $0x3  }
0x15c: {  	v60 =	vshll.u32 v36, v0  }
0x15d: {  	v33 =	vbroadcast v60, $0x0  }
0x15e: {  	[tilespmem:v58+s17+$0x0] =	vst.idx.msk $0xffff, v34  }
0x15f: {  	v34 =	vld [tilespmem:s9+$0xFFFFFE80];
	v61 =	vadd.s32 v11, v33;
	_ =	sdelay $0x4  }
0x160: {  	[tilespmem:v61+s17+$0x0] =	vst.idx.msk $0xffff, v34  }
0x161: {  	s14 =	sadd.s32 $0xFFFFFFEF, s25;
	v33 =	vadd.s32 v12, v33;
	v34 =	vld [tilespmem:s9+$0xFFFFFE90]  }
0x162: {  	v62 =	vmov s14  }
0x163: {  	v35 =	vshrl.u32 v62, $0x3  }
0x164: {  	v35 =	vshll.u32 v35, v0  }
0x165: {  	v35 =	vbroadcast v35, $0x0;
	s9 =	spop (v2sf)  }
0x166: {  	s15 =	spop (v2sf);
	[tilespmem:v33+s17+$0x0] =	vst.idx.msk $0xffff, v34  }
0x167: {  	v63 =	vadd.s32 v13, v35;
	v33 =	vld [tilespmem:s15+$0xFFFFFF00];
	_ =	sdelay $0x4  }
0x168: {  	[tilespmem:v63+s17+$0x0] =	vst.idx.msk $0xffff, v33  }
0x169: {  	v36 =	vadd.s32 v14, v35;
	v33 =	vld [tilespmem:s15+$0xFFFFFF10];
	s15 =	sadd.s32 $0xFFFFFFF0, s25  }
0x16a: {  	v37 =	vmov s15  }
0x16b: {  	v35 =	vshrl.u32 v37, $0x3  }
0x16c: {  	v35 =	vshll.u32 v35, v0  }
0x16d: {  	v35 =	vbroadcast v35, $0x0  }
0x16e: {  	[tilespmem:v36+s17+$0x0] =	vst.idx.msk $0xffff, v33  }
0x16f: {  	v33 =	vld [tilespmem:s9+$0xFFFFFF80];
	v38 =	vadd.s32 v15, v35;
	_ =	sdelay $0x4  }
0x170: {  	[tilespmem:v38+s17+$0x0] =	vst.idx.msk $0xffff, v33  }
0x171: {  	v39 =	vadd.s32 v16, v35;
	v33 =	vld [tilespmem:s9+$0xFFFFFF90];
	_ =	sdelay $0x4  }
0x172: {  	[tilespmem:v39+s17+$0x0] =	vst.idx.msk $0xffff, v33  }
0x173: {  	v33 =	vld [tilespmem:s1+$0x0];
	_ =	sdelay $0x4  }
0x174: {  	v33 =	vshll.u32 v33, $0x5  }
0x175: {  	v33 =	vand.u32 $0x60, v33  }
0x176: {  	v33 =	vadd.s32 s31, v33  }
0x177: {  	(v2sf) =	vpush v33, $0x1  }
0x178: {  	(v2sf) =	vpush v33, $0x0;
	_ =	sdelay $0x9  }
0x179: {  	s14 =	sadd.s32 $0xFFFFFFF1, s25  }
0x17a: {  	v40 =	vmov s14  }
0x17b: {  	v34 =	vshrl.u32 v40, $0x3  }
0x17c: {  	v34 =	vshll.u32 v34, v0  }
0x17d: {  	v34 =	vbroadcast v34, $0x0;
	s9 =	spop (v2sf)  }
0x17e: {  	s15 =	spop (v2sf)  }
0x17f: {  	v42 =	vadd.s32 v1, v34;
	v41 =	vld [tilespmem:s15+$0x0];
	_ =	sdelay $0x4  }
0x180: {  	[tilespmem:v42+s17+$0x0] =	vst.idx.msk $0xffff, v41  }
0x181: {  	v34 =	vadd.s32 v2, v34;
	v35 =	vld [tilespmem:s15+$0x10];
	s15 =	sadd.s32 $0xFFFFFFF2, s25  }
0x182: {  	(v2sf) =	vpush v33, $0x3;
	v43 =	vmov s15  }
0x183: {  	(v2sf) =	vpush v33, $0x2;
	v36 =	vshrl.u32 v43, $0x3  }
0x184: {  	v36 =	vshll.u32 v36, v0  }
0x185: {  	v36 =	vbroadcast v36, $0x0  }
0x186: {  	[tilespmem:v34+s17+$0x0] =	vst.idx.msk $0xffff, v35  }
0x187: {  	v34 =	vld [tilespmem:s9+$0x80];
	v44 =	vadd.s32 v3, v36;
	_ =	sdelay $0x4  }
0x188: {  	[tilespmem:v44+s17+$0x0] =	vst.idx.msk $0xffff, v34  }
0x189: {  	s14 =	sadd.s32 $0xFFFFFFF3, s25;
	v45 =	vadd.s32 v4, v36;
	v34 =	vld [tilespmem:s9+$0x90]  }
0x18a: {  	v46 =	vmov s14  }
0x18b: {  	v36 =	vshrl.u32 v46, $0x3  }
0x18c: {  	v36 =	vshll.u32 v36, v0  }
0x18d: {  	v36 =	vbroadcast v36, $0x0;
	s9 =	spop (v2sf)  }
0x18e: {  	s15 =	spop (v2sf);
	[tilespmem:v45+s17+$0x0] =	vst.idx.msk $0xffff, v34  }
0x18f: {  	v47 =	vadd.s32 v5, v36;
	v34 =	vld [tilespmem:s15+$0x100];
	_ =	sdelay $0x4  }
0x190: {  	[tilespmem:v47+s17+$0x0] =	vst.idx.msk $0xffff, v34  }
0x191: {  	v48 =	vadd.s32 v6, v36;
	v34 =	vld [tilespmem:s15+$0x110];
	s15 =	sadd.s32 $0xFFFFFFF4, s25  }
0x192: {  	(v2sf) =	vpush v33, $0x5;
	v49 =	vmov s15  }
0x193: {  	(v2sf) =	vpush v33, $0x4;
	v36 =	vshrl.u32 v49, $0x3  }
0x194: {  	v36 =	vshll.u32 v36, v0  }
0x195: {  	v36 =	vbroadcast v36, $0x0  }
0x196: {  	[tilespmem:v48+s17+$0x0] =	vst.idx.msk $0xffff, v34  }
0x197: {  	v34 =	vld [tilespmem:s9+$0x180];
	v50 =	vadd.s32 v7, v36;
	_ =	sdelay $0x4  }
0x198: {  	[tilespmem:v50+s17+$0x0] =	vst.idx.msk $0xffff, v34  }
0x199: {  	s14 =	sadd.s32 $0xFFFFFFF5, s25;
	v51 =	vadd.s32 v8, v36;
	v34 =	vld [tilespmem:s9+$0x190]  }
0x19a: {  	v52 =	vmov s14  }
0x19b: {  	v36 =	vshrl.u32 v52, $0x3  }
0x19c: {  	v36 =	vshll.u32 v36, v0  }
0x19d: {  	v36 =	vbroadcast v36, $0x0;
	s9 =	spop (v2sf)  }
0x19e: {  	s15 =	spop (v2sf);
	[tilespmem:v51+s17+$0x0] =	vst.idx.msk $0xffff, v34  }
0x19f: {  	v53 =	vadd.s32 v9, v36;
	v34 =	vld [tilespmem:s15+$0x200];
	_ =	sdelay $0x4  }
0x1a0: {  	[tilespmem:v53+s17+$0x0] =	vst.idx.msk $0xffff, v34  }
0x1a1: {  	v54 =	vadd.s32 v10, v36;
	v34 =	vld [tilespmem:s15+$0x210];
	s15 =	sadd.s32 $0xFFFFFFF6, s25  }
0x1a2: {  	(v2sf) =	vpush v33, $0x7;
	v55 =	vmov s15  }
0x1a3: {  	(v2sf) =	vpush v33, $0x6;
	v36 =	vshrl.u32 v55, $0x3  }
0x1a4: {  	v36 =	vshll.u32 v36, v0  }
0x1a5: {  	v36 =	vbroadcast v36, $0x0  }
0x1a6: {  	[tilespmem:v54+s17+$0x0] =	vst.idx.msk $0xffff, v34  }
0x1a7: {  	v34 =	vld [tilespmem:s9+$0x280];
	v56 =	vadd.s32 v11, v36;
	_ =	sdelay $0x4  }
0x1a8: {  	[tilespmem:v56+s17+$0x0] =	vst.idx.msk $0xffff, v34  }
0x1a9: {  	s14 =	sadd.s32 $0xFFFFFFF7, s25;
	v57 =	vadd.s32 v12, v36;
	v34 =	vld [tilespmem:s9+$0x290]  }
0x1aa: {  	v58 =	vmov s14  }
0x1ab: {  	v36 =	vshrl.u32 v58, $0x3  }
0x1ac: {  	v36 =	vshll.u32 v36, v0  }
0x1ad: {  	v36 =	vbroadcast v36, $0x0;
	s9 =	spop (v2sf)  }
0x1ae: {  	s15 =	spop (v2sf);
	[tilespmem:v57+s17+$0x0] =	vst.idx.msk $0xffff, v34  }
0x1af: {  	v59 =	vadd.s32 v13, v36;
	v34 =	vld [tilespmem:s15+$0x300];
	_ =	sdelay $0x4  }
0x1b0: {  	[tilespmem:v59+s17+$0x0] =	vst.idx.msk $0xffff, v34  }
0x1b1: {  	v60 =	vadd.s32 v14, v36;
	v34 =	vld [tilespmem:s15+$0x310];
	s15 =	sadd.s32 $0xFFFFFFF8, s25  }
0x1b2: {  	(v2sf) =	vpush v33, $0x9;
	v61 =	vmov s15  }
0x1b3: {  	(v2sf) =	vpush v33, $0x8;
	v36 =	vshrl.u32 v61, $0x3  }
0x1b4: {  	v36 =	vshll.u32 v36, v0  }
0x1b5: {  	v36 =	vbroadcast v36, $0x0  }
0x1b6: {  	[tilespmem:v60+s17+$0x0] =	vst.idx.msk $0xffff, v34  }
0x1b7: {  	v34 =	vld [tilespmem:s9+$0x380];
	v62 =	vadd.s32 v15, v36;
	_ =	sdelay $0x4  }
0x1b8: {  	[tilespmem:v62+s17+$0x0] =	vst.idx.msk $0xffff, v34  }
0x1b9: {  	s14 =	sadd.s32 $0xFFFFFFF9, s25;
	v63 =	vadd.s32 v16, v36;
	v34 =	vld [tilespmem:s9+$0x390]  }
0x1ba: {  	v40 =	vmov s14  }
0x1bb: {  	v36 =	vshrl.u32 v40, $0x3  }
0x1bc: {  	v36 =	vshll.u32 v36, v0  }
0x1bd: {  	v36 =	vbroadcast v36, $0x0;
	s9 =	spop (v2sf)  }
0x1be: {  	s15 =	spop (v2sf);
	[tilespmem:v63+s17+$0x0] =	vst.idx.msk $0xffff, v34  }
0x1bf: {  	v41 =	vadd.s32 v1, v36;
	v34 =	vld [tilespmem:s15+$0x400];
	_ =	sdelay $0x4  }
0x1c0: {  	[tilespmem:v41+s17+$0x0] =	vst.idx.msk $0xffff, v34  }
0x1c1: {  	v42 =	vadd.s32 v2, v36;
	v34 =	vld [tilespmem:s15+$0x410];
	s15 =	sadd.s32 $0xFFFFFFFA, s25  }
0x1c2: {  	(v2sf) =	vpush v33, $0xB;
	v43 =	vmov s15  }
0x1c3: {  	(v2sf) =	vpush v33, $0xA;
	v36 =	vshrl.u32 v43, $0x3  }
0x1c4: {  	v36 =	vshll.u32 v36, v0  }
0x1c5: {  	v36 =	vbroadcast v36, $0x0  }
0x1c6: {  	[tilespmem:v42+s17+$0x0] =	vst.idx.msk $0xffff, v34  }
0x1c7: {  	v34 =	vld [tilespmem:s9+$0x480];
	v44 =	vadd.s32 v3, v36;
	_ =	sdelay $0x4  }
0x1c8: {  	[tilespmem:v44+s17+$0x0] =	vst.idx.msk $0xffff, v34  }
0x1c9: {  	s14 =	sadd.s32 $0xFFFFFFFB, s25;
	v45 =	vadd.s32 v4, v36;
	v34 =	vld [tilespmem:s9+$0x490]  }
0x1ca: {  	v46 =	vmov s14  }
0x1cb: {  	v36 =	vshrl.u32 v46, $0x3  }
0x1cc: {  	v36 =	vshll.u32 v36, v0  }
0x1cd: {  	v36 =	vbroadcast v36, $0x0;
	s9 =	spop (v2sf)  }
0x1ce: {  	s15 =	spop (v2sf);
	[tilespmem:v45+s17+$0x0] =	vst.idx.msk $0xffff, v34  }
0x1cf: {  	v47 =	vadd.s32 v5, v36;
	v34 =	vld [tilespmem:s15+$0x500];
	_ =	sdelay $0x4  }
0x1d0: {  	[tilespmem:v47+s17+$0x0] =	vst.idx.msk $0xffff, v34  }
0x1d1: {  	v48 =	vadd.s32 v6, v36;
	v34 =	vld [tilespmem:s15+$0x510];
	s15 =	sadd.s32 $0xFFFFFFFC, s25  }
0x1d2: {  	(v2sf) =	vpush v33, $0xD;
	v49 =	vmov s15  }
0x1d3: {  	(v2sf) =	vpush v33, $0xC;
	v36 =	vshrl.u32 v49, $0x3  }
0x1d4: {  	v36 =	vshll.u32 v36, v0  }
0x1d5: {  	v36 =	vbroadcast v36, $0x0  }
0x1d6: {  	[tilespmem:v48+s17+$0x0] =	vst.idx.msk $0xffff, v34  }
0x1d7: {  	v34 =	vld [tilespmem:s9+$0x580];
	v50 =	vadd.s32 v7, v36;
	_ =	sdelay $0x4  }
0x1d8: {  	[tilespmem:v50+s17+$0x0] =	vst.idx.msk $0xffff, v34  }
0x1d9: {  	s14 =	sadd.s32 $0xFFFFFFFD, s25;
	v51 =	vadd.s32 v8, v36;
	v34 =	vld [tilespmem:s9+$0x590]  }
0x1da: {  	v52 =	vmov s14  }
0x1db: {  	v36 =	vshrl.u32 v52, $0x3  }
0x1dc: {  	v36 =	vshll.u32 v36, v0  }
0x1dd: {  	v36 =	vbroadcast v36, $0x0;
	s9 =	spop (v2sf)  }
0x1de: {  	s15 =	spop (v2sf);
	[tilespmem:v51+s17+$0x0] =	vst.idx.msk $0xffff, v34  }
0x1df: {  	v53 =	vadd.s32 v9, v36;
	v34 =	vld [tilespmem:s15+$0x600];
	_ =	sdelay $0x4  }
0x1e0: {  	[tilespmem:v53+s17+$0x0] =	vst.idx.msk $0xffff, v34  }
0x1e1: {  	v54 =	vadd.s32 v10, v36;
	v34 =	vld [tilespmem:s15+$0x610];
	s15 =	sadd.s32 $0xFFFFFFFE, s25  }
0x1e2: {  	(v2sf) =	vpush v33, $0xF;
	v55 =	vmov s15  }
0x1e3: {  	(v2sf) =	vpush v33, $0xE;
	v36 =	vshrl.u32 v55, $0x3  }
0x1e4: {  	v56 =	vshll.u32 v36, v0  }
0x1e5: {  	v33 =	vbroadcast v56, $0x0  }
0x1e6: {  	[tilespmem:v54+s17+$0x0] =	vst.idx.msk $0xffff, v34  }
0x1e7: {  	v34 =	vld [tilespmem:s9+$0x680];
	v57 =	vadd.s32 v11, v33;
	_ =	sdelay $0x4  }
0x1e8: {  	[tilespmem:v57+s17+$0x0] =	vst.idx.msk $0xffff, v34  }
0x1e9: {  	s14 =	sadd.s32 $0xFFFFFFFF, s25;
	v33 =	vadd.s32 v12, v33;
	v34 =	vld [tilespmem:s9+$0x690]  }
0x1ea: {  	v58 =	vmov s14  }
0x1eb: {  	v35 =	vshrl.u32 v58, $0x3  }
0x1ec: {  	v35 =	vshll.u32 v35, v0  }
0x1ed: {  	v35 =	vbroadcast v35, $0x0;
	s9 =	spop (v2sf)  }
0x1ee: {  	s15 =	spop (v2sf);
	[tilespmem:v33+s17+$0x0] =	vst.idx.msk $0xffff, v34  }
0x1ef: {  	v59 =	vadd.s32 v13, v35;
	v33 =	vld [tilespmem:s15+$0x700];
	_ =	sdelay $0x4  }
0x1f0: {  	[tilespmem:v59+s17+$0x0] =	vst.idx.msk $0xffff, v33  }
0x1f1: {  	v60 =	vadd.s32 v14, v35;
	v33 =	vld [tilespmem:s15+$0x710]  }
0x1f2: {  	v61 =	vmov s25  }
0x1f3: {  	v35 =	vshrl.u32 v61, $0x3  }
0x1f4: {  	v35 =	vshll.u32 v35, v0  }
0x1f5: {  	v35 =	vbroadcast v35, $0x0  }
0x1f6: {  	[tilespmem:v60+s17+$0x0] =	vst.idx.msk $0xffff, v33  }
0x1f7: {  	v62 =	vadd.s32 v15, v35;
	v33 =	vld [tilespmem:s9+$0x780];
	_ =	sdelay $0x4  }
0x1f8: {  	s8 =	sadd.s32 $0x2, s8;
	[tilespmem:v62+s17+$0x0] =	vst.idx.msk $0xffff, v33  }
0x1f9: {  	p0 =	slt.u32 s8, $0x6;
	v63 =	vadd.s32 v16, v35;
	v33 =	vld [tilespmem:s9+$0x790]  }
.Ltmp0:
0x1fa: {  	_ = 	snop;
	(pc) =	sbr.rel @p0 .LBB2_3-.Ltmp0, $3  }
0x1fb: {  	_ =	sdelay $0x1  }
0x1fc: {  	s1 =	sadd.s32 $0x20, s1  }
0x1fd: {  	s31 =	sadd.s32 $0x1000, s31;
	s25 =	sadd.s32 $0x20, s25;
	s9 =	simm.s32 $0xB590;
	[tilespmem:v63+s17+$0x0] =	vst.idx.msk $0xffff, v33  }
0x1fe: {  	s1 =	smov.u32 s24  }
.LBB2_5:
0x1ff: {  	v33 =	vld [tilespmem:s1+$0xFFFFFFF0];
	_ =	sdelay $0x4  }
0x200: {  	v33 =	vshll.u32 v33, $0x5  }
0x201: {  	v33 =	vand.u32 $0x60, v33  }
0x202: {  	v33 =	vadd.s32 s9, v33  }
0x203: {  	(v2sf) =	vpush v33, $0x1  }
0x204: {  	(v2sf) =	vpush v33, $0x0;
	_ =	sdelay $0x9  }
0x205: {  	s8 =	sadd.s32 $0xFFFFFFE1, s30  }
0x206: {  	v34 =	vmov s8  }
0x207: {  	v34 =	vshrl.u32 v34, $0x3  }
0x208: {  	v34 =	vshll.u32 v34, v0  }
0x209: {  	v34 =	vbroadcast v34, $0x0;
	s31 =	spop (v2sf)  }
0x20a: {  	s14 =	spop (v2sf)  }
0x20b: {  	v36 =	vadd.s32 v17, v34;
	v35 =	vld [tilespmem:s14+$0xFFFFF070];
	_ =	sdelay $0x4  }
0x20c: {  	[tilespmem:v36+s17+$0x0] =	vst.idx.msk $0xffff, v35  }
0x20d: {  	v54 =	vadd.s32 v18, v34;
	v35 =	vld [tilespmem:s14+$0xFFFFF080]  }
0x20e: {  	(v2sf) =	vpush v33, $0x3  }
0x20f: {  	(v2sf) =	vpush v33, $0x2;
	_ =	sdelay $0x2  }
0x210: {  	[tilespmem:v54+s17+$0x0] =	vst.idx.msk $0xffff, v35  }
0x211: {  	v55 =	vadd.s32 v19, v34;
	v35 =	vld [tilespmem:s31+$0xFFFFF0F0];
	_ =	sdelay $0x4  }
0x212: {  	[tilespmem:v55+s17+$0x0] =	vst.idx.msk $0xffff, v35  }
0x213: {  	v56 =	vadd.s32 v20, v34;
	v35 =	vld [tilespmem:s31+$0xFFFFF100];
	_ =	sdelay $0x3  }
0x214: {  	s15 =	spop (v2sf)  }
0x215: {  	s25 =	spop (v2sf);
	[tilespmem:v56+s17+$0x0] =	vst.idx.msk $0xffff, v35  }
0x216: {  	v57 =	vadd.s32 v21, v34;
	v35 =	vld [tilespmem:s25+$0xFFFFF170];
	_ =	sdelay $0x4  }
0x217: {  	[tilespmem:v57+s17+$0x0] =	vst.idx.msk $0xffff, v35  }
0x218: {  	v58 =	vadd.s32 v22, v34;
	v35 =	vld [tilespmem:s25+$0xFFFFF180]  }
0x219: {  	(v2sf) =	vpush v33, $0x5  }
0x21a: {  	(v2sf) =	vpush v33, $0x4;
	_ =	sdelay $0x2  }
0x21b: {  	[tilespmem:v58+s17+$0x0] =	vst.idx.msk $0xffff, v35  }
0x21c: {  	v59 =	vadd.s32 v23, v34;
	v35 =	vld [tilespmem:s15+$0xFFFFF1F0];
	_ =	sdelay $0x4  }
0x21d: {  	[tilespmem:v59+s17+$0x0] =	vst.idx.msk $0xffff, v35  }
0x21e: {  	v60 =	vadd.s32 v24, v34;
	v35 =	vld [tilespmem:s15+$0xFFFFF200];
	_ =	sdelay $0x3  }
0x21f: {  	s31 =	spop (v2sf)  }
0x220: {  	s15 =	spop (v2sf);
	[tilespmem:v60+s17+$0x0] =	vst.idx.msk $0xffff, v35  }
0x221: {  	v61 =	vadd.s32 v25, v34;
	v35 =	vld [tilespmem:s15+$0xFFFFF270];
	_ =	sdelay $0x4  }
0x222: {  	[tilespmem:v61+s17+$0x0] =	vst.idx.msk $0xffff, v35  }
0x223: {  	v62 =	vadd.s32 v26, v34;
	v35 =	vld [tilespmem:s15+$0xFFFFF280]  }
0x224: {  	(v2sf) =	vpush v33, $0x7  }
0x225: {  	(v2sf) =	vpush v33, $0x6;
	_ =	sdelay $0x2  }
0x226: {  	[tilespmem:v62+s17+$0x0] =	vst.idx.msk $0xffff, v35  }
0x227: {  	v63 =	vadd.s32 v27, v34;
	v35 =	vld [tilespmem:s31+$0xFFFFF2F0];
	_ =	sdelay $0x4  }
0x228: {  	[tilespmem:v63+s17+$0x0] =	vst.idx.msk $0xffff, v35  }
0x229: {  	v40 =	vadd.s32 v28, v34;
	v35 =	vld [tilespmem:s31+$0xFFFFF300];
	_ =	sdelay $0x3  }
0x22a: {  	s25 =	spop (v2sf)  }
0x22b: {  	s31 =	spop (v2sf);
	[tilespmem:v40+s17+$0x0] =	vst.idx.msk $0xffff, v35  }
0x22c: {  	v41 =	vadd.s32 v29, v34;
	v35 =	vld [tilespmem:s31+$0xFFFFF370];
	_ =	sdelay $0x4  }
0x22d: {  	[tilespmem:v41+s17+$0x0] =	vst.idx.msk $0xffff, v35  }
0x22e: {  	v42 =	vadd.s32 v30, v34;
	v35 =	vld [tilespmem:s31+$0xFFFFF380]  }
0x22f: {  	(v2sf) =	vpush v33, $0x9  }
0x230: {  	(v2sf) =	vpush v33, $0x8;
	_ =	sdelay $0x2  }
0x231: {  	[tilespmem:v42+s17+$0x0] =	vst.idx.msk $0xffff, v35  }
0x232: {  	v43 =	vadd.s32 v31, v34;
	v35 =	vld [tilespmem:s25+$0xFFFFF3F0];
	_ =	sdelay $0x4  }
0x233: {  	[tilespmem:v43+s17+$0x0] =	vst.idx.msk $0xffff, v35  }
0x234: {  	v34 =	vadd.s32 v32, v34;
	s14 =	sadd.s32 $0xFFFFFFE9, s30;
	v35 =	vld [tilespmem:s25+$0xFFFFF400]  }
0x235: {  	v44 =	vmov s14  }
0x236: {  	v36 =	vshrl.u32 v44, $0x3  }
0x237: {  	v36 =	vshll.u32 v36, v0  }
0x238: {  	v36 =	vbroadcast v36, $0x0;
	s15 =	spop (v2sf)  }
0x239: {  	s25 =	spop (v2sf);
	[tilespmem:v34+s17+$0x0] =	vst.idx.msk $0xffff, v35  }
0x23a: {  	v45 =	vadd.s32 v17, v36;
	v34 =	vld [tilespmem:s25+$0xFFFFF470];
	_ =	sdelay $0x4  }
0x23b: {  	[tilespmem:v45+s17+$0x0] =	vst.idx.msk $0xffff, v34  }
0x23c: {  	v46 =	vadd.s32 v18, v36;
	s31 =	sadd.s32 $0xFFFFFFEA, s30;
	v34 =	vld [tilespmem:s25+$0xFFFFF480]  }
0x23d: {  	(v2sf) =	vpush v33, $0xB;
	v47 =	vmov s31  }
0x23e: {  	v36 =	vshrl.u32 v47, $0x3;
	(v2sf) =	vpush v33, $0xA  }
0x23f: {  	v36 =	vshll.u32 v36, v0  }
0x240: {  	v36 =	vbroadcast v36, $0x0  }
0x241: {  	[tilespmem:v46+s17+$0x0] =	vst.idx.msk $0xffff, v34  }
0x242: {  	v48 =	vadd.s32 v19, v36;
	v34 =	vld [tilespmem:s15+$0xFFFFF4F0];
	_ =	sdelay $0x4  }
0x243: {  	[tilespmem:v48+s17+$0x0] =	vst.idx.msk $0xffff, v34  }
0x244: {  	s14 =	sadd.s32 $0xFFFFFFEB, s30;
	v49 =	vadd.s32 v20, v36;
	v34 =	vld [tilespmem:s15+$0xFFFFF500]  }
0x245: {  	v50 =	vmov s14  }
0x246: {  	v36 =	vshrl.u32 v50, $0x3  }
0x247: {  	v36 =	vshll.u32 v36, v0  }
0x248: {  	v36 =	vbroadcast v36, $0x0;
	s15 =	spop (v2sf)  }
0x249: {  	s25 =	spop (v2sf);
	[tilespmem:v49+s17+$0x0] =	vst.idx.msk $0xffff, v34  }
0x24a: {  	v51 =	vadd.s32 v21, v36;
	v34 =	vld [tilespmem:s25+$0xFFFFF570];
	_ =	sdelay $0x4  }
0x24b: {  	[tilespmem:v51+s17+$0x0] =	vst.idx.msk $0xffff, v34  }
0x24c: {  	s31 =	sadd.s32 $0xFFFFFFEC, s30;
	v52 =	vadd.s32 v22, v36;
	v34 =	vld [tilespmem:s25+$0xFFFFF580]  }
0x24d: {  	v53 =	vmov s31;
	(v2sf) =	vpush v33, $0xD  }
0x24e: {  	v36 =	vshrl.u32 v53, $0x3;
	(v2sf) =	vpush v33, $0xC  }
0x24f: {  	v36 =	vshll.u32 v36, v0  }
0x250: {  	v36 =	vbroadcast v36, $0x0  }
0x251: {  	[tilespmem:v52+s17+$0x0] =	vst.idx.msk $0xffff, v34  }
0x252: {  	v54 =	vadd.s32 v23, v36;
	v34 =	vld [tilespmem:s15+$0xFFFFF5F0];
	_ =	sdelay $0x4  }
0x253: {  	[tilespmem:v54+s17+$0x0] =	vst.idx.msk $0xffff, v34  }
0x254: {  	s14 =	sadd.s32 $0xFFFFFFED, s30;
	v55 =	vadd.s32 v24, v36;
	v34 =	vld [tilespmem:s15+$0xFFFFF600]  }
0x255: {  	v56 =	vmov s14  }
0x256: {  	v36 =	vshrl.u32 v56, $0x3  }
0x257: {  	v36 =	vshll.u32 v36, v0  }
0x258: {  	v36 =	vbroadcast v36, $0x0;
	s15 =	spop (v2sf)  }
0x259: {  	s25 =	spop (v2sf);
	[tilespmem:v55+s17+$0x0] =	vst.idx.msk $0xffff, v34  }
0x25a: {  	v57 =	vadd.s32 v25, v36;
	v34 =	vld [tilespmem:s25+$0xFFFFF670];
	_ =	sdelay $0x4  }
0x25b: {  	[tilespmem:v57+s17+$0x0] =	vst.idx.msk $0xffff, v34  }
0x25c: {  	s31 =	sadd.s32 $0xFFFFFFEE, s30;
	v58 =	vadd.s32 v26, v36;
	v34 =	vld [tilespmem:s25+$0xFFFFF680]  }
0x25d: {  	v59 =	vmov s31;
	(v2sf) =	vpush v33, $0xF  }
0x25e: {  	v36 =	vshrl.u32 v59, $0x3;
	(v2sf) =	vpush v33, $0xE  }
0x25f: {  	v60 =	vshll.u32 v36, v0  }
0x260: {  	v33 =	vbroadcast v60, $0x0  }
0x261: {  	[tilespmem:v58+s17+$0x0] =	vst.idx.msk $0xffff, v34  }
0x262: {  	v61 =	vadd.s32 v27, v33;
	v34 =	vld [tilespmem:s15+$0xFFFFF6F0];
	_ =	sdelay $0x4  }
0x263: {  	[tilespmem:v61+s17+$0x0] =	vst.idx.msk $0xffff, v34  }
0x264: {  	s14 =	sadd.s32 $0xFFFFFFEF, s30;
	v33 =	vadd.s32 v28, v33;
	v34 =	vld [tilespmem:s15+$0xFFFFF700]  }
0x265: {  	v62 =	vmov s14  }
0x266: {  	v35 =	vshrl.u32 v62, $0x3  }
0x267: {  	v35 =	vshll.u32 v35, v0  }
0x268: {  	v35 =	vbroadcast v35, $0x0;
	s15 =	spop (v2sf)  }
0x269: {  	s25 =	spop (v2sf);
	[tilespmem:v33+s17+$0x0] =	vst.idx.msk $0xffff, v34  }
0x26a: {  	v63 =	vadd.s32 v29, v35;
	v33 =	vld [tilespmem:s25+$0xFFFFF770];
	_ =	sdelay $0x4  }
0x26b: {  	[tilespmem:v63+s17+$0x0] =	vst.idx.msk $0xffff, v33  }
0x26c: {  	s31 =	sadd.s32 $0xFFFFFFF0, s30;
	v36 =	vadd.s32 v30, v35;
	v33 =	vld [tilespmem:s25+$0xFFFFF780]  }
0x26d: {  	v37 =	vmov s31  }
0x26e: {  	v35 =	vshrl.u32 v37, $0x3  }
0x26f: {  	v35 =	vshll.u32 v35, v0  }
0x270: {  	v35 =	vbroadcast v35, $0x0  }
0x271: {  	[tilespmem:v36+s17+$0x0] =	vst.idx.msk $0xffff, v33  }
0x272: {  	v38 =	vadd.s32 v31, v35;
	v33 =	vld [tilespmem:s15+$0xFFFFF7F0];
	_ =	sdelay $0x4  }
0x273: {  	[tilespmem:v38+s17+$0x0] =	vst.idx.msk $0xffff, v33  }
0x274: {  	v39 =	vadd.s32 v32, v35;
	v33 =	vld [tilespmem:s15+$0xFFFFF800];
	_ =	sdelay $0x4  }
0x275: {  	[tilespmem:v39+s17+$0x0] =	vst.idx.msk $0xffff, v33  }
0x276: {  	v33 =	vld [tilespmem:s1+$0x0];
	_ =	sdelay $0x4  }
0x277: {  	v33 =	vshll.u32 v33, $0x5  }
0x278: {  	v33 =	vand.u32 $0x60, v33  }
0x279: {  	v33 =	vadd.s32 s9, v33  }
0x27a: {  	(v2sf) =	vpush v33, $0x1  }
0x27b: {  	(v2sf) =	vpush v33, $0x0;
	_ =	sdelay $0x9  }
0x27c: {  	s14 =	sadd.s32 $0xFFFFFFF1, s30  }
0x27d: {  	v40 =	vmov s14  }
0x27e: {  	v34 =	vshrl.u32 v40, $0x3  }
0x27f: {  	v34 =	vshll.u32 v34, v0  }
0x280: {  	v34 =	vbroadcast v34, $0x0;
	s15 =	spop (v2sf)  }
0x281: {  	s25 =	spop (v2sf)  }
0x282: {  	v42 =	vadd.s32 v17, v34;
	v41 =	vld [tilespmem:s25+$0xFFFFF870];
	_ =	sdelay $0x4  }
0x283: {  	[tilespmem:v42+s17+$0x0] =	vst.idx.msk $0xffff, v41  }
0x284: {  	s31 =	sadd.s32 $0xFFFFFFF2, s30;
	v34 =	vadd.s32 v18, v34;
	v35 =	vld [tilespmem:s25+$0xFFFFF880]  }
0x285: {  	v43 =	vmov s31;
	(v2sf) =	vpush v33, $0x3  }
0x286: {  	v36 =	vshrl.u32 v43, $0x3;
	(v2sf) =	vpush v33, $0x2  }
0x287: {  	v36 =	vshll.u32 v36, v0  }
0x288: {  	v36 =	vbroadcast v36, $0x0  }
0x289: {  	[tilespmem:v34+s17+$0x0] =	vst.idx.msk $0xffff, v35  }
0x28a: {  	v44 =	vadd.s32 v19, v36;
	v34 =	vld [tilespmem:s15+$0xFFFFF8F0];
	_ =	sdelay $0x4  }
0x28b: {  	[tilespmem:v44+s17+$0x0] =	vst.idx.msk $0xffff, v34  }
0x28c: {  	s14 =	sadd.s32 $0xFFFFFFF3, s30;
	v45 =	vadd.s32 v20, v36;
	v34 =	vld [tilespmem:s15+$0xFFFFF900]  }
0x28d: {  	v46 =	vmov s14  }
0x28e: {  	v36 =	vshrl.u32 v46, $0x3  }
0x28f: {  	v36 =	vshll.u32 v36, v0  }
0x290: {  	v36 =	vbroadcast v36, $0x0;
	s15 =	spop (v2sf)  }
0x291: {  	s25 =	spop (v2sf);
	[tilespmem:v45+s17+$0x0] =	vst.idx.msk $0xffff, v34  }
0x292: {  	v47 =	vadd.s32 v21, v36;
	v34 =	vld [tilespmem:s25+$0xFFFFF970];
	_ =	sdelay $0x4  }
0x293: {  	[tilespmem:v47+s17+$0x0] =	vst.idx.msk $0xffff, v34  }
0x294: {  	s31 =	sadd.s32 $0xFFFFFFF4, s30;
	v48 =	vadd.s32 v22, v36;
	v34 =	vld [tilespmem:s25+$0xFFFFF980]  }
0x295: {  	v49 =	vmov s31;
	(v2sf) =	vpush v33, $0x5  }
0x296: {  	v36 =	vshrl.u32 v49, $0x3;
	(v2sf) =	vpush v33, $0x4  }
0x297: {  	v36 =	vshll.u32 v36, v0  }
0x298: {  	v36 =	vbroadcast v36, $0x0  }
0x299: {  	[tilespmem:v48+s17+$0x0] =	vst.idx.msk $0xffff, v34  }
0x29a: {  	v50 =	vadd.s32 v23, v36;
	v34 =	vld [tilespmem:s15+$0xFFFFF9F0];
	_ =	sdelay $0x4  }
0x29b: {  	[tilespmem:v50+s17+$0x0] =	vst.idx.msk $0xffff, v34  }
0x29c: {  	s14 =	sadd.s32 $0xFFFFFFF5, s30;
	v51 =	vadd.s32 v24, v36;
	v34 =	vld [tilespmem:s15+$0xFFFFFA00]  }
0x29d: {  	v52 =	vmov s14  }
0x29e: {  	v36 =	vshrl.u32 v52, $0x3  }
0x29f: {  	v36 =	vshll.u32 v36, v0  }
0x2a0: {  	v36 =	vbroadcast v36, $0x0;
	s15 =	spop (v2sf)  }
0x2a1: {  	s25 =	spop (v2sf);
	[tilespmem:v51+s17+$0x0] =	vst.idx.msk $0xffff, v34  }
0x2a2: {  	v53 =	vadd.s32 v25, v36;
	v34 =	vld [tilespmem:s25+$0xFFFFFA70];
	_ =	sdelay $0x4  }
0x2a3: {  	[tilespmem:v53+s17+$0x0] =	vst.idx.msk $0xffff, v34  }
0x2a4: {  	s31 =	sadd.s32 $0xFFFFFFF6, s30;
	v54 =	vadd.s32 v26, v36;
	v34 =	vld [tilespmem:s25+$0xFFFFFA80]  }
0x2a5: {  	v55 =	vmov s31;
	(v2sf) =	vpush v33, $0x7  }
0x2a6: {  	v36 =	vshrl.u32 v55, $0x3;
	(v2sf) =	vpush v33, $0x6  }
0x2a7: {  	v36 =	vshll.u32 v36, v0  }
0x2a8: {  	v36 =	vbroadcast v36, $0x0  }
0x2a9: {  	[tilespmem:v54+s17+$0x0] =	vst.idx.msk $0xffff, v34  }
0x2aa: {  	v56 =	vadd.s32 v27, v36;
	v34 =	vld [tilespmem:s15+$0xFFFFFAF0];
	_ =	sdelay $0x4  }
0x2ab: {  	[tilespmem:v56+s17+$0x0] =	vst.idx.msk $0xffff, v34  }
0x2ac: {  	s14 =	sadd.s32 $0xFFFFFFF7, s30;
	v57 =	vadd.s32 v28, v36;
	v34 =	vld [tilespmem:s15+$0xFFFFFB00]  }
0x2ad: {  	v58 =	vmov s14  }
0x2ae: {  	v36 =	vshrl.u32 v58, $0x3  }
0x2af: {  	v36 =	vshll.u32 v36, v0  }
0x2b0: {  	v36 =	vbroadcast v36, $0x0;
	s15 =	spop (v2sf)  }
0x2b1: {  	s25 =	spop (v2sf);
	[tilespmem:v57+s17+$0x0] =	vst.idx.msk $0xffff, v34  }
0x2b2: {  	v59 =	vadd.s32 v29, v36;
	v34 =	vld [tilespmem:s25+$0xFFFFFB70];
	_ =	sdelay $0x4  }
0x2b3: {  	[tilespmem:v59+s17+$0x0] =	vst.idx.msk $0xffff, v34  }
0x2b4: {  	s31 =	sadd.s32 $0xFFFFFFF8, s30;
	v60 =	vadd.s32 v30, v36;
	v34 =	vld [tilespmem:s25+$0xFFFFFB80]  }
0x2b5: {  	v61 =	vmov s31;
	(v2sf) =	vpush v33, $0x9  }
0x2b6: {  	v36 =	vshrl.u32 v61, $0x3;
	(v2sf) =	vpush v33, $0x8  }
0x2b7: {  	v36 =	vshll.u32 v36, v0  }
0x2b8: {  	v36 =	vbroadcast v36, $0x0  }
0x2b9: {  	[tilespmem:v60+s17+$0x0] =	vst.idx.msk $0xffff, v34  }
0x2ba: {  	v62 =	vadd.s32 v31, v36;
	v34 =	vld [tilespmem:s15+$0xFFFFFBF0];
	_ =	sdelay $0x4  }
0x2bb: {  	[tilespmem:v62+s17+$0x0] =	vst.idx.msk $0xffff, v34  }
0x2bc: {  	s14 =	sadd.s32 $0xFFFFFFF9, s30;
	v63 =	vadd.s32 v32, v36;
	v34 =	vld [tilespmem:s15+$0xFFFFFC00]  }
0x2bd: {  	v40 =	vmov s14  }
0x2be: {  	v36 =	vshrl.u32 v40, $0x3  }
0x2bf: {  	v36 =	vshll.u32 v36, v0  }
0x2c0: {  	v36 =	vbroadcast v36, $0x0;
	s15 =	spop (v2sf)  }
0x2c1: {  	s25 =	spop (v2sf);
	[tilespmem:v63+s17+$0x0] =	vst.idx.msk $0xffff, v34  }
0x2c2: {  	v41 =	vadd.s32 v17, v36;
	v34 =	vld [tilespmem:s25+$0xFFFFFC70];
	_ =	sdelay $0x4  }
0x2c3: {  	[tilespmem:v41+s17+$0x0] =	vst.idx.msk $0xffff, v34  }
0x2c4: {  	s31 =	sadd.s32 $0xFFFFFFFA, s30;
	v42 =	vadd.s32 v18, v36;
	v34 =	vld [tilespmem:s25+$0xFFFFFC80]  }
0x2c5: {  	v43 =	vmov s31;
	(v2sf) =	vpush v33, $0xB  }
0x2c6: {  	v36 =	vshrl.u32 v43, $0x3;
	(v2sf) =	vpush v33, $0xA  }
0x2c7: {  	v36 =	vshll.u32 v36, v0  }
0x2c8: {  	v36 =	vbroadcast v36, $0x0  }
0x2c9: {  	[tilespmem:v42+s17+$0x0] =	vst.idx.msk $0xffff, v34  }
0x2ca: {  	v44 =	vadd.s32 v19, v36;
	v34 =	vld [tilespmem:s15+$0xFFFFFCF0];
	_ =	sdelay $0x4  }
0x2cb: {  	[tilespmem:v44+s17+$0x0] =	vst.idx.msk $0xffff, v34  }
0x2cc: {  	s14 =	sadd.s32 $0xFFFFFFFB, s30;
	v45 =	vadd.s32 v20, v36;
	v34 =	vld [tilespmem:s15+$0xFFFFFD00]  }
0x2cd: {  	v46 =	vmov s14  }
0x2ce: {  	v36 =	vshrl.u32 v46, $0x3  }
0x2cf: {  	v36 =	vshll.u32 v36, v0  }
0x2d0: {  	v36 =	vbroadcast v36, $0x0;
	s15 =	spop (v2sf)  }
0x2d1: {  	s25 =	spop (v2sf);
	[tilespmem:v45+s17+$0x0] =	vst.idx.msk $0xffff, v34  }
0x2d2: {  	v47 =	vadd.s32 v21, v36;
	v34 =	vld [tilespmem:s25+$0xFFFFFD70];
	_ =	sdelay $0x4  }
0x2d3: {  	[tilespmem:v47+s17+$0x0] =	vst.idx.msk $0xffff, v34  }
0x2d4: {  	s31 =	sadd.s32 $0xFFFFFFFC, s30;
	v48 =	vadd.s32 v22, v36;
	v34 =	vld [tilespmem:s25+$0xFFFFFD80]  }
0x2d5: {  	v49 =	vmov s31;
	(v2sf) =	vpush v33, $0xD  }
0x2d6: {  	v36 =	vshrl.u32 v49, $0x3;
	(v2sf) =	vpush v33, $0xC  }
0x2d7: {  	v36 =	vshll.u32 v36, v0  }
0x2d8: {  	v36 =	vbroadcast v36, $0x0  }
0x2d9: {  	[tilespmem:v48+s17+$0x0] =	vst.idx.msk $0xffff, v34  }
0x2da: {  	v50 =	vadd.s32 v23, v36;
	v34 =	vld [tilespmem:s15+$0xFFFFFDF0];
	_ =	sdelay $0x4  }
0x2db: {  	[tilespmem:v50+s17+$0x0] =	vst.idx.msk $0xffff, v34  }
0x2dc: {  	s14 =	sadd.s32 $0xFFFFFFFD, s30;
	v51 =	vadd.s32 v24, v36;
	v34 =	vld [tilespmem:s15+$0xFFFFFE00]  }
0x2dd: {  	v52 =	vmov s14  }
0x2de: {  	v36 =	vshrl.u32 v52, $0x3  }
0x2df: {  	v36 =	vshll.u32 v36, v0  }
0x2e0: {  	v36 =	vbroadcast v36, $0x0;
	s15 =	spop (v2sf)  }
0x2e1: {  	s25 =	spop (v2sf);
	[tilespmem:v51+s17+$0x0] =	vst.idx.msk $0xffff, v34  }
0x2e2: {  	v53 =	vadd.s32 v25, v36;
	v34 =	vld [tilespmem:s25+$0xFFFFFE70];
	_ =	sdelay $0x4  }
0x2e3: {  	[tilespmem:v53+s17+$0x0] =	vst.idx.msk $0xffff, v34  }
0x2e4: {  	s31 =	sadd.s32 $0xFFFFFFFE, s30;
	v54 =	vadd.s32 v26, v36;
	v34 =	vld [tilespmem:s25+$0xFFFFFE80]  }
0x2e5: {  	v55 =	vmov s31;
	(v2sf) =	vpush v33, $0xF  }
0x2e6: {  	v36 =	vshrl.u32 v55, $0x3;
	(v2sf) =	vpush v33, $0xE  }
0x2e7: {  	v56 =	vshll.u32 v36, v0  }
0x2e8: {  	v33 =	vbroadcast v56, $0x0  }
0x2e9: {  	[tilespmem:v54+s17+$0x0] =	vst.idx.msk $0xffff, v34  }
0x2ea: {  	v57 =	vadd.s32 v27, v33;
	v34 =	vld [tilespmem:s15+$0xFFFFFEF0];
	_ =	sdelay $0x4  }
0x2eb: {  	[tilespmem:v57+s17+$0x0] =	vst.idx.msk $0xffff, v34  }
0x2ec: {  	v33 =	vadd.s32 v28, v33;
	v34 =	vld [tilespmem:s15+$0xFFFFFF00];
	s15 =	sadd.s32 $0xFFFFFFFF, s30  }
0x2ed: {  	v58 =	vmov s15  }
0x2ee: {  	v35 =	vshrl.u32 v58, $0x3  }
0x2ef: {  	v35 =	vshll.u32 v35, v0  }
0x2f0: {  	s25 =	spop (v2sf);
	v35 =	vbroadcast v35, $0x0  }
0x2f1: {  	s31 =	spop (v2sf);
	[tilespmem:v33+s17+$0x0] =	vst.idx.msk $0xffff, v34  }
0x2f2: {  	v33 =	vld [tilespmem:s31+$0xFFFFFF70];
	v59 =	vadd.s32 v29, v35;
	_ =	sdelay $0x4  }
0x2f3: {  	[tilespmem:v59+s17+$0x0] =	vst.idx.msk $0xffff, v33  }
0x2f4: {  	v60 =	vadd.s32 v30, v35;
	v33 =	vld [tilespmem:s31+$0xFFFFFF80]  }
0x2f5: {  	v61 =	vmov s30  }
0x2f6: {  	v35 =	vshrl.u32 v61, $0x3  }
0x2f7: {  	v35 =	vshll.u32 v35, v0  }
0x2f8: {  	v35 =	vbroadcast v35, $0x0  }
0x2f9: {  	[tilespmem:v60+s17+$0x0] =	vst.idx.msk $0xffff, v33  }
0x2fa: {  	v62 =	vadd.s32 v31, v35;
	v33 =	vld [tilespmem:s25+$0xFFFFFFF0];
	_ =	sdelay $0x4  }
0x2fb: {  	s29 =	sadd.s32 $0x2, s29;
	[tilespmem:v62+s17+$0x0] =	vst.idx.msk $0xffff, v33  }
0x2fc: {  	p0 =	slt.u32 s29, $0x6;
	v63 =	vadd.s32 v32, v35;
	v33 =	vld [tilespmem:s25+$0x0]  }
.Ltmp1:
0x2fd: {  	_ = 	snop;
	(pc) =	sbr.rel @p0 .LBB2_5-.Ltmp1, $2  }
0x2fe: {  	_ =	sdelay $0x2  }
0x2ff: {  	s1 =	sadd.s32 $0x20, s1;
	s9 =	sadd.s32 $0x1000, s9;
	s30 =	sadd.s32 $0x20, s30;
	[tilespmem:v63+s17+$0x0] =	vst.idx.msk $0xffff, v33  }
0x300: {  	s29 =	sshll.u32 s28, $0x10  }
0x301: {  	s1 =	simm.s32 $0x16600;
	s8 =	sadd.s32 s29, s4  }
0x302: {  	[hbm4b:s8+s2] =	stream.linear.scatter [tilespmem:s1], [sflag:$0x3], $0x80, $0x38;
	[tilespmem:$0x1BB00] =	vst v63  }
0x303: {  	s15 =	simm.s32 $0x16688;
	s9 =	sadd.s32 $0x10, s8  }
0x304: {  	[hbm4b:s9+s2] =	stream.linear.scatter [tilespmem:s15], [sflag:$0x3], $0x80, $0x38;
	[tilespmem:$0x1BB00] =	vst v63  }
0x305: {  	s25 =	simm.s32 $0x16710;
	s31 =	sadd.s32 $0x20, s8  }
0x306: {  	[hbm4b:s31+s2] =	stream.linear.scatter [tilespmem:s25], [sflag:$0x3], $0x80, $0x38;
	[tilespmem:$0x1BB00] =	vst v63  }
0x307: {  	s14 =	simm.s32 $0x16798;
	s15 =	sadd.s32 $0x30, s8  }
0x308: {  	[hbm4b:s15+s2] =	stream.linear.scatter [tilespmem:s14], [sflag:$0x3], $0x80, $0x38;
	[tilespmem:$0x1BB00] =	vst v63  }
0x309: {  	s25 =	simm.s32 $0x16820;
	s31 =	sadd.s32 $0x40, s8  }
0x30a: {  	[hbm4b:s31+s2] =	stream.linear.scatter [tilespmem:s25], [sflag:$0x3], $0x80, $0x38;
	[tilespmem:$0x1BB00] =	vst v63  }
0x30b: {  	s14 =	simm.s32 $0x168A8;
	s15 =	sadd.s32 $0x50, s8  }
0x30c: {  	[hbm4b:s15+s2] =	stream.linear.scatter [tilespmem:s14], [sflag:$0x3], $0x80, $0x38;
	[tilespmem:$0x1BB00] =	vst v63  }
0x30d: {  	s25 =	simm.s32 $0x16930;
	s31 =	sadd.s32 $0x60, s8  }
0x30e: {  	[hbm4b:s31+s2] =	stream.linear.scatter [tilespmem:s25], [sflag:$0x3], $0x80, $0x38;
	[tilespmem:$0x1BB00] =	vst v63  }
0x30f: {  	s14 =	simm.s32 $0x169B8;
	s15 =	sadd.s32 $0x70, s8  }
0x310: {  	[hbm4b:s15+s2] =	stream.linear.scatter [tilespmem:s14], [sflag:$0x3], $0x80, $0x38;
	[tilespmem:$0x1BB00] =	vst v63  }
0x311: {  	s25 =	simm.s32 $0x16B50;
	s31 =	sadd.s32 $0x80, s8  }
0x312: {  	[hbm4b:s31+s2] =	stream.linear.scatter [tilespmem:s25], [sflag:$0x3], $0x80, $0x38;
	[tilespmem:$0x1BB00] =	vst v63  }
0x313: {  	s14 =	simm.s32 $0x16BD8;
	s15 =	sadd.s32 $0x90, s8  }
0x314: {  	[hbm4b:s15+s2] =	stream.linear.scatter [tilespmem:s14], [sflag:$0x3], $0x80, $0x38;
	[tilespmem:$0x1BB00] =	vst v63  }
0x315: {  	s25 =	simm.s32 $0x16C60;
	s31 =	sadd.s32 $0xA0, s8  }
0x316: {  	[hbm4b:s31+s2] =	stream.linear.scatter [tilespmem:s25], [sflag:$0x3], $0x80, $0x38;
	[tilespmem:$0x1BB00] =	vst v63  }
0x317: {  	s14 =	simm.s32 $0x16CE8;
	s15 =	sadd.s32 $0xB0, s8  }
0x318: {  	[hbm4b:s15+s2] =	stream.linear.scatter [tilespmem:s14], [sflag:$0x3], $0x80, $0x38;
	[tilespmem:$0x1BB00] =	vst v63  }
0x319: {  	s25 =	simm.s32 $0x16D70;
	s31 =	sadd.s32 $0xC0, s8  }
0x31a: {  	[hbm4b:s31+s2] =	stream.linear.scatter [tilespmem:s25], [sflag:$0x3], $0x80, $0x38;
	[tilespmem:$0x1BB00] =	vst v63  }
0x31b: {  	s1 =	simm.s32 $0xAA0;
	s14 =	simm.s32 $0x16DF8;
	s15 =	sadd.s32 $0xD0, s8  }
0x31c: {  	[hbm4b:s15+s2] =	stream.linear.scatter [tilespmem:s14], [sflag:$0x3], $0x80, $0x38;
	[tilespmem:$0x1BB00] =	vst v63  }
0x31d: {  	s30 =	sadd.s32 $0xF0, s8;
	s25 =	simm.s32 $0x16E80;
	s31 =	sadd.s32 $0xE0, s8  }
0x31e: {  	[hbm4b:s31+s2] =	stream.linear.scatter [tilespmem:s25], [sflag:$0x3], $0x80, $0x38;
	[tilespmem:$0x1BB00] =	vst v63  }
0x31f: {  	s9 =	simm.s32 $0x16F08;
	s8 =	sadd.s32 $0x4000, s8;
	s25 =	simm.s32 $0x5500  }
.LBB2_7:
0x320: {  	[hbm4b:s30+s2] =	stream.linear.scatter [tilespmem:s9], [sflag:$0x3], $0x80, $0x38;
	[tilespmem:$0x1BB00] =	vst v63  }
0x321: {  	s9 =	smov.u32 s1;
	s1 =	smov.u32 s25  }
0x322: {  	s14 =	sadd.s32 $0x2A80, s25;
	s1 =	sshra.s32 s1, $0x2;
	s30 =	sadd.s32 $0x16600, s9  }
0x323: {  	[hbm4b:s8+s2] =	stream.linear.scatter [tilespmem:s30], [sflag:$0x3], $0x80, $0x38;
	[tilespmem:$0x1BB00] =	vst v63  }
0x324: {  	p0 =	sne.s32 s25, $0x7F80;
	s25 =	sadd.s32 $0x16688, s9;
	s30 =	sadd.s32 $0x10, s8  }
0x325: {  	[hbm4b:s30+s2] =	stream.linear.scatter [tilespmem:s25], [sflag:$0x3], $0x80, $0x38;
	[tilespmem:$0x1BB00] =	vst v63  }
0x326: {  	s25 =	sadd.s32 $0x16710, s9;
	s30 =	sadd.s32 $0x20, s8  }
0x327: {  	[hbm4b:s30+s2] =	stream.linear.scatter [tilespmem:s25], [sflag:$0x3], $0x80, $0x38;
	[tilespmem:$0x1BB00] =	vst v63  }
0x328: {  	s25 =	sadd.s32 $0x16798, s9;
	s30 =	sadd.s32 $0x30, s8  }
0x329: {  	[hbm4b:s30+s2] =	stream.linear.scatter [tilespmem:s25], [sflag:$0x3], $0x80, $0x38;
	[tilespmem:$0x1BB00] =	vst v63  }
0x32a: {  	s25 =	sadd.s32 $0x16820, s9;
	s30 =	sadd.s32 $0x40, s8  }
0x32b: {  	[hbm4b:s30+s2] =	stream.linear.scatter [tilespmem:s25], [sflag:$0x3], $0x80, $0x38;
	[tilespmem:$0x1BB00] =	vst v63  }
0x32c: {  	s25 =	sadd.s32 $0x168A8, s9;
	s30 =	sadd.s32 $0x50, s8  }
0x32d: {  	[hbm4b:s30+s2] =	stream.linear.scatter [tilespmem:s25], [sflag:$0x3], $0x80, $0x38;
	[tilespmem:$0x1BB00] =	vst v63  }
0x32e: {  	s25 =	sadd.s32 $0x16930, s9;
	s30 =	sadd.s32 $0x60, s8  }
0x32f: {  	[hbm4b:s30+s2] =	stream.linear.scatter [tilespmem:s25], [sflag:$0x3], $0x80, $0x38;
	[tilespmem:$0x1BB00] =	vst v63  }
0x330: {  	s25 =	sadd.s32 $0x169B8, s9;
	s30 =	sadd.s32 $0x70, s8  }
0x331: {  	[hbm4b:s30+s2] =	stream.linear.scatter [tilespmem:s25], [sflag:$0x3], $0x80, $0x38;
	[tilespmem:$0x1BB00] =	vst v63  }
0x332: {  	s25 =	sadd.s32 $0x16B50, s9;
	s30 =	sadd.s32 $0x80, s8  }
0x333: {  	[hbm4b:s30+s2] =	stream.linear.scatter [tilespmem:s25], [sflag:$0x3], $0x80, $0x38;
	[tilespmem:$0x1BB00] =	vst v63  }
0x334: {  	s25 =	sadd.s32 $0x16BD8, s9;
	s30 =	sadd.s32 $0x90, s8  }
0x335: {  	[hbm4b:s30+s2] =	stream.linear.scatter [tilespmem:s25], [sflag:$0x3], $0x80, $0x38;
	[tilespmem:$0x1BB00] =	vst v63  }
0x336: {  	s25 =	sadd.s32 $0x16C60, s9;
	s30 =	sadd.s32 $0xA0, s8  }
0x337: {  	[hbm4b:s30+s2] =	stream.linear.scatter [tilespmem:s25], [sflag:$0x3], $0x80, $0x38;
	[tilespmem:$0x1BB00] =	vst v63  }
0x338: {  	s25 =	sadd.s32 $0x16CE8, s9;
	s30 =	sadd.s32 $0xB0, s8  }
0x339: {  	[hbm4b:s30+s2] =	stream.linear.scatter [tilespmem:s25], [sflag:$0x3], $0x80, $0x38;
	[tilespmem:$0x1BB00] =	vst v63  }
0x33a: {  	s25 =	sadd.s32 $0x16D70, s9;
	s30 =	sadd.s32 $0xC0, s8  }
0x33b: {  	[hbm4b:s30+s2] =	stream.linear.scatter [tilespmem:s25], [sflag:$0x3], $0x80, $0x38;
	[tilespmem:$0x1BB00] =	vst v63  }
.Ltmp2:
0x33c: {  	s25 =	sadd.s32 $0x16DF8, s9;
	s30 =	sadd.s32 $0xD0, s8;
	(pc) =	sbr.rel @p0 .LBB2_7-.Ltmp2, $4  }
0x33d: {  	[hbm4b:s30+s2] =	stream.linear.scatter [tilespmem:s25], [sflag:$0x3], $0x80, $0x38;
	[tilespmem:$0x1BB00] =	vst v63  }
0x33e: {  	s25 =	sadd.s32 $0x16E80, s9;
	s30 =	sadd.s32 $0xE0, s8;
	s9 =	sadd.s32 $0x16F08, s9  }
0x33f: {  	[hbm4b:s30+s2] =	stream.linear.scatter [tilespmem:s25], [sflag:$0x3], $0x80, $0x38;
	[tilespmem:$0x1BB00] =	vst v63  }
0x340: {  	s30 =	sadd.s32 $0xF0, s8;
	s8 =	sadd.s32 $0x4000, s8;
	s25 =	smov.u32 s14  }
0x341: {  	[hbm4b:s30+s2] =	stream.linear.scatter [tilespmem:s9], [sflag:$0x3], $0x80, $0x38;
	[tilespmem:$0x1BB00] =	vst v63  }
0x342: {  	s30 =	sadd.s32 $0x16600, s1  }
0x343: {  	[hbm4b:s8+s2] =	stream.linear.scatter [tilespmem:s30], [sflag:$0x3], $0x80, $0x38;
	[tilespmem:$0x1BB00] =	vst v63  }
0x344: {  	s31 =	sadd.s32 $0x16688, s1;
	s14 =	sadd.s32 $0x10, s8  }
0x345: {  	[hbm4b:s14+s2] =	stream.linear.scatter [tilespmem:s31], [sflag:$0x3], $0x80, $0x38;
	[tilespmem:$0x1BB00] =	vst v63  }
0x346: {  	s15 =	sadd.s32 $0x16710, s1;
	s25 =	sadd.s32 $0x20, s8  }
0x347: {  	[hbm4b:s25+s2] =	stream.linear.scatter [tilespmem:s15], [sflag:$0x3], $0x80, $0x38;
	[tilespmem:$0x1BB00] =	vst v63  }
0x348: {  	s30 =	sadd.s32 $0x16798, s1;
	s31 =	sadd.s32 $0x30, s8  }
0x349: {  	[hbm4b:s31+s2] =	stream.linear.scatter [tilespmem:s30], [sflag:$0x3], $0x80, $0x38;
	[tilespmem:$0x1BB00] =	vst v63  }
0x34a: {  	s15 =	sadd.s32 $0x16820, s1;
	s25 =	sadd.s32 $0x40, s8  }
0x34b: {  	[hbm4b:s25+s2] =	stream.linear.scatter [tilespmem:s15], [sflag:$0x3], $0x80, $0x38;
	[tilespmem:$0x1BB00] =	vst v63  }
0x34c: {  	s30 =	sadd.s32 $0x168A8, s1;
	s31 =	sadd.s32 $0x50, s8  }
0x34d: {  	[hbm4b:s31+s2] =	stream.linear.scatter [tilespmem:s30], [sflag:$0x3], $0x80, $0x38;
	[tilespmem:$0x1BB00] =	vst v63  }
0x34e: {  	s15 =	sadd.s32 $0x16930, s1;
	s25 =	sadd.s32 $0x60, s8  }
0x34f: {  	[hbm4b:s25+s2] =	stream.linear.scatter [tilespmem:s15], [sflag:$0x3], $0x80, $0x38;
	[tilespmem:$0x1BB00] =	vst v63  }
0x350: {  	s30 =	sadd.s32 $0x169B8, s1;
	s31 =	sadd.s32 $0x70, s8  }
0x351: {  	[hbm4b:s31+s2] =	stream.linear.scatter [tilespmem:s30], [sflag:$0x3], $0x80, $0x38;
	[tilespmem:$0x1BB00] =	vst v63  }
0x352: {  	s15 =	sadd.s32 $0x16B50, s1;
	s25 =	sadd.s32 $0x80, s8  }
0x353: {  	[hbm4b:s25+s2] =	stream.linear.scatter [tilespmem:s15], [sflag:$0x3], $0x80, $0x38;
	[tilespmem:$0x1BB00] =	vst v63  }
0x354: {  	s30 =	sadd.s32 $0x16BD8, s1;
	s31 =	sadd.s32 $0x90, s8  }
0x355: {  	[hbm4b:s31+s2] =	stream.linear.scatter [tilespmem:s30], [sflag:$0x3], $0x80, $0x38;
	[tilespmem:$0x1BB00] =	vst v63  }
0x356: {  	s15 =	sadd.s32 $0x16C60, s1;
	s25 =	sadd.s32 $0xA0, s8  }
0x357: {  	[hbm4b:s25+s2] =	stream.linear.scatter [tilespmem:s15], [sflag:$0x3], $0x80, $0x38;
	[tilespmem:$0x1BB00] =	vst v63  }
0x358: {  	s30 =	sadd.s32 $0x16CE8, s1;
	s31 =	sadd.s32 $0xB0, s8  }
0x359: {  	[hbm4b:s31+s2] =	stream.linear.scatter [tilespmem:s30], [sflag:$0x3], $0x80, $0x38;
	[tilespmem:$0x1BB00] =	vst v63  }
0x35a: {  	s15 =	sadd.s32 $0x16D70, s1;
	s25 =	sadd.s32 $0xC0, s8  }
0x35b: {  	[hbm4b:s25+s2] =	stream.linear.scatter [tilespmem:s15], [sflag:$0x3], $0x80, $0x38;
	[tilespmem:$0x1BB00] =	vst v63  }
0x35c: {  	p0 =	seq.s32 s28, $0x31;
	s30 =	sadd.s32 $0x16DF8, s1;
	s31 =	sadd.s32 $0xD0, s8  }
0x35d: {  	[hbm4b:s31+s2] =	stream.linear.scatter [tilespmem:s30], [sflag:$0x3], $0x80, $0x38;
	[tilespmem:$0x1BB00] =	vst v63  }
.Ltmp3:
0x35e: {  	_ = 	snop;
	(pc) =	sbr.rel @!p0 .LBB2_9-.Ltmp3, $4  }
0x35f: {  	s15 =	sadd.s32 $0x16E80, s1;
	s25 =	sadd.s32 $0xE0, s8  }
0x360: {  	[hbm4b:s25+s2] =	stream.linear.scatter [tilespmem:s15], [sflag:$0x3], $0x80, $0x38;
	[tilespmem:$0x1BB00] =	vst v63  }
0x361: {  	s28 =	sadd.s32 $0x1, s28;
	s30 =	sadd.s32 $0x16F08, s1;
	s31 =	sadd.s32 $0xF0, s8  }
0x362: {  	[hbm4b:s31+s2] =	stream.linear.scatter [tilespmem:s30], [sflag:$0x3], $0x80, $0x38;
	[tilespmem:$0x1BB00] =	vst v63  }
.Ltmp4:
0x363: {  	(pc) =	sbr.rel .LBB2_11-.Ltmp4, $4  }
0x364: {  	_ = 	snop  }
0x365: {  	_ =	swait.ge [sflag:s18], $0x8000  }
0x366: {  	[sflag:s18] =	ssyncset.done $0x0  }
0x367: {  	[sflag:s18] =	ssyncadd.s32 $0xFFFF8000  }
.LBB2_9:
0x368: {  	s1 =	sshll.u32 s28, $0x9  }
0x369: {  	s1 =	sand.u32 $0x3FFFFE00, s1  }
0x36a: {  	v33 =	vld [tilespmem:s1+$0x0];
	_ =	sdelay $0x4  }
0x36b: {  	v33 =	vshrl.u32 v33, $0x2  }
0x36c: {  	[tilespmem:$0x6400] =	vst v33  }
0x36d: {  	v33 =	vld [tilespmem:s1+$0x10];
	_ =	sdelay $0x4  }
0x36e: {  	v33 =	vshrl.u32 v33, $0x2  }
0x36f: {  	[tilespmem:$0x6410] =	vst v33  }
0x370: {  	v33 =	vld [tilespmem:s1+$0x20];
	_ =	sdelay $0x4  }
0x371: {  	v33 =	vshrl.u32 v33, $0x2  }
0x372: {  	[tilespmem:$0x6420] =	vst v33  }
0x373: {  	v33 =	vld [tilespmem:s1+$0x30];
	_ =	sdelay $0x4  }
0x374: {  	v33 =	vshrl.u32 v33, $0x2  }
0x375: {  	[tilespmem:$0x6430] =	vst v33  }
0x376: {  	v33 =	vld [tilespmem:s1+$0x40];
	_ =	sdelay $0x4  }
0x377: {  	v33 =	vshrl.u32 v33, $0x2  }
0x378: {  	[tilespmem:$0x6440] =	vst v33  }
0x379: {  	v33 =	vld [tilespmem:s1+$0x50];
	_ =	sdelay $0x4  }
0x37a: {  	v33 =	vshrl.u32 v33, $0x2  }
0x37b: {  	[tilespmem:$0x6450] =	vst v33  }
0x37c: {  	v33 =	vld [tilespmem:s1+$0x60];
	_ =	sdelay $0x4  }
0x37d: {  	v33 =	vshrl.u32 v33, $0x2  }
0x37e: {  	[tilespmem:$0x6460] =	vst v33  }
0x37f: {  	v33 =	vld [tilespmem:s1+$0x70];
	_ =	sdelay $0x4  }
0x380: {  	v33 =	vshrl.u32 v33, $0x2  }
0x381: {  	[tilespmem:$0x6470] =	vst v33  }
0x382: {  	v33 =	vld [tilespmem:s1+$0x80];
	_ =	sdelay $0x4  }
0x383: {  	v33 =	vshrl.u32 v33, $0x2  }
0x384: {  	[tilespmem:$0x6480] =	vst v33  }
0x385: {  	v33 =	vld [tilespmem:s1+$0x90];
	_ =	sdelay $0x4  }
0x386: {  	v33 =	vshrl.u32 v33, $0x2  }
0x387: {  	[tilespmem:$0x6490] =	vst v33  }
0x388: {  	v33 =	vld [tilespmem:s1+$0xA0];
	_ =	sdelay $0x4  }
0x389: {  	v33 =	vshrl.u32 v33, $0x2  }
0x38a: {  	[tilespmem:$0x64A0] =	vst v33  }
0x38b: {  	v33 =	vld [tilespmem:s1+$0xB0];
	_ =	sdelay $0x4  }
0x38c: {  	v33 =	vshrl.u32 v33, $0x2  }
0x38d: {  	[tilespmem:$0x64B0] =	vst v33  }
0x38e: {  	v33 =	vld [tilespmem:s1+$0xC0];
	_ =	sdelay $0x4  }
0x38f: {  	v33 =	vshrl.u32 v33, $0x2  }
0x390: {  	[tilespmem:$0x64C0] =	vst v33  }
0x391: {  	v33 =	vld [tilespmem:s1+$0xD0];
	_ =	sdelay $0x4  }
0x392: {  	v33 =	vshrl.u32 v33, $0x2  }
0x393: {  	[tilespmem:$0x64D0] =	vst v33  }
0x394: {  	v33 =	vld [tilespmem:s1+$0xE0];
	_ =	sdelay $0x4  }
0x395: {  	v33 =	vshrl.u32 v33, $0x2  }
0x396: {  	[tilespmem:$0x64E0] =	vst v33  }
0x397: {  	v33 =	vld [tilespmem:s1+$0xF0];
	_ =	sdelay $0x4  }
0x398: {  	v33 =	vshrl.u32 v33, $0x2  }
.Ltmp5:
0x399: {  	[tilespmem:$0x64F0] =	vst v33;
	(pc) =	sbr.rel @p1 .LBB2_12-.Ltmp5, $4  }
0x39a: {  	[tilespmem:s13], [sflag:$0x1] =	stream.indirect.gather [hbm4b:s3+s11], $0x80, s12, s11, $0xb8;
	[tilespmem:$0x1BB00] =	vst v63  }
0x39b: {  	_ =	swait.ge [sflag:s18], $0x8000  }
0x39c: {  	[sflag:s18] =	ssyncset.done $0x0  }
0x39d: {  	[sflag:s18] =	ssyncadd.s32 $0xFFFF8000  }
.LBB2_11:
0x39e: {  	_ =	swait.ge [sflag:s19], $0x2000  }
0x39f: {  	[sflag:s19] =	ssyncset.done $0x0  }
0x3a0: {  	[sflag:s19] =	ssyncadd.s32 $0xFFFFE000  }
.LBB2_12:
0x3a1: {  	s30 =	simm.s32 $0xFFFFFFFE;
	s1 =	simm.s32 $0xEE00;
	s31 =	simm.s32 $0x1F  }
0x3a2: {  	s25 =	smov.u32 s0;
	s8 =	simm.s32 $0x1F;
	s9 =	simm.s32 $0xFFFFFFFE  }
.LBB2_13:
0x3a3: {  	v33 =	vld [tilespmem:s25+$0xFFFFFFF0];
	_ =	sdelay $0x4  }
0x3a4: {  	v33 =	vshll.u32 v33, $0x5  }
0x3a5: {  	v33 =	vand.u32 $0x60, v33  }
0x3a6: {  	v33 =	vadd.s32 s1, v33  }
0x3a7: {  	(v2sf) =	vpush v33, $0x1  }
0x3a8: {  	(v2sf) =	vpush v33, $0x0;
	_ =	sdelay $0x9  }
0x3a9: {  	s14 =	sadd.s32 $0xFFFFFFE1, s8  }
0x3aa: {  	v34 =	vmov s14  }
0x3ab: {  	v34 =	vshrl.u32 v34, $0x3  }
0x3ac: {  	v34 =	vshll.u32 v34, v0  }
0x3ad: {  	v34 =	vbroadcast v34, $0x0;
	s14 =	spop (v2sf)  }
0x3ae: {  	s15 =	spop (v2sf)  }
0x3af: {  	v36 =	vadd.s32 v1, v34;
	v35 =	vld [tilespmem:s15+$0xFFFFF800];
	_ =	sdelay $0x4  }
0x3b0: {  	[tilespmem:v36+s20+$0x0] =	vst.idx.msk $0xffff, v35  }
0x3b1: {  	v34 =	vadd.s32 v2, v34;
	v35 =	vld [tilespmem:s15+$0xFFFFF810];
	s15 =	sadd.s32 $0xFFFFFFE2, s8  }
0x3b2: {  	(v2sf) =	vpush v33, $0x3;
	v48 =	vmov s15  }
0x3b3: {  	(v2sf) =	vpush v33, $0x2;
	v36 =	vshrl.u32 v48, $0x3  }
0x3b4: {  	v36 =	vshll.u32 v36, v0  }
0x3b5: {  	v36 =	vbroadcast v36, $0x0  }
0x3b6: {  	[tilespmem:v34+s20+$0x0] =	vst.idx.msk $0xffff, v35  }
0x3b7: {  	v34 =	vld [tilespmem:s14+$0xFFFFF880];
	v49 =	vadd.s32 v3, v36;
	_ =	sdelay $0x4  }
0x3b8: {  	[tilespmem:v49+s20+$0x0] =	vst.idx.msk $0xffff, v34  }
0x3b9: {  	s15 =	sadd.s32 $0xFFFFFFE3, s8;
	v50 =	vadd.s32 v4, v36;
	v34 =	vld [tilespmem:s14+$0xFFFFF890]  }
0x3ba: {  	v51 =	vmov s15  }
0x3bb: {  	v36 =	vshrl.u32 v51, $0x3  }
0x3bc: {  	v36 =	vshll.u32 v36, v0  }
0x3bd: {  	v36 =	vbroadcast v36, $0x0;
	s14 =	spop (v2sf)  }
0x3be: {  	s15 =	spop (v2sf);
	[tilespmem:v50+s20+$0x0] =	vst.idx.msk $0xffff, v34  }
0x3bf: {  	v52 =	vadd.s32 v5, v36;
	v34 =	vld [tilespmem:s15+$0xFFFFF900];
	_ =	sdelay $0x4  }
0x3c0: {  	[tilespmem:v52+s20+$0x0] =	vst.idx.msk $0xffff, v34  }
0x3c1: {  	v53 =	vadd.s32 v6, v36;
	v34 =	vld [tilespmem:s15+$0xFFFFF910];
	s15 =	sadd.s32 $0xFFFFFFE4, s8  }
0x3c2: {  	(v2sf) =	vpush v33, $0x5;
	v54 =	vmov s15  }
0x3c3: {  	(v2sf) =	vpush v33, $0x4;
	v36 =	vshrl.u32 v54, $0x3  }
0x3c4: {  	v36 =	vshll.u32 v36, v0  }
0x3c5: {  	v36 =	vbroadcast v36, $0x0  }
0x3c6: {  	[tilespmem:v53+s20+$0x0] =	vst.idx.msk $0xffff, v34  }
0x3c7: {  	v34 =	vld [tilespmem:s14+$0xFFFFF980];
	v55 =	vadd.s32 v7, v36;
	_ =	sdelay $0x4  }
0x3c8: {  	[tilespmem:v55+s20+$0x0] =	vst.idx.msk $0xffff, v34  }
0x3c9: {  	s15 =	sadd.s32 $0xFFFFFFE5, s8;
	v56 =	vadd.s32 v8, v36;
	v34 =	vld [tilespmem:s14+$0xFFFFF990]  }
0x3ca: {  	v57 =	vmov s15  }
0x3cb: {  	v36 =	vshrl.u32 v57, $0x3  }
0x3cc: {  	v36 =	vshll.u32 v36, v0  }
0x3cd: {  	v36 =	vbroadcast v36, $0x0;
	s14 =	spop (v2sf)  }
0x3ce: {  	s15 =	spop (v2sf);
	[tilespmem:v56+s20+$0x0] =	vst.idx.msk $0xffff, v34  }
0x3cf: {  	v58 =	vadd.s32 v9, v36;
	v34 =	vld [tilespmem:s15+$0xFFFFFA00];
	_ =	sdelay $0x4  }
0x3d0: {  	[tilespmem:v58+s20+$0x0] =	vst.idx.msk $0xffff, v34  }
0x3d1: {  	v59 =	vadd.s32 v10, v36;
	v34 =	vld [tilespmem:s15+$0xFFFFFA10];
	s15 =	sadd.s32 $0xFFFFFFE6, s8  }
0x3d2: {  	(v2sf) =	vpush v33, $0x7;
	v60 =	vmov s15  }
0x3d3: {  	(v2sf) =	vpush v33, $0x6;
	v36 =	vshrl.u32 v60, $0x3  }
0x3d4: {  	v36 =	vshll.u32 v36, v0  }
0x3d5: {  	v36 =	vbroadcast v36, $0x0  }
0x3d6: {  	[tilespmem:v59+s20+$0x0] =	vst.idx.msk $0xffff, v34  }
0x3d7: {  	v34 =	vld [tilespmem:s14+$0xFFFFFA80];
	v61 =	vadd.s32 v11, v36;
	_ =	sdelay $0x4  }
0x3d8: {  	[tilespmem:v61+s20+$0x0] =	vst.idx.msk $0xffff, v34  }
0x3d9: {  	s15 =	sadd.s32 $0xFFFFFFE7, s8;
	v62 =	vadd.s32 v12, v36;
	v34 =	vld [tilespmem:s14+$0xFFFFFA90]  }
0x3da: {  	v63 =	vmov s15  }
0x3db: {  	v36 =	vshrl.u32 v63, $0x3  }
0x3dc: {  	v36 =	vshll.u32 v36, v0  }
0x3dd: {  	v36 =	vbroadcast v36, $0x0;
	s14 =	spop (v2sf)  }
0x3de: {  	s15 =	spop (v2sf);
	[tilespmem:v62+s20+$0x0] =	vst.idx.msk $0xffff, v34  }
0x3df: {  	v39 =	vadd.s32 v13, v36;
	v34 =	vld [tilespmem:s15+$0xFFFFFB00];
	_ =	sdelay $0x4  }
0x3e0: {  	[tilespmem:v39+s20+$0x0] =	vst.idx.msk $0xffff, v34  }
0x3e1: {  	v40 =	vadd.s32 v14, v36;
	v34 =	vld [tilespmem:s15+$0xFFFFFB10];
	s15 =	sadd.s32 $0xFFFFFFE8, s8  }
0x3e2: {  	(v2sf) =	vpush v33, $0x9;
	v41 =	vmov s15  }
0x3e3: {  	(v2sf) =	vpush v33, $0x8;
	v36 =	vshrl.u32 v41, $0x3  }
0x3e4: {  	v36 =	vshll.u32 v36, v0  }
0x3e5: {  	v36 =	vbroadcast v36, $0x0  }
0x3e6: {  	[tilespmem:v40+s20+$0x0] =	vst.idx.msk $0xffff, v34  }
0x3e7: {  	v34 =	vld [tilespmem:s14+$0xFFFFFB80];
	v42 =	vadd.s32 v15, v36;
	_ =	sdelay $0x4  }
0x3e8: {  	[tilespmem:v42+s20+$0x0] =	vst.idx.msk $0xffff, v34  }
0x3e9: {  	s15 =	sadd.s32 $0xFFFFFFE9, s8;
	v43 =	vadd.s32 v16, v36;
	v34 =	vld [tilespmem:s14+$0xFFFFFB90]  }
0x3ea: {  	v44 =	vmov s15  }
0x3eb: {  	v36 =	vshrl.u32 v44, $0x3  }
0x3ec: {  	v36 =	vshll.u32 v36, v0  }
0x3ed: {  	v36 =	vbroadcast v36, $0x0;
	s14 =	spop (v2sf)  }
0x3ee: {  	s15 =	spop (v2sf);
	[tilespmem:v43+s20+$0x0] =	vst.idx.msk $0xffff, v34  }
0x3ef: {  	v45 =	vadd.s32 v1, v36;
	v34 =	vld [tilespmem:s15+$0xFFFFFC00];
	_ =	sdelay $0x4  }
0x3f0: {  	[tilespmem:v45+s20+$0x0] =	vst.idx.msk $0xffff, v34  }
0x3f1: {  	v46 =	vadd.s32 v2, v36;
	v34 =	vld [tilespmem:s15+$0xFFFFFC10];
	s15 =	sadd.s32 $0xFFFFFFEA, s8  }
0x3f2: {  	(v2sf) =	vpush v33, $0xB;
	v47 =	vmov s15  }
0x3f3: {  	(v2sf) =	vpush v33, $0xA;
	v36 =	vshrl.u32 v47, $0x3  }
0x3f4: {  	v36 =	vshll.u32 v36, v0  }
0x3f5: {  	v36 =	vbroadcast v36, $0x0  }
0x3f6: {  	[tilespmem:v46+s20+$0x0] =	vst.idx.msk $0xffff, v34  }
0x3f7: {  	v34 =	vld [tilespmem:s14+$0xFFFFFC80];
	v48 =	vadd.s32 v3, v36;
	_ =	sdelay $0x4  }
0x3f8: {  	[tilespmem:v48+s20+$0x0] =	vst.idx.msk $0xffff, v34  }
0x3f9: {  	s15 =	sadd.s32 $0xFFFFFFEB, s8;
	v49 =	vadd.s32 v4, v36;
	v34 =	vld [tilespmem:s14+$0xFFFFFC90]  }
0x3fa: {  	v50 =	vmov s15  }
0x3fb: {  	v36 =	vshrl.u32 v50, $0x3  }
0x3fc: {  	v36 =	vshll.u32 v36, v0  }
0x3fd: {  	v36 =	vbroadcast v36, $0x0;
	s14 =	spop (v2sf)  }
0x3fe: {  	s15 =	spop (v2sf);
	[tilespmem:v49+s20+$0x0] =	vst.idx.msk $0xffff, v34  }
0x3ff: {  	v51 =	vadd.s32 v5, v36;
	v34 =	vld [tilespmem:s15+$0xFFFFFD00];
	_ =	sdelay $0x4  }
0x400: {  	[tilespmem:v51+s20+$0x0] =	vst.idx.msk $0xffff, v34  }
0x401: {  	v52 =	vadd.s32 v6, v36;
	v34 =	vld [tilespmem:s15+$0xFFFFFD10];
	s15 =	sadd.s32 $0xFFFFFFEC, s8  }
0x402: {  	(v2sf) =	vpush v33, $0xD;
	v53 =	vmov s15  }
0x403: {  	(v2sf) =	vpush v33, $0xC;
	v36 =	vshrl.u32 v53, $0x3  }
0x404: {  	v36 =	vshll.u32 v36, v0  }
0x405: {  	v36 =	vbroadcast v36, $0x0  }
0x406: {  	[tilespmem:v52+s20+$0x0] =	vst.idx.msk $0xffff, v34  }
0x407: {  	v34 =	vld [tilespmem:s14+$0xFFFFFD80];
	v54 =	vadd.s32 v7, v36;
	_ =	sdelay $0x4  }
0x408: {  	[tilespmem:v54+s20+$0x0] =	vst.idx.msk $0xffff, v34  }
0x409: {  	s15 =	sadd.s32 $0xFFFFFFED, s8;
	v55 =	vadd.s32 v8, v36;
	v34 =	vld [tilespmem:s14+$0xFFFFFD90]  }
0x40a: {  	v56 =	vmov s15  }
0x40b: {  	v36 =	vshrl.u32 v56, $0x3  }
0x40c: {  	v36 =	vshll.u32 v36, v0  }
0x40d: {  	v36 =	vbroadcast v36, $0x0;
	s14 =	spop (v2sf)  }
0x40e: {  	s15 =	spop (v2sf);
	[tilespmem:v55+s20+$0x0] =	vst.idx.msk $0xffff, v34  }
0x40f: {  	v57 =	vadd.s32 v9, v36;
	v34 =	vld [tilespmem:s15+$0xFFFFFE00];
	_ =	sdelay $0x4  }
0x410: {  	[tilespmem:v57+s20+$0x0] =	vst.idx.msk $0xffff, v34  }
0x411: {  	v58 =	vadd.s32 v10, v36;
	v34 =	vld [tilespmem:s15+$0xFFFFFE10];
	s15 =	sadd.s32 $0xFFFFFFEE, s8  }
0x412: {  	(v2sf) =	vpush v33, $0xF;
	v59 =	vmov s15  }
0x413: {  	(v2sf) =	vpush v33, $0xE;
	v36 =	vshrl.u32 v59, $0x3  }
0x414: {  	v60 =	vshll.u32 v36, v0  }
0x415: {  	v33 =	vbroadcast v60, $0x0  }
0x416: {  	[tilespmem:v58+s20+$0x0] =	vst.idx.msk $0xffff, v34  }
0x417: {  	v34 =	vld [tilespmem:s14+$0xFFFFFE80];
	v61 =	vadd.s32 v11, v33;
	_ =	sdelay $0x4  }
0x418: {  	[tilespmem:v61+s20+$0x0] =	vst.idx.msk $0xffff, v34  }
0x419: {  	s15 =	sadd.s32 $0xFFFFFFEF, s8;
	v33 =	vadd.s32 v12, v33;
	v34 =	vld [tilespmem:s14+$0xFFFFFE90]  }
0x41a: {  	v62 =	vmov s15  }
0x41b: {  	v35 =	vshrl.u32 v62, $0x3  }
0x41c: {  	v35 =	vshll.u32 v35, v0  }
0x41d: {  	v35 =	vbroadcast v35, $0x0;
	s14 =	spop (v2sf)  }
0x41e: {  	s15 =	spop (v2sf);
	[tilespmem:v33+s20+$0x0] =	vst.idx.msk $0xffff, v34  }
0x41f: {  	v63 =	vadd.s32 v13, v35;
	v33 =	vld [tilespmem:s15+$0xFFFFFF00];
	_ =	sdelay $0x4  }
0x420: {  	[tilespmem:v63+s20+$0x0] =	vst.idx.msk $0xffff, v33  }
0x421: {  	v36 =	vadd.s32 v14, v35;
	v33 =	vld [tilespmem:s15+$0xFFFFFF10];
	s15 =	sadd.s32 $0xFFFFFFF0, s8  }
0x422: {  	v37 =	vmov s15  }
0x423: {  	v35 =	vshrl.u32 v37, $0x3  }
0x424: {  	v35 =	vshll.u32 v35, v0  }
0x425: {  	v35 =	vbroadcast v35, $0x0  }
0x426: {  	[tilespmem:v36+s20+$0x0] =	vst.idx.msk $0xffff, v33  }
0x427: {  	v33 =	vld [tilespmem:s14+$0xFFFFFF80];
	v38 =	vadd.s32 v15, v35;
	_ =	sdelay $0x4  }
0x428: {  	[tilespmem:v38+s20+$0x0] =	vst.idx.msk $0xffff, v33  }
0x429: {  	v39 =	vadd.s32 v16, v35;
	v33 =	vld [tilespmem:s14+$0xFFFFFF90];
	_ =	sdelay $0x4  }
0x42a: {  	[tilespmem:v39+s20+$0x0] =	vst.idx.msk $0xffff, v33  }
0x42b: {  	v33 =	vld [tilespmem:s25+$0x0];
	_ =	sdelay $0x4  }
0x42c: {  	v33 =	vshll.u32 v33, $0x5  }
0x42d: {  	v33 =	vand.u32 $0x60, v33  }
0x42e: {  	v33 =	vadd.s32 s1, v33  }
0x42f: {  	(v2sf) =	vpush v33, $0x1  }
0x430: {  	(v2sf) =	vpush v33, $0x0;
	_ =	sdelay $0x9  }
0x431: {  	s15 =	sadd.s32 $0xFFFFFFF1, s8  }
0x432: {  	v40 =	vmov s15  }
0x433: {  	v34 =	vshrl.u32 v40, $0x3  }
0x434: {  	v34 =	vshll.u32 v34, v0  }
0x435: {  	v34 =	vbroadcast v34, $0x0;
	s14 =	spop (v2sf)  }
0x436: {  	s15 =	spop (v2sf)  }
0x437: {  	v42 =	vadd.s32 v1, v34;
	v41 =	vld [tilespmem:s15+$0x0];
	_ =	sdelay $0x4  }
0x438: {  	[tilespmem:v42+s20+$0x0] =	vst.idx.msk $0xffff, v41  }
0x439: {  	v34 =	vadd.s32 v2, v34;
	v35 =	vld [tilespmem:s15+$0x10];
	s15 =	sadd.s32 $0xFFFFFFF2, s8  }
0x43a: {  	(v2sf) =	vpush v33, $0x3;
	v43 =	vmov s15  }
0x43b: {  	(v2sf) =	vpush v33, $0x2;
	v36 =	vshrl.u32 v43, $0x3  }
0x43c: {  	v36 =	vshll.u32 v36, v0  }
0x43d: {  	v36 =	vbroadcast v36, $0x0  }
0x43e: {  	[tilespmem:v34+s20+$0x0] =	vst.idx.msk $0xffff, v35  }
0x43f: {  	v34 =	vld [tilespmem:s14+$0x80];
	v44 =	vadd.s32 v3, v36;
	_ =	sdelay $0x4  }
0x440: {  	[tilespmem:v44+s20+$0x0] =	vst.idx.msk $0xffff, v34  }
0x441: {  	s15 =	sadd.s32 $0xFFFFFFF3, s8;
	v45 =	vadd.s32 v4, v36;
	v34 =	vld [tilespmem:s14+$0x90]  }
0x442: {  	v46 =	vmov s15  }
0x443: {  	v36 =	vshrl.u32 v46, $0x3  }
0x444: {  	v36 =	vshll.u32 v36, v0  }
0x445: {  	v36 =	vbroadcast v36, $0x0;
	s14 =	spop (v2sf)  }
0x446: {  	s15 =	spop (v2sf);
	[tilespmem:v45+s20+$0x0] =	vst.idx.msk $0xffff, v34  }
0x447: {  	v47 =	vadd.s32 v5, v36;
	v34 =	vld [tilespmem:s15+$0x100];
	_ =	sdelay $0x4  }
0x448: {  	[tilespmem:v47+s20+$0x0] =	vst.idx.msk $0xffff, v34  }
0x449: {  	v48 =	vadd.s32 v6, v36;
	v34 =	vld [tilespmem:s15+$0x110];
	s15 =	sadd.s32 $0xFFFFFFF4, s8  }
0x44a: {  	(v2sf) =	vpush v33, $0x5;
	v49 =	vmov s15  }
0x44b: {  	(v2sf) =	vpush v33, $0x4;
	v36 =	vshrl.u32 v49, $0x3  }
0x44c: {  	v36 =	vshll.u32 v36, v0  }
0x44d: {  	v36 =	vbroadcast v36, $0x0  }
0x44e: {  	[tilespmem:v48+s20+$0x0] =	vst.idx.msk $0xffff, v34  }
0x44f: {  	v34 =	vld [tilespmem:s14+$0x180];
	v50 =	vadd.s32 v7, v36;
	_ =	sdelay $0x4  }
0x450: {  	[tilespmem:v50+s20+$0x0] =	vst.idx.msk $0xffff, v34  }
0x451: {  	s15 =	sadd.s32 $0xFFFFFFF5, s8;
	v51 =	vadd.s32 v8, v36;
	v34 =	vld [tilespmem:s14+$0x190]  }
0x452: {  	v52 =	vmov s15  }
0x453: {  	v36 =	vshrl.u32 v52, $0x3  }
0x454: {  	v36 =	vshll.u32 v36, v0  }
0x455: {  	v36 =	vbroadcast v36, $0x0;
	s14 =	spop (v2sf)  }
0x456: {  	s15 =	spop (v2sf);
	[tilespmem:v51+s20+$0x0] =	vst.idx.msk $0xffff, v34  }
0x457: {  	v53 =	vadd.s32 v9, v36;
	v34 =	vld [tilespmem:s15+$0x200];
	_ =	sdelay $0x4  }
0x458: {  	[tilespmem:v53+s20+$0x0] =	vst.idx.msk $0xffff, v34  }
0x459: {  	v54 =	vadd.s32 v10, v36;
	v34 =	vld [tilespmem:s15+$0x210];
	s15 =	sadd.s32 $0xFFFFFFF6, s8  }
0x45a: {  	(v2sf) =	vpush v33, $0x7;
	v55 =	vmov s15  }
0x45b: {  	(v2sf) =	vpush v33, $0x6;
	v36 =	vshrl.u32 v55, $0x3  }
0x45c: {  	v36 =	vshll.u32 v36, v0  }
0x45d: {  	v36 =	vbroadcast v36, $0x0  }
0x45e: {  	[tilespmem:v54+s20+$0x0] =	vst.idx.msk $0xffff, v34  }
0x45f: {  	v34 =	vld [tilespmem:s14+$0x280];
	v56 =	vadd.s32 v11, v36;
	_ =	sdelay $0x4  }
0x460: {  	[tilespmem:v56+s20+$0x0] =	vst.idx.msk $0xffff, v34  }
0x461: {  	s15 =	sadd.s32 $0xFFFFFFF7, s8;
	v57 =	vadd.s32 v12, v36;
	v34 =	vld [tilespmem:s14+$0x290]  }
0x462: {  	v58 =	vmov s15  }
0x463: {  	v36 =	vshrl.u32 v58, $0x3  }
0x464: {  	v36 =	vshll.u32 v36, v0  }
0x465: {  	v36 =	vbroadcast v36, $0x0;
	s14 =	spop (v2sf)  }
0x466: {  	s15 =	spop (v2sf);
	[tilespmem:v57+s20+$0x0] =	vst.idx.msk $0xffff, v34  }
0x467: {  	v59 =	vadd.s32 v13, v36;
	v34 =	vld [tilespmem:s15+$0x300];
	_ =	sdelay $0x4  }
0x468: {  	[tilespmem:v59+s20+$0x0] =	vst.idx.msk $0xffff, v34  }
0x469: {  	v60 =	vadd.s32 v14, v36;
	v34 =	vld [tilespmem:s15+$0x310];
	s15 =	sadd.s32 $0xFFFFFFF8, s8  }
0x46a: {  	(v2sf) =	vpush v33, $0x9;
	v61 =	vmov s15  }
0x46b: {  	(v2sf) =	vpush v33, $0x8;
	v36 =	vshrl.u32 v61, $0x3  }
0x46c: {  	v36 =	vshll.u32 v36, v0  }
0x46d: {  	v36 =	vbroadcast v36, $0x0  }
0x46e: {  	[tilespmem:v60+s20+$0x0] =	vst.idx.msk $0xffff, v34  }
0x46f: {  	v34 =	vld [tilespmem:s14+$0x380];
	v62 =	vadd.s32 v15, v36;
	_ =	sdelay $0x4  }
0x470: {  	[tilespmem:v62+s20+$0x0] =	vst.idx.msk $0xffff, v34  }
0x471: {  	s15 =	sadd.s32 $0xFFFFFFF9, s8;
	v63 =	vadd.s32 v16, v36;
	v34 =	vld [tilespmem:s14+$0x390]  }
0x472: {  	v40 =	vmov s15  }
0x473: {  	v36 =	vshrl.u32 v40, $0x3  }
0x474: {  	v36 =	vshll.u32 v36, v0  }
0x475: {  	v36 =	vbroadcast v36, $0x0;
	s14 =	spop (v2sf)  }
0x476: {  	s15 =	spop (v2sf);
	[tilespmem:v63+s20+$0x0] =	vst.idx.msk $0xffff, v34  }
0x477: {  	v41 =	vadd.s32 v1, v36;
	v34 =	vld [tilespmem:s15+$0x400];
	_ =	sdelay $0x4  }
0x478: {  	[tilespmem:v41+s20+$0x0] =	vst.idx.msk $0xffff, v34  }
0x479: {  	v42 =	vadd.s32 v2, v36;
	v34 =	vld [tilespmem:s15+$0x410];
	s15 =	sadd.s32 $0xFFFFFFFA, s8  }
0x47a: {  	(v2sf) =	vpush v33, $0xB;
	v43 =	vmov s15  }
0x47b: {  	(v2sf) =	vpush v33, $0xA;
	v36 =	vshrl.u32 v43, $0x3  }
0x47c: {  	v36 =	vshll.u32 v36, v0  }
0x47d: {  	v36 =	vbroadcast v36, $0x0  }
0x47e: {  	[tilespmem:v42+s20+$0x0] =	vst.idx.msk $0xffff, v34  }
0x47f: {  	v34 =	vld [tilespmem:s14+$0x480];
	v44 =	vadd.s32 v3, v36;
	_ =	sdelay $0x4  }
0x480: {  	[tilespmem:v44+s20+$0x0] =	vst.idx.msk $0xffff, v34  }
0x481: {  	s15 =	sadd.s32 $0xFFFFFFFB, s8;
	v45 =	vadd.s32 v4, v36;
	v34 =	vld [tilespmem:s14+$0x490]  }
0x482: {  	v46 =	vmov s15  }
0x483: {  	v36 =	vshrl.u32 v46, $0x3  }
0x484: {  	v36 =	vshll.u32 v36, v0  }
0x485: {  	v36 =	vbroadcast v36, $0x0;
	s14 =	spop (v2sf)  }
0x486: {  	s15 =	spop (v2sf);
	[tilespmem:v45+s20+$0x0] =	vst.idx.msk $0xffff, v34  }
0x487: {  	v47 =	vadd.s32 v5, v36;
	v34 =	vld [tilespmem:s15+$0x500];
	_ =	sdelay $0x4  }
0x488: {  	[tilespmem:v47+s20+$0x0] =	vst.idx.msk $0xffff, v34  }
0x489: {  	v48 =	vadd.s32 v6, v36;
	v34 =	vld [tilespmem:s15+$0x510];
	s15 =	sadd.s32 $0xFFFFFFFC, s8  }
0x48a: {  	(v2sf) =	vpush v33, $0xD;
	v49 =	vmov s15  }
0x48b: {  	(v2sf) =	vpush v33, $0xC;
	v36 =	vshrl.u32 v49, $0x3  }
0x48c: {  	v36 =	vshll.u32 v36, v0  }
0x48d: {  	v36 =	vbroadcast v36, $0x0  }
0x48e: {  	[tilespmem:v48+s20+$0x0] =	vst.idx.msk $0xffff, v34  }
0x48f: {  	v34 =	vld [tilespmem:s14+$0x580];
	v50 =	vadd.s32 v7, v36;
	_ =	sdelay $0x4  }
0x490: {  	[tilespmem:v50+s20+$0x0] =	vst.idx.msk $0xffff, v34  }
0x491: {  	s15 =	sadd.s32 $0xFFFFFFFD, s8;
	v51 =	vadd.s32 v8, v36;
	v34 =	vld [tilespmem:s14+$0x590]  }
0x492: {  	v52 =	vmov s15  }
0x493: {  	v36 =	vshrl.u32 v52, $0x3  }
0x494: {  	v36 =	vshll.u32 v36, v0  }
0x495: {  	v36 =	vbroadcast v36, $0x0;
	s14 =	spop (v2sf)  }
0x496: {  	s15 =	spop (v2sf);
	[tilespmem:v51+s20+$0x0] =	vst.idx.msk $0xffff, v34  }
0x497: {  	v53 =	vadd.s32 v9, v36;
	v34 =	vld [tilespmem:s15+$0x600];
	_ =	sdelay $0x4  }
0x498: {  	[tilespmem:v53+s20+$0x0] =	vst.idx.msk $0xffff, v34  }
0x499: {  	v54 =	vadd.s32 v10, v36;
	v34 =	vld [tilespmem:s15+$0x610];
	s15 =	sadd.s32 $0xFFFFFFFE, s8  }
0x49a: {  	(v2sf) =	vpush v33, $0xF;
	v55 =	vmov s15  }
0x49b: {  	(v2sf) =	vpush v33, $0xE;
	v36 =	vshrl.u32 v55, $0x3  }
0x49c: {  	v56 =	vshll.u32 v36, v0  }
0x49d: {  	v33 =	vbroadcast v56, $0x0  }
0x49e: {  	[tilespmem:v54+s20+$0x0] =	vst.idx.msk $0xffff, v34  }
0x49f: {  	v34 =	vld [tilespmem:s14+$0x680];
	v57 =	vadd.s32 v11, v33;
	_ =	sdelay $0x4  }
0x4a0: {  	[tilespmem:v57+s20+$0x0] =	vst.idx.msk $0xffff, v34  }
0x4a1: {  	s15 =	sadd.s32 $0xFFFFFFFF, s8;
	v33 =	vadd.s32 v12, v33;
	v34 =	vld [tilespmem:s14+$0x690]  }
0x4a2: {  	v58 =	vmov s15  }
0x4a3: {  	v35 =	vshrl.u32 v58, $0x3  }
0x4a4: {  	v35 =	vshll.u32 v35, v0  }
0x4a5: {  	v35 =	vbroadcast v35, $0x0;
	s14 =	spop (v2sf)  }
0x4a6: {  	s15 =	spop (v2sf);
	[tilespmem:v33+s20+$0x0] =	vst.idx.msk $0xffff, v34  }
0x4a7: {  	v59 =	vadd.s32 v13, v35;
	v33 =	vld [tilespmem:s15+$0x700];
	_ =	sdelay $0x4  }
0x4a8: {  	[tilespmem:v59+s20+$0x0] =	vst.idx.msk $0xffff, v33  }
0x4a9: {  	v60 =	vadd.s32 v14, v35;
	v33 =	vld [tilespmem:s15+$0x710]  }
0x4aa: {  	v61 =	vmov s8  }
0x4ab: {  	v35 =	vshrl.u32 v61, $0x3  }
0x4ac: {  	v35 =	vshll.u32 v35, v0  }
0x4ad: {  	v35 =	vbroadcast v35, $0x0  }
0x4ae: {  	[tilespmem:v60+s20+$0x0] =	vst.idx.msk $0xffff, v33  }
0x4af: {  	v62 =	vadd.s32 v15, v35;
	v33 =	vld [tilespmem:s14+$0x780];
	_ =	sdelay $0x4  }
0x4b0: {  	s9 =	sadd.s32 $0x2, s9;
	[tilespmem:v62+s20+$0x0] =	vst.idx.msk $0xffff, v33  }
0x4b1: {  	p1 =	slt.u32 s9, $0x6;
	v63 =	vadd.s32 v16, v35;
	v33 =	vld [tilespmem:s14+$0x790]  }
.Ltmp6:
0x4b2: {  	_ = 	snop;
	(pc) =	sbr.rel @p1 .LBB2_13-.Ltmp6, $3  }
0x4b3: {  	_ =	sdelay $0x1  }
0x4b4: {  	s25 =	sadd.s32 $0x20, s25  }
0x4b5: {  	s1 =	sadd.s32 $0x1000, s1;
	s8 =	sadd.s32 $0x20, s8;
	s14 =	simm.s32 $0x12600;
	[tilespmem:v63+s20+$0x0] =	vst.idx.msk $0xffff, v33  }
0x4b6: {  	s1 =	smov.u32 s26  }
.LBB2_15:
0x4b7: {  	v33 =	vld [tilespmem:s1+$0xFFFFFFF0];
	_ =	sdelay $0x4  }
0x4b8: {  	v33 =	vshll.u32 v33, $0x5  }
0x4b9: {  	v33 =	vand.u32 $0x60, v33  }
0x4ba: {  	v33 =	vadd.s32 s14, v33  }
0x4bb: {  	(v2sf) =	vpush v33, $0x1  }
0x4bc: {  	(v2sf) =	vpush v33, $0x0;
	_ =	sdelay $0x9  }
0x4bd: {  	s8 =	sadd.s32 $0xFFFFFFE1, s31  }
0x4be: {  	v34 =	vmov s8  }
0x4bf: {  	v34 =	vshrl.u32 v34, $0x3  }
0x4c0: {  	v34 =	vshll.u32 v34, v0  }
0x4c1: {  	v34 =	vbroadcast v34, $0x0;
	s25 =	spop (v2sf)  }
0x4c2: {  	s9 =	spop (v2sf)  }
0x4c3: {  	v36 =	vadd.s32 v17, v34;
	v35 =	vld [tilespmem:s9+$0x0];
	_ =	sdelay $0x4  }
0x4c4: {  	[tilespmem:v36+s20+$0x0] =	vst.idx.msk $0xffff, v35  }
0x4c5: {  	v54 =	vadd.s32 v18, v34;
	v35 =	vld [tilespmem:s9+$0x10]  }
0x4c6: {  	(v2sf) =	vpush v33, $0x3  }
0x4c7: {  	(v2sf) =	vpush v33, $0x2;
	_ =	sdelay $0x2  }
0x4c8: {  	[tilespmem:v54+s20+$0x0] =	vst.idx.msk $0xffff, v35  }
0x4c9: {  	v55 =	vadd.s32 v19, v34;
	v35 =	vld [tilespmem:s25+$0x80];
	_ =	sdelay $0x4  }
0x4ca: {  	[tilespmem:v55+s20+$0x0] =	vst.idx.msk $0xffff, v35  }
0x4cb: {  	v56 =	vadd.s32 v20, v34;
	v35 =	vld [tilespmem:s25+$0x90];
	_ =	sdelay $0x3  }
0x4cc: {  	s15 =	spop (v2sf)  }
0x4cd: {  	s25 =	spop (v2sf);
	[tilespmem:v56+s20+$0x0] =	vst.idx.msk $0xffff, v35  }
0x4ce: {  	v57 =	vadd.s32 v21, v34;
	v35 =	vld [tilespmem:s25+$0x100];
	_ =	sdelay $0x4  }
0x4cf: {  	[tilespmem:v57+s20+$0x0] =	vst.idx.msk $0xffff, v35  }
0x4d0: {  	v58 =	vadd.s32 v22, v34;
	v35 =	vld [tilespmem:s25+$0x110]  }
0x4d1: {  	(v2sf) =	vpush v33, $0x5  }
0x4d2: {  	(v2sf) =	vpush v33, $0x4;
	_ =	sdelay $0x2  }
0x4d3: {  	[tilespmem:v58+s20+$0x0] =	vst.idx.msk $0xffff, v35  }
0x4d4: {  	v59 =	vadd.s32 v23, v34;
	v35 =	vld [tilespmem:s15+$0x180];
	_ =	sdelay $0x4  }
0x4d5: {  	[tilespmem:v59+s20+$0x0] =	vst.idx.msk $0xffff, v35  }
0x4d6: {  	v60 =	vadd.s32 v24, v34;
	v35 =	vld [tilespmem:s15+$0x190];
	_ =	sdelay $0x3  }
0x4d7: {  	s15 =	spop (v2sf)  }
0x4d8: {  	s25 =	spop (v2sf);
	[tilespmem:v60+s20+$0x0] =	vst.idx.msk $0xffff, v35  }
0x4d9: {  	v61 =	vadd.s32 v25, v34;
	v35 =	vld [tilespmem:s25+$0x200];
	_ =	sdelay $0x4  }
0x4da: {  	[tilespmem:v61+s20+$0x0] =	vst.idx.msk $0xffff, v35  }
0x4db: {  	v62 =	vadd.s32 v26, v34;
	v35 =	vld [tilespmem:s25+$0x210]  }
0x4dc: {  	(v2sf) =	vpush v33, $0x7  }
0x4dd: {  	(v2sf) =	vpush v33, $0x6;
	_ =	sdelay $0x2  }
0x4de: {  	[tilespmem:v62+s20+$0x0] =	vst.idx.msk $0xffff, v35  }
0x4df: {  	v63 =	vadd.s32 v27, v34;
	v35 =	vld [tilespmem:s15+$0x280];
	_ =	sdelay $0x4  }
0x4e0: {  	[tilespmem:v63+s20+$0x0] =	vst.idx.msk $0xffff, v35  }
0x4e1: {  	v40 =	vadd.s32 v28, v34;
	v35 =	vld [tilespmem:s15+$0x290];
	_ =	sdelay $0x3  }
0x4e2: {  	s15 =	spop (v2sf)  }
0x4e3: {  	s25 =	spop (v2sf);
	[tilespmem:v40+s20+$0x0] =	vst.idx.msk $0xffff, v35  }
0x4e4: {  	v41 =	vadd.s32 v29, v34;
	v35 =	vld [tilespmem:s25+$0x300];
	_ =	sdelay $0x4  }
0x4e5: {  	[tilespmem:v41+s20+$0x0] =	vst.idx.msk $0xffff, v35  }
0x4e6: {  	v42 =	vadd.s32 v30, v34;
	v35 =	vld [tilespmem:s25+$0x310]  }
0x4e7: {  	(v2sf) =	vpush v33, $0x9  }
0x4e8: {  	(v2sf) =	vpush v33, $0x8;
	_ =	sdelay $0x2  }
0x4e9: {  	[tilespmem:v42+s20+$0x0] =	vst.idx.msk $0xffff, v35  }
0x4ea: {  	v43 =	vadd.s32 v31, v34;
	v35 =	vld [tilespmem:s15+$0x380];
	_ =	sdelay $0x4  }
0x4eb: {  	[tilespmem:v43+s20+$0x0] =	vst.idx.msk $0xffff, v35  }
0x4ec: {  	v34 =	vadd.s32 v32, v34;
	s9 =	sadd.s32 $0xFFFFFFE9, s31;
	v35 =	vld [tilespmem:s15+$0x390]  }
0x4ed: {  	v44 =	vmov s9  }
0x4ee: {  	v36 =	vshrl.u32 v44, $0x3  }
0x4ef: {  	v36 =	vshll.u32 v36, v0  }
0x4f0: {  	v36 =	vbroadcast v36, $0x0;
	s8 =	spop (v2sf)  }
0x4f1: {  	s15 =	spop (v2sf);
	[tilespmem:v34+s20+$0x0] =	vst.idx.msk $0xffff, v35  }
0x4f2: {  	v45 =	vadd.s32 v17, v36;
	v34 =	vld [tilespmem:s15+$0x400];
	_ =	sdelay $0x4  }
0x4f3: {  	[tilespmem:v45+s20+$0x0] =	vst.idx.msk $0xffff, v34  }
0x4f4: {  	v46 =	vadd.s32 v18, v36;
	s25 =	sadd.s32 $0xFFFFFFEA, s31;
	v34 =	vld [tilespmem:s15+$0x410]  }
0x4f5: {  	v47 =	vmov s25;
	(v2sf) =	vpush v33, $0xB  }
0x4f6: {  	v36 =	vshrl.u32 v47, $0x3;
	(v2sf) =	vpush v33, $0xA  }
0x4f7: {  	v36 =	vshll.u32 v36, v0  }
0x4f8: {  	v36 =	vbroadcast v36, $0x0  }
0x4f9: {  	[tilespmem:v46+s20+$0x0] =	vst.idx.msk $0xffff, v34  }
0x4fa: {  	v48 =	vadd.s32 v19, v36;
	v34 =	vld [tilespmem:s8+$0x480];
	_ =	sdelay $0x4  }
0x4fb: {  	[tilespmem:v48+s20+$0x0] =	vst.idx.msk $0xffff, v34  }
0x4fc: {  	s9 =	sadd.s32 $0xFFFFFFEB, s31;
	v49 =	vadd.s32 v20, v36;
	v34 =	vld [tilespmem:s8+$0x490]  }
0x4fd: {  	v50 =	vmov s9  }
0x4fe: {  	v36 =	vshrl.u32 v50, $0x3  }
0x4ff: {  	v36 =	vshll.u32 v36, v0  }
0x500: {  	v36 =	vbroadcast v36, $0x0;
	s8 =	spop (v2sf)  }
0x501: {  	s15 =	spop (v2sf);
	[tilespmem:v49+s20+$0x0] =	vst.idx.msk $0xffff, v34  }
0x502: {  	v51 =	vadd.s32 v21, v36;
	v34 =	vld [tilespmem:s15+$0x500];
	_ =	sdelay $0x4  }
0x503: {  	[tilespmem:v51+s20+$0x0] =	vst.idx.msk $0xffff, v34  }
0x504: {  	s25 =	sadd.s32 $0xFFFFFFEC, s31;
	v52 =	vadd.s32 v22, v36;
	v34 =	vld [tilespmem:s15+$0x510]  }
0x505: {  	v53 =	vmov s25;
	(v2sf) =	vpush v33, $0xD  }
0x506: {  	v36 =	vshrl.u32 v53, $0x3;
	(v2sf) =	vpush v33, $0xC  }
0x507: {  	v36 =	vshll.u32 v36, v0  }
0x508: {  	v36 =	vbroadcast v36, $0x0  }
0x509: {  	[tilespmem:v52+s20+$0x0] =	vst.idx.msk $0xffff, v34  }
0x50a: {  	v54 =	vadd.s32 v23, v36;
	v34 =	vld [tilespmem:s8+$0x580];
	_ =	sdelay $0x4  }
0x50b: {  	[tilespmem:v54+s20+$0x0] =	vst.idx.msk $0xffff, v34  }
0x50c: {  	s9 =	sadd.s32 $0xFFFFFFED, s31;
	v55 =	vadd.s32 v24, v36;
	v34 =	vld [tilespmem:s8+$0x590]  }
0x50d: {  	v56 =	vmov s9  }
0x50e: {  	v36 =	vshrl.u32 v56, $0x3  }
0x50f: {  	v36 =	vshll.u32 v36, v0  }
0x510: {  	v36 =	vbroadcast v36, $0x0;
	s8 =	spop (v2sf)  }
0x511: {  	s15 =	spop (v2sf);
	[tilespmem:v55+s20+$0x0] =	vst.idx.msk $0xffff, v34  }
0x512: {  	v57 =	vadd.s32 v25, v36;
	v34 =	vld [tilespmem:s15+$0x600];
	_ =	sdelay $0x4  }
0x513: {  	[tilespmem:v57+s20+$0x0] =	vst.idx.msk $0xffff, v34  }
0x514: {  	s25 =	sadd.s32 $0xFFFFFFEE, s31;
	v58 =	vadd.s32 v26, v36;
	v34 =	vld [tilespmem:s15+$0x610]  }
0x515: {  	v59 =	vmov s25;
	(v2sf) =	vpush v33, $0xF  }
0x516: {  	v36 =	vshrl.u32 v59, $0x3;
	(v2sf) =	vpush v33, $0xE  }
0x517: {  	v60 =	vshll.u32 v36, v0  }
0x518: {  	v33 =	vbroadcast v60, $0x0  }
0x519: {  	[tilespmem:v58+s20+$0x0] =	vst.idx.msk $0xffff, v34  }
0x51a: {  	v61 =	vadd.s32 v27, v33;
	v34 =	vld [tilespmem:s8+$0x680];
	_ =	sdelay $0x4  }
0x51b: {  	[tilespmem:v61+s20+$0x0] =	vst.idx.msk $0xffff, v34  }
0x51c: {  	s9 =	sadd.s32 $0xFFFFFFEF, s31;
	v33 =	vadd.s32 v28, v33;
	v34 =	vld [tilespmem:s8+$0x690]  }
0x51d: {  	v62 =	vmov s9  }
0x51e: {  	v35 =	vshrl.u32 v62, $0x3  }
0x51f: {  	v35 =	vshll.u32 v35, v0  }
0x520: {  	v35 =	vbroadcast v35, $0x0;
	s8 =	spop (v2sf)  }
0x521: {  	s15 =	spop (v2sf);
	[tilespmem:v33+s20+$0x0] =	vst.idx.msk $0xffff, v34  }
0x522: {  	v63 =	vadd.s32 v29, v35;
	v33 =	vld [tilespmem:s15+$0x700];
	_ =	sdelay $0x4  }
0x523: {  	[tilespmem:v63+s20+$0x0] =	vst.idx.msk $0xffff, v33  }
0x524: {  	s25 =	sadd.s32 $0xFFFFFFF0, s31;
	v36 =	vadd.s32 v30, v35;
	v33 =	vld [tilespmem:s15+$0x710]  }
0x525: {  	v37 =	vmov s25  }
0x526: {  	v35 =	vshrl.u32 v37, $0x3  }
0x527: {  	v35 =	vshll.u32 v35, v0  }
0x528: {  	v35 =	vbroadcast v35, $0x0  }
0x529: {  	[tilespmem:v36+s20+$0x0] =	vst.idx.msk $0xffff, v33  }
0x52a: {  	v38 =	vadd.s32 v31, v35;
	v33 =	vld [tilespmem:s8+$0x780];
	_ =	sdelay $0x4  }
0x52b: {  	[tilespmem:v38+s20+$0x0] =	vst.idx.msk $0xffff, v33  }
0x52c: {  	v39 =	vadd.s32 v32, v35;
	v33 =	vld [tilespmem:s8+$0x790];
	_ =	sdelay $0x4  }
0x52d: {  	[tilespmem:v39+s20+$0x0] =	vst.idx.msk $0xffff, v33  }
0x52e: {  	v33 =	vld [tilespmem:s1+$0x0];
	_ =	sdelay $0x4  }
0x52f: {  	v33 =	vshll.u32 v33, $0x5  }
0x530: {  	v33 =	vand.u32 $0x60, v33  }
0x531: {  	v33 =	vadd.s32 s14, v33  }
0x532: {  	(v2sf) =	vpush v33, $0x1  }
0x533: {  	(v2sf) =	vpush v33, $0x0;
	_ =	sdelay $0x9  }
0x534: {  	s9 =	sadd.s32 $0xFFFFFFF1, s31  }
0x535: {  	v40 =	vmov s9  }
0x536: {  	v34 =	vshrl.u32 v40, $0x3  }
0x537: {  	v34 =	vshll.u32 v34, v0  }
0x538: {  	v34 =	vbroadcast v34, $0x0;
	s8 =	spop (v2sf)  }
0x539: {  	s15 =	spop (v2sf)  }
0x53a: {  	v42 =	vadd.s32 v17, v34;
	v41 =	vld [tilespmem:s15+$0x800];
	_ =	sdelay $0x4  }
0x53b: {  	[tilespmem:v42+s20+$0x0] =	vst.idx.msk $0xffff, v41  }
0x53c: {  	s25 =	sadd.s32 $0xFFFFFFF2, s31;
	v34 =	vadd.s32 v18, v34;
	v35 =	vld [tilespmem:s15+$0x810]  }
0x53d: {  	v43 =	vmov s25;
	(v2sf) =	vpush v33, $0x3  }
0x53e: {  	v36 =	vshrl.u32 v43, $0x3;
	(v2sf) =	vpush v33, $0x2  }
0x53f: {  	v36 =	vshll.u32 v36, v0  }
0x540: {  	v36 =	vbroadcast v36, $0x0  }
0x541: {  	[tilespmem:v34+s20+$0x0] =	vst.idx.msk $0xffff, v35  }
0x542: {  	v44 =	vadd.s32 v19, v36;
	v34 =	vld [tilespmem:s8+$0x880];
	_ =	sdelay $0x4  }
0x543: {  	[tilespmem:v44+s20+$0x0] =	vst.idx.msk $0xffff, v34  }
0x544: {  	s9 =	sadd.s32 $0xFFFFFFF3, s31;
	v45 =	vadd.s32 v20, v36;
	v34 =	vld [tilespmem:s8+$0x890]  }
0x545: {  	v46 =	vmov s9  }
0x546: {  	v36 =	vshrl.u32 v46, $0x3  }
0x547: {  	v36 =	vshll.u32 v36, v0  }
0x548: {  	v36 =	vbroadcast v36, $0x0;
	s8 =	spop (v2sf)  }
0x549: {  	s15 =	spop (v2sf);
	[tilespmem:v45+s20+$0x0] =	vst.idx.msk $0xffff, v34  }
0x54a: {  	v47 =	vadd.s32 v21, v36;
	v34 =	vld [tilespmem:s15+$0x900];
	_ =	sdelay $0x4  }
0x54b: {  	[tilespmem:v47+s20+$0x0] =	vst.idx.msk $0xffff, v34  }
0x54c: {  	s25 =	sadd.s32 $0xFFFFFFF4, s31;
	v48 =	vadd.s32 v22, v36;
	v34 =	vld [tilespmem:s15+$0x910]  }
0x54d: {  	v49 =	vmov s25;
	(v2sf) =	vpush v33, $0x5  }
0x54e: {  	v36 =	vshrl.u32 v49, $0x3;
	(v2sf) =	vpush v33, $0x4  }
0x54f: {  	v36 =	vshll.u32 v36, v0  }
0x550: {  	v36 =	vbroadcast v36, $0x0  }
0x551: {  	[tilespmem:v48+s20+$0x0] =	vst.idx.msk $0xffff, v34  }
0x552: {  	v50 =	vadd.s32 v23, v36;
	v34 =	vld [tilespmem:s8+$0x980];
	_ =	sdelay $0x4  }
0x553: {  	[tilespmem:v50+s20+$0x0] =	vst.idx.msk $0xffff, v34  }
0x554: {  	s9 =	sadd.s32 $0xFFFFFFF5, s31;
	v51 =	vadd.s32 v24, v36;
	v34 =	vld [tilespmem:s8+$0x990]  }
0x555: {  	v52 =	vmov s9  }
0x556: {  	v36 =	vshrl.u32 v52, $0x3  }
0x557: {  	v36 =	vshll.u32 v36, v0  }
0x558: {  	v36 =	vbroadcast v36, $0x0;
	s8 =	spop (v2sf)  }
0x559: {  	s15 =	spop (v2sf);
	[tilespmem:v51+s20+$0x0] =	vst.idx.msk $0xffff, v34  }
0x55a: {  	v53 =	vadd.s32 v25, v36;
	v34 =	vld [tilespmem:s15+$0xA00];
	_ =	sdelay $0x4  }
0x55b: {  	[tilespmem:v53+s20+$0x0] =	vst.idx.msk $0xffff, v34  }
0x55c: {  	s25 =	sadd.s32 $0xFFFFFFF6, s31;
	v54 =	vadd.s32 v26, v36;
	v34 =	vld [tilespmem:s15+$0xA10]  }
0x55d: {  	v55 =	vmov s25;
	(v2sf) =	vpush v33, $0x7  }
0x55e: {  	v36 =	vshrl.u32 v55, $0x3;
	(v2sf) =	vpush v33, $0x6  }
0x55f: {  	v36 =	vshll.u32 v36, v0  }
0x560: {  	v36 =	vbroadcast v36, $0x0  }
0x561: {  	[tilespmem:v54+s20+$0x0] =	vst.idx.msk $0xffff, v34  }
0x562: {  	v56 =	vadd.s32 v27, v36;
	v34 =	vld [tilespmem:s8+$0xA80];
	_ =	sdelay $0x4  }
0x563: {  	[tilespmem:v56+s20+$0x0] =	vst.idx.msk $0xffff, v34  }
0x564: {  	s9 =	sadd.s32 $0xFFFFFFF7, s31;
	v57 =	vadd.s32 v28, v36;
	v34 =	vld [tilespmem:s8+$0xA90]  }
0x565: {  	v58 =	vmov s9  }
0x566: {  	v36 =	vshrl.u32 v58, $0x3  }
0x567: {  	v36 =	vshll.u32 v36, v0  }
0x568: {  	v36 =	vbroadcast v36, $0x0;
	s8 =	spop (v2sf)  }
0x569: {  	s15 =	spop (v2sf);
	[tilespmem:v57+s20+$0x0] =	vst.idx.msk $0xffff, v34  }
0x56a: {  	v59 =	vadd.s32 v29, v36;
	v34 =	vld [tilespmem:s15+$0xB00];
	_ =	sdelay $0x4  }
0x56b: {  	[tilespmem:v59+s20+$0x0] =	vst.idx.msk $0xffff, v34  }
0x56c: {  	s25 =	sadd.s32 $0xFFFFFFF8, s31;
	v60 =	vadd.s32 v30, v36;
	v34 =	vld [tilespmem:s15+$0xB10]  }
0x56d: {  	v61 =	vmov s25;
	(v2sf) =	vpush v33, $0x9  }
0x56e: {  	v36 =	vshrl.u32 v61, $0x3;
	(v2sf) =	vpush v33, $0x8  }
0x56f: {  	v36 =	vshll.u32 v36, v0  }
0x570: {  	v36 =	vbroadcast v36, $0x0  }
0x571: {  	[tilespmem:v60+s20+$0x0] =	vst.idx.msk $0xffff, v34  }
0x572: {  	v62 =	vadd.s32 v31, v36;
	v34 =	vld [tilespmem:s8+$0xB80];
	_ =	sdelay $0x4  }
0x573: {  	[tilespmem:v62+s20+$0x0] =	vst.idx.msk $0xffff, v34  }
0x574: {  	s9 =	sadd.s32 $0xFFFFFFF9, s31;
	v63 =	vadd.s32 v32, v36;
	v34 =	vld [tilespmem:s8+$0xB90]  }
0x575: {  	v40 =	vmov s9  }
0x576: {  	v36 =	vshrl.u32 v40, $0x3  }
0x577: {  	v36 =	vshll.u32 v36, v0  }
0x578: {  	v36 =	vbroadcast v36, $0x0;
	s8 =	spop (v2sf)  }
0x579: {  	s15 =	spop (v2sf);
	[tilespmem:v63+s20+$0x0] =	vst.idx.msk $0xffff, v34  }
0x57a: {  	v41 =	vadd.s32 v17, v36;
	v34 =	vld [tilespmem:s15+$0xC00];
	_ =	sdelay $0x4  }
0x57b: {  	[tilespmem:v41+s20+$0x0] =	vst.idx.msk $0xffff, v34  }
0x57c: {  	s25 =	sadd.s32 $0xFFFFFFFA, s31;
	v42 =	vadd.s32 v18, v36;
	v34 =	vld [tilespmem:s15+$0xC10]  }
0x57d: {  	v43 =	vmov s25;
	(v2sf) =	vpush v33, $0xB  }
0x57e: {  	v36 =	vshrl.u32 v43, $0x3;
	(v2sf) =	vpush v33, $0xA  }
0x57f: {  	v36 =	vshll.u32 v36, v0  }
0x580: {  	v36 =	vbroadcast v36, $0x0  }
0x581: {  	[tilespmem:v42+s20+$0x0] =	vst.idx.msk $0xffff, v34  }
0x582: {  	v44 =	vadd.s32 v19, v36;
	v34 =	vld [tilespmem:s8+$0xC80];
	_ =	sdelay $0x4  }
0x583: {  	[tilespmem:v44+s20+$0x0] =	vst.idx.msk $0xffff, v34  }
0x584: {  	s9 =	sadd.s32 $0xFFFFFFFB, s31;
	v45 =	vadd.s32 v20, v36;
	v34 =	vld [tilespmem:s8+$0xC90]  }
0x585: {  	v46 =	vmov s9  }
0x586: {  	v36 =	vshrl.u32 v46, $0x3  }
0x587: {  	v36 =	vshll.u32 v36, v0  }
0x588: {  	v36 =	vbroadcast v36, $0x0;
	s8 =	spop (v2sf)  }
0x589: {  	s15 =	spop (v2sf);
	[tilespmem:v45+s20+$0x0] =	vst.idx.msk $0xffff, v34  }
0x58a: {  	v47 =	vadd.s32 v21, v36;
	v34 =	vld [tilespmem:s15+$0xD00];
	_ =	sdelay $0x4  }
0x58b: {  	[tilespmem:v47+s20+$0x0] =	vst.idx.msk $0xffff, v34  }
0x58c: {  	s25 =	sadd.s32 $0xFFFFFFFC, s31;
	v48 =	vadd.s32 v22, v36;
	v34 =	vld [tilespmem:s15+$0xD10]  }
0x58d: {  	v49 =	vmov s25;
	(v2sf) =	vpush v33, $0xD  }
0x58e: {  	v36 =	vshrl.u32 v49, $0x3;
	(v2sf) =	vpush v33, $0xC  }
0x58f: {  	v36 =	vshll.u32 v36, v0  }
0x590: {  	v36 =	vbroadcast v36, $0x0  }
0x591: {  	[tilespmem:v48+s20+$0x0] =	vst.idx.msk $0xffff, v34  }
0x592: {  	v50 =	vadd.s32 v23, v36;
	v34 =	vld [tilespmem:s8+$0xD80];
	_ =	sdelay $0x4  }
0x593: {  	[tilespmem:v50+s20+$0x0] =	vst.idx.msk $0xffff, v34  }
0x594: {  	s9 =	sadd.s32 $0xFFFFFFFD, s31;
	v51 =	vadd.s32 v24, v36;
	v34 =	vld [tilespmem:s8+$0xD90]  }
0x595: {  	v52 =	vmov s9  }
0x596: {  	v36 =	vshrl.u32 v52, $0x3  }
0x597: {  	v36 =	vshll.u32 v36, v0  }
0x598: {  	v36 =	vbroadcast v36, $0x0;
	s8 =	spop (v2sf)  }
0x599: {  	s15 =	spop (v2sf);
	[tilespmem:v51+s20+$0x0] =	vst.idx.msk $0xffff, v34  }
0x59a: {  	v53 =	vadd.s32 v25, v36;
	v34 =	vld [tilespmem:s15+$0xE00];
	_ =	sdelay $0x4  }
0x59b: {  	[tilespmem:v53+s20+$0x0] =	vst.idx.msk $0xffff, v34  }
0x59c: {  	s25 =	sadd.s32 $0xFFFFFFFE, s31;
	v54 =	vadd.s32 v26, v36;
	v34 =	vld [tilespmem:s15+$0xE10]  }
0x59d: {  	v55 =	vmov s25;
	(v2sf) =	vpush v33, $0xF  }
0x59e: {  	v36 =	vshrl.u32 v55, $0x3;
	(v2sf) =	vpush v33, $0xE  }
0x59f: {  	v56 =	vshll.u32 v36, v0  }
0x5a0: {  	v33 =	vbroadcast v56, $0x0  }
0x5a1: {  	[tilespmem:v54+s20+$0x0] =	vst.idx.msk $0xffff, v34  }
0x5a2: {  	v57 =	vadd.s32 v27, v33;
	v34 =	vld [tilespmem:s8+$0xE80];
	_ =	sdelay $0x4  }
0x5a3: {  	[tilespmem:v57+s20+$0x0] =	vst.idx.msk $0xffff, v34  }
0x5a4: {  	s9 =	sadd.s32 $0xFFFFFFFF, s31;
	v33 =	vadd.s32 v28, v33;
	v34 =	vld [tilespmem:s8+$0xE90]  }
0x5a5: {  	v58 =	vmov s9  }
0x5a6: {  	v35 =	vshrl.u32 v58, $0x3  }
0x5a7: {  	v35 =	vshll.u32 v35, v0  }
0x5a8: {  	v35 =	vbroadcast v35, $0x0;
	s15 =	spop (v2sf)  }
0x5a9: {  	s25 =	spop (v2sf);
	[tilespmem:v33+s20+$0x0] =	vst.idx.msk $0xffff, v34  }
0x5aa: {  	v59 =	vadd.s32 v29, v35;
	v33 =	vld [tilespmem:s25+$0xF00];
	_ =	sdelay $0x4  }
0x5ab: {  	[tilespmem:v59+s20+$0x0] =	vst.idx.msk $0xffff, v33  }
0x5ac: {  	v60 =	vadd.s32 v30, v35;
	v33 =	vld [tilespmem:s25+$0xF10]  }
0x5ad: {  	v61 =	vmov s31  }
0x5ae: {  	v35 =	vshrl.u32 v61, $0x3  }
0x5af: {  	v35 =	vshll.u32 v35, v0  }
0x5b0: {  	v35 =	vbroadcast v35, $0x0  }
0x5b1: {  	[tilespmem:v60+s20+$0x0] =	vst.idx.msk $0xffff, v33  }
0x5b2: {  	v62 =	vadd.s32 v31, v35;
	v33 =	vld [tilespmem:s15+$0xF80];
	_ =	sdelay $0x4  }
0x5b3: {  	s30 =	sadd.s32 $0x2, s30;
	[tilespmem:v62+s20+$0x0] =	vst.idx.msk $0xffff, v33  }
0x5b4: {  	p1 =	slt.u32 s30, $0x6;
	v63 =	vadd.s32 v32, v35;
	v33 =	vld [tilespmem:s15+$0xF90]  }
.Ltmp7:
0x5b5: {  	_ = 	snop;
	(pc) =	sbr.rel @p1 .LBB2_15-.Ltmp7, $2  }
0x5b6: {  	_ =	sdelay $0x2  }
0x5b7: {  	s1 =	sadd.s32 $0x20, s1;
	s14 =	sadd.s32 $0x1000, s14;
	s31 =	sadd.s32 $0x20, s31;
	[tilespmem:v63+s20+$0x0] =	vst.idx.msk $0xffff, v33  }
0x5b8: {  	s8 =	sadd.s32 s29, s6;
	s1 =	simm.s32 $0x19080  }
0x5b9: {  	[hbm4b:s8+s2] =	stream.linear.scatter [tilespmem:s1], [sflag:$0x4], $0x80, $0x38;
	[tilespmem:$0x1BB00] =	vst v63  }
0x5ba: {  	s25 =	simm.s32 $0x19108;
	s9 =	sadd.s32 $0x10, s8  }
0x5bb: {  	[hbm4b:s9+s2] =	stream.linear.scatter [tilespmem:s25], [sflag:$0x4], $0x80, $0x38;
	[tilespmem:$0x1BB00] =	vst v63  }
0x5bc: {  	s30 =	simm.s32 $0x19190;
	s31 =	sadd.s32 $0x20, s8  }
0x5bd: {  	[hbm4b:s31+s2] =	stream.linear.scatter [tilespmem:s30], [sflag:$0x4], $0x80, $0x38;
	[tilespmem:$0x1BB00] =	vst v63  }
0x5be: {  	s14 =	sadd.s32 $0x30, s8;
	s9 =	simm.s32 $0x19218  }
0x5bf: {  	[hbm4b:s14+s2] =	stream.linear.scatter [tilespmem:s9], [sflag:$0x4], $0x80, $0x38;
	[tilespmem:$0x1BB00] =	vst v63  }
0x5c0: {  	s15 =	simm.s32 $0x192A0;
	s25 =	sadd.s32 $0x40, s8  }
0x5c1: {  	[hbm4b:s25+s2] =	stream.linear.scatter [tilespmem:s15], [sflag:$0x4], $0x80, $0x38;
	[tilespmem:$0x1BB00] =	vst v63  }
0x5c2: {  	s30 =	simm.s32 $0x19328;
	s31 =	sadd.s32 $0x50, s8  }
0x5c3: {  	[hbm4b:s31+s2] =	stream.linear.scatter [tilespmem:s30], [sflag:$0x4], $0x80, $0x38;
	[tilespmem:$0x1BB00] =	vst v63  }
0x5c4: {  	s9 =	simm.s32 $0x193B0;
	s14 =	sadd.s32 $0x60, s8  }
0x5c5: {  	[hbm4b:s14+s2] =	stream.linear.scatter [tilespmem:s9], [sflag:$0x4], $0x80, $0x38;
	[tilespmem:$0x1BB00] =	vst v63  }
0x5c6: {  	s15 =	simm.s32 $0x19438;
	s25 =	sadd.s32 $0x70, s8  }
0x5c7: {  	[hbm4b:s25+s2] =	stream.linear.scatter [tilespmem:s15], [sflag:$0x4], $0x80, $0x38;
	[tilespmem:$0x1BB00] =	vst v63  }
0x5c8: {  	s30 =	simm.s32 $0x195D0;
	s31 =	sadd.s32 $0x80, s8  }
0x5c9: {  	[hbm4b:s31+s2] =	stream.linear.scatter [tilespmem:s30], [sflag:$0x4], $0x80, $0x38;
	[tilespmem:$0x1BB00] =	vst v63  }
0x5ca: {  	s9 =	simm.s32 $0x19658;
	s14 =	sadd.s32 $0x90, s8  }
0x5cb: {  	[hbm4b:s14+s2] =	stream.linear.scatter [tilespmem:s9], [sflag:$0x4], $0x80, $0x38;
	[tilespmem:$0x1BB00] =	vst v63  }
0x5cc: {  	s1 =	simm.s32 $0xAA0;
	s15 =	simm.s32 $0x196E0;
	s25 =	sadd.s32 $0xA0, s8  }
0x5cd: {  	[hbm4b:s25+s2] =	stream.linear.scatter [tilespmem:s15], [sflag:$0x4], $0x80, $0x38;
	[tilespmem:$0x1BB00] =	vst v63  }
0x5ce: {  	s29 =	sadd.s32 $0xF0, s8;
	s30 =	simm.s32 $0x19768;
	s31 =	sadd.s32 $0xB0, s8  }
0x5cf: {  	[hbm4b:s31+s2] =	stream.linear.scatter [tilespmem:s30], [sflag:$0x4], $0x80, $0x38;
	[tilespmem:$0x1BB00] =	vst v63  }
0x5d0: {  	s9 =	simm.s32 $0x197F0;
	s14 =	sadd.s32 $0xC0, s8;
	s15 =	simm.s32 $0x19878  }
0x5d1: {  	[hbm4b:s14+s2] =	stream.linear.scatter [tilespmem:s9], [sflag:$0x4], $0x80, $0x38;
	[tilespmem:$0x1BB00] =	vst v63  }
0x5d2: {  	s25 =	sadd.s32 $0xD0, s8;
	s30 =	simm.s32 $0x19900;
	s31 =	sadd.s32 $0xE0, s8  }
0x5d3: {  	[hbm4b:s25+s2] =	stream.linear.scatter [tilespmem:s15], [sflag:$0x4], $0x80, $0x38;
	[tilespmem:$0x1BB00] =	vst v63  }
0x5d4: {  	s8 =	sadd.s32 $0x4000, s8;
	s9 =	simm.s32 $0x19988;
	s25 =	simm.s32 $0x5500  }
0x5d5: {  	[hbm4b:s31+s2] =	stream.linear.scatter [tilespmem:s30], [sflag:$0x4], $0x80, $0x38;
	[tilespmem:$0x1BB00] =	vst v63  }
.LBB2_17:
0x5d6: {  	[hbm4b:s29+s2] =	stream.linear.scatter [tilespmem:s9], [sflag:$0x4], $0x80, $0x38;
	[tilespmem:$0x1BB00] =	vst v63  }
0x5d7: {  	s9 =	smov.u32 s1;
	s1 =	smov.u32 s25  }
0x5d8: {  	s14 =	sadd.s32 $0x2A80, s25;
	s1 =	sshra.s32 s1, $0x2;
	s15 =	sadd.s32 $0x19080, s9  }
0x5d9: {  	[hbm4b:s8+s2] =	stream.linear.scatter [tilespmem:s15], [sflag:$0x4], $0x80, $0x38;
	[tilespmem:$0x1BB00] =	vst v63  }
0x5da: {  	p1 =	sne.s32 s25, $0x7F80;
	s25 =	sadd.s32 $0x10, s8;
	s15 =	sadd.s32 $0x19108, s9  }
0x5db: {  	[hbm4b:s25+s2] =	stream.linear.scatter [tilespmem:s15], [sflag:$0x4], $0x80, $0x38;
	[tilespmem:$0x1BB00] =	vst v63  }
0x5dc: {  	s15 =	sadd.s32 $0x19190, s9;
	s25 =	sadd.s32 $0x20, s8  }
0x5dd: {  	[hbm4b:s25+s2] =	stream.linear.scatter [tilespmem:s15], [sflag:$0x4], $0x80, $0x38;
	[tilespmem:$0x1BB00] =	vst v63  }
0x5de: {  	s15 =	sadd.s32 $0x19218, s9;
	s25 =	sadd.s32 $0x30, s8  }
0x5df: {  	[hbm4b:s25+s2] =	stream.linear.scatter [tilespmem:s15], [sflag:$0x4], $0x80, $0x38;
	[tilespmem:$0x1BB00] =	vst v63  }
0x5e0: {  	s15 =	sadd.s32 $0x192A0, s9;
	s25 =	sadd.s32 $0x40, s8  }
0x5e1: {  	[hbm4b:s25+s2] =	stream.linear.scatter [tilespmem:s15], [sflag:$0x4], $0x80, $0x38;
	[tilespmem:$0x1BB00] =	vst v63  }
0x5e2: {  	s15 =	sadd.s32 $0x19328, s9;
	s25 =	sadd.s32 $0x50, s8  }
0x5e3: {  	[hbm4b:s25+s2] =	stream.linear.scatter [tilespmem:s15], [sflag:$0x4], $0x80, $0x38;
	[tilespmem:$0x1BB00] =	vst v63  }
0x5e4: {  	s15 =	sadd.s32 $0x193B0, s9;
	s25 =	sadd.s32 $0x60, s8  }
0x5e5: {  	[hbm4b:s25+s2] =	stream.linear.scatter [tilespmem:s15], [sflag:$0x4], $0x80, $0x38;
	[tilespmem:$0x1BB00] =	vst v63  }
0x5e6: {  	s15 =	sadd.s32 $0x19438, s9;
	s25 =	sadd.s32 $0x70, s8  }
0x5e7: {  	[hbm4b:s25+s2] =	stream.linear.scatter [tilespmem:s15], [sflag:$0x4], $0x80, $0x38;
	[tilespmem:$0x1BB00] =	vst v63  }
0x5e8: {  	s15 =	sadd.s32 $0x195D0, s9;
	s25 =	sadd.s32 $0x80, s8  }
0x5e9: {  	[hbm4b:s25+s2] =	stream.linear.scatter [tilespmem:s15], [sflag:$0x4], $0x80, $0x38;
	[tilespmem:$0x1BB00] =	vst v63  }
0x5ea: {  	s15 =	sadd.s32 $0x19658, s9;
	s25 =	sadd.s32 $0x90, s8  }
0x5eb: {  	[hbm4b:s25+s2] =	stream.linear.scatter [tilespmem:s15], [sflag:$0x4], $0x80, $0x38;
	[tilespmem:$0x1BB00] =	vst v63  }
0x5ec: {  	s15 =	sadd.s32 $0x196E0, s9;
	s25 =	sadd.s32 $0xA0, s8  }
0x5ed: {  	[hbm4b:s25+s2] =	stream.linear.scatter [tilespmem:s15], [sflag:$0x4], $0x80, $0x38;
	[tilespmem:$0x1BB00] =	vst v63  }
0x5ee: {  	s15 =	sadd.s32 $0x19768, s9;
	s25 =	sadd.s32 $0xB0, s8  }
0x5ef: {  	[hbm4b:s25+s2] =	stream.linear.scatter [tilespmem:s15], [sflag:$0x4], $0x80, $0x38;
	[tilespmem:$0x1BB00] =	vst v63  }
0x5f0: {  	s15 =	sadd.s32 $0x197F0, s9;
	s25 =	sadd.s32 $0xC0, s8  }
0x5f1: {  	[hbm4b:s25+s2] =	stream.linear.scatter [tilespmem:s15], [sflag:$0x4], $0x80, $0x38;
	[tilespmem:$0x1BB00] =	vst v63  }
.Ltmp8:
0x5f2: {  	s15 =	sadd.s32 $0x19878, s9;
	s25 =	sadd.s32 $0xD0, s8;
	(pc) =	sbr.rel @p1 .LBB2_17-.Ltmp8, $4  }
0x5f3: {  	[hbm4b:s25+s2] =	stream.linear.scatter [tilespmem:s15], [sflag:$0x4], $0x80, $0x38;
	[tilespmem:$0x1BB00] =	vst v63  }
0x5f4: {  	s29 =	sadd.s32 $0xF0, s8;
	s15 =	sadd.s32 $0x19900, s9;
	s25 =	sadd.s32 $0xE0, s8  }
0x5f5: {  	[hbm4b:s25+s2] =	stream.linear.scatter [tilespmem:s15], [sflag:$0x4], $0x80, $0x38;
	[tilespmem:$0x1BB00] =	vst v63  }
0x5f6: {  	s9 =	sadd.s32 $0x19988, s9;
	s8 =	sadd.s32 $0x4000, s8;
	s25 =	smov.u32 s14  }
0x5f7: {  	[hbm4b:s29+s2] =	stream.linear.scatter [tilespmem:s9], [sflag:$0x4], $0x80, $0x38;
	[tilespmem:$0x1BB00] =	vst v63  }
0x5f8: {  	s14 =	sadd.s32 $0x19080, s1  }
0x5f9: {  	[hbm4b:s8+s2] =	stream.linear.scatter [tilespmem:s14], [sflag:$0x4], $0x80, $0x38;
	[tilespmem:$0x1BB00] =	vst v63  }
0x5fa: {  	s15 =	sadd.s32 $0x19108, s1;
	s14 =	sadd.s32 $0x10, s8  }
0x5fb: {  	[hbm4b:s14+s2] =	stream.linear.scatter [tilespmem:s15], [sflag:$0x4], $0x80, $0x38;
	[tilespmem:$0x1BB00] =	vst v63  }
0x5fc: {  	s25 =	sadd.s32 $0x19190, s1;
	s29 =	sadd.s32 $0x20, s8  }
0x5fd: {  	[hbm4b:s29+s2] =	stream.linear.scatter [tilespmem:s25], [sflag:$0x4], $0x80, $0x38;
	[tilespmem:$0x1BB00] =	vst v63  }
0x5fe: {  	s30 =	sadd.s32 $0x19218, s1;
	s31 =	sadd.s32 $0x30, s8  }
0x5ff: {  	[hbm4b:s31+s2] =	stream.linear.scatter [tilespmem:s30], [sflag:$0x4], $0x80, $0x38;
	[tilespmem:$0x1BB00] =	vst v63  }
0x600: {  	s14 =	sadd.s32 $0x192A0, s1;
	s15 =	sadd.s32 $0x40, s8  }
0x601: {  	[hbm4b:s15+s2] =	stream.linear.scatter [tilespmem:s14], [sflag:$0x4], $0x80, $0x38;
	[tilespmem:$0x1BB00] =	vst v63  }
0x602: {  	s25 =	sadd.s32 $0x19328, s1;
	s29 =	sadd.s32 $0x50, s8  }
0x603: {  	[hbm4b:s29+s2] =	stream.linear.scatter [tilespmem:s25], [sflag:$0x4], $0x80, $0x38;
	[tilespmem:$0x1BB00] =	vst v63  }
0x604: {  	s30 =	sadd.s32 $0x193B0, s1;
	s31 =	sadd.s32 $0x60, s8  }
0x605: {  	[hbm4b:s31+s2] =	stream.linear.scatter [tilespmem:s30], [sflag:$0x4], $0x80, $0x38;
	[tilespmem:$0x1BB00] =	vst v63  }
0x606: {  	s14 =	sadd.s32 $0x19438, s1;
	s15 =	sadd.s32 $0x70, s8  }
0x607: {  	[hbm4b:s15+s2] =	stream.linear.scatter [tilespmem:s14], [sflag:$0x4], $0x80, $0x38;
	[tilespmem:$0x1BB00] =	vst v63  }
0x608: {  	s25 =	sadd.s32 $0x195D0, s1;
	s29 =	sadd.s32 $0x80, s8  }
0x609: {  	[hbm4b:s29+s2] =	stream.linear.scatter [tilespmem:s25], [sflag:$0x4], $0x80, $0x38;
	[tilespmem:$0x1BB00] =	vst v63  }
0x60a: {  	s30 =	sadd.s32 $0x19658, s1;
	s31 =	sadd.s32 $0x90, s8  }
0x60b: {  	[hbm4b:s31+s2] =	stream.linear.scatter [tilespmem:s30], [sflag:$0x4], $0x80, $0x38;
	[tilespmem:$0x1BB00] =	vst v63  }
0x60c: {  	s14 =	sadd.s32 $0x196E0, s1;
	s15 =	sadd.s32 $0xA0, s8  }
0x60d: {  	[hbm4b:s15+s2] =	stream.linear.scatter [tilespmem:s14], [sflag:$0x4], $0x80, $0x38;
	[tilespmem:$0x1BB00] =	vst v63  }
0x60e: {  	s25 =	sadd.s32 $0x19768, s1;
	s29 =	sadd.s32 $0xB0, s8  }
0x60f: {  	[hbm4b:s29+s2] =	stream.linear.scatter [tilespmem:s25], [sflag:$0x4], $0x80, $0x38;
	[tilespmem:$0x1BB00] =	vst v63  }
0x610: {  	s30 =	sadd.s32 $0x197F0, s1;
	s31 =	sadd.s32 $0xC0, s8  }
0x611: {  	[hbm4b:s31+s2] =	stream.linear.scatter [tilespmem:s30], [sflag:$0x4], $0x80, $0x38;
	[tilespmem:$0x1BB00] =	vst v63  }
0x612: {  	s14 =	sadd.s32 $0x19878, s1;
	s15 =	sadd.s32 $0xD0, s8;
	s25 =	sadd.s32 $0x19900, s1  }
0x613: {  	[hbm4b:s15+s2] =	stream.linear.scatter [tilespmem:s14], [sflag:$0x4], $0x80, $0x38;
	[tilespmem:$0x1BB00] =	vst v63  }
0x614: {  	s29 =	sadd.s32 $0xE0, s8;
	s30 =	sadd.s32 $0x19988, s1;
	s1 =	sshll.u32 @!p0 s28, $0x9  }
0x615: {  	[hbm4b:s29+s2] =	stream.linear.scatter [tilespmem:s25], [sflag:$0x4], $0x80, $0x38;
	[tilespmem:$0x1BB00] =	vst v63  }
0x616: {  	s31 =	sadd.s32 $0xF0, s8;
	s1 =	sand.u32 @!p0 $0x3FFFFE00, s1  }
0x617: {  	[hbm4b:s31+s2] =	stream.linear.scatter [tilespmem:s30], [sflag:$0x4], $0x80, $0x38;
	[tilespmem:$0x1BB00] =	vst v63  }
0x618: {  	v33 =	vld @!p0 [tilespmem:s1+$0x100];
	_ =	sdelay $0x4  }
0x619: {  	v33 =	vshrl.u32 @!p0 v33, $0x2  }
0x61a: {  	[tilespmem:$0x6500] =	vst @!p0 v33  }
0x61b: {  	v33 =	vld @!p0 [tilespmem:s1+$0x110];
	_ =	sdelay $0x4  }
0x61c: {  	v33 =	vshrl.u32 @!p0 v33, $0x2  }
0x61d: {  	[tilespmem:$0x6510] =	vst @!p0 v33  }
0x61e: {  	v33 =	vld @!p0 [tilespmem:s1+$0x120];
	_ =	sdelay $0x4  }
0x61f: {  	v33 =	vshrl.u32 @!p0 v33, $0x2  }
0x620: {  	[tilespmem:$0x6520] =	vst @!p0 v33  }
0x621: {  	v33 =	vld @!p0 [tilespmem:s1+$0x130];
	_ =	sdelay $0x4  }
0x622: {  	v33 =	vshrl.u32 @!p0 v33, $0x2  }
0x623: {  	[tilespmem:$0x6530] =	vst @!p0 v33  }
0x624: {  	v33 =	vld @!p0 [tilespmem:s1+$0x140];
	_ =	sdelay $0x4  }
0x625: {  	v33 =	vshrl.u32 @!p0 v33, $0x2  }
0x626: {  	[tilespmem:$0x6540] =	vst @!p0 v33  }
0x627: {  	v33 =	vld @!p0 [tilespmem:s1+$0x150];
	_ =	sdelay $0x4  }
0x628: {  	v33 =	vshrl.u32 @!p0 v33, $0x2  }
0x629: {  	[tilespmem:$0x6550] =	vst @!p0 v33  }
0x62a: {  	v33 =	vld @!p0 [tilespmem:s1+$0x160];
	_ =	sdelay $0x4  }
0x62b: {  	v33 =	vshrl.u32 @!p0 v33, $0x2  }
0x62c: {  	[tilespmem:$0x6560] =	vst @!p0 v33  }
0x62d: {  	v33 =	vld @!p0 [tilespmem:s1+$0x170];
	_ =	sdelay $0x4  }
0x62e: {  	v33 =	vshrl.u32 @!p0 v33, $0x2  }
0x62f: {  	[tilespmem:$0x6570] =	vst @!p0 v33  }
0x630: {  	v33 =	vld @!p0 [tilespmem:s1+$0x180];
	_ =	sdelay $0x4  }
0x631: {  	v33 =	vshrl.u32 @!p0 v33, $0x2  }
0x632: {  	[tilespmem:$0x6580] =	vst @!p0 v33  }
0x633: {  	v33 =	vld @!p0 [tilespmem:s1+$0x190];
	_ =	sdelay $0x4  }
0x634: {  	v33 =	vshrl.u32 @!p0 v33, $0x2  }
0x635: {  	[tilespmem:$0x6590] =	vst @!p0 v33  }
0x636: {  	v33 =	vld @!p0 [tilespmem:s1+$0x1A0];
	_ =	sdelay $0x4  }
0x637: {  	v33 =	vshrl.u32 @!p0 v33, $0x2  }
0x638: {  	[tilespmem:$0x65A0] =	vst @!p0 v33  }
0x639: {  	v33 =	vld @!p0 [tilespmem:s1+$0x1B0];
	_ =	sdelay $0x4  }
0x63a: {  	v33 =	vshrl.u32 @!p0 v33, $0x2  }
0x63b: {  	[tilespmem:$0x65B0] =	vst @!p0 v33  }
0x63c: {  	v33 =	vld @!p0 [tilespmem:s1+$0x1C0];
	_ =	sdelay $0x4  }
0x63d: {  	v33 =	vshrl.u32 @!p0 v33, $0x2  }
0x63e: {  	[tilespmem:$0x65C0] =	vst @!p0 v33  }
0x63f: {  	v33 =	vld @!p0 [tilespmem:s1+$0x1D0];
	_ =	sdelay $0x4  }
0x640: {  	v33 =	vshrl.u32 @!p0 v33, $0x2  }
0x641: {  	[tilespmem:$0x65D0] =	vst @!p0 v33  }
0x642: {  	v33 =	vld @!p0 [tilespmem:s1+$0x1E0];
	_ =	sdelay $0x4  }
0x643: {  	v33 =	vshrl.u32 @!p0 v33, $0x2  }
0x644: {  	[tilespmem:$0x65E0] =	vst @!p0 v33  }
0x645: {  	v33 =	vld @!p0 [tilespmem:s1+$0x1F0]  }
0x646: {  	p1 =	sne.s32 @!p0 s28, $0x32  }
0x647: {  	p1 =	por p0, !p1  }
.Ltmp9:
0x648: {  	_ = 	snop;
	(pc) =	sbr.rel @!p1 .LBB2_2-.Ltmp9, $4  }
0x649: {  	s9 =	simm.s32 @!p0 $0xE600  }
0x64a: {  	s23 =	sadd.s32 @!p0 $0x200, s23;
	s24 =	sadd.s32 @!p0 $0x200, s24;
	s0 =	sadd.s32 @!p0 $0x200, s0;
	v33 =	vshrl.u32 @!p0 v33, $0x2  }
0x64b: {  	s26 =	sadd.s32 @!p0 $0x200, s26;
	s8 =	simm.s32 @!p0 $0x6500;
	s1 =	simm.s32 @!p0 $0x100;
	[tilespmem:$0x65F0] =	vst @!p0 v33  }
0x64c: {  	[tilespmem:s9], [sflag:$0x2] =	stream.indirect.gather @!p0 [hbm4b:s3+s1], $0x80, s8, s1, $0xb8;
	[tilespmem:$0x1BB00] =	vst v63  }
0x64d: {  	s22 =	sadd.s32 $0x1, s22  }
0x64e: {  	_ =	swait.ge [sflag:s21], $0x2000;
	p0 =	sne.s32 s22, s7  }
.Ltmp10:
0x64f: {  	[sflag:s21] =	ssyncset.done $0x0;
	(pc) =	sbr.rel @p0 .LBB2_1-.Ltmp10, $4  }
0x650: {  	[sflag:s21] =	ssyncadd.s32 $0xFFFFE000  }
0x651: {  	_ =	swait.ge [sflag:s19], $0x2000  }
0x652: {  	[sflag:s19] =	ssyncset.done $0x0  }
0x653: {  	[sflag:s19] =	ssyncadd.s32 $0xFFFFE000  }
0x654: {  	_ =	sfence.sel $0x180000  }
0x655: {  	[bflag:$0x0] =	sbarrier.arrive $0xFFFF  }
0x656: {  	_ =	strace $0x90000047  }
0x657: {  	s0 =	stileid.u32;
	[bflag:$0x2] =	sbarrier.arrive $0xFFFF  }
0x658: {  	p0 =	sne.s32 s0, $0x0;
	s0 =	rddreg [dreg:$0x2]  }
0x659: {  	s0 =	sadd.s32 @!p0 $0x100000, s0  }
0x65a: {  	[sflag:s0] =	ssyncadd.tile.s32 @!p0 $0x1;
	_ =	shalt  }
.Lfunc_end2:
_tile_overlayer_lowered:
.L_overlay_start_2:
0x65b: {  	(tag) =	ssettag $0x2  }
0x65c: {  	s0 =	rddreg [dreg:$0x0];
	s2 =	stileid.u32  }
0x65d: {  	s1 =	rddreg [dreg:$0x1];
	p0 =	sne.s32 s2, $0x0  }
0x65e: {  	s3 =	rddreg [dreg:$0x2];
	[bflag:$0x3] =	sbarrier.arrive $0xFFFF;
	s2 =	simm.s32 @!p0 $0x1C05  }
0x65f: {  	[timem:s3], [sflag:s2] =	dma.local @!p0 [hbm:s0], s1  }
0x660: {  	s0 =	simm.s32 @!p0 $0x5  }
0x661: {  	_ =	swait.ge @!p0 [sflag:s0], s1  }
0x662: {  	s1 =	ssub.s32 @!p0 $0x0, s1;
	[sflag:s0] =	ssyncset.done @!p0 $0x0  }
0x663: {  	[sflag:s0] =	ssyncadd.s32 @!p0 s1  }
0x664: {  	[bflag:$0x3] =	sbarrier.arrive $0xFFFF  }
0x665: {  	_ =	shalt  }

</sc_bundles>
